<compile_context>
chip_gen: v7x
topology: tpu7x:2x2x1
jax: 0.10.2.dev20260603
libtpu: 0.0.44.dev20260713+nightly
codegen_flags: <defaults>
</compile_context>

<pallas_src>
import functools

import jax
import jax.numpy as jnp
from jax import lax
from jax.experimental import pallas as pl
from jax.experimental.pallas import tpu as pltpu
from jax.experimental.pallas import tpu_sc as plsc

NC = 2
NS = 16
NW = NC * NS
DEG_W = 16
K_E = 128
_SC_PARAMS = pltpu.CompilerParams(use_tc_tiling_on_sc=False)


def _fill_rows(buf, rows, width, value):
    vec = jnp.full((16,), value, jnp.float32)
    for r in range(rows):
        for j in range(width // 16):
            buf[r, 16 * j:16 * (j + 1)] = vec


def _make_deg_kernel(n_pad, chunks):
    rows_per_tile = n_pad // NS
    mesh = plsc.VectorSubcoreMesh(core_axis_name="c", subcore_axis_name="s")

    @functools.partial(
        pl.kernel,
        out_type=(
            jax.ShapeDtypeStruct((NC, n_pad, DEG_W), jnp.float32),
            jax.ShapeDtypeStruct((NC, n_pad, DEG_W), jnp.float32),
        ),
        mesh=mesh,
        scratch_types=[
            pltpu.VMEM_SHARED((n_pad, DEG_W), jnp.float32),
            pltpu.VMEM_SHARED((n_pad, DEG_W), jnp.float32),
            pltpu.VMEM((chunks, K_E), jnp.int32),
            pltpu.VMEM((chunks, K_E), jnp.int32),
            pltpu.VMEM((K_E, DEG_W), jnp.float32),
            pltpu.SemaphoreType.DMA,
        ],
        compiler_params=_SC_PARAMS,
    )
    def deg(srcr_hbm, dstr_hbm, outs_hbm, outd_hbm,
            accs, accd, sidx, didx, ones_v, sem):
        ci = lax.axis_index("c")
        si = lax.axis_index("s")
        wid = ci * NS + si
        r0 = si * rows_per_tile
        _fill_rows(ones_v, K_E, DEG_W, 0.0)
        for b in range(rows_per_tile // K_E):
            pltpu.sync_copy(ones_v, accs.at[pl.ds(r0 + b * K_E, K_E)])
            pltpu.sync_copy(ones_v, accd.at[pl.ds(r0 + b * K_E, K_E)])
        _fill_rows(ones_v, K_E, DEG_W, 1.0)
        pltpu.sync_copy(srcr_hbm.at[wid], sidx)
        pltpu.sync_copy(dstr_hbm.at[wid], didx)
        plsc.subcore_barrier()

        def body(c2, carry):
            c = 2 * c2
            d0 = pltpu.async_copy(ones_v, accs.at[sidx.at[c]], sem, add=True)
            d1 = pltpu.async_copy(ones_v, accd.at[didx.at[c]], sem, add=True)
            d2 = pltpu.async_copy(ones_v, accs.at[sidx.at[c + 1]], sem,
                                  add=True)
            d3 = pltpu.async_copy(ones_v, accd.at[didx.at[c + 1]], sem,
                                  add=True)
            d0.wait()
            d1.wait()
            d2.wait()
            d3.wait()
            return carry

        assert chunks % 2 == 0
        lax.fori_loop(0, chunks // 2, body, 0, unroll=False)
        plsc.subcore_barrier()
        pltpu.sync_copy(accs.at[pl.ds(r0, rows_per_tile)],
                        outs_hbm.at[ci, pl.ds(r0, rows_per_tile)])
        pltpu.sync_copy(accd.at[pl.ds(r0, rows_per_tile)],
                        outd_hbm.at[ci, pl.ds(r0, rows_per_tile)])

    return deg


def _make_agg_kernel(n_pad, feat, chunks, phases):
    rows_per_tile = n_pad // NS
    assert chunks % phases == 0
    pchunks = chunks // phases
    assert pchunks % 2 == 0 and pchunks >= 4
    mesh = plsc.VectorSubcoreMesh(core_axis_name="c", subcore_axis_name="s")
    from_hbm_zeros = feat % 128 == 0

    zsrc = ([pltpu.VMEM((K_E, feat), jnp.float32)]
            if not from_hbm_zeros else [])

    @functools.partial(
        pl.kernel,
        out_type=jax.ShapeDtypeStruct((NC, n_pad, feat), jnp.float32),
        mesh=mesh,
        scratch_types=[
            pltpu.VMEM_SHARED((n_pad, feat), jnp.float32),
            pltpu.VMEM((pchunks, K_E), jnp.int32),
            pltpu.VMEM((pchunks, K_E), jnp.int32),
            pltpu.VMEM((K_E, feat), jnp.float32),
            pltpu.VMEM((K_E, feat), jnp.float32),
            pltpu.SemaphoreType.DMA,
            pltpu.SemaphoreType.DMA,
        ] + zsrc,
        compiler_params=_SC_PARAMS,
    )
    def agg(h_hbm, srcr_hbm, dstr_hbm, *rest):
        if from_hbm_zeros:
            zrows_hbm, out_hbm, acc, sidx, didx, rows0, rows1, sem0, sem1 = rest
        else:
            out_hbm, acc, sidx, didx, rows0, rows1, sem0, sem1, zbuf = rest
        ci = lax.axis_index("c")
        si = lax.axis_index("s")
        wid = ci * NS + si
        r0 = si * rows_per_tile
        if from_hbm_zeros:
            pltpu.sync_copy(zrows_hbm, acc.at[pl.ds(r0, rows_per_tile)])
        else:
            _fill_rows(zbuf, K_E, feat, 0.0)
            for b in range(rows_per_tile // K_E):
                pltpu.sync_copy(zbuf, acc.at[pl.ds(r0 + b * K_E, K_E)])
        plsc.subcore_barrier()

        for phase in range(phases):
            pltpu.sync_copy(srcr_hbm.at[wid, pl.ds(phase * pchunks, pchunks)],
                            sidx)
            pltpu.sync_copy(dstr_hbm.at[wid, pl.ds(phase * pchunks, pchunks)],
                            didx)
            pltpu.async_copy(h_hbm.at[sidx.at[0]], rows0, sem0)
            pltpu.async_copy(h_hbm.at[sidx.at[1]], rows1, sem1)

            def body(c2, carry):
                c = 2 * c2
                pltpu.make_async_copy(h_hbm.at[sidx.at[c]], rows0,
                                      sem0).wait()
                pltpu.sync_copy(rows0, acc.at[didx.at[c]], add=True)
                pltpu.async_copy(h_hbm.at[sidx.at[c + 2]], rows0, sem0)
                pltpu.make_async_copy(h_hbm.at[sidx.at[c + 1]], rows1,
                                      sem1).wait()
                pltpu.sync_copy(rows1, acc.at[didx.at[c + 1]], add=True)
                pltpu.async_copy(h_hbm.at[sidx.at[c + 3]], rows1, sem1)
                return carry

            lax.fori_loop(0, pchunks // 2 - 1, body, 0, unroll=False)
            pltpu.make_async_copy(h_hbm.at[sidx.at[pchunks - 2]], rows0,
                                  sem0).wait()
            pltpu.sync_copy(rows0, acc.at[didx.at[pchunks - 2]], add=True)
            pltpu.make_async_copy(h_hbm.at[sidx.at[pchunks - 1]], rows1,
                                  sem1).wait()
            pltpu.sync_copy(rows1, acc.at[didx.at[pchunks - 1]], add=True)

        plsc.subcore_barrier()
        pltpu.sync_copy(acc.at[pl.ds(r0, rows_per_tile)],
                        out_hbm.at[ci, pl.ds(r0, rows_per_tile)])

    return agg


def _tc_matmul(x, w, out_cols, blk=512):
    n, f = x.shape
    h = w.shape[1]

    def body(x_ref, w_ref, o_ref):
        o_ref[...] = jnp.dot(x_ref[...], w_ref[...][:, :out_cols],
                             preferred_element_type=jnp.float32)

    return pl.pallas_call(
        body,
        grid=(n // blk,),
        in_specs=[
            pl.BlockSpec((blk, f), lambda i: (i, 0)),
            pl.BlockSpec((f, h), lambda i: (0, 0)),
        ],
        out_specs=pl.BlockSpec((blk, out_cols), lambda i: (i, 0)),
        out_shape=jax.ShapeDtypeStruct((n, out_cols), jnp.float32),
    )(x, w)


def kernel(x, edge_index, W1, b1, W2, b2):
    n, f_in = x.shape
    h_feats = W1.shape[1]
    n_cls = W2.shape[1]
    e = edge_index.shape[1]

    assert e % NW == 0
    epw = e // NW
    n_pad = ((n + NS * K_E - 1) // (NS * K_E)) * (NS * K_E)
    rows_per_tile = n_pad // NS
    c_pad = 32
    chunks = 2 * (-(-epw // (2 * K_E)))
    npad_e = chunks * K_E - epw

    pad_idx = n + (jnp.arange(npad_e, dtype=jnp.int32) % (n_pad - n))
    srcr = jnp.concatenate(
        [edge_index[0].reshape(NW, epw),
         jnp.broadcast_to(pad_idx, (NW, npad_e))], axis=1
    ).reshape(NW, chunks, K_E)
    dstr = jnp.concatenate(
        [edge_index[1].reshape(NW, epw),
         jnp.broadcast_to(pad_idx, (NW, npad_e))], axis=1
    ).reshape(NW, chunks, K_E)

    z128 = jnp.zeros((rows_per_tile, h_feats), jnp.float32)
    w2f = jnp.pad(W2, ((0, 0), (0, h_feats - n_cls)))
    xp = jnp.pad(x, ((0, n_pad - n), (0, 0)))

    degs, degd = _make_deg_kernel(n_pad, chunks)(srcr, dstr)
    nout = lax.rsqrt(jnp.clip(degs[0, :, 0:1] + degs[1, :, 0:1], 1.0))
    nin = lax.rsqrt(jnp.clip(degd[0, :, 0:1] + degd[1, :, 0:1], 1.0))

    h1 = _tc_matmul(xp * nout, W1, h_feats)
    p1 = _make_agg_kernel(n_pad, h_feats, chunks, 2)(h1, srcr, dstr, z128)
    z = jnp.maximum((p1[0] + p1[1]) * nin + b1.reshape(1, h_feats), 0.0)
    h2 = _tc_matmul(z * nout, w2f, c_pad)
    p2 = _make_agg_kernel(n_pad, c_pad, chunks, 1)(h2, srcr, dstr)
    out = (p2[0] + p2[1]) * nin + jnp.pad(b2, (0, c_pad - n_cls))
    return out[:n, :n_cls]

# --- scband reference (transcript-rebuilt; emitter-appended) ---
"""Pipeline reference for scband-text-gcn-48644799595093 (READ-ONLY COPY).

The authoritative reference and input builder live on the scoring server;
editing this copy changes nothing except your own understanding.
"""

import jax, jax.numpy as jnp
import numpy as np

N = 10000
E = 320000
IN_FEATS = 128
H_FEATS = 128
NUM_CLASSES = 20


def setup_inputs(seed: int = 0) -> dict:
    key = jax.random.key(seed)
    k1, k2, k3, k4, k5, k6 = jax.random.split(key, 6)
    x = jax.random.normal(k1, (N, IN_FEATS), dtype=jnp.float32)
    edge_index = jax.random.randint(k2, (2, E), 0, N)
    # GraphConv weights (Glorot-style init) and zero biases
    W1 = jax.random.normal(k3, (IN_FEATS, H_FEATS), dtype=jnp.float32) * (1.0 / np.sqrt(IN_FEATS))
    b1 = jnp.zeros((H_FEATS,), dtype=jnp.float32)
    W2 = jax.random.normal(k4, (H_FEATS, NUM_CLASSES), dtype=jnp.float32) * (1.0 / np.sqrt(H_FEATS))
    b2 = jnp.zeros((NUM_CLASSES,), dtype=jnp.float32)
    return {"x": x, "edge_index": edge_index, "W1": W1, "b1": b1, "W2": W2, "b2": b2}


def _graph_conv(x, src, dst, W, b):
    # DGL GraphConv with norm='both':
    # h = D_in^{-1/2} A (D_out^{-1/2} X) W + b
    ones = jnp.ones((src.shape[0],), dtype=jnp.float32)
    deg_out = jax.ops.segment_sum(ones, src, num_segments=N)
    deg_in = jax.ops.segment_sum(ones, dst, num_segments=N)
    norm_out = jax.lax.rsqrt(jnp.clip(deg_out, 1.0))
    norm_in = jax.lax.rsqrt(jnp.clip(deg_in, 1.0))
    h = x * norm_out[:, None]
    h = h @ W  # mult W first (in_feats >= out_feats path)
    msg = jnp.take(h, src, axis=0)
    agg = jax.ops.segment_sum(msg, dst, num_segments=N)
    return agg * norm_in[:, None] + b


def reference(x, edge_index, W1, b1, W2, b2):
    src = edge_index[0]
    dst = edge_index[1]
    h = _graph_conv(x, src, dst, W1, b1)
    h = jax.nn.relu(h)
    # dropout(p=0.5) is identity in eval mode
    h = _graph_conv(h, src, dst, W2, b2)
    return h

if __name__ == "__main__":
    import jax
    _d = setup_inputs()
    print(jax.jit(kernel)(*tuple(_d.values())))

</pallas_src>

<mosaic_0001>
#map = affine_map<(d0, d1) -> (0, 0, 0)>
module attributes {stable_mosaic.version = 14 : i64} {
  func.func @deg(%arg0: i32, %arg1: i32, %arg2: memref<32x80x128xi32, #tpu.memory_space<hbm>>, %arg3: memref<32x80x128xi32, #tpu.memory_space<hbm>>, %arg4: memref<2x10240x16xf32, #tpu.memory_space<hbm>>, %arg5: memref<2x10240x16xf32, #tpu.memory_space<hbm>>, %arg6: memref<10240x16xf32, #tpu.memory_space<vmem_shared>>, %arg7: memref<10240x16xf32, #tpu.memory_space<vmem_shared>>, %arg8: memref<80x128xi32, #tpu.memory_space<vmem>>, %arg9: memref<80x128xi32, #tpu.memory_space<vmem>>, %arg10: memref<128x16xf32, #tpu.memory_space<vmem>>, %arg11: memref<!tpu.dma_semaphore, #tpu.memory_space<semaphore_mem>>) attributes {dimension_semantics = [#tpu.dimension_semantics<core_parallel>, #tpu.dimension_semantics<subcore_parallel>], iteration_bounds = array<i64: 2, 16>, scalar_prefetch = 0 : i64, scratch_operands = 6 : i64, tpu.core_type = #tpu.core_type<sc_vector_subcore>, window_params = [{transform_indices = #map}, {transform_indices = #map}, {transform_indices = #map}, {transform_indices = #map}]} {
    %mul3A = arith.constant 16 : i32
    %mul3A_0 = arith.muli %arg0, %mul3A : i32
    %add3A = arith.addi %mul3A_0, %arg1 : i32
    %mul3A_1 = arith.constant 640 : i32
    %mul3A_2 = arith.muli %arg1, %mul3A_1 : i32
    %broadcast_in_dim3A = arith.constant 0.000000e+00 : f32
    %broadcast_in_dim3A_3 = vector.broadcast %broadcast_in_dim3A : f32 to vector<16xf32>
    %swap3A = arith.constant 0 : i32
    %swap3A_4 = arith.index_cast %swap3A : i32 to index
    %swap3A_5 = arith.constant 0 : index
    %swap3A_6 = tpu.vector_load %arg10[%swap3A_4, %swap3A_5] {strides = array<i32>} : memref<128x16xf32, #tpu.memory_space<vmem>>, vector<1x16xf32>,
    %swap3A_7 = vector.shape_cast %swap3A_6 : vector<1x16xf32> to vector<16xf32>
    %swap3A_8 = vector.shape_cast %broadcast_in_dim3A_3 : vector<16xf32> to vector<1x16xf32>
    tpu.vector_store %arg10[%swap3A_4, %swap3A_5], %swap3A_8 {strides = array<i32>} : memref<128x16xf32, #tpu.memory_space<vmem>>, vector<1x16xf32>,
    %swap3A_9 = arith.constant 1 : i32
    %swap3A_10 = arith.index_cast %swap3A_9 : i32 to index
    %swap3A_11 = arith.constant 0 : index
    %swap3A_12 = tpu.vector_load %arg10[%swap3A_10, %swap3A_11] {strides = array<i32>} : memref<128x16xf32, #tpu.memory_space<vmem>>, vector<1x16xf32>,
    %swap3A_13 = vector.shape_cast %swap3A_12 : vector<1x16xf32> to vector<16xf32>
    %swap3A_14 = vector.shape_cast %broadcast_in_dim3A_3 : vector<16xf32> to vector<1x16xf32>
    tpu.vector_store %arg10[%swap3A_10, %swap3A_11], %swap3A_14 {strides = array<i32>} : memref<128x16xf32, #tpu.memory_space<vmem>>, vector<1x16xf32>,
    %swap3A_15 = arith.constant 2 : i32
    %swap3A_16 = arith.index_cast %swap3A_15 : i32 to index
    %swap3A_17 = arith.constant 0 : index
    %swap3A_18 = tpu.vector_load %arg10[%swap3A_16, %swap3A_17] {strides = array<i32>} : memref<128x16xf32, #tpu.memory_space<vmem>>, vector<1x16xf32>,
    %swap3A_19 = vector.shape_cast %swap3A_18 : vector<1x16xf32> to vector<16xf32>
    %swap3A_20 = vector.shape_cast %broadcast_in_dim3A_3 : vector<16xf32> to vector<1x16xf32>
    tpu.vector_store %arg10[%swap3A_16, %swap3A_17], %swap3A_20 {strides = array<i32>} : memref<128x16xf32, #tpu.memory_space<vmem>>, vector<1x16xf32>,
    %swap3A_21 = arith.constant 3 : i32
    %swap3A_22 = arith.index_cast %swap3A_21 : i32 to index
    %swap3A_23 = arith.constant 0 : index
    %swap3A_24 = tpu.vector_load %arg10[%swap3A_22, %swap3A_23] {strides = array<i32>} : memref<128x16xf32, #tpu.memory_space<vmem>>, vector<1x16xf32>,
    %swap3A_25 = vector.shape_cast %swap3A_24 : vector<1x16xf32> to vector<16xf32>
    %swap3A_26 = vector.shape_cast %broadcast_in_dim3A_3 : vector<16xf32> to vector<1x16xf32>
    tpu.vector_store %arg10[%swap3A_22, %swap3A_23], %swap3A_26 {strides = array<i32>} : memref<128x16xf32, #tpu.memory_space<vmem>>, vector<1x16xf32>,
    %swap3A_27 = arith.constant 4 : i32
    %swap3A_28 = arith.index_cast %swap3A_27 : i32 to index
    %swap3A_29 = arith.constant 0 : index
    %swap3A_30 = tpu.vector_load %arg10[%swap3A_28, %swap3A_29] {strides = array<i32>} : memref<128x16xf32, #tpu.memory_space<vmem>>, vector<1x16xf32>,
    %swap3A_31 = vector.shape_cast %swap3A_30 : vector<1x16xf32> to vector<16xf32>
    %swap3A_32 = vector.shape_cast %broadcast_in_dim3A_3 : vector<16xf32> to vector<1x16xf32>
    tpu.vector_store %arg10[%swap3A_28, %swap3A_29], %swap3A_32 {strides = array<i32>} : memref<128x16xf32, #tpu.memory_space<vmem>>, vector<1x16xf32>,
    %swap3A_33 = arith.constant 5 : i32
    %swap3A_34 = arith.index_cast %swap3A_33 : i32 to index
    %swap3A_35 = arith.constant 0 : index
    %swap3A_36 = tpu.vector_load %arg10[%swap3A_34, %swap3A_35] {strides = array<i32>} : memref<128x16xf32, #tpu.memory_space<vmem>>, vector<1x16xf32>,
    %swap3A_37 = vector.shape_cast %swap3A_36 : vector<1x16xf32> to vector<16xf32>
    %swap3A_38 = vector.shape_cast %broadcast_in_dim3A_3 : vector<16xf32> to vector<1x16xf32>
    tpu.vector_store %arg10[%swap3A_34, %swap3A_35], %swap3A_38 {strides = array<i32>} : memref<128x16xf32, #tpu.memory_space<vmem>>, vector<1x16xf32>,
    %swap3A_39 = arith.constant 6 : i32
    %swap3A_40 = arith.index_cast %swap3A_39 : i32 to index
    %swap3A_41 = arith.constant 0 : index
    %swap3A_42 = tpu.vector_load %arg10[%swap3A_40, %swap3A_41] {strides = array<i32>} : memref<128x16xf32, #tpu.memory_space<vmem>>, vector<1x16xf32>,
    %swap3A_43 = vector.shape_cast %swap3A_42 : vector<1x16xf32> to vector<16xf32>
    %swap3A_44 = vector.shape_cast %broadcast_in_dim3A_3 : vector<16xf32> to vector<1x16xf32>
    tpu.vector_store %arg10[%swap3A_40, %swap3A_41], %swap3A_44 {strides = array<i32>} : memref<128x16xf32, #tpu.memory_space<vmem>>, vector<1x16xf32>,
    %swap3A_45 = arith.constant 7 : i32
    %swap3A_46 = arith.index_cast %swap3A_45 : i32 to index
    %swap3A_47 = arith.constant 0 : index
    %swap3A_48 = tpu.vector_load %arg10[%swap3A_46, %swap3A_47] {strides = array<i32>} : memref<128x16xf32, #tpu.memory_space<vmem>>, vector<1x16xf32>,
    %swap3A_49 = vector.shape_cast %swap3A_48 : vector<1x16xf32> to vector<16xf32>
    %swap3A_50 = vector.shape_cast %broadcast_in_dim3A_3 : vector<16xf32> to vector<1x16xf32>
    tpu.vector_store %arg10[%swap3A_46, %swap3A_47], %swap3A_50 {strides = array<i32>} : memref<128x16xf32, #tpu.memory_space<vmem>>, vector<1x16xf32>,
    %swap3A_51 = arith.constant 8 : i32
    %swap3A_52 = arith.index_cast %swap3A_51 : i32 to index
    %swap3A_53 = arith.constant 0 : index
    %swap3A_54 = tpu.vector_load %arg10[%swap3A_52, %swap3A_53] {strides = array<i32>} : memref<128x16xf32, #tpu.memory_space<vmem>>, vector<1x16xf32>,
    %swap3A_55 = vector.shape_cast %swap3A_54 : vector<1x16xf32> to vector<16xf32>
    %swap3A_56 = vector.shape_cast %broadcast_in_dim3A_3 : vector<16xf32> to vector<1x16xf32>
    tpu.vector_store %arg10[%swap3A_52, %swap3A_53], %swap3A_56 {strides = array<i32>} : memref<128x16xf32, #tpu.memory_space<vmem>>, vector<1x16xf32>,
    %swap3A_57 = arith.constant 9 : i32
    %swap3A_58 = arith.index_cast %swap3A_57 : i32 to index
    %swap3A_59 = arith.constant 0 : index
    %swap3A_60 = tpu.vector_load %arg10[%swap3A_58, %swap3A_59] {strides = array<i32>} : memref<128x16xf32, #tpu.memory_space<vmem>>, vector<1x16xf32>,
    %swap3A_61 = vector.shape_cast %swap3A_60 : vector<1x16xf32> to vector<16xf32>
    %swap3A_62 = vector.shape_cast %broadcast_in_dim3A_3 : vector<16xf32> to vector<1x16xf32>
    tpu.vector_store %arg10[%swap3A_58, %swap3A_59], %swap3A_62 {strides = array<i32>} : memref<128x16xf32, #tpu.memory_space<vmem>>, vector<1x16xf32>,
    %swap3A_63 = arith.constant 10 : i32
    %swap3A_64 = arith.index_cast %swap3A_63 : i32 to index
    %swap3A_65 = arith.constant 0 : index
    %swap3A_66 = tpu.vector_load %arg10[%swap3A_64, %swap3A_65] {strides = array<i32>} : memref<128x16xf32, #tpu.memory_space<vmem>>, vector<1x16xf32>,
    %swap3A_67 = vector.shape_cast %swap3A_66 : vector<1x16xf32> to vector<16xf32>
    %swap3A_68 = vector.shape_cast %broadcast_in_dim3A_3 : vector<16xf32> to vector<1x16xf32>
    tpu.vector_store %arg10[%swap3A_64, %swap3A_65], %swap3A_68 {strides = array<i32>} : memref<128x16xf32, #tpu.memory_space<vmem>>, vector<1x16xf32>,
    %swap3A_69 = arith.constant 11 : i32
    %swap3A_70 = arith.index_cast %swap3A_69 : i32 to index
    %swap3A_71 = arith.constant 0 : index
    %swap3A_72 = tpu.vector_load %arg10[%swap3A_70, %swap3A_71] {strides = array<i32>} : memref<128x16xf32, #tpu.memory_space<vmem>>, vector<1x16xf32>,
    %swap3A_73 = vector.shape_cast %swap3A_72 : vector<1x16xf32> to vector<16xf32>
    %swap3A_74 = vector.shape_cast %broadcast_in_dim3A_3 : vector<16xf32> to vector<1x16xf32>
    tpu.vector_store %arg10[%swap3A_70, %swap3A_71], %swap3A_74 {strides = array<i32>} : memref<128x16xf32, #tpu.memory_space<vmem>>, vector<1x16xf32>,
    %swap3A_75 = arith.constant 12 : i32
    %swap3A_76 = arith.index_cast %swap3A_75 : i32 to index
    %swap3A_77 = arith.constant 0 : index
    %swap3A_78 = tpu.vector_load %arg10[%swap3A_76, %swap3A_77] {strides = array<i32>} : memref<128x16xf32, #tpu.memory_space<vmem>>, vector<1x16xf32>,
    %swap3A_79 = vector.shape_cast %swap3A_78 : vector<1x16xf32> to vector<16xf32>
    %swap3A_80 = vector.shape_cast %broadcast_in_dim3A_3 : vector<16xf32> to vector<1x16xf32>
    tpu.vector_store %arg10[%swap3A_76, %swap3A_77], %swap3A_80 {strides = array<i32>} : memref<128x16xf32, #tpu.memory_space<vmem>>, vector<1x16xf32>,
    %swap3A_81 = arith.constant 13 : i32
    %swap3A_82 = arith.index_cast %swap3A_81 : i32 to index
    %swap3A_83 = arith.constant 0 : index
    %swap3A_84 = tpu.vector_load %arg10[%swap3A_82, %swap3A_83] {strides = array<i32>} : memref<128x16xf32, #tpu.memory_space<vmem>>, vector<1x16xf32>,
    %swap3A_85 = vector.shape_cast %swap3A_84 : vector<1x16xf32> to vector<16xf32>
    %swap3A_86 = vector.shape_cast %broadcast_in_dim3A_3 : vector<16xf32> to vector<1x16xf32>
    tpu.vector_store %arg10[%swap3A_82, %swap3A_83], %swap3A_86 {strides = array<i32>} : memref<128x16xf32, #tpu.memory_space<vmem>>, vector<1x16xf32>,
    %swap3A_87 = arith.constant 14 : i32
    %swap3A_88 = arith.index_cast %swap3A_87 : i32 to index
    %swap3A_89 = arith.constant 0 : index
    %swap3A_90 = tpu.vector_load %arg10[%swap3A_88, %swap3A_89] {strides = array<i32>} : memref<128x16xf32, #tpu.memory_space<vmem>>, vector<1x16xf32>,
    %swap3A_91 = vector.shape_cast %swap3A_90 : vector<1x16xf32> to vector<16xf32>
    %swap3A_92 = vector.shape_cast %broadcast_in_dim3A_3 : vector<16xf32> to vector<1x16xf32>
    tpu.vector_store %arg10[%swap3A_88, %swap3A_89], %swap3A_92 {strides = array<i32>} : memref<128x16xf32, #tpu.memory_space<vmem>>, vector<1x16xf32>,
    %swap3A_93 = arith.constant 15 : i32
    %swap3A_94 = arith.index_cast %swap3A_93 : i32 to index
    %swap3A_95 = arith.constant 0 : index
    %swap3A_96 = tpu.vector_load %arg10[%swap3A_94, %swap3A_95] {strides = array<i32>} : memref<128x16xf32, #tpu.memory_space<vmem>>, vector<1x16xf32>,
    %swap3A_97 = vector.shape_cast %swap3A_96 : vector<1x16xf32> to vector<16xf32>
    %swap3A_98 = vector.shape_cast %broadcast_in_dim3A_3 : vector<16xf32> to vector<1x16xf32>
    tpu.vector_store %arg10[%swap3A_94, %swap3A_95], %swap3A_98 {strides = array<i32>} : memref<128x16xf32, #tpu.memory_space<vmem>>, vector<1x16xf32>,
    %swap3A_99 = arith.constant 16 : i32
    %swap3A_100 = arith.index_cast %swap3A_99 : i32 to index
    %swap3A_101 = arith.constant 0 : index
    %swap3A_102 = tpu.vector_load %arg10[%swap3A_100, %swap3A_101] {strides = array<i32>} : memref<128x16xf32, #tpu.memory_space<vmem>>, vector<1x16xf32>,
    %swap3A_103 = vector.shape_cast %swap3A_102 : vector<1x16xf32> to vector<16xf32>
    %swap3A_104 = vector.shape_cast %broadcast_in_dim3A_3 : vector<16xf32> to vector<1x16xf32>
    tpu.vector_store %arg10[%swap3A_100, %swap3A_101], %swap3A_104 {strides = array<i32>} : memref<128x16xf32, #tpu.memory_space<vmem>>, vector<1x16xf32>,
    %swap3A_105 = arith.constant 17 : i32
    %swap3A_106 = arith.index_cast %swap3A_105 : i32 to index
    %swap3A_107 = arith.constant 0 : index
    %swap3A_108 = tpu.vector_load %arg10[%swap3A_106, %swap3A_107] {strides = array<i32>} : memref<128x16xf32, #tpu.memory_space<vmem>>, vector<1x16xf32>,
    %swap3A_109 = vector.shape_cast %swap3A_108 : vector<1x16xf32> to vector<16xf32>
    %swap3A_110 = vector.shape_cast %broadcast_in_dim3A_3 : vector<16xf32> to vector<1x16xf32>
    tpu.vector_store %arg10[%swap3A_106, %swap3A_107], %swap3A_110 {strides = array<i32>} : memref<128x16xf32, #tpu.memory_space<vmem>>, vector<1x16xf32>,
    %swap3A_111 = arith.constant 18 : i32
    %swap3A_112 = arith.index_cast %swap3A_111 : i32 to index
    %swap3A_113 = arith.constant 0 : index
    %swap3A_114 = tpu.vector_load %arg10[%swap3A_112, %swap3A_113] {strides = array<i32>} : memref<128x16xf32, #tpu.memory_space<vmem>>, vector<1x16xf32>,
    %swap3A_115 = vector.shape_cast %swap3A_114 : vector<1x16xf32> to vector<16xf32>
    %swap3A_116 = vector.shape_cast %broadcast_in_dim3A_3 : vector<16xf32> to vector<1x16xf32>
    tpu.vector_store %arg10[%swap3A_112, %swap3A_113], %swap3A_116 {strides = array<i32>} : memref<128x16xf32, #tpu.memory_space<vmem>>, vector<1x16xf32>,
    %swap3A_117 = arith.constant 19 : i32
    %swap3A_118 = arith.index_cast %swap3A_117 : i32 to index
    %swap3A_119 = arith.constant 0 : index
    %swap3A_120 = tpu.vector_load %arg10[%swap3A_118, %swap3A_119] {strides = array<i32>} : memref<128x16xf32, #tpu.memory_space<vmem>>, vector<1x16xf32>,
    %swap3A_121 = vector.shape_cast %swap3A_120 : vector<1x16xf32> to vector<16xf32>
    %swap3A_122 = vector.shape_cast %broadcast_in_dim3A_3 : vector<16xf32> to vector<1x16xf32>
    tpu.vector_store %arg10[%swap3A_118, %swap3A_119], %swap3A_122 {strides = array<i32>} : memref<128x16xf32, #tpu.memory_space<vmem>>, vector<1x16xf32>,
    %swap3A_123 = arith.constant 20 : i32
    %swap3A_124 = arith.index_cast %swap3A_123 : i32 to index
    %swap3A_125 = arith.constant 0 : index
    %swap3A_126 = tpu.vector_load %arg10[%swap3A_124, %swap3A_125] {strides = array<i32>} : memref<128x16xf32, #tpu.memory_space<vmem>>, vector<1x16xf32>,
    %swap3A_127 = vector.shape_cast %swap3A_126 : vector<1x16xf32> to vector<16xf32>
    %swap3A_128 = vector.shape_cast %broadcast_in_dim3A_3 : vector<16xf32> to vector<1x16xf32>
    tpu.vector_store %arg10[%swap3A_124, %swap3A_125], %swap3A_128 {strides = array<i32>} : memref<128x16xf32, #tpu.memory_space<vmem>>, vector<1x16xf32>,
    %swap3A_129 = arith.constant 21 : i32
    %swap3A_130 = arith.index_cast %swap3A_129 : i32 to index
    %swap3A_131 = arith.constant 0 : index
    %swap3A_132 = tpu.vector_load %arg10[%swap3A_130, %swap3A_131] {strides = array<i32>} : memref<128x16xf32, #tpu.memory_space<vmem>>, vector<1x16xf32>,
    %swap3A_133 = vector.shape_cast %swap3A_132 : vector<1x16xf32> to vector<16xf32>
    %swap3A_134 = vector.shape_cast %broadcast_in_dim3A_3 : vector<16xf32> to vector<1x16xf32>
    tpu.vector_store %arg10[%swap3A_130, %swap3A_131], %swap3A_134 {strides = array<i32>} : memref<128x16xf32, #tpu.memory_space<vmem>>, vector<1x16xf32>,
    %swap3A_135 = arith.constant 22 : i32
    %swap3A_136 = arith.index_cast %swap3A_135 : i32 to index
    %swap3A_137 = arith.constant 0 : index
    %swap3A_138 = tpu.vector_load %arg10[%swap3A_136, %swap3A_137] {strides = array<i32>} : memref<128x16xf32, #tpu.memory_space<vmem>>, vector<1x16xf32>,
    %swap3A_139 = vector.shape_cast %swap3A_138 : vector<1x16xf32> to vector<16xf32>
    %swap3A_140 = vector.shape_cast %broadcast_in_dim3A_3 : vector<16xf32> to vector<1x16xf32>
    tpu.vector_store %arg10[%swap3A_136, %swap3A_137], %swap3A_140 {strides = array<i32>} : memref<128x16xf32, #tpu.memory_space<vmem>>, vector<1x16xf32>,
    %swap3A_141 = arith.constant 23 : i32
    %swap3A_142 = arith.index_cast %swap3A_141 : i32 to index
    %swap3A_143 = arith.constant 0 : index
    %swap3A_144 = tpu.vector_load %arg10[%swap3A_142, %swap3A_143] {strides = array<i32>} : memref<128x16xf32, #tpu.memory_space<vmem>>, vector<1x16xf32>,
    %swap3A_145 = vector.shape_cast %swap3A_144 : vector<1x16xf32> to vector<16xf32>
    %swap3A_146 = vector.shape_cast %broadcast_in_dim3A_3 : vector<16xf32> to vector<1x16xf32>
    tpu.vector_store %arg10[%swap3A_142, %swap3A_143], %swap3A_146 {strides = array<i32>} : memref<128x16xf32, #tpu.memory_space<vmem>>, vector<1x16xf32>,
    %swap3A_147 = arith.constant 24 : i32
    %swap3A_148 = arith.index_cast %swap3A_147 : i32 to index
    %swap3A_149 = arith.constant 0 : index
    %swap3A_150 = tpu.vector_load %arg10[%swap3A_148, %swap3A_149] {strides = array<i32>} : memref<128x16xf32, #tpu.memory_space<vmem>>, vector<1x16xf32>,
    %swap3A_151 = vector.shape_cast %swap3A_150 : vector<1x16xf32> to vector<16xf32>
    %swap3A_152 = vector.shape_cast %broadcast_in_dim3A_3 : vector<16xf32> to vector<1x16xf32>
    tpu.vector_store %arg10[%swap3A_148, %swap3A_149], %swap3A_152 {strides = array<i32>} : memref<128x16xf32, #tpu.memory_space<vmem>>, vector<1x16xf32>,
    %swap3A_153 = arith.constant 25 : i32
    %swap3A_154 = arith.index_cast %swap3A_153 : i32 to index
    %swap3A_155 = arith.constant 0 : index
    %swap3A_156 = tpu.vector_load %arg10[%swap3A_154, %swap3A_155] {strides = array<i32>} : memref<128x16xf32, #tpu.memory_space<vmem>>, vector<1x16xf32>,
    %swap3A_157 = vector.shape_cast %swap3A_156 : vector<1x16xf32> to vector<16xf32>
    %swap3A_158 = vector.shape_cast %broadcast_in_dim3A_3 : vector<16xf32> to vector<1x16xf32>
    tpu.vector_store %arg10[%swap3A_154, %swap3A_155], %swap3A_158 {strides = array<i32>} : memref<128x16xf32, #tpu.memory_space<vmem>>, vector<1x16xf32>,
    %swap3A_159 = arith.constant 26 : i32
    %swap3A_160 = arith.index_cast %swap3A_159 : i32 to index
    %swap3A_161 = arith.constant 0 : index
    %swap3A_162 = tpu.vector_load %arg10[%swap3A_160, %swap3A_161] {strides = array<i32>} : memref<128x16xf32, #tpu.memory_space<vmem>>, vector<1x16xf32>,
    %swap3A_163 = vector.shape_cast %swap3A_162 : vector<1x16xf32> to vector<16xf32>
    %swap3A_164 = vector.shape_cast %broadcast_in_dim3A_3 : vector<16xf32> to vector<1x16xf32>
    tpu.vector_store %arg10[%swap3A_160, %swap3A_161], %swap3A_164 {strides = array<i32>} : memref<128x16xf32, #tpu.memory_space<vmem>>, vector<1x16xf32>,
    %swap3A_165 = arith.constant 27 : i32
    %swap3A_166 = arith.index_cast %swap3A_165 : i32 to index
    %swap3A_167 = arith.constant 0 : index
    %swap3A_168 = tpu.vector_load %arg10[%swap3A_166, %swap3A_167] {strides = array<i32>} : memref<128x16xf32, #tpu.memory_space<vmem>>, vector<1x16xf32>,
    %swap3A_169 = vector.shape_cast %swap3A_168 : vector<1x16xf32> to vector<16xf32>
    %swap3A_170 = vector.shape_cast %broadcast_in_dim3A_3 : vector<16xf32> to vector<1x16xf32>
    tpu.vector_store %arg10[%swap3A_166, %swap3A_167], %swap3A_170 {strides = array<i32>} : memref<128x16xf32, #tpu.memory_space<vmem>>, vector<1x16xf32>,
    %swap3A_171 = arith.constant 28 : i32
    %swap3A_172 = arith.index_cast %swap3A_171 : i32 to index
    %swap3A_173 = arith.constant 0 : index
    %swap3A_174 = tpu.vector_load %arg10[%swap3A_172, %swap3A_173] {strides = array<i32>} : memref<128x16xf32, #tpu.memory_space<vmem>>, vector<1x16xf32>,
    %swap3A_175 = vector.shape_cast %swap3A_174 : vector<1x16xf32> to vector<16xf32>
    %swap3A_176 = vector.shape_cast %broadcast_in_dim3A_3 : vector<16xf32> to vector<1x16xf32>
    tpu.vector_store %arg10[%swap3A_172, %swap3A_173], %swap3A_176 {strides = array<i32>} : memref<128x16xf32, #tpu.memory_space<vmem>>, vector<1x16xf32>,
    %swap3A_177 = arith.constant 29 : i32
    %swap3A_178 = arith.index_cast %swap3A_177 : i32 to index
    %swap3A_179 = arith.constant 0 : index
    %swap3A_180 = tpu.vector_load %arg10[%swap3A_178, %swap3A_179] {strides = array<i32>} : memref<128x16xf32, #tpu.memory_space<vmem>>, vector<1x16xf32>,
    %swap3A_181 = vector.shape_cast %swap3A_180 : vector<1x16xf32> to vector<16xf32>
    %swap3A_182 = vector.shape_cast %broadcast_in_dim3A_3 : vector<16xf32> to vector<1x16xf32>
    tpu.vector_store %arg10[%swap3A_178, %swap3A_179], %swap3A_182 {strides = array<i32>} : memref<128x16xf32, #tpu.memory_space<vmem>>, vector<1x16xf32>,
    %swap3A_183 = arith.constant 30 : i32
    %swap3A_184 = arith.index_cast %swap3A_183 : i32 to index
    %swap3A_185 = arith.constant 0 : index
    %swap3A_186 = tpu.vector_load %arg10[%swap3A_184, %swap3A_185] {strides = array<i32>} : memref<128x16xf32, #tpu.memory_space<vmem>>, vector<1x16xf32>,
    %swap3A_187 = vector.shape_cast %swap3A_186 : vector<1x16xf32> to vector<16xf32>
    %swap3A_188 = vector.shape_cast %broadcast_in_dim3A_3 : vector<16xf32> to vector<1x16xf32>
    tpu.vector_store %arg10[%swap3A_184, %swap3A_185], %swap3A_188 {strides = array<i32>} : memref<128x16xf32, #tpu.memory_space<vmem>>, vector<1x16xf32>,
    %swap3A_189 = arith.constant 31 : i32
    %swap3A_190 = arith.index_cast %swap3A_189 : i32 to index
    %swap3A_191 = arith.constant 0 : index
    %swap3A_192 = tpu.vector_load %arg10[%swap3A_190, %swap3A_191] {strides = array<i32>} : memref<128x16xf32, #tpu.memory_space<vmem>>, vector<1x16xf32>,
    %swap3A_193 = vector.shape_cast %swap3A_192 : vector<1x16xf32> to vector<16xf32>
    %swap3A_194 = vector.shape_cast %broadcast_in_dim3A_3 : vector<16xf32> to vector<1x16xf32>
    tpu.vector_store %arg10[%swap3A_190, %swap3A_191], %swap3A_194 {strides = array<i32>} : memref<128x16xf32, #tpu.memory_space<vmem>>, vector<1x16xf32>,
    %swap3A_195 = arith.constant 32 : i32
    %swap3A_196 = arith.index_cast %swap3A_195 : i32 to index
    %swap3A_197 = arith.constant 0 : index
    %swap3A_198 = tpu.vector_load %arg10[%swap3A_196, %swap3A_197] {strides = array<i32>} : memref<128x16xf32, #tpu.memory_space<vmem>>, vector<1x16xf32>,
    %swap3A_199 = vector.shape_cast %swap3A_198 : vector<1x16xf32> to vector<16xf32>
    %swap3A_200 = vector.shape_cast %broadcast_in_dim3A_3 : vector<16xf32> to vector<1x16xf32>
    tpu.vector_store %arg10[%swap3A_196, %swap3A_197], %swap3A_200 {strides = array<i32>} : memref<128x16xf32, #tpu.memory_space<vmem>>, vector<1x16xf32>,
    %swap3A_201 = arith.constant 33 : i32
    %swap3A_202 = arith.index_cast %swap3A_201 : i32 to index
    %swap3A_203 = arith.constant 0 : index
    %swap3A_204 = tpu.vector_load %arg10[%swap3A_202, %swap3A_203] {strides = array<i32>} : memref<128x16xf32, #tpu.memory_space<vmem>>, vector<1x16xf32>,
    %swap3A_205 = vector.shape_cast %swap3A_204 : vector<1x16xf32> to vector<16xf32>
    %swap3A_206 = vector.shape_cast %broadcast_in_dim3A_3 : vector<16xf32> to vector<1x16xf32>
    tpu.vector_store %arg10[%swap3A_202, %swap3A_203], %swap3A_206 {strides = array<i32>} : memref<128x16xf32, #tpu.memory_space<vmem>>, vector<1x16xf32>,
    %swap3A_207 = arith.constant 34 : i32
    %swap3A_208 = arith.index_cast %swap3A_207 : i32 to index
    %swap3A_209 = arith.constant 0 : index
    %swap3A_210 = tpu.vector_load %arg10[%swap3A_208, %swap3A_209] {strides = array<i32>} : memref<128x16xf32, #tpu.memory_space<vmem>>, vector<1x16xf32>,
    %swap3A_211 = vector.shape_cast %swap3A_210 : vector<1x16xf32> to vector<16xf32>
    %swap3A_212 = vector.shape_cast %broadcast_in_dim3A_3 : vector<16xf32> to vector<1x16xf32>
    tpu.vector_store %arg10[%swap3A_208, %swap3A_209], %swap3A_212 {strides = array<i32>} : memref<128x16xf32, #tpu.memory_space<vmem>>, vector<1x16xf32>,
    %swap3A_213 = arith.constant 35 : i32
    %swap3A_214 = arith.index_cast %swap3A_213 : i32 to index
    %swap3A_215 = arith.constant 0 : index
    %swap3A_216 = tpu.vector_load %arg10[%swap3A_214, %swap3A_215] {strides = array<i32>} : memref<128x16xf32, #tpu.memory_space<vmem>>, vector<1x16xf32>,
    %swap3A_217 = vector.shape_cast %swap3A_216 : vector<1x16xf32> to vector<16xf32>
    %swap3A_218 = vector.shape_cast %broadcast_in_dim3A_3 : vector<16xf32> to vector<1x16xf32>
    tpu.vector_store %arg10[%swap3A_214, %swap3A_215], %swap3A_218 {strides = array<i32>} : memref<128x16xf32, #tpu.memory_space<vmem>>, vector<1x16xf32>,
    %swap3A_219 = arith.constant 36 : i32
    %swap3A_220 = arith.index_cast %swap3A_219 : i32 to index
    %swap3A_221 = arith.constant 0 : index
    %swap3A_222 = tpu.vector_load %arg10[%swap3A_220, %swap3A_221] {strides = array<i32>} : memref<128x16xf32, #tpu.memory_space<vmem>>, vector<1x16xf32>,
    %swap3A_223 = vector.shape_cast %swap3A_222 : vector<1x16xf32> to vector<16xf32>
    %swap3A_224 = vector.shape_cast %broadcast_in_dim3A_3 : vector<16xf32> to vector<1x16xf32>
    tpu.vector_store %arg10[%swap3A_220, %swap3A_221], %swap3A_224 {strides = array<i32>} : memref<128x16xf32, #tpu.memory_space<vmem>>, vector<1x16xf32>,
    %swap3A_225 = arith.constant 37 : i32
    %swap3A_226 = arith.index_cast %swap3A_225 : i32 to index
    %swap3A_227 = arith.constant 0 : index
    %swap3A_228 = tpu.vector_load %arg10[%swap3A_226, %swap3A_227] {strides = array<i32>} : memref<128x16xf32, #tpu.memory_space<vmem>>, vector<1x16xf32>,
    %swap3A_229 = vector.shape_cast %swap3A_228 : vector<1x16xf32> to vector<16xf32>
    %swap3A_230 = vector.shape_cast %broadcast_in_dim3A_3 : vector<16xf32> to vector<1x16xf32>
    tpu.vector_store %arg10[%swap3A_226, %swap3A_227], %swap3A_230 {strides = array<i32>} : memref<128x16xf32, #tpu.memory_space<vmem>>, vector<1x16xf32>,
    %swap3A_231 = arith.constant 38 : i32
    %swap3A_232 = arith.index_cast %swap3A_231 : i32 to index
    %swap3A_233 = arith.constant 0 : index
    %swap3A_234 = tpu.vector_load %arg10[%swap3A_232, %swap3A_233] {strides = array<i32>} : memref<128x16xf32, #tpu.memory_space<vmem>>, vector<1x16xf32>,
    %swap3A_235 = vector.shape_cast %swap3A_234 : vector<1x16xf32> to vector<16xf32>
    %swap3A_236 = vector.shape_cast %broadcast_in_dim3A_3 : vector<16xf32> to vector<1x16xf32>
    tpu.vector_store %arg10[%swap3A_232, %swap3A_233], %swap3A_236 {strides = array<i32>} : memref<128x16xf32, #tpu.memory_space<vmem>>, vector<1x16xf32>,
    %swap3A_237 = arith.constant 39 : i32
    %swap3A_238 = arith.index_cast %swap3A_237 : i32 to index
    %swap3A_239 = arith.constant 0 : index
    %swap3A_240 = tpu.vector_load %arg10[%swap3A_238, %swap3A_239] {strides = array<i32>} : memref<128x16xf32, #tpu.memory_space<vmem>>, vector<1x16xf32>,
    %swap3A_241 = vector.shape_cast %swap3A_240 : vector<1x16xf32> to vector<16xf32>
    %swap3A_242 = vector.shape_cast %broadcast_in_dim3A_3 : vector<16xf32> to vector<1x16xf32>
    tpu.vector_store %arg10[%swap3A_238, %swap3A_239], %swap3A_242 {strides = array<i32>} : memref<128x16xf32, #tpu.memory_space<vmem>>, vector<1x16xf32>,
    %swap3A_243 = arith.constant 40 : i32
    %swap3A_244 = arith.index_cast %swap3A_243 : i32 to index
    %swap3A_245 = arith.constant 0 : index
    %swap3A_246 = tpu.vector_load %arg10[%swap3A_244, %swap3A_245] {strides = array<i32>} : memref<128x16xf32, #tpu.memory_space<vmem>>, vector<1x16xf32>,
    %swap3A_247 = vector.shape_cast %swap3A_246 : vector<1x16xf32> to vector<16xf32>
    %swap3A_248 = vector.shape_cast %broadcast_in_dim3A_3 : vector<16xf32> to vector<1x16xf32>
    tpu.vector_store %arg10[%swap3A_244, %swap3A_245], %swap3A_248 {strides = array<i32>} : memref<128x16xf32, #tpu.memory_space<vmem>>, vector<1x16xf32>,
    %swap3A_249 = arith.constant 41 : i32
    %swap3A_250 = arith.index_cast %swap3A_249 : i32 to index
    %swap3A_251 = arith.constant 0 : index
    %swap3A_252 = tpu.vector_load %arg10[%swap3A_250, %swap3A_251] {strides = array<i32>} : memref<128x16xf32, #tpu.memory_space<vmem>>, vector<1x16xf32>,
    %swap3A_253 = vector.shape_cast %swap3A_252 : vector<1x16xf32> to vector<16xf32>
    %swap3A_254 = vector.shape_cast %broadcast_in_dim3A_3 : vector<16xf32> to vector<1x16xf32>
    tpu.vector_store %arg10[%swap3A_250, %swap3A_251], %swap3A_254 {strides = array<i32>} : memref<128x16xf32, #tpu.memory_space<vmem>>, vector<1x16xf32>,
    %swap3A_255 = arith.constant 42 : i32
    %swap3A_256 = arith.index_cast %swap3A_255 : i32 to index
    %swap3A_257 = arith.constant 0 : index
    %swap3A_258 = tpu.vector_load %arg10[%swap3A_256, %swap3A_257] {strides = array<i32>} : memref<128x16xf32, #tpu.memory_space<vmem>>, vector<1x16xf32>,
    %swap3A_259 = vector.shape_cast %swap3A_258 : vector<1x16xf32> to vector<16xf32>
    %swap3A_260 = vector.shape_cast %broadcast_in_dim3A_3 : vector<16xf32> to vector<1x16xf32>
    tpu.vector_store %arg10[%swap3A_256, %swap3A_257], %swap3A_260 {strides = array<i32>} : memref<128x16xf32, #tpu.memory_space<vmem>>, vector<1x16xf32>,
    %swap3A_261 = arith.constant 43 : i32
    %swap3A_262 = arith.index_cast %swap3A_261 : i32 to index
    %swap3A_263 = arith.constant 0 : index
    %swap3A_264 = tpu.vector_load %arg10[%swap3A_262, %swap3A_263] {strides = array<i32>} : memref<128x16xf32, #tpu.memory_space<vmem>>, vector<1x16xf32>,
    %swap3A_265 = vector.shape_cast %swap3A_264 : vector<1x16xf32> to vector<16xf32>
    %swap3A_266 = vector.shape_cast %broadcast_in_dim3A_3 : vector<16xf32> to vector<1x16xf32>
    tpu.vector_store %arg10[%swap3A_262, %swap3A_263], %swap3A_266 {strides = array<i32>} : memref<128x16xf32, #tpu.memory_space<vmem>>, vector<1x16xf32>,
    %swap3A_267 = arith.constant 44 : i32
    %swap3A_268 = arith.index_cast %swap3A_267 : i32 to index
    %swap3A_269 = arith.constant 0 : index
    %swap3A_270 = tpu.vector_load %arg10[%swap3A_268, %swap3A_269] {strides = array<i32>} : memref<128x16xf32, #tpu.memory_space<vmem>>, vector<1x16xf32>,
    %swap3A_271 = vector.shape_cast %swap3A_270 : vector<1x16xf32> to vector<16xf32>
    %swap3A_272 = vector.shape_cast %broadcast_in_dim3A_3 : vector<16xf32> to vector<1x16xf32>
    tpu.vector_store %arg10[%swap3A_268, %swap3A_269], %swap3A_272 {strides = array<i32>} : memref<128x16xf32, #tpu.memory_space<vmem>>, vector<1x16xf32>,
    %swap3A_273 = arith.constant 45 : i32
    %swap3A_274 = arith.index_cast %swap3A_273 : i32 to index
    %swap3A_275 = arith.constant 0 : index
    %swap3A_276 = tpu.vector_load %arg10[%swap3A_274, %swap3A_275] {strides = array<i32>} : memref<128x16xf32, #tpu.memory_space<vmem>>, vector<1x16xf32>,
    %swap3A_277 = vector.shape_cast %swap3A_276 : vector<1x16xf32> to vector<16xf32>
    %swap3A_278 = vector.shape_cast %broadcast_in_dim3A_3 : vector<16xf32> to vector<1x16xf32>
    tpu.vector_store %arg10[%swap3A_274, %swap3A_275], %swap3A_278 {strides = array<i32>} : memref<128x16xf32, #tpu.memory_space<vmem>>, vector<1x16xf32>,
    %swap3A_279 = arith.constant 46 : i32
    %swap3A_280 = arith.index_cast %swap3A_279 : i32 to index
    %swap3A_281 = arith.constant 0 : index
    %swap3A_282 = tpu.vector_load %arg10[%swap3A_280, %swap3A_281] {strides = array<i32>} : memref<128x16xf32, #tpu.memory_space<vmem>>, vector<1x16xf32>,
    %swap3A_283 = vector.shape_cast %swap3A_282 : vector<1x16xf32> to vector<16xf32>
    %swap3A_284 = vector.shape_cast %broadcast_in_dim3A_3 : vector<16xf32> to vector<1x16xf32>
    tpu.vector_store %arg10[%swap3A_280, %swap3A_281], %swap3A_284 {strides = array<i32>} : memref<128x16xf32, #tpu.memory_space<vmem>>, vector<1x16xf32>,
    %swap3A_285 = arith.constant 47 : i32
    %swap3A_286 = arith.index_cast %swap3A_285 : i32 to index
    %swap3A_287 = arith.constant 0 : index
    %swap3A_288 = tpu.vector_load %arg10[%swap3A_286, %swap3A_287] {strides = array<i32>} : memref<128x16xf32, #tpu.memory_space<vmem>>, vector<1x16xf32>,
    %swap3A_289 = vector.shape_cast %swap3A_288 : vector<1x16xf32> to vector<16xf32>
    %swap3A_290 = vector.shape_cast %broadcast_in_dim3A_3 : vector<16xf32> to vector<1x16xf32>
    tpu.vector_store %arg10[%swap3A_286, %swap3A_287], %swap3A_290 {strides = array<i32>} : memref<128x16xf32, #tpu.memory_space<vmem>>, vector<1x16xf32>,
    %swap3A_291 = arith.constant 48 : i32
    %swap3A_292 = arith.index_cast %swap3A_291 : i32 to index
    %swap3A_293 = arith.constant 0 : index
    %swap3A_294 = tpu.vector_load %arg10[%swap3A_292, %swap3A_293] {strides = array<i32>} : memref<128x16xf32, #tpu.memory_space<vmem>>, vector<1x16xf32>,
    %swap3A_295 = vector.shape_cast %swap3A_294 : vector<1x16xf32> to vector<16xf32>
    %swap3A_296 = vector.shape_cast %broadcast_in_dim3A_3 : vector<16xf32> to vector<1x16xf32>
    tpu.vector_store %arg10[%swap3A_292, %swap3A_293], %swap3A_296 {strides = array<i32>} : memref<128x16xf32, #tpu.memory_space<vmem>>, vector<1x16xf32>,
    %swap3A_297 = arith.constant 49 : i32
    %swap3A_298 = arith.index_cast %swap3A_297 : i32 to index
    %swap3A_299 = arith.constant 0 : index
    %swap3A_300 = tpu.vector_load %arg10[%swap3A_298, %swap3A_299] {strides = array<i32>} : memref<128x16xf32, #tpu.memory_space<vmem>>, vector<1x16xf32>,
    %swap3A_301 = vector.shape_cast %swap3A_300 : vector<1x16xf32> to vector<16xf32>
    %swap3A_302 = vector.shape_cast %broadcast_in_dim3A_3 : vector<16xf32> to vector<1x16xf32>
    tpu.vector_store %arg10[%swap3A_298, %swap3A_299], %swap3A_302 {strides = array<i32>} : memref<128x16xf32, #tpu.memory_space<vmem>>, vector<1x16xf32>,
    %swap3A_303 = arith.constant 50 : i32
    %swap3A_304 = arith.index_cast %swap3A_303 : i32 to index
    %swap3A_305 = arith.constant 0 : index
    %swap3A_306 = tpu.vector_load %arg10[%swap3A_304, %swap3A_305] {strides = array<i32>} : memref<128x16xf32, #tpu.memory_space<vmem>>, vector<1x16xf32>,
    %swap3A_307 = vector.shape_cast %swap3A_306 : vector<1x16xf32> to vector<16xf32>
    %swap3A_308 = vector.shape_cast %broadcast_in_dim3A_3 : vector<16xf32> to vector<1x16xf32>
    tpu.vector_store %arg10[%swap3A_304, %swap3A_305], %swap3A_308 {strides = array<i32>} : memref<128x16xf32, #tpu.memory_space<vmem>>, vector<1x16xf32>,
    %swap3A_309 = arith.constant 51 : i32
    %swap3A_310 = arith.index_cast %swap3A_309 : i32 to index
    %swap3A_311 = arith.constant 0 : index
    %swap3A_312 = tpu.vector_load %arg10[%swap3A_310, %swap3A_311] {strides = array<i32>} : memref<128x16xf32, #tpu.memory_space<vmem>>, vector<1x16xf32>,
    %swap3A_313 = vector.shape_cast %swap3A_312 : vector<1x16xf32> to vector<16xf32>
    %swap3A_314 = vector.shape_cast %broadcast_in_dim3A_3 : vector<16xf32> to vector<1x16xf32>
    tpu.vector_store %arg10[%swap3A_310, %swap3A_311], %swap3A_314 {strides = array<i32>} : memref<128x16xf32, #tpu.memory_space<vmem>>, vector<1x16xf32>,
    %swap3A_315 = arith.constant 52 : i32
    %swap3A_316 = arith.index_cast %swap3A_315 : i32 to index
    %swap3A_317 = arith.constant 0 : index
    %swap3A_318 = tpu.vector_load %arg10[%swap3A_316, %swap3A_317] {strides = array<i32>} : memref<128x16xf32, #tpu.memory_space<vmem>>, vector<1x16xf32>,
    %swap3A_319 = vector.shape_cast %swap3A_318 : vector<1x16xf32> to vector<16xf32>
    %swap3A_320 = vector.shape_cast %broadcast_in_dim3A_3 : vector<16xf32> to vector<1x16xf32>
    tpu.vector_store %arg10[%swap3A_316, %swap3A_317], %swap3A_320 {strides = array<i32>} : memref<128x16xf32, #tpu.memory_space<vmem>>, vector<1x16xf32>,
    %swap3A_321 = arith.constant 53 : i32
    %swap3A_322 = arith.index_cast %swap3A_321 : i32 to index
    %swap3A_323 = arith.constant 0 : index
    %swap3A_324 = tpu.vector_load %arg10[%swap3A_322, %swap3A_323] {strides = array<i32>} : memref<128x16xf32, #tpu.memory_space<vmem>>, vector<1x16xf32>,
    %swap3A_325 = vector.shape_cast %swap3A_324 : vector<1x16xf32> to vector<16xf32>
    %swap3A_326 = vector.shape_cast %broadcast_in_dim3A_3 : vector<16xf32> to vector<1x16xf32>
    tpu.vector_store %arg10[%swap3A_322, %swap3A_323], %swap3A_326 {strides = array<i32>} : memref<128x16xf32, #tpu.memory_space<vmem>>, vector<1x16xf32>,
    %swap3A_327 = arith.constant 54 : i32
    %swap3A_328 = arith.index_cast %swap3A_327 : i32 to index
    %swap3A_329 = arith.constant 0 : index
    %swap3A_330 = tpu.vector_load %arg10[%swap3A_328, %swap3A_329] {strides = array<i32>} : memref<128x16xf32, #tpu.memory_space<vmem>>, vector<1x16xf32>,
    %swap3A_331 = vector.shape_cast %swap3A_330 : vector<1x16xf32> to vector<16xf32>
    %swap3A_332 = vector.shape_cast %broadcast_in_dim3A_3 : vector<16xf32> to vector<1x16xf32>
    tpu.vector_store %arg10[%swap3A_328, %swap3A_329], %swap3A_332 {strides = array<i32>} : memref<128x16xf32, #tpu.memory_space<vmem>>, vector<1x16xf32>,
    %swap3A_333 = arith.constant 55 : i32
    %swap3A_334 = arith.index_cast %swap3A_333 : i32 to index
    %swap3A_335 = arith.constant 0 : index
    %swap3A_336 = tpu.vector_load %arg10[%swap3A_334, %swap3A_335] {strides = array<i32>} : memref<128x16xf32, #tpu.memory_space<vmem>>, vector<1x16xf32>,
    %swap3A_337 = vector.shape_cast %swap3A_336 : vector<1x16xf32> to vector<16xf32>
    %swap3A_338 = vector.shape_cast %broadcast_in_dim3A_3 : vector<16xf32> to vector<1x16xf32>
    tpu.vector_store %arg10[%swap3A_334, %swap3A_335], %swap3A_338 {strides = array<i32>} : memref<128x16xf32, #tpu.memory_space<vmem>>, vector<1x16xf32>,
    %swap3A_339 = arith.constant 56 : i32
    %swap3A_340 = arith.index_cast %swap3A_339 : i32 to index
    %swap3A_341 = arith.constant 0 : index
    %swap3A_342 = tpu.vector_load %arg10[%swap3A_340, %swap3A_341] {strides = array<i32>} : memref<128x16xf32, #tpu.memory_space<vmem>>, vector<1x16xf32>,
    %swap3A_343 = vector.shape_cast %swap3A_342 : vector<1x16xf32> to vector<16xf32>
    %swap3A_344 = vector.shape_cast %broadcast_in_dim3A_3 : vector<16xf32> to vector<1x16xf32>
    tpu.vector_store %arg10[%swap3A_340, %swap3A_341], %swap3A_344 {strides = array<i32>} : memref<128x16xf32, #tpu.memory_space<vmem>>, vector<1x16xf32>,
    %swap3A_345 = arith.constant 57 : i32
    %swap3A_346 = arith.index_cast %swap3A_345 : i32 to index
    %swap3A_347 = arith.constant 0 : index
    %swap3A_348 = tpu.vector_load %arg10[%swap3A_346, %swap3A_347] {strides = array<i32>} : memref<128x16xf32, #tpu.memory_space<vmem>>, vector<1x16xf32>,
    %swap3A_349 = vector.shape_cast %swap3A_348 : vector<1x16xf32> to vector<16xf32>
    %swap3A_350 = vector.shape_cast %broadcast_in_dim3A_3 : vector<16xf32> to vector<1x16xf32>
    tpu.vector_store %arg10[%swap3A_346, %swap3A_347], %swap3A_350 {strides = array<i32>} : memref<128x16xf32, #tpu.memory_space<vmem>>, vector<1x16xf32>,
    %swap3A_351 = arith.constant 58 : i32
    %swap3A_352 = arith.index_cast %swap3A_351 : i32 to index
    %swap3A_353 = arith.constant 0 : index
    %swap3A_354 = tpu.vector_load %arg10[%swap3A_352, %swap3A_353] {strides = array<i32>} : memref<128x16xf32, #tpu.memory_space<vmem>>, vector<1x16xf32>,
    %swap3A_355 = vector.shape_cast %swap3A_354 : vector<1x16xf32> to vector<16xf32>
    %swap3A_356 = vector.shape_cast %broadcast_in_dim3A_3 : vector<16xf32> to vector<1x16xf32>
    tpu.vector_store %arg10[%swap3A_352, %swap3A_353], %swap3A_356 {strides = array<i32>} : memref<128x16xf32, #tpu.memory_space<vmem>>, vector<1x16xf32>,
    %swap3A_357 = arith.constant 59 : i32
    %swap3A_358 = arith.index_cast %swap3A_357 : i32 to index
    %swap3A_359 = arith.constant 0 : index
    %swap3A_360 = tpu.vector_load %arg10[%swap3A_358, %swap3A_359] {strides = array<i32>} : memref<128x16xf32, #tpu.memory_space<vmem>>, vector<1x16xf32>,
    %swap3A_361 = vector.shape_cast %swap3A_360 : vector<1x16xf32> to vector<16xf32>
    %swap3A_362 = vector.shape_cast %broadcast_in_dim3A_3 : vector<16xf32> to vector<1x16xf32>
    tpu.vector_store %arg10[%swap3A_358, %swap3A_359], %swap3A_362 {strides = array<i32>} : memref<128x16xf32, #tpu.memory_space<vmem>>, vector<1x16xf32>,
    %swap3A_363 = arith.constant 60 : i32
    %swap3A_364 = arith.index_cast %swap3A_363 : i32 to index
    %swap3A_365 = arith.constant 0 : index
    %swap3A_366 = tpu.vector_load %arg10[%swap3A_364, %swap3A_365] {strides = array<i32>} : memref<128x16xf32, #tpu.memory_space<vmem>>, vector<1x16xf32>,
    %swap3A_367 = vector.shape_cast %swap3A_366 : vector<1x16xf32> to vector<16xf32>
    %swap3A_368 = vector.shape_cast %broadcast_in_dim3A_3 : vector<16xf32> to vector<1x16xf32>
    tpu.vector_store %arg10[%swap3A_364, %swap3A_365], %swap3A_368 {strides = array<i32>} : memref<128x16xf32, #tpu.memory_space<vmem>>, vector<1x16xf32>,
    %swap3A_369 = arith.constant 61 : i32
    %swap3A_370 = arith.index_cast %swap3A_369 : i32 to index
    %swap3A_371 = arith.constant 0 : index
    %swap3A_372 = tpu.vector_load %arg10[%swap3A_370, %swap3A_371] {strides = array<i32>} : memref<128x16xf32, #tpu.memory_space<vmem>>, vector<1x16xf32>,
    %swap3A_373 = vector.shape_cast %swap3A_372 : vector<1x16xf32> to vector<16xf32>
    %swap3A_374 = vector.shape_cast %broadcast_in_dim3A_3 : vector<16xf32> to vector<1x16xf32>
    tpu.vector_store %arg10[%swap3A_370, %swap3A_371], %swap3A_374 {strides = array<i32>} : memref<128x16xf32, #tpu.memory_space<vmem>>, vector<1x16xf32>,
    %swap3A_375 = arith.constant 62 : i32
    %swap3A_376 = arith.index_cast %swap3A_375 : i32 to index
    %swap3A_377 = arith.constant 0 : index
    %swap3A_378 = tpu.vector_load %arg10[%swap3A_376, %swap3A_377] {strides = array<i32>} : memref<128x16xf32, #tpu.memory_space<vmem>>, vector<1x16xf32>,
    %swap3A_379 = vector.shape_cast %swap3A_378 : vector<1x16xf32> to vector<16xf32>
    %swap3A_380 = vector.shape_cast %broadcast_in_dim3A_3 : vector<16xf32> to vector<1x16xf32>
    tpu.vector_store %arg10[%swap3A_376, %swap3A_377], %swap3A_380 {strides = array<i32>} : memref<128x16xf32, #tpu.memory_space<vmem>>, vector<1x16xf32>,
    %swap3A_381 = arith.constant 63 : i32
    %swap3A_382 = arith.index_cast %swap3A_381 : i32 to index
    %swap3A_383 = arith.constant 0 : index
    %swap3A_384 = tpu.vector_load %arg10[%swap3A_382, %swap3A_383] {strides = array<i32>} : memref<128x16xf32, #tpu.memory_space<vmem>>, vector<1x16xf32>,
    %swap3A_385 = vector.shape_cast %swap3A_384 : vector<1x16xf32> to vector<16xf32>
    %swap3A_386 = vector.shape_cast %broadcast_in_dim3A_3 : vector<16xf32> to vector<1x16xf32>
    tpu.vector_store %arg10[%swap3A_382, %swap3A_383], %swap3A_386 {strides = array<i32>} : memref<128x16xf32, #tpu.memory_space<vmem>>, vector<1x16xf32>,
    %swap3A_387 = arith.constant 64 : i32
    %swap3A_388 = arith.index_cast %swap3A_387 : i32 to index
    %swap3A_389 = arith.constant 0 : index
    %swap3A_390 = tpu.vector_load %arg10[%swap3A_388, %swap3A_389] {strides = array<i32>} : memref<128x16xf32, #tpu.memory_space<vmem>>, vector<1x16xf32>,
    %swap3A_391 = vector.shape_cast %swap3A_390 : vector<1x16xf32> to vector<16xf32>
    %swap3A_392 = vector.shape_cast %broadcast_in_dim3A_3 : vector<16xf32> to vector<1x16xf32>
    tpu.vector_store %arg10[%swap3A_388, %swap3A_389], %swap3A_392 {strides = array<i32>} : memref<128x16xf32, #tpu.memory_space<vmem>>, vector<1x16xf32>,
    %swap3A_393 = arith.constant 65 : i32
    %swap3A_394 = arith.index_cast %swap3A_393 : i32 to index
    %swap3A_395 = arith.constant 0 : index
    %swap3A_396 = tpu.vector_load %arg10[%swap3A_394, %swap3A_395] {strides = array<i32>} : memref<128x16xf32, #tpu.memory_space<vmem>>, vector<1x16xf32>,
    %swap3A_397 = vector.shape_cast %swap3A_396 : vector<1x16xf32> to vector<16xf32>
    %swap3A_398 = vector.shape_cast %broadcast_in_dim3A_3 : vector<16xf32> to vector<1x16xf32>
    tpu.vector_store %arg10[%swap3A_394, %swap3A_395], %swap3A_398 {strides = array<i32>} : memref<128x16xf32, #tpu.memory_space<vmem>>, vector<1x16xf32>,
    %swap3A_399 = arith.constant 66 : i32
    %swap3A_400 = arith.index_cast %swap3A_399 : i32 to index
    %swap3A_401 = arith.constant 0 : index
    %swap3A_402 = tpu.vector_load %arg10[%swap3A_400, %swap3A_401] {strides = array<i32>} : memref<128x16xf32, #tpu.memory_space<vmem>>, vector<1x16xf32>,
    %swap3A_403 = vector.shape_cast %swap3A_402 : vector<1x16xf32> to vector<16xf32>
    %swap3A_404 = vector.shape_cast %broadcast_in_dim3A_3 : vector<16xf32> to vector<1x16xf32>
    tpu.vector_store %arg10[%swap3A_400, %swap3A_401], %swap3A_404 {strides = array<i32>} : memref<128x16xf32, #tpu.memory_space<vmem>>, vector<1x16xf32>,
    %swap3A_405 = arith.constant 67 : i32
    %swap3A_406 = arith.index_cast %swap3A_405 : i32 to index
    %swap3A_407 = arith.constant 0 : index
    %swap3A_408 = tpu.vector_load %arg10[%swap3A_406, %swap3A_407] {strides = array<i32>} : memref<128x16xf32, #tpu.memory_space<vmem>>, vector<1x16xf32>,
    %swap3A_409 = vector.shape_cast %swap3A_408 : vector<1x16xf32> to vector<16xf32>
    %swap3A_410 = vector.shape_cast %broadcast_in_dim3A_3 : vector<16xf32> to vector<1x16xf32>
    tpu.vector_store %arg10[%swap3A_406, %swap3A_407], %swap3A_410 {strides = array<i32>} : memref<128x16xf32, #tpu.memory_space<vmem>>, vector<1x16xf32>,
    %swap3A_411 = arith.constant 68 : i32
    %swap3A_412 = arith.index_cast %swap3A_411 : i32 to index
    %swap3A_413 = arith.constant 0 : index
    %swap3A_414 = tpu.vector_load %arg10[%swap3A_412, %swap3A_413] {strides = array<i32>} : memref<128x16xf32, #tpu.memory_space<vmem>>, vector<1x16xf32>,
    %swap3A_415 = vector.shape_cast %swap3A_414 : vector<1x16xf32> to vector<16xf32>
    %swap3A_416 = vector.shape_cast %broadcast_in_dim3A_3 : vector<16xf32> to vector<1x16xf32>
    tpu.vector_store %arg10[%swap3A_412, %swap3A_413], %swap3A_416 {strides = array<i32>} : memref<128x16xf32, #tpu.memory_space<vmem>>, vector<1x16xf32>,
    %swap3A_417 = arith.constant 69 : i32
    %swap3A_418 = arith.index_cast %swap3A_417 : i32 to index
    %swap3A_419 = arith.constant 0 : index
    %swap3A_420 = tpu.vector_load %arg10[%swap3A_418, %swap3A_419] {strides = array<i32>} : memref<128x16xf32, #tpu.memory_space<vmem>>, vector<1x16xf32>,
    %swap3A_421 = vector.shape_cast %swap3A_420 : vector<1x16xf32> to vector<16xf32>
    %swap3A_422 = vector.shape_cast %broadcast_in_dim3A_3 : vector<16xf32> to vector<1x16xf32>
    tpu.vector_store %arg10[%swap3A_418, %swap3A_419], %swap3A_422 {strides = array<i32>} : memref<128x16xf32, #tpu.memory_space<vmem>>, vector<1x16xf32>,
    %swap3A_423 = arith.constant 70 : i32
    %swap3A_424 = arith.index_cast %swap3A_423 : i32 to index
    %swap3A_425 = arith.constant 0 : index
    %swap3A_426 = tpu.vector_load %arg10[%swap3A_424, %swap3A_425] {strides = array<i32>} : memref<128x16xf32, #tpu.memory_space<vmem>>, vector<1x16xf32>,
    %swap3A_427 = vector.shape_cast %swap3A_426 : vector<1x16xf32> to vector<16xf32>
    %swap3A_428 = vector.shape_cast %broadcast_in_dim3A_3 : vector<16xf32> to vector<1x16xf32>
    tpu.vector_store %arg10[%swap3A_424, %swap3A_425], %swap3A_428 {strides = array<i32>} : memref<128x16xf32, #tpu.memory_space<vmem>>, vector<1x16xf32>,
    %swap3A_429 = arith.constant 71 : i32
    %swap3A_430 = arith.index_cast %swap3A_429 : i32 to index
    %swap3A_431 = arith.constant 0 : index
    %swap3A_432 = tpu.vector_load %arg10[%swap3A_430, %swap3A_431] {strides = array<i32>} : memref<128x16xf32, #tpu.memory_space<vmem>>, vector<1x16xf32>,
    %swap3A_433 = vector.shape_cast %swap3A_432 : vector<1x16xf32> to vector<16xf32>
    %swap3A_434 = vector.shape_cast %broadcast_in_dim3A_3 : vector<16xf32> to vector<1x16xf32>
    tpu.vector_store %arg10[%swap3A_430, %swap3A_431], %swap3A_434 {strides = array<i32>} : memref<128x16xf32, #tpu.memory_space<vmem>>, vector<1x16xf32>,
    %swap3A_435 = arith.constant 72 : i32
    %swap3A_436 = arith.index_cast %swap3A_435 : i32 to index
    %swap3A_437 = arith.constant 0 : index
    %swap3A_438 = tpu.vector_load %arg10[%swap3A_436, %swap3A_437] {strides = array<i32>} : memref<128x16xf32, #tpu.memory_space<vmem>>, vector<1x16xf32>,
    %swap3A_439 = vector.shape_cast %swap3A_438 : vector<1x16xf32> to vector<16xf32>
    %swap3A_440 = vector.shape_cast %broadcast_in_dim3A_3 : vector<16xf32> to vector<1x16xf32>
    tpu.vector_store %arg10[%swap3A_436, %swap3A_437], %swap3A_440 {strides = array<i32>} : memref<128x16xf32, #tpu.memory_space<vmem>>, vector<1x16xf32>,
    %swap3A_441 = arith.constant 73 : i32
    %swap3A_442 = arith.index_cast %swap3A_441 : i32 to index
    %swap3A_443 = arith.constant 0 : index
    %swap3A_444 = tpu.vector_load %arg10[%swap3A_442, %swap3A_443] {strides = array<i32>} : memref<128x16xf32, #tpu.memory_space<vmem>>, vector<1x16xf32>,
    %swap3A_445 = vector.shape_cast %swap3A_444 : vector<1x16xf32> to vector<16xf32>
    %swap3A_446 = vector.shape_cast %broadcast_in_dim3A_3 : vector<16xf32> to vector<1x16xf32>
    tpu.vector_store %arg10[%swap3A_442, %swap3A_443], %swap3A_446 {strides = array<i32>} : memref<128x16xf32, #tpu.memory_space<vmem>>, vector<1x16xf32>,
    %swap3A_447 = arith.constant 74 : i32
    %swap3A_448 = arith.index_cast %swap3A_447 : i32 to index
    %swap3A_449 = arith.constant 0 : index
    %swap3A_450 = tpu.vector_load %arg10[%swap3A_448, %swap3A_449] {strides = array<i32>} : memref<128x16xf32, #tpu.memory_space<vmem>>, vector<1x16xf32>,
    %swap3A_451 = vector.shape_cast %swap3A_450 : vector<1x16xf32> to vector<16xf32>
    %swap3A_452 = vector.shape_cast %broadcast_in_dim3A_3 : vector<16xf32> to vector<1x16xf32>
    tpu.vector_store %arg10[%swap3A_448, %swap3A_449], %swap3A_452 {strides = array<i32>} : memref<128x16xf32, #tpu.memory_space<vmem>>, vector<1x16xf32>,
    %swap3A_453 = arith.constant 75 : i32
    %swap3A_454 = arith.index_cast %swap3A_453 : i32 to index
    %swap3A_455 = arith.constant 0 : index
    %swap3A_456 = tpu.vector_load %arg10[%swap3A_454, %swap3A_455] {strides = array<i32>} : memref<128x16xf32, #tpu.memory_space<vmem>>, vector<1x16xf32>,
    %swap3A_457 = vector.shape_cast %swap3A_456 : vector<1x16xf32> to vector<16xf32>
    %swap3A_458 = vector.shape_cast %broadcast_in_dim3A_3 : vector<16xf32> to vector<1x16xf32>
    tpu.vector_store %arg10[%swap3A_454, %swap3A_455], %swap3A_458 {strides = array<i32>} : memref<128x16xf32, #tpu.memory_space<vmem>>, vector<1x16xf32>,
    %swap3A_459 = arith.constant 76 : i32
    %swap3A_460 = arith.index_cast %swap3A_459 : i32 to index
    %swap3A_461 = arith.constant 0 : index
    %swap3A_462 = tpu.vector_load %arg10[%swap3A_460, %swap3A_461] {strides = array<i32>} : memref<128x16xf32, #tpu.memory_space<vmem>>, vector<1x16xf32>,
    %swap3A_463 = vector.shape_cast %swap3A_462 : vector<1x16xf32> to vector<16xf32>
    %swap3A_464 = vector.shape_cast %broadcast_in_dim3A_3 : vector<16xf32> to vector<1x16xf32>
    tpu.vector_store %arg10[%swap3A_460, %swap3A_461], %swap3A_464 {strides = array<i32>} : memref<128x16xf32, #tpu.memory_space<vmem>>, vector<1x16xf32>,
    %swap3A_465 = arith.constant 77 : i32
    %swap3A_466 = arith.index_cast %swap3A_465 : i32 to index
    %swap3A_467 = arith.constant 0 : index
    %swap3A_468 = tpu.vector_load %arg10[%swap3A_466, %swap3A_467] {strides = array<i32>} : memref<128x16xf32, #tpu.memory_space<vmem>>, vector<1x16xf32>,
    %swap3A_469 = vector.shape_cast %swap3A_468 : vector<1x16xf32> to vector<16xf32>
    %swap3A_470 = vector.shape_cast %broadcast_in_dim3A_3 : vector<16xf32> to vector<1x16xf32>
    tpu.vector_store %arg10[%swap3A_466, %swap3A_467], %swap3A_470 {strides = array<i32>} : memref<128x16xf32, #tpu.memory_space<vmem>>, vector<1x16xf32>,
    %swap3A_471 = arith.constant 78 : i32
    %swap3A_472 = arith.index_cast %swap3A_471 : i32 to index
    %swap3A_473 = arith.constant 0 : index
    %swap3A_474 = tpu.vector_load %arg10[%swap3A_472, %swap3A_473] {strides = array<i32>} : memref<128x16xf32, #tpu.memory_space<vmem>>, vector<1x16xf32>,
    %swap3A_475 = vector.shape_cast %swap3A_474 : vector<1x16xf32> to vector<16xf32>
    %swap3A_476 = vector.shape_cast %broadcast_in_dim3A_3 : vector<16xf32> to vector<1x16xf32>
    tpu.vector_store %arg10[%swap3A_472, %swap3A_473], %swap3A_476 {strides = array<i32>} : memref<128x16xf32, #tpu.memory_space<vmem>>, vector<1x16xf32>,
    %swap3A_477 = arith.constant 79 : i32
    %swap3A_478 = arith.index_cast %swap3A_477 : i32 to index
    %swap3A_479 = arith.constant 0 : index
    %swap3A_480 = tpu.vector_load %arg10[%swap3A_478, %swap3A_479] {strides = array<i32>} : memref<128x16xf32, #tpu.memory_space<vmem>>, vector<1x16xf32>,
    %swap3A_481 = vector.shape_cast %swap3A_480 : vector<1x16xf32> to vector<16xf32>
    %swap3A_482 = vector.shape_cast %broadcast_in_dim3A_3 : vector<16xf32> to vector<1x16xf32>
    tpu.vector_store %arg10[%swap3A_478, %swap3A_479], %swap3A_482 {strides = array<i32>} : memref<128x16xf32, #tpu.memory_space<vmem>>, vector<1x16xf32>,
    %swap3A_483 = arith.constant 80 : i32
    %swap3A_484 = arith.index_cast %swap3A_483 : i32 to index
    %swap3A_485 = arith.constant 0 : index
    %swap3A_486 = tpu.vector_load %arg10[%swap3A_484, %swap3A_485] {strides = array<i32>} : memref<128x16xf32, #tpu.memory_space<vmem>>, vector<1x16xf32>,
    %swap3A_487 = vector.shape_cast %swap3A_486 : vector<1x16xf32> to vector<16xf32>
    %swap3A_488 = vector.shape_cast %broadcast_in_dim3A_3 : vector<16xf32> to vector<1x16xf32>
    tpu.vector_store %arg10[%swap3A_484, %swap3A_485], %swap3A_488 {strides = array<i32>} : memref<128x16xf32, #tpu.memory_space<vmem>>, vector<1x16xf32>,
    %swap3A_489 = arith.constant 81 : i32
    %swap3A_490 = arith.index_cast %swap3A_489 : i32 to index
    %swap3A_491 = arith.constant 0 : index
    %swap3A_492 = tpu.vector_load %arg10[%swap3A_490, %swap3A_491] {strides = array<i32>} : memref<128x16xf32, #tpu.memory_space<vmem>>, vector<1x16xf32>,
    %swap3A_493 = vector.shape_cast %swap3A_492 : vector<1x16xf32> to vector<16xf32>
    %swap3A_494 = vector.shape_cast %broadcast_in_dim3A_3 : vector<16xf32> to vector<1x16xf32>
    tpu.vector_store %arg10[%swap3A_490, %swap3A_491], %swap3A_494 {strides = array<i32>} : memref<128x16xf32, #tpu.memory_space<vmem>>, vector<1x16xf32>,
    %swap3A_495 = arith.constant 82 : i32
    %swap3A_496 = arith.index_cast %swap3A_495 : i32 to index
    %swap3A_497 = arith.constant 0 : index
    %swap3A_498 = tpu.vector_load %arg10[%swap3A_496, %swap3A_497] {strides = array<i32>} : memref<128x16xf32, #tpu.memory_space<vmem>>, vector<1x16xf32>,
    %swap3A_499 = vector.shape_cast %swap3A_498 : vector<1x16xf32> to vector<16xf32>
    %swap3A_500 = vector.shape_cast %broadcast_in_dim3A_3 : vector<16xf32> to vector<1x16xf32>
    tpu.vector_store %arg10[%swap3A_496, %swap3A_497], %swap3A_500 {strides = array<i32>} : memref<128x16xf32, #tpu.memory_space<vmem>>, vector<1x16xf32>,
    %swap3A_501 = arith.constant 83 : i32
    %swap3A_502 = arith.index_cast %swap3A_501 : i32 to index
    %swap3A_503 = arith.constant 0 : index
    %swap3A_504 = tpu.vector_load %arg10[%swap3A_502, %swap3A_503] {strides = array<i32>} : memref<128x16xf32, #tpu.memory_space<vmem>>, vector<1x16xf32>,
    %swap3A_505 = vector.shape_cast %swap3A_504 : vector<1x16xf32> to vector<16xf32>
    %swap3A_506 = vector.shape_cast %broadcast_in_dim3A_3 : vector<16xf32> to vector<1x16xf32>
    tpu.vector_store %arg10[%swap3A_502, %swap3A_503], %swap3A_506 {strides = array<i32>} : memref<128x16xf32, #tpu.memory_space<vmem>>, vector<1x16xf32>,
    %swap3A_507 = arith.constant 84 : i32
    %swap3A_508 = arith.index_cast %swap3A_507 : i32 to index
    %swap3A_509 = arith.constant 0 : index
    %swap3A_510 = tpu.vector_load %arg10[%swap3A_508, %swap3A_509] {strides = array<i32>} : memref<128x16xf32, #tpu.memory_space<vmem>>, vector<1x16xf32>,
    %swap3A_511 = vector.shape_cast %swap3A_510 : vector<1x16xf32> to vector<16xf32>
    %swap3A_512 = vector.shape_cast %broadcast_in_dim3A_3 : vector<16xf32> to vector<1x16xf32>
    tpu.vector_store %arg10[%swap3A_508, %swap3A_509], %swap3A_512 {strides = array<i32>} : memref<128x16xf32, #tpu.memory_space<vmem>>, vector<1x16xf32>,
    %swap3A_513 = arith.constant 85 : i32
    %swap3A_514 = arith.index_cast %swap3A_513 : i32 to index
    %swap3A_515 = arith.constant 0 : index
    %swap3A_516 = tpu.vector_load %arg10[%swap3A_514, %swap3A_515] {strides = array<i32>} : memref<128x16xf32, #tpu.memory_space<vmem>>, vector<1x16xf32>,
    %swap3A_517 = vector.shape_cast %swap3A_516 : vector<1x16xf32> to vector<16xf32>
    %swap3A_518 = vector.shape_cast %broadcast_in_dim3A_3 : vector<16xf32> to vector<1x16xf32>
    tpu.vector_store %arg10[%swap3A_514, %swap3A_515], %swap3A_518 {strides = array<i32>} : memref<128x16xf32, #tpu.memory_space<vmem>>, vector<1x16xf32>,
    %swap3A_519 = arith.constant 86 : i32
    %swap3A_520 = arith.index_cast %swap3A_519 : i32 to index
    %swap3A_521 = arith.constant 0 : index
    %swap3A_522 = tpu.vector_load %arg10[%swap3A_520, %swap3A_521] {strides = array<i32>} : memref<128x16xf32, #tpu.memory_space<vmem>>, vector<1x16xf32>,
    %swap3A_523 = vector.shape_cast %swap3A_522 : vector<1x16xf32> to vector<16xf32>
    %swap3A_524 = vector.shape_cast %broadcast_in_dim3A_3 : vector<16xf32> to vector<1x16xf32>
    tpu.vector_store %arg10[%swap3A_520, %swap3A_521], %swap3A_524 {strides = array<i32>} : memref<128x16xf32, #tpu.memory_space<vmem>>, vector<1x16xf32>,
    %swap3A_525 = arith.constant 87 : i32
    %swap3A_526 = arith.index_cast %swap3A_525 : i32 to index
    %swap3A_527 = arith.constant 0 : index
    %swap3A_528 = tpu.vector_load %arg10[%swap3A_526, %swap3A_527] {strides = array<i32>} : memref<128x16xf32, #tpu.memory_space<vmem>>, vector<1x16xf32>,
    %swap3A_529 = vector.shape_cast %swap3A_528 : vector<1x16xf32> to vector<16xf32>
    %swap3A_530 = vector.shape_cast %broadcast_in_dim3A_3 : vector<16xf32> to vector<1x16xf32>
    tpu.vector_store %arg10[%swap3A_526, %swap3A_527], %swap3A_530 {strides = array<i32>} : memref<128x16xf32, #tpu.memory_space<vmem>>, vector<1x16xf32>,
    %swap3A_531 = arith.constant 88 : i32
    %swap3A_532 = arith.index_cast %swap3A_531 : i32 to index
    %swap3A_533 = arith.constant 0 : index
    %swap3A_534 = tpu.vector_load %arg10[%swap3A_532, %swap3A_533] {strides = array<i32>} : memref<128x16xf32, #tpu.memory_space<vmem>>, vector<1x16xf32>,
    %swap3A_535 = vector.shape_cast %swap3A_534 : vector<1x16xf32> to vector<16xf32>
    %swap3A_536 = vector.shape_cast %broadcast_in_dim3A_3 : vector<16xf32> to vector<1x16xf32>
    tpu.vector_store %arg10[%swap3A_532, %swap3A_533], %swap3A_536 {strides = array<i32>} : memref<128x16xf32, #tpu.memory_space<vmem>>, vector<1x16xf32>,
    %swap3A_537 = arith.constant 89 : i32
    %swap3A_538 = arith.index_cast %swap3A_537 : i32 to index
    %swap3A_539 = arith.constant 0 : index
    %swap3A_540 = tpu.vector_load %arg10[%swap3A_538, %swap3A_539] {strides = array<i32>} : memref<128x16xf32, #tpu.memory_space<vmem>>, vector<1x16xf32>,
    %swap3A_541 = vector.shape_cast %swap3A_540 : vector<1x16xf32> to vector<16xf32>
    %swap3A_542 = vector.shape_cast %broadcast_in_dim3A_3 : vector<16xf32> to vector<1x16xf32>
    tpu.vector_store %arg10[%swap3A_538, %swap3A_539], %swap3A_542 {strides = array<i32>} : memref<128x16xf32, #tpu.memory_space<vmem>>, vector<1x16xf32>,
    %swap3A_543 = arith.constant 90 : i32
    %swap3A_544 = arith.index_cast %swap3A_543 : i32 to index
    %swap3A_545 = arith.constant 0 : index
    %swap3A_546 = tpu.vector_load %arg10[%swap3A_544, %swap3A_545] {strides = array<i32>} : memref<128x16xf32, #tpu.memory_space<vmem>>, vector<1x16xf32>,
    %swap3A_547 = vector.shape_cast %swap3A_546 : vector<1x16xf32> to vector<16xf32>
    %swap3A_548 = vector.shape_cast %broadcast_in_dim3A_3 : vector<16xf32> to vector<1x16xf32>
    tpu.vector_store %arg10[%swap3A_544, %swap3A_545], %swap3A_548 {strides = array<i32>} : memref<128x16xf32, #tpu.memory_space<vmem>>, vector<1x16xf32>,
    %swap3A_549 = arith.constant 91 : i32
    %swap3A_550 = arith.index_cast %swap3A_549 : i32 to index
    %swap3A_551 = arith.constant 0 : index
    %swap3A_552 = tpu.vector_load %arg10[%swap3A_550, %swap3A_551] {strides = array<i32>} : memref<128x16xf32, #tpu.memory_space<vmem>>, vector<1x16xf32>,
    %swap3A_553 = vector.shape_cast %swap3A_552 : vector<1x16xf32> to vector<16xf32>
    %swap3A_554 = vector.shape_cast %broadcast_in_dim3A_3 : vector<16xf32> to vector<1x16xf32>
    tpu.vector_store %arg10[%swap3A_550, %swap3A_551], %swap3A_554 {strides = array<i32>} : memref<128x16xf32, #tpu.memory_space<vmem>>, vector<1x16xf32>,
    %swap3A_555 = arith.constant 92 : i32
    %swap3A_556 = arith.index_cast %swap3A_555 : i32 to index
    %swap3A_557 = arith.constant 0 : index
    %swap3A_558 = tpu.vector_load %arg10[%swap3A_556, %swap3A_557] {strides = array<i32>} : memref<128x16xf32, #tpu.memory_space<vmem>>, vector<1x16xf32>,
    %swap3A_559 = vector.shape_cast %swap3A_558 : vector<1x16xf32> to vector<16xf32>
    %swap3A_560 = vector.shape_cast %broadcast_in_dim3A_3 : vector<16xf32> to vector<1x16xf32>
    tpu.vector_store %arg10[%swap3A_556, %swap3A_557], %swap3A_560 {strides = array<i32>} : memref<128x16xf32, #tpu.memory_space<vmem>>, vector<1x16xf32>,
    %swap3A_561 = arith.constant 93 : i32
    %swap3A_562 = arith.index_cast %swap3A_561 : i32 to index
    %swap3A_563 = arith.constant 0 : index
    %swap3A_564 = tpu.vector_load %arg10[%swap3A_562, %swap3A_563] {strides = array<i32>} : memref<128x16xf32, #tpu.memory_space<vmem>>, vector<1x16xf32>,
    %swap3A_565 = vector.shape_cast %swap3A_564 : vector<1x16xf32> to vector<16xf32>
    %swap3A_566 = vector.shape_cast %broadcast_in_dim3A_3 : vector<16xf32> to vector<1x16xf32>
    tpu.vector_store %arg10[%swap3A_562, %swap3A_563], %swap3A_566 {strides = array<i32>} : memref<128x16xf32, #tpu.memory_space<vmem>>, vector<1x16xf32>,
    %swap3A_567 = arith.constant 94 : i32
    %swap3A_568 = arith.index_cast %swap3A_567 : i32 to index
    %swap3A_569 = arith.constant 0 : index
    %swap3A_570 = tpu.vector_load %arg10[%swap3A_568, %swap3A_569] {strides = array<i32>} : memref<128x16xf32, #tpu.memory_space<vmem>>, vector<1x16xf32>,
    %swap3A_571 = vector.shape_cast %swap3A_570 : vector<1x16xf32> to vector<16xf32>
    %swap3A_572 = vector.shape_cast %broadcast_in_dim3A_3 : vector<16xf32> to vector<1x16xf32>
    tpu.vector_store %arg10[%swap3A_568, %swap3A_569], %swap3A_572 {strides = array<i32>} : memref<128x16xf32, #tpu.memory_space<vmem>>, vector<1x16xf32>,
    %swap3A_573 = arith.constant 95 : i32
    %swap3A_574 = arith.index_cast %swap3A_573 : i32 to index
    %swap3A_575 = arith.constant 0 : index
    %swap3A_576 = tpu.vector_load %arg10[%swap3A_574, %swap3A_575] {strides = array<i32>} : memref<128x16xf32, #tpu.memory_space<vmem>>, vector<1x16xf32>,
    %swap3A_577 = vector.shape_cast %swap3A_576 : vector<1x16xf32> to vector<16xf32>
    %swap3A_578 = vector.shape_cast %broadcast_in_dim3A_3 : vector<16xf32> to vector<1x16xf32>
    tpu.vector_store %arg10[%swap3A_574, %swap3A_575], %swap3A_578 {strides = array<i32>} : memref<128x16xf32, #tpu.memory_space<vmem>>, vector<1x16xf32>,
    %swap3A_579 = arith.constant 96 : i32
    %swap3A_580 = arith.index_cast %swap3A_579 : i32 to index
    %swap3A_581 = arith.constant 0 : index
    %swap3A_582 = tpu.vector_load %arg10[%swap3A_580, %swap3A_581] {strides = array<i32>} : memref<128x16xf32, #tpu.memory_space<vmem>>, vector<1x16xf32>,
    %swap3A_583 = vector.shape_cast %swap3A_582 : vector<1x16xf32> to vector<16xf32>
    %swap3A_584 = vector.shape_cast %broadcast_in_dim3A_3 : vector<16xf32> to vector<1x16xf32>
    tpu.vector_store %arg10[%swap3A_580, %swap3A_581], %swap3A_584 {strides = array<i32>} : memref<128x16xf32, #tpu.memory_space<vmem>>, vector<1x16xf32>,
    %swap3A_585 = arith.constant 97 : i32
    %swap3A_586 = arith.index_cast %swap3A_585 : i32 to index
    %swap3A_587 = arith.constant 0 : index
    %swap3A_588 = tpu.vector_load %arg10[%swap3A_586, %swap3A_587] {strides = array<i32>} : memref<128x16xf32, #tpu.memory_space<vmem>>, vector<1x16xf32>,
    %swap3A_589 = vector.shape_cast %swap3A_588 : vector<1x16xf32> to vector<16xf32>
    %swap3A_590 = vector.shape_cast %broadcast_in_dim3A_3 : vector<16xf32> to vector<1x16xf32>
    tpu.vector_store %arg10[%swap3A_586, %swap3A_587], %swap3A_590 {strides = array<i32>} : memref<128x16xf32, #tpu.memory_space<vmem>>, vector<1x16xf32>,
    %swap3A_591 = arith.constant 98 : i32
    %swap3A_592 = arith.index_cast %swap3A_591 : i32 to index
    %swap3A_593 = arith.constant 0 : index
    %swap3A_594 = tpu.vector_load %arg10[%swap3A_592, %swap3A_593] {strides = array<i32>} : memref<128x16xf32, #tpu.memory_space<vmem>>, vector<1x16xf32>,
    %swap3A_595 = vector.shape_cast %swap3A_594 : vector<1x16xf32> to vector<16xf32>
    %swap3A_596 = vector.shape_cast %broadcast_in_dim3A_3 : vector<16xf32> to vector<1x16xf32>
    tpu.vector_store %arg10[%swap3A_592, %swap3A_593], %swap3A_596 {strides = array<i32>} : memref<128x16xf32, #tpu.memory_space<vmem>>, vector<1x16xf32>,
    %swap3A_597 = arith.constant 99 : i32
    %swap3A_598 = arith.index_cast %swap3A_597 : i32 to index
    %swap3A_599 = arith.constant 0 : index
    %swap3A_600 = tpu.vector_load %arg10[%swap3A_598, %swap3A_599] {strides = array<i32>} : memref<128x16xf32, #tpu.memory_space<vmem>>, vector<1x16xf32>,
    %swap3A_601 = vector.shape_cast %swap3A_600 : vector<1x16xf32> to vector<16xf32>
    %swap3A_602 = vector.shape_cast %broadcast_in_dim3A_3 : vector<16xf32> to vector<1x16xf32>
    tpu.vector_store %arg10[%swap3A_598, %swap3A_599], %swap3A_602 {strides = array<i32>} : memref<128x16xf32, #tpu.memory_space<vmem>>, vector<1x16xf32>,
    %swap3A_603 = arith.constant 100 : i32
    %swap3A_604 = arith.index_cast %swap3A_603 : i32 to index
    %swap3A_605 = arith.constant 0 : index
    %swap3A_606 = tpu.vector_load %arg10[%swap3A_604, %swap3A_605] {strides = array<i32>} : memref<128x16xf32, #tpu.memory_space<vmem>>, vector<1x16xf32>,
    %swap3A_607 = vector.shape_cast %swap3A_606 : vector<1x16xf32> to vector<16xf32>
    %swap3A_608 = vector.shape_cast %broadcast_in_dim3A_3 : vector<16xf32> to vector<1x16xf32>
    tpu.vector_store %arg10[%swap3A_604, %swap3A_605], %swap3A_608 {strides = array<i32>} : memref<128x16xf32, #tpu.memory_space<vmem>>, vector<1x16xf32>,
    %swap3A_609 = arith.constant 101 : i32
    %swap3A_610 = arith.index_cast %swap3A_609 : i32 to index
    %swap3A_611 = arith.constant 0 : index
    %swap3A_612 = tpu.vector_load %arg10[%swap3A_610, %swap3A_611] {strides = array<i32>} : memref<128x16xf32, #tpu.memory_space<vmem>>, vector<1x16xf32>,
    %swap3A_613 = vector.shape_cast %swap3A_612 : vector<1x16xf32> to vector<16xf32>
    %swap3A_614 = vector.shape_cast %broadcast_in_dim3A_3 : vector<16xf32> to vector<1x16xf32>
    tpu.vector_store %arg10[%swap3A_610, %swap3A_611], %swap3A_614 {strides = array<i32>} : memref<128x16xf32, #tpu.memory_space<vmem>>, vector<1x16xf32>,
    %swap3A_615 = arith.constant 102 : i32
    %swap3A_616 = arith.index_cast %swap3A_615 : i32 to index
    %swap3A_617 = arith.constant 0 : index
    %swap3A_618 = tpu.vector_load %arg10[%swap3A_616, %swap3A_617] {strides = array<i32>} : memref<128x16xf32, #tpu.memory_space<vmem>>, vector<1x16xf32>,
    %swap3A_619 = vector.shape_cast %swap3A_618 : vector<1x16xf32> to vector<16xf32>
    %swap3A_620 = vector.shape_cast %broadcast_in_dim3A_3 : vector<16xf32> to vector<1x16xf32>
    tpu.vector_store %arg10[%swap3A_616, %swap3A_617], %swap3A_620 {strides = array<i32>} : memref<128x16xf32, #tpu.memory_space<vmem>>, vector<1x16xf32>,
    %swap3A_621 = arith.constant 103 : i32
    %swap3A_622 = arith.index_cast %swap3A_621 : i32 to index
    %swap3A_623 = arith.constant 0 : index
    %swap3A_624 = tpu.vector_load %arg10[%swap3A_622, %swap3A_623] {strides = array<i32>} : memref<128x16xf32, #tpu.memory_space<vmem>>, vector<1x16xf32>,
    %swap3A_625 = vector.shape_cast %swap3A_624 : vector<1x16xf32> to vector<16xf32>
    %swap3A_626 = vector.shape_cast %broadcast_in_dim3A_3 : vector<16xf32> to vector<1x16xf32>
    tpu.vector_store %arg10[%swap3A_622, %swap3A_623], %swap3A_626 {strides = array<i32>} : memref<128x16xf32, #tpu.memory_space<vmem>>, vector<1x16xf32>,
    %swap3A_627 = arith.constant 104 : i32
    %swap3A_628 = arith.index_cast %swap3A_627 : i32 to index
    %swap3A_629 = arith.constant 0 : index
    %swap3A_630 = tpu.vector_load %arg10[%swap3A_628, %swap3A_629] {strides = array<i32>} : memref<128x16xf32, #tpu.memory_space<vmem>>, vector<1x16xf32>,
    %swap3A_631 = vector.shape_cast %swap3A_630 : vector<1x16xf32> to vector<16xf32>
    %swap3A_632 = vector.shape_cast %broadcast_in_dim3A_3 : vector<16xf32> to vector<1x16xf32>
    tpu.vector_store %arg10[%swap3A_628, %swap3A_629], %swap3A_632 {strides = array<i32>} : memref<128x16xf32, #tpu.memory_space<vmem>>, vector<1x16xf32>,
    %swap3A_633 = arith.constant 105 : i32
    %swap3A_634 = arith.index_cast %swap3A_633 : i32 to index
    %swap3A_635 = arith.constant 0 : index
    %swap3A_636 = tpu.vector_load %arg10[%swap3A_634, %swap3A_635] {strides = array<i32>} : memref<128x16xf32, #tpu.memory_space<vmem>>, vector<1x16xf32>,
    %swap3A_637 = vector.shape_cast %swap3A_636 : vector<1x16xf32> to vector<16xf32>
    %swap3A_638 = vector.shape_cast %broadcast_in_dim3A_3 : vector<16xf32> to vector<1x16xf32>
    tpu.vector_store %arg10[%swap3A_634, %swap3A_635], %swap3A_638 {strides = array<i32>} : memref<128x16xf32, #tpu.memory_space<vmem>>, vector<1x16xf32>,
    %swap3A_639 = arith.constant 106 : i32
    %swap3A_640 = arith.index_cast %swap3A_639 : i32 to index
    %swap3A_641 = arith.constant 0 : index
    %swap3A_642 = tpu.vector_load %arg10[%swap3A_640, %swap3A_641] {strides = array<i32>} : memref<128x16xf32, #tpu.memory_space<vmem>>, vector<1x16xf32>,
    %swap3A_643 = vector.shape_cast %swap3A_642 : vector<1x16xf32> to vector<16xf32>
    %swap3A_644 = vector.shape_cast %broadcast_in_dim3A_3 : vector<16xf32> to vector<1x16xf32>
    tpu.vector_store %arg10[%swap3A_640, %swap3A_641], %swap3A_644 {strides = array<i32>} : memref<128x16xf32, #tpu.memory_space<vmem>>, vector<1x16xf32>,
    %swap3A_645 = arith.constant 107 : i32
    %swap3A_646 = arith.index_cast %swap3A_645 : i32 to index
    %swap3A_647 = arith.constant 0 : index
    %swap3A_648 = tpu.vector_load %arg10[%swap3A_646, %swap3A_647] {strides = array<i32>} : memref<128x16xf32, #tpu.memory_space<vmem>>, vector<1x16xf32>,
    %swap3A_649 = vector.shape_cast %swap3A_648 : vector<1x16xf32> to vector<16xf32>
    %swap3A_650 = vector.shape_cast %broadcast_in_dim3A_3 : vector<16xf32> to vector<1x16xf32>
    tpu.vector_store %arg10[%swap3A_646, %swap3A_647], %swap3A_650 {strides = array<i32>} : memref<128x16xf32, #tpu.memory_space<vmem>>, vector<1x16xf32>,
    %swap3A_651 = arith.constant 108 : i32
    %swap3A_652 = arith.index_cast %swap3A_651 : i32 to index
    %swap3A_653 = arith.constant 0 : index
    %swap3A_654 = tpu.vector_load %arg10[%swap3A_652, %swap3A_653] {strides = array<i32>} : memref<128x16xf32, #tpu.memory_space<vmem>>, vector<1x16xf32>,
    %swap3A_655 = vector.shape_cast %swap3A_654 : vector<1x16xf32> to vector<16xf32>
    %swap3A_656 = vector.shape_cast %broadcast_in_dim3A_3 : vector<16xf32> to vector<1x16xf32>
    tpu.vector_store %arg10[%swap3A_652, %swap3A_653], %swap3A_656 {strides = array<i32>} : memref<128x16xf32, #tpu.memory_space<vmem>>, vector<1x16xf32>,
    %swap3A_657 = arith.constant 109 : i32
    %swap3A_658 = arith.index_cast %swap3A_657 : i32 to index
    %swap3A_659 = arith.constant 0 : index
    %swap3A_660 = tpu.vector_load %arg10[%swap3A_658, %swap3A_659] {strides = array<i32>} : memref<128x16xf32, #tpu.memory_space<vmem>>, vector<1x16xf32>,
    %swap3A_661 = vector.shape_cast %swap3A_660 : vector<1x16xf32> to vector<16xf32>
    %swap3A_662 = vector.shape_cast %broadcast_in_dim3A_3 : vector<16xf32> to vector<1x16xf32>
    tpu.vector_store %arg10[%swap3A_658, %swap3A_659], %swap3A_662 {strides = array<i32>} : memref<128x16xf32, #tpu.memory_space<vmem>>, vector<1x16xf32>,
    %swap3A_663 = arith.constant 110 : i32
    %swap3A_664 = arith.index_cast %swap3A_663 : i32 to index
    %swap3A_665 = arith.constant 0 : index
    %swap3A_666 = tpu.vector_load %arg10[%swap3A_664, %swap3A_665] {strides = array<i32>} : memref<128x16xf32, #tpu.memory_space<vmem>>, vector<1x16xf32>,
    %swap3A_667 = vector.shape_cast %swap3A_666 : vector<1x16xf32> to vector<16xf32>
    %swap3A_668 = vector.shape_cast %broadcast_in_dim3A_3 : vector<16xf32> to vector<1x16xf32>
    tpu.vector_store %arg10[%swap3A_664, %swap3A_665], %swap3A_668 {strides = array<i32>} : memref<128x16xf32, #tpu.memory_space<vmem>>, vector<1x16xf32>,
    %swap3A_669 = arith.constant 111 : i32
    %swap3A_670 = arith.index_cast %swap3A_669 : i32 to index
    %swap3A_671 = arith.constant 0 : index
    %swap3A_672 = tpu.vector_load %arg10[%swap3A_670, %swap3A_671] {strides = array<i32>} : memref<128x16xf32, #tpu.memory_space<vmem>>, vector<1x16xf32>,
    %swap3A_673 = vector.shape_cast %swap3A_672 : vector<1x16xf32> to vector<16xf32>
    %swap3A_674 = vector.shape_cast %broadcast_in_dim3A_3 : vector<16xf32> to vector<1x16xf32>
    tpu.vector_store %arg10[%swap3A_670, %swap3A_671], %swap3A_674 {strides = array<i32>} : memref<128x16xf32, #tpu.memory_space<vmem>>, vector<1x16xf32>,
    %swap3A_675 = arith.constant 112 : i32
    %swap3A_676 = arith.index_cast %swap3A_675 : i32 to index
    %swap3A_677 = arith.constant 0 : index
    %swap3A_678 = tpu.vector_load %arg10[%swap3A_676, %swap3A_677] {strides = array<i32>} : memref<128x16xf32, #tpu.memory_space<vmem>>, vector<1x16xf32>,
    %swap3A_679 = vector.shape_cast %swap3A_678 : vector<1x16xf32> to vector<16xf32>
    %swap3A_680 = vector.shape_cast %broadcast_in_dim3A_3 : vector<16xf32> to vector<1x16xf32>
    tpu.vector_store %arg10[%swap3A_676, %swap3A_677], %swap3A_680 {strides = array<i32>} : memref<128x16xf32, #tpu.memory_space<vmem>>, vector<1x16xf32>,
    %swap3A_681 = arith.constant 113 : i32
    %swap3A_682 = arith.index_cast %swap3A_681 : i32 to index
    %swap3A_683 = arith.constant 0 : index
    %swap3A_684 = tpu.vector_load %arg10[%swap3A_682, %swap3A_683] {strides = array<i32>} : memref<128x16xf32, #tpu.memory_space<vmem>>, vector<1x16xf32>,
    %swap3A_685 = vector.shape_cast %swap3A_684 : vector<1x16xf32> to vector<16xf32>
    %swap3A_686 = vector.shape_cast %broadcast_in_dim3A_3 : vector<16xf32> to vector<1x16xf32>
    tpu.vector_store %arg10[%swap3A_682, %swap3A_683], %swap3A_686 {strides = array<i32>} : memref<128x16xf32, #tpu.memory_space<vmem>>, vector<1x16xf32>,
    %swap3A_687 = arith.constant 114 : i32
    %swap3A_688 = arith.index_cast %swap3A_687 : i32 to index
    %swap3A_689 = arith.constant 0 : index
    %swap3A_690 = tpu.vector_load %arg10[%swap3A_688, %swap3A_689] {strides = array<i32>} : memref<128x16xf32, #tpu.memory_space<vmem>>, vector<1x16xf32>,
    %swap3A_691 = vector.shape_cast %swap3A_690 : vector<1x16xf32> to vector<16xf32>
    %swap3A_692 = vector.shape_cast %broadcast_in_dim3A_3 : vector<16xf32> to vector<1x16xf32>
    tpu.vector_store %arg10[%swap3A_688, %swap3A_689], %swap3A_692 {strides = array<i32>} : memref<128x16xf32, #tpu.memory_space<vmem>>, vector<1x16xf32>,
    %swap3A_693 = arith.constant 115 : i32
    %swap3A_694 = arith.index_cast %swap3A_693 : i32 to index
    %swap3A_695 = arith.constant 0 : index
    %swap3A_696 = tpu.vector_load %arg10[%swap3A_694, %swap3A_695] {strides = array<i32>} : memref<128x16xf32, #tpu.memory_space<vmem>>, vector<1x16xf32>,
    %swap3A_697 = vector.shape_cast %swap3A_696 : vector<1x16xf32> to vector<16xf32>
    %swap3A_698 = vector.shape_cast %broadcast_in_dim3A_3 : vector<16xf32> to vector<1x16xf32>
    tpu.vector_store %arg10[%swap3A_694, %swap3A_695], %swap3A_698 {strides = array<i32>} : memref<128x16xf32, #tpu.memory_space<vmem>>, vector<1x16xf32>,
    %swap3A_699 = arith.constant 116 : i32
    %swap3A_700 = arith.index_cast %swap3A_699 : i32 to index
    %swap3A_701 = arith.constant 0 : index
    %swap3A_702 = tpu.vector_load %arg10[%swap3A_700, %swap3A_701] {strides = array<i32>} : memref<128x16xf32, #tpu.memory_space<vmem>>, vector<1x16xf32>,
    %swap3A_703 = vector.shape_cast %swap3A_702 : vector<1x16xf32> to vector<16xf32>
    %swap3A_704 = vector.shape_cast %broadcast_in_dim3A_3 : vector<16xf32> to vector<1x16xf32>
    tpu.vector_store %arg10[%swap3A_700, %swap3A_701], %swap3A_704 {strides = array<i32>} : memref<128x16xf32, #tpu.memory_space<vmem>>, vector<1x16xf32>,
    %swap3A_705 = arith.constant 117 : i32
    %swap3A_706 = arith.index_cast %swap3A_705 : i32 to index
    %swap3A_707 = arith.constant 0 : index
    %swap3A_708 = tpu.vector_load %arg10[%swap3A_706, %swap3A_707] {strides = array<i32>} : memref<128x16xf32, #tpu.memory_space<vmem>>, vector<1x16xf32>,
    %swap3A_709 = vector.shape_cast %swap3A_708 : vector<1x16xf32> to vector<16xf32>
    %swap3A_710 = vector.shape_cast %broadcast_in_dim3A_3 : vector<16xf32> to vector<1x16xf32>
    tpu.vector_store %arg10[%swap3A_706, %swap3A_707], %swap3A_710 {strides = array<i32>} : memref<128x16xf32, #tpu.memory_space<vmem>>, vector<1x16xf32>,
    %swap3A_711 = arith.constant 118 : i32
    %swap3A_712 = arith.index_cast %swap3A_711 : i32 to index
    %swap3A_713 = arith.constant 0 : index
    %swap3A_714 = tpu.vector_load %arg10[%swap3A_712, %swap3A_713] {strides = array<i32>} : memref<128x16xf32, #tpu.memory_space<vmem>>, vector<1x16xf32>,
    %swap3A_715 = vector.shape_cast %swap3A_714 : vector<1x16xf32> to vector<16xf32>
    %swap3A_716 = vector.shape_cast %broadcast_in_dim3A_3 : vector<16xf32> to vector<1x16xf32>
    tpu.vector_store %arg10[%swap3A_712, %swap3A_713], %swap3A_716 {strides = array<i32>} : memref<128x16xf32, #tpu.memory_space<vmem>>, vector<1x16xf32>,
    %swap3A_717 = arith.constant 119 : i32
    %swap3A_718 = arith.index_cast %swap3A_717 : i32 to index
    %swap3A_719 = arith.constant 0 : index
    %swap3A_720 = tpu.vector_load %arg10[%swap3A_718, %swap3A_719] {strides = array<i32>} : memref<128x16xf32, #tpu.memory_space<vmem>>, vector<1x16xf32>,
    %swap3A_721 = vector.shape_cast %swap3A_720 : vector<1x16xf32> to vector<16xf32>
    %swap3A_722 = vector.shape_cast %broadcast_in_dim3A_3 : vector<16xf32> to vector<1x16xf32>
    tpu.vector_store %arg10[%swap3A_718, %swap3A_719], %swap3A_722 {strides = array<i32>} : memref<128x16xf32, #tpu.memory_space<vmem>>, vector<1x16xf32>,
    %swap3A_723 = arith.constant 120 : i32
    %swap3A_724 = arith.index_cast %swap3A_723 : i32 to index
    %swap3A_725 = arith.constant 0 : index
    %swap3A_726 = tpu.vector_load %arg10[%swap3A_724, %swap3A_725] {strides = array<i32>} : memref<128x16xf32, #tpu.memory_space<vmem>>, vector<1x16xf32>,
    %swap3A_727 = vector.shape_cast %swap3A_726 : vector<1x16xf32> to vector<16xf32>
    %swap3A_728 = vector.shape_cast %broadcast_in_dim3A_3 : vector<16xf32> to vector<1x16xf32>
    tpu.vector_store %arg10[%swap3A_724, %swap3A_725], %swap3A_728 {strides = array<i32>} : memref<128x16xf32, #tpu.memory_space<vmem>>, vector<1x16xf32>,
    %swap3A_729 = arith.constant 121 : i32
    %swap3A_730 = arith.index_cast %swap3A_729 : i32 to index
    %swap3A_731 = arith.constant 0 : index
    %swap3A_732 = tpu.vector_load %arg10[%swap3A_730, %swap3A_731] {strides = array<i32>} : memref<128x16xf32, #tpu.memory_space<vmem>>, vector<1x16xf32>,
    %swap3A_733 = vector.shape_cast %swap3A_732 : vector<1x16xf32> to vector<16xf32>
    %swap3A_734 = vector.shape_cast %broadcast_in_dim3A_3 : vector<16xf32> to vector<1x16xf32>
    tpu.vector_store %arg10[%swap3A_730, %swap3A_731], %swap3A_734 {strides = array<i32>} : memref<128x16xf32, #tpu.memory_space<vmem>>, vector<1x16xf32>,
    %swap3A_735 = arith.constant 122 : i32
    %swap3A_736 = arith.index_cast %swap3A_735 : i32 to index
    %swap3A_737 = arith.constant 0 : index
    %swap3A_738 = tpu.vector_load %arg10[%swap3A_736, %swap3A_737] {strides = array<i32>} : memref<128x16xf32, #tpu.memory_space<vmem>>, vector<1x16xf32>,
    %swap3A_739 = vector.shape_cast %swap3A_738 : vector<1x16xf32> to vector<16xf32>
    %swap3A_740 = vector.shape_cast %broadcast_in_dim3A_3 : vector<16xf32> to vector<1x16xf32>
    tpu.vector_store %arg10[%swap3A_736, %swap3A_737], %swap3A_740 {strides = array<i32>} : memref<128x16xf32, #tpu.memory_space<vmem>>, vector<1x16xf32>,
    %swap3A_741 = arith.constant 123 : i32
    %swap3A_742 = arith.index_cast %swap3A_741 : i32 to index
    %swap3A_743 = arith.constant 0 : index
    %swap3A_744 = tpu.vector_load %arg10[%swap3A_742, %swap3A_743] {strides = array<i32>} : memref<128x16xf32, #tpu.memory_space<vmem>>, vector<1x16xf32>,
    %swap3A_745 = vector.shape_cast %swap3A_744 : vector<1x16xf32> to vector<16xf32>
    %swap3A_746 = vector.shape_cast %broadcast_in_dim3A_3 : vector<16xf32> to vector<1x16xf32>
    tpu.vector_store %arg10[%swap3A_742, %swap3A_743], %swap3A_746 {strides = array<i32>} : memref<128x16xf32, #tpu.memory_space<vmem>>, vector<1x16xf32>,
    %swap3A_747 = arith.constant 124 : i32
    %swap3A_748 = arith.index_cast %swap3A_747 : i32 to index
    %swap3A_749 = arith.constant 0 : index
    %swap3A_750 = tpu.vector_load %arg10[%swap3A_748, %swap3A_749] {strides = array<i32>} : memref<128x16xf32, #tpu.memory_space<vmem>>, vector<1x16xf32>,
    %swap3A_751 = vector.shape_cast %swap3A_750 : vector<1x16xf32> to vector<16xf32>
    %swap3A_752 = vector.shape_cast %broadcast_in_dim3A_3 : vector<16xf32> to vector<1x16xf32>
    tpu.vector_store %arg10[%swap3A_748, %swap3A_749], %swap3A_752 {strides = array<i32>} : memref<128x16xf32, #tpu.memory_space<vmem>>, vector<1x16xf32>,
    %swap3A_753 = arith.constant 125 : i32
    %swap3A_754 = arith.index_cast %swap3A_753 : i32 to index
    %swap3A_755 = arith.constant 0 : index
    %swap3A_756 = tpu.vector_load %arg10[%swap3A_754, %swap3A_755] {strides = array<i32>} : memref<128x16xf32, #tpu.memory_space<vmem>>, vector<1x16xf32>,
    %swap3A_757 = vector.shape_cast %swap3A_756 : vector<1x16xf32> to vector<16xf32>
    %swap3A_758 = vector.shape_cast %broadcast_in_dim3A_3 : vector<16xf32> to vector<1x16xf32>
    tpu.vector_store %arg10[%swap3A_754, %swap3A_755], %swap3A_758 {strides = array<i32>} : memref<128x16xf32, #tpu.memory_space<vmem>>, vector<1x16xf32>,
    %swap3A_759 = arith.constant 126 : i32
    %swap3A_760 = arith.index_cast %swap3A_759 : i32 to index
    %swap3A_761 = arith.constant 0 : index
    %swap3A_762 = tpu.vector_load %arg10[%swap3A_760, %swap3A_761] {strides = array<i32>} : memref<128x16xf32, #tpu.memory_space<vmem>>, vector<1x16xf32>,
    %swap3A_763 = vector.shape_cast %swap3A_762 : vector<1x16xf32> to vector<16xf32>
    %swap3A_764 = vector.shape_cast %broadcast_in_dim3A_3 : vector<16xf32> to vector<1x16xf32>
    tpu.vector_store %arg10[%swap3A_760, %swap3A_761], %swap3A_764 {strides = array<i32>} : memref<128x16xf32, #tpu.memory_space<vmem>>, vector<1x16xf32>,
    %swap3A_765 = arith.constant 127 : i32
    %swap3A_766 = arith.index_cast %swap3A_765 : i32 to index
    %swap3A_767 = arith.constant 0 : index
    %swap3A_768 = tpu.vector_load %arg10[%swap3A_766, %swap3A_767] {strides = array<i32>} : memref<128x16xf32, #tpu.memory_space<vmem>>, vector<1x16xf32>,
    %swap3A_769 = vector.shape_cast %swap3A_768 : vector<1x16xf32> to vector<16xf32>
    %swap3A_770 = vector.shape_cast %broadcast_in_dim3A_3 : vector<16xf32> to vector<1x16xf32>
    tpu.vector_store %arg10[%swap3A_766, %swap3A_767], %swap3A_770 {strides = array<i32>} : memref<128x16xf32, #tpu.memory_space<vmem>>, vector<1x16xf32>,
    %add3A_771 = arith.constant 0 : i32
    %add3A_772 = arith.addi %mul3A_2, %add3A_771 : i32
    "tpu.region"() ({
      %run_scoped3A = tpu.sem_alloc : memref<!tpu.dma_semaphore, #tpu.memory_space<semaphore_mem>>
      %dma_start3A = arith.constant 0 : i32
      %dma_start3A_1567 = tpu.memref_slice %arg6[%add3A_772, %dma_start3A] : memref<10240x16xf32, #tpu.memory_space<vmem_shared>> -> memref<128x16xf32, #tpu.memory_space<vmem_shared>>
      %dma_start3A_1568 = arith.constant 0 : i32
      %dma_start3A_1569 = tpu.memref_slice %arg6[%add3A_772, %dma_start3A_1568] : memref<10240x16xf32, #tpu.memory_space<vmem_shared>> -> memref<128x16xf32, #tpu.memory_space<vmem_shared>>
      tpu.enqueue_dma source(%arg10 : memref<128x16xf32, #tpu.memory_space<vmem>>) target(%dma_start3A_1569 : memref<128x16xf32, #tpu.memory_space<vmem_shared>>) target_semaphore(%run_scoped3A : memref<!tpu.dma_semaphore, #tpu.memory_space<semaphore_mem>>)
      %dma_wait3A = arith.constant 0 : i32
      %dma_wait3A_1570 = tpu.memref_slice %arg6[%add3A_772, %dma_wait3A] : memref<10240x16xf32, #tpu.memory_space<vmem_shared>> -> memref<128x16xf32, #tpu.memory_space<vmem_shared>>
      %dma_wait3A_1571 = arith.constant 0 : i32
      %dma_wait3A_1572 = tpu.memref_slice %arg6[%add3A_772, %dma_wait3A_1571] : memref<10240x16xf32, #tpu.memory_space<vmem_shared>> -> memref<128x16xf32, #tpu.memory_space<vmem_shared>>
      tpu.wait_dma2 semaphore(%run_scoped3A : memref<!tpu.dma_semaphore, #tpu.memory_space<semaphore_mem>>) src(%arg10 : memref<128x16xf32, #tpu.memory_space<vmem>>) dst(%dma_wait3A_1572 : memref<128x16xf32, #tpu.memory_space<vmem_shared>>)
      tpu.yield
    }) : () -> ()
    %add3A_773 = arith.constant 0 : i32
    %add3A_774 = arith.addi %mul3A_2, %add3A_773 : i32
    "tpu.region"() ({
      %run_scoped3A = tpu.sem_alloc : memref<!tpu.dma_semaphore, #tpu.memory_space<semaphore_mem>>
      %dma_start3A = arith.constant 0 : i32
      %dma_start3A_1567 = tpu.memref_slice %arg7[%add3A_774, %dma_start3A] : memref<10240x16xf32, #tpu.memory_space<vmem_shared>> -> memref<128x16xf32, #tpu.memory_space<vmem_shared>>
      %dma_start3A_1568 = arith.constant 0 : i32
      %dma_start3A_1569 = tpu.memref_slice %arg7[%add3A_774, %dma_start3A_1568] : memref<10240x16xf32, #tpu.memory_space<vmem_shared>> -> memref<128x16xf32, #tpu.memory_space<vmem_shared>>
      tpu.enqueue_dma source(%arg10 : memref<128x16xf32, #tpu.memory_space<vmem>>) target(%dma_start3A_1569 : memref<128x16xf32, #tpu.memory_space<vmem_shared>>) target_semaphore(%run_scoped3A : memref<!tpu.dma_semaphore, #tpu.memory_space<semaphore_mem>>)
      %dma_wait3A = arith.constant 0 : i32
      %dma_wait3A_1570 = tpu.memref_slice %arg7[%add3A_774, %dma_wait3A] : memref<10240x16xf32, #tpu.memory_space<vmem_shared>> -> memref<128x16xf32, #tpu.memory_space<vmem_shared>>
      %dma_wait3A_1571 = arith.constant 0 : i32
      %dma_wait3A_1572 = tpu.memref_slice %arg7[%add3A_774, %dma_wait3A_1571] : memref<10240x16xf32, #tpu.memory_space<vmem_shared>> -> memref<128x16xf32, #tpu.memory_space<vmem_shared>>
      tpu.wait_dma2 semaphore(%run_scoped3A : memref<!tpu.dma_semaphore, #tpu.memory_space<semaphore_mem>>) src(%arg10 : memref<128x16xf32, #tpu.memory_space<vmem>>) dst(%dma_wait3A_1572 : memref<128x16xf32, #tpu.memory_space<vmem_shared>>)
      tpu.yield
    }) : () -> ()
    %add3A_775 = arith.constant 128 : i32
    %add3A_776 = arith.addi %mul3A_2, %add3A_775 : i32
    "tpu.region"() ({
      %run_scoped3A = tpu.sem_alloc : memref<!tpu.dma_semaphore, #tpu.memory_space<semaphore_mem>>
      %dma_start3A = arith.constant 0 : i32
      %dma_start3A_1567 = tpu.memref_slice %arg6[%add3A_776, %dma_start3A] : memref<10240x16xf32, #tpu.memory_space<vmem_shared>> -> memref<128x16xf32, #tpu.memory_space<vmem_shared>>
      %dma_start3A_1568 = arith.constant 0 : i32
      %dma_start3A_1569 = tpu.memref_slice %arg6[%add3A_776, %dma_start3A_1568] : memref<10240x16xf32, #tpu.memory_space<vmem_shared>> -> memref<128x16xf32, #tpu.memory_space<vmem_shared>>
      tpu.enqueue_dma source(%arg10 : memref<128x16xf32, #tpu.memory_space<vmem>>) target(%dma_start3A_1569 : memref<128x16xf32, #tpu.memory_space<vmem_shared>>) target_semaphore(%run_scoped3A : memref<!tpu.dma_semaphore, #tpu.memory_space<semaphore_mem>>)
      %dma_wait3A = arith.constant 0 : i32
      %dma_wait3A_1570 = tpu.memref_slice %arg6[%add3A_776, %dma_wait3A] : memref<10240x16xf32, #tpu.memory_space<vmem_shared>> -> memref<128x16xf32, #tpu.memory_space<vmem_shared>>
      %dma_wait3A_1571 = arith.constant 0 : i32
      %dma_wait3A_1572 = tpu.memref_slice %arg6[%add3A_776, %dma_wait3A_1571] : memref<10240x16xf32, #tpu.memory_space<vmem_shared>> -> memref<128x16xf32, #tpu.memory_space<vmem_shared>>
      tpu.wait_dma2 semaphore(%run_scoped3A : memref<!tpu.dma_semaphore, #tpu.memory_space<semaphore_mem>>) src(%arg10 : memref<128x16xf32, #tpu.memory_space<vmem>>) dst(%dma_wait3A_1572 : memref<128x16xf32, #tpu.memory_space<vmem_shared>>)
      tpu.yield
    }) : () -> ()
    %add3A_777 = arith.constant 128 : i32
    %add3A_778 = arith.addi %mul3A_2, %add3A_777 : i32
    "tpu.region"() ({
      %run_scoped3A = tpu.sem_alloc : memref<!tpu.dma_semaphore, #tpu.memory_space<semaphore_mem>>
      %dma_start3A = arith.constant 0 : i32
      %dma_start3A_1567 = tpu.memref_slice %arg7[%add3A_778, %dma_start3A] : memref<10240x16xf32, #tpu.memory_space<vmem_shared>> -> memref<128x16xf32, #tpu.memory_space<vmem_shared>>
      %dma_start3A_1568 = arith.constant 0 : i32
      %dma_start3A_1569 = tpu.memref_slice %arg7[%add3A_778, %dma_start3A_1568] : memref<10240x16xf32, #tpu.memory_space<vmem_shared>> -> memref<128x16xf32, #tpu.memory_space<vmem_shared>>
      tpu.enqueue_dma source(%arg10 : memref<128x16xf32, #tpu.memory_space<vmem>>) target(%dma_start3A_1569 : memref<128x16xf32, #tpu.memory_space<vmem_shared>>) target_semaphore(%run_scoped3A : memref<!tpu.dma_semaphore, #tpu.memory_space<semaphore_mem>>)
      %dma_wait3A = arith.constant 0 : i32
      %dma_wait3A_1570 = tpu.memref_slice %arg7[%add3A_778, %dma_wait3A] : memref<10240x16xf32, #tpu.memory_space<vmem_shared>> -> memref<128x16xf32, #tpu.memory_space<vmem_shared>>
      %dma_wait3A_1571 = arith.constant 0 : i32
      %dma_wait3A_1572 = tpu.memref_slice %arg7[%add3A_778, %dma_wait3A_1571] : memref<10240x16xf32, #tpu.memory_space<vmem_shared>> -> memref<128x16xf32, #tpu.memory_space<vmem_shared>>
      tpu.wait_dma2 semaphore(%run_scoped3A : memref<!tpu.dma_semaphore, #tpu.memory_space<semaphore_mem>>) src(%arg10 : memref<128x16xf32, #tpu.memory_space<vmem>>) dst(%dma_wait3A_1572 : memref<128x16xf32, #tpu.memory_space<vmem_shared>>)
      tpu.yield
    }) : () -> ()
    %add3A_779 = arith.constant 256 : i32
    %add3A_780 = arith.addi %mul3A_2, %add3A_779 : i32
    "tpu.region"() ({
      %run_scoped3A = tpu.sem_alloc : memref<!tpu.dma_semaphore, #tpu.memory_space<semaphore_mem>>
      %dma_start3A = arith.constant 0 : i32
      %dma_start3A_1567 = tpu.memref_slice %arg6[%add3A_780, %dma_start3A] : memref<10240x16xf32, #tpu.memory_space<vmem_shared>> -> memref<128x16xf32, #tpu.memory_space<vmem_shared>>
      %dma_start3A_1568 = arith.constant 0 : i32
      %dma_start3A_1569 = tpu.memref_slice %arg6[%add3A_780, %dma_start3A_1568] : memref<10240x16xf32, #tpu.memory_space<vmem_shared>> -> memref<128x16xf32, #tpu.memory_space<vmem_shared>>
      tpu.enqueue_dma source(%arg10 : memref<128x16xf32, #tpu.memory_space<vmem>>) target(%dma_start3A_1569 : memref<128x16xf32, #tpu.memory_space<vmem_shared>>) target_semaphore(%run_scoped3A : memref<!tpu.dma_semaphore, #tpu.memory_space<semaphore_mem>>)
      %dma_wait3A = arith.constant 0 : i32
      %dma_wait3A_1570 = tpu.memref_slice %arg6[%add3A_780, %dma_wait3A] : memref<10240x16xf32, #tpu.memory_space<vmem_shared>> -> memref<128x16xf32, #tpu.memory_space<vmem_shared>>
      %dma_wait3A_1571 = arith.constant 0 : i32
      %dma_wait3A_1572 = tpu.memref_slice %arg6[%add3A_780, %dma_wait3A_1571] : memref<10240x16xf32, #tpu.memory_space<vmem_shared>> -> memref<128x16xf32, #tpu.memory_space<vmem_shared>>
      tpu.wait_dma2 semaphore(%run_scoped3A : memref<!tpu.dma_semaphore, #tpu.memory_space<semaphore_mem>>) src(%arg10 : memref<128x16xf32, #tpu.memory_space<vmem>>) dst(%dma_wait3A_1572 : memref<128x16xf32, #tpu.memory_space<vmem_shared>>)
      tpu.yield
    }) : () -> ()
    %add3A_781 = arith.constant 256 : i32
    %add3A_782 = arith.addi %mul3A_2, %add3A_781 : i32
    "tpu.region"() ({
      %run_scoped3A = tpu.sem_alloc : memref<!tpu.dma_semaphore, #tpu.memory_space<semaphore_mem>>
      %dma_start3A = arith.constant 0 : i32
      %dma_start3A_1567 = tpu.memref_slice %arg7[%add3A_782, %dma_start3A] : memref<10240x16xf32, #tpu.memory_space<vmem_shared>> -> memref<128x16xf32, #tpu.memory_space<vmem_shared>>
      %dma_start3A_1568 = arith.constant 0 : i32
      %dma_start3A_1569 = tpu.memref_slice %arg7[%add3A_782, %dma_start3A_1568] : memref<10240x16xf32, #tpu.memory_space<vmem_shared>> -> memref<128x16xf32, #tpu.memory_space<vmem_shared>>
      tpu.enqueue_dma source(%arg10 : memref<128x16xf32, #tpu.memory_space<vmem>>) target(%dma_start3A_1569 : memref<128x16xf32, #tpu.memory_space<vmem_shared>>) target_semaphore(%run_scoped3A : memref<!tpu.dma_semaphore, #tpu.memory_space<semaphore_mem>>)
      %dma_wait3A = arith.constant 0 : i32
      %dma_wait3A_1570 = tpu.memref_slice %arg7[%add3A_782, %dma_wait3A] : memref<10240x16xf32, #tpu.memory_space<vmem_shared>> -> memref<128x16xf32, #tpu.memory_space<vmem_shared>>
      %dma_wait3A_1571 = arith.constant 0 : i32
      %dma_wait3A_1572 = tpu.memref_slice %arg7[%add3A_782, %dma_wait3A_1571] : memref<10240x16xf32, #tpu.memory_space<vmem_shared>> -> memref<128x16xf32, #tpu.memory_space<vmem_shared>>
      tpu.wait_dma2 semaphore(%run_scoped3A : memref<!tpu.dma_semaphore, #tpu.memory_space<semaphore_mem>>) src(%arg10 : memref<128x16xf32, #tpu.memory_space<vmem>>) dst(%dma_wait3A_1572 : memref<128x16xf32, #tpu.memory_space<vmem_shared>>)
      tpu.yield
    }) : () -> ()
    %add3A_783 = arith.constant 384 : i32
    %add3A_784 = arith.addi %mul3A_2, %add3A_783 : i32
    "tpu.region"() ({
      %run_scoped3A = tpu.sem_alloc : memref<!tpu.dma_semaphore, #tpu.memory_space<semaphore_mem>>
      %dma_start3A = arith.constant 0 : i32
      %dma_start3A_1567 = tpu.memref_slice %arg6[%add3A_784, %dma_start3A] : memref<10240x16xf32, #tpu.memory_space<vmem_shared>> -> memref<128x16xf32, #tpu.memory_space<vmem_shared>>
      %dma_start3A_1568 = arith.constant 0 : i32
      %dma_start3A_1569 = tpu.memref_slice %arg6[%add3A_784, %dma_start3A_1568] : memref<10240x16xf32, #tpu.memory_space<vmem_shared>> -> memref<128x16xf32, #tpu.memory_space<vmem_shared>>
      tpu.enqueue_dma source(%arg10 : memref<128x16xf32, #tpu.memory_space<vmem>>) target(%dma_start3A_1569 : memref<128x16xf32, #tpu.memory_space<vmem_shared>>) target_semaphore(%run_scoped3A : memref<!tpu.dma_semaphore, #tpu.memory_space<semaphore_mem>>)
      %dma_wait3A = arith.constant 0 : i32
      %dma_wait3A_1570 = tpu.memref_slice %arg6[%add3A_784, %dma_wait3A] : memref<10240x16xf32, #tpu.memory_space<vmem_shared>> -> memref<128x16xf32, #tpu.memory_space<vmem_shared>>
      %dma_wait3A_1571 = arith.constant 0 : i32
      %dma_wait3A_1572 = tpu.memref_slice %arg6[%add3A_784, %dma_wait3A_1571] : memref<10240x16xf32, #tpu.memory_space<vmem_shared>> -> memref<128x16xf32, #tpu.memory_space<vmem_shared>>
      tpu.wait_dma2 semaphore(%run_scoped3A : memref<!tpu.dma_semaphore, #tpu.memory_space<semaphore_mem>>) src(%arg10 : memref<128x16xf32, #tpu.memory_space<vmem>>) dst(%dma_wait3A_1572 : memref<128x16xf32, #tpu.memory_space<vmem_shared>>)
      tpu.yield
    }) : () -> ()
    %add3A_785 = arith.constant 384 : i32
    %add3A_786 = arith.addi %mul3A_2, %add3A_785 : i32
    "tpu.region"() ({
      %run_scoped3A = tpu.sem_alloc : memref<!tpu.dma_semaphore, #tpu.memory_space<semaphore_mem>>
      %dma_start3A = arith.constant 0 : i32
      %dma_start3A_1567 = tpu.memref_slice %arg7[%add3A_786, %dma_start3A] : memref<10240x16xf32, #tpu.memory_space<vmem_shared>> -> memref<128x16xf32, #tpu.memory_space<vmem_shared>>
      %dma_start3A_1568 = arith.constant 0 : i32
      %dma_start3A_1569 = tpu.memref_slice %arg7[%add3A_786, %dma_start3A_1568] : memref<10240x16xf32, #tpu.memory_space<vmem_shared>> -> memref<128x16xf32, #tpu.memory_space<vmem_shared>>
      tpu.enqueue_dma source(%arg10 : memref<128x16xf32, #tpu.memory_space<vmem>>) target(%dma_start3A_1569 : memref<128x16xf32, #tpu.memory_space<vmem_shared>>) target_semaphore(%run_scoped3A : memref<!tpu.dma_semaphore, #tpu.memory_space<semaphore_mem>>)
      %dma_wait3A = arith.constant 0 : i32
      %dma_wait3A_1570 = tpu.memref_slice %arg7[%add3A_786, %dma_wait3A] : memref<10240x16xf32, #tpu.memory_space<vmem_shared>> -> memref<128x16xf32, #tpu.memory_space<vmem_shared>>
      %dma_wait3A_1571 = arith.constant 0 : i32
      %dma_wait3A_1572 = tpu.memref_slice %arg7[%add3A_786, %dma_wait3A_1571] : memref<10240x16xf32, #tpu.memory_space<vmem_shared>> -> memref<128x16xf32, #tpu.memory_space<vmem_shared>>
      tpu.wait_dma2 semaphore(%run_scoped3A : memref<!tpu.dma_semaphore, #tpu.memory_space<semaphore_mem>>) src(%arg10 : memref<128x16xf32, #tpu.memory_space<vmem>>) dst(%dma_wait3A_1572 : memref<128x16xf32, #tpu.memory_space<vmem_shared>>)
      tpu.yield
    }) : () -> ()
    %add3A_787 = arith.constant 512 : i32
    %add3A_788 = arith.addi %mul3A_2, %add3A_787 : i32
    "tpu.region"() ({
      %run_scoped3A = tpu.sem_alloc : memref<!tpu.dma_semaphore, #tpu.memory_space<semaphore_mem>>
      %dma_start3A = arith.constant 0 : i32
      %dma_start3A_1567 = tpu.memref_slice %arg6[%add3A_788, %dma_start3A] : memref<10240x16xf32, #tpu.memory_space<vmem_shared>> -> memref<128x16xf32, #tpu.memory_space<vmem_shared>>
      %dma_start3A_1568 = arith.constant 0 : i32
      %dma_start3A_1569 = tpu.memref_slice %arg6[%add3A_788, %dma_start3A_1568] : memref<10240x16xf32, #tpu.memory_space<vmem_shared>> -> memref<128x16xf32, #tpu.memory_space<vmem_shared>>
      tpu.enqueue_dma source(%arg10 : memref<128x16xf32, #tpu.memory_space<vmem>>) target(%dma_start3A_1569 : memref<128x16xf32, #tpu.memory_space<vmem_shared>>) target_semaphore(%run_scoped3A : memref<!tpu.dma_semaphore, #tpu.memory_space<semaphore_mem>>)
      %dma_wait3A = arith.constant 0 : i32
      %dma_wait3A_1570 = tpu.memref_slice %arg6[%add3A_788, %dma_wait3A] : memref<10240x16xf32, #tpu.memory_space<vmem_shared>> -> memref<128x16xf32, #tpu.memory_space<vmem_shared>>
      %dma_wait3A_1571 = arith.constant 0 : i32
      %dma_wait3A_1572 = tpu.memref_slice %arg6[%add3A_788, %dma_wait3A_1571] : memref<10240x16xf32, #tpu.memory_space<vmem_shared>> -> memref<128x16xf32, #tpu.memory_space<vmem_shared>>
      tpu.wait_dma2 semaphore(%run_scoped3A : memref<!tpu.dma_semaphore, #tpu.memory_space<semaphore_mem>>) src(%arg10 : memref<128x16xf32, #tpu.memory_space<vmem>>) dst(%dma_wait3A_1572 : memref<128x16xf32, #tpu.memory_space<vmem_shared>>)
      tpu.yield
    }) : () -> ()
    %add3A_789 = arith.constant 512 : i32
    %add3A_790 = arith.addi %mul3A_2, %add3A_789 : i32
    "tpu.region"() ({
      %run_scoped3A = tpu.sem_alloc : memref<!tpu.dma_semaphore, #tpu.memory_space<semaphore_mem>>
      %dma_start3A = arith.constant 0 : i32
      %dma_start3A_1567 = tpu.memref_slice %arg7[%add3A_790, %dma_start3A] : memref<10240x16xf32, #tpu.memory_space<vmem_shared>> -> memref<128x16xf32, #tpu.memory_space<vmem_shared>>
      %dma_start3A_1568 = arith.constant 0 : i32
      %dma_start3A_1569 = tpu.memref_slice %arg7[%add3A_790, %dma_start3A_1568] : memref<10240x16xf32, #tpu.memory_space<vmem_shared>> -> memref<128x16xf32, #tpu.memory_space<vmem_shared>>
      tpu.enqueue_dma source(%arg10 : memref<128x16xf32, #tpu.memory_space<vmem>>) target(%dma_start3A_1569 : memref<128x16xf32, #tpu.memory_space<vmem_shared>>) target_semaphore(%run_scoped3A : memref<!tpu.dma_semaphore, #tpu.memory_space<semaphore_mem>>)
      %dma_wait3A = arith.constant 0 : i32
      %dma_wait3A_1570 = tpu.memref_slice %arg7[%add3A_790, %dma_wait3A] : memref<10240x16xf32, #tpu.memory_space<vmem_shared>> -> memref<128x16xf32, #tpu.memory_space<vmem_shared>>
      %dma_wait3A_1571 = arith.constant 0 : i32
      %dma_wait3A_1572 = tpu.memref_slice %arg7[%add3A_790, %dma_wait3A_1571] : memref<10240x16xf32, #tpu.memory_space<vmem_shared>> -> memref<128x16xf32, #tpu.memory_space<vmem_shared>>
      tpu.wait_dma2 semaphore(%run_scoped3A : memref<!tpu.dma_semaphore, #tpu.memory_space<semaphore_mem>>) src(%arg10 : memref<128x16xf32, #tpu.memory_space<vmem>>) dst(%dma_wait3A_1572 : memref<128x16xf32, #tpu.memory_space<vmem_shared>>)
      tpu.yield
    }) : () -> ()
    %broadcast_in_dim3A_791 = arith.constant 1.000000e+00 : f32
    %broadcast_in_dim3A_792 = vector.broadcast %broadcast_in_dim3A_791 : f32 to vector<16xf32>
    %swap3A_793 = arith.constant 0 : i32
    %swap3A_794 = arith.index_cast %swap3A_793 : i32 to index
    %swap3A_795 = arith.constant 0 : index
    %swap3A_796 = tpu.vector_load %arg10[%swap3A_794, %swap3A_795] {strides = array<i32>} : memref<128x16xf32, #tpu.memory_space<vmem>>, vector<1x16xf32>,
    %swap3A_797 = vector.shape_cast %swap3A_796 : vector<1x16xf32> to vector<16xf32>
    %swap3A_798 = vector.shape_cast %broadcast_in_dim3A_792 : vector<16xf32> to vector<1x16xf32>
    tpu.vector_store %arg10[%swap3A_794, %swap3A_795], %swap3A_798 {strides = array<i32>} : memref<128x16xf32, #tpu.memory_space<vmem>>, vector<1x16xf32>,
    %swap3A_799 = arith.constant 1 : i32
    %swap3A_800 = arith.index_cast %swap3A_799 : i32 to index
    %swap3A_801 = arith.constant 0 : index
    %swap3A_802 = tpu.vector_load %arg10[%swap3A_800, %swap3A_801] {strides = array<i32>} : memref<128x16xf32, #tpu.memory_space<vmem>>, vector<1x16xf32>,
    %swap3A_803 = vector.shape_cast %swap3A_802 : vector<1x16xf32> to vector<16xf32>
    %swap3A_804 = vector.shape_cast %broadcast_in_dim3A_792 : vector<16xf32> to vector<1x16xf32>
    tpu.vector_store %arg10[%swap3A_800, %swap3A_801], %swap3A_804 {strides = array<i32>} : memref<128x16xf32, #tpu.memory_space<vmem>>, vector<1x16xf32>,
    %swap3A_805 = arith.constant 2 : i32
    %swap3A_806 = arith.index_cast %swap3A_805 : i32 to index
    %swap3A_807 = arith.constant 0 : index
    %swap3A_808 = tpu.vector_load %arg10[%swap3A_806, %swap3A_807] {strides = array<i32>} : memref<128x16xf32, #tpu.memory_space<vmem>>, vector<1x16xf32>,
    %swap3A_809 = vector.shape_cast %swap3A_808 : vector<1x16xf32> to vector<16xf32>
    %swap3A_810 = vector.shape_cast %broadcast_in_dim3A_792 : vector<16xf32> to vector<1x16xf32>
    tpu.vector_store %arg10[%swap3A_806, %swap3A_807], %swap3A_810 {strides = array<i32>} : memref<128x16xf32, #tpu.memory_space<vmem>>, vector<1x16xf32>,
    %swap3A_811 = arith.constant 3 : i32
    %swap3A_812 = arith.index_cast %swap3A_811 : i32 to index
    %swap3A_813 = arith.constant 0 : index
    %swap3A_814 = tpu.vector_load %arg10[%swap3A_812, %swap3A_813] {strides = array<i32>} : memref<128x16xf32, #tpu.memory_space<vmem>>, vector<1x16xf32>,
    %swap3A_815 = vector.shape_cast %swap3A_814 : vector<1x16xf32> to vector<16xf32>
    %swap3A_816 = vector.shape_cast %broadcast_in_dim3A_792 : vector<16xf32> to vector<1x16xf32>
    tpu.vector_store %arg10[%swap3A_812, %swap3A_813], %swap3A_816 {strides = array<i32>} : memref<128x16xf32, #tpu.memory_space<vmem>>, vector<1x16xf32>,
    %swap3A_817 = arith.constant 4 : i32
    %swap3A_818 = arith.index_cast %swap3A_817 : i32 to index
    %swap3A_819 = arith.constant 0 : index
    %swap3A_820 = tpu.vector_load %arg10[%swap3A_818, %swap3A_819] {strides = array<i32>} : memref<128x16xf32, #tpu.memory_space<vmem>>, vector<1x16xf32>,
    %swap3A_821 = vector.shape_cast %swap3A_820 : vector<1x16xf32> to vector<16xf32>
    %swap3A_822 = vector.shape_cast %broadcast_in_dim3A_792 : vector<16xf32> to vector<1x16xf32>
    tpu.vector_store %arg10[%swap3A_818, %swap3A_819], %swap3A_822 {strides = array<i32>} : memref<128x16xf32, #tpu.memory_space<vmem>>, vector<1x16xf32>,
    %swap3A_823 = arith.constant 5 : i32
    %swap3A_824 = arith.index_cast %swap3A_823 : i32 to index
    %swap3A_825 = arith.constant 0 : index
    %swap3A_826 = tpu.vector_load %arg10[%swap3A_824, %swap3A_825] {strides = array<i32>} : memref<128x16xf32, #tpu.memory_space<vmem>>, vector<1x16xf32>,
    %swap3A_827 = vector.shape_cast %swap3A_826 : vector<1x16xf32> to vector<16xf32>
    %swap3A_828 = vector.shape_cast %broadcast_in_dim3A_792 : vector<16xf32> to vector<1x16xf32>
    tpu.vector_store %arg10[%swap3A_824, %swap3A_825], %swap3A_828 {strides = array<i32>} : memref<128x16xf32, #tpu.memory_space<vmem>>, vector<1x16xf32>,
    %swap3A_829 = arith.constant 6 : i32
    %swap3A_830 = arith.index_cast %swap3A_829 : i32 to index
    %swap3A_831 = arith.constant 0 : index
    %swap3A_832 = tpu.vector_load %arg10[%swap3A_830, %swap3A_831] {strides = array<i32>} : memref<128x16xf32, #tpu.memory_space<vmem>>, vector<1x16xf32>,
    %swap3A_833 = vector.shape_cast %swap3A_832 : vector<1x16xf32> to vector<16xf32>
    %swap3A_834 = vector.shape_cast %broadcast_in_dim3A_792 : vector<16xf32> to vector<1x16xf32>
    tpu.vector_store %arg10[%swap3A_830, %swap3A_831], %swap3A_834 {strides = array<i32>} : memref<128x16xf32, #tpu.memory_space<vmem>>, vector<1x16xf32>,
    %swap3A_835 = arith.constant 7 : i32
    %swap3A_836 = arith.index_cast %swap3A_835 : i32 to index
    %swap3A_837 = arith.constant 0 : index
    %swap3A_838 = tpu.vector_load %arg10[%swap3A_836, %swap3A_837] {strides = array<i32>} : memref<128x16xf32, #tpu.memory_space<vmem>>, vector<1x16xf32>,
    %swap3A_839 = vector.shape_cast %swap3A_838 : vector<1x16xf32> to vector<16xf32>
    %swap3A_840 = vector.shape_cast %broadcast_in_dim3A_792 : vector<16xf32> to vector<1x16xf32>
    tpu.vector_store %arg10[%swap3A_836, %swap3A_837], %swap3A_840 {strides = array<i32>} : memref<128x16xf32, #tpu.memory_space<vmem>>, vector<1x16xf32>,
    %swap3A_841 = arith.constant 8 : i32
    %swap3A_842 = arith.index_cast %swap3A_841 : i32 to index
    %swap3A_843 = arith.constant 0 : index
    %swap3A_844 = tpu.vector_load %arg10[%swap3A_842, %swap3A_843] {strides = array<i32>} : memref<128x16xf32, #tpu.memory_space<vmem>>, vector<1x16xf32>,
    %swap3A_845 = vector.shape_cast %swap3A_844 : vector<1x16xf32> to vector<16xf32>
    %swap3A_846 = vector.shape_cast %broadcast_in_dim3A_792 : vector<16xf32> to vector<1x16xf32>
    tpu.vector_store %arg10[%swap3A_842, %swap3A_843], %swap3A_846 {strides = array<i32>} : memref<128x16xf32, #tpu.memory_space<vmem>>, vector<1x16xf32>,
    %swap3A_847 = arith.constant 9 : i32
    %swap3A_848 = arith.index_cast %swap3A_847 : i32 to index
    %swap3A_849 = arith.constant 0 : index
    %swap3A_850 = tpu.vector_load %arg10[%swap3A_848, %swap3A_849] {strides = array<i32>} : memref<128x16xf32, #tpu.memory_space<vmem>>, vector<1x16xf32>,
    %swap3A_851 = vector.shape_cast %swap3A_850 : vector<1x16xf32> to vector<16xf32>
    %swap3A_852 = vector.shape_cast %broadcast_in_dim3A_792 : vector<16xf32> to vector<1x16xf32>
    tpu.vector_store %arg10[%swap3A_848, %swap3A_849], %swap3A_852 {strides = array<i32>} : memref<128x16xf32, #tpu.memory_space<vmem>>, vector<1x16xf32>,
    %swap3A_853 = arith.constant 10 : i32
    %swap3A_854 = arith.index_cast %swap3A_853 : i32 to index
    %swap3A_855 = arith.constant 0 : index
    %swap3A_856 = tpu.vector_load %arg10[%swap3A_854, %swap3A_855] {strides = array<i32>} : memref<128x16xf32, #tpu.memory_space<vmem>>, vector<1x16xf32>,
    %swap3A_857 = vector.shape_cast %swap3A_856 : vector<1x16xf32> to vector<16xf32>
    %swap3A_858 = vector.shape_cast %broadcast_in_dim3A_792 : vector<16xf32> to vector<1x16xf32>
    tpu.vector_store %arg10[%swap3A_854, %swap3A_855], %swap3A_858 {strides = array<i32>} : memref<128x16xf32, #tpu.memory_space<vmem>>, vector<1x16xf32>,
    %swap3A_859 = arith.constant 11 : i32
    %swap3A_860 = arith.index_cast %swap3A_859 : i32 to index
    %swap3A_861 = arith.constant 0 : index
    %swap3A_862 = tpu.vector_load %arg10[%swap3A_860, %swap3A_861] {strides = array<i32>} : memref<128x16xf32, #tpu.memory_space<vmem>>, vector<1x16xf32>,
    %swap3A_863 = vector.shape_cast %swap3A_862 : vector<1x16xf32> to vector<16xf32>
    %swap3A_864 = vector.shape_cast %broadcast_in_dim3A_792 : vector<16xf32> to vector<1x16xf32>
    tpu.vector_store %arg10[%swap3A_860, %swap3A_861], %swap3A_864 {strides = array<i32>} : memref<128x16xf32, #tpu.memory_space<vmem>>, vector<1x16xf32>,
    %swap3A_865 = arith.constant 12 : i32
    %swap3A_866 = arith.index_cast %swap3A_865 : i32 to index
    %swap3A_867 = arith.constant 0 : index
    %swap3A_868 = tpu.vector_load %arg10[%swap3A_866, %swap3A_867] {strides = array<i32>} : memref<128x16xf32, #tpu.memory_space<vmem>>, vector<1x16xf32>,
    %swap3A_869 = vector.shape_cast %swap3A_868 : vector<1x16xf32> to vector<16xf32>
    %swap3A_870 = vector.shape_cast %broadcast_in_dim3A_792 : vector<16xf32> to vector<1x16xf32>
    tpu.vector_store %arg10[%swap3A_866, %swap3A_867], %swap3A_870 {strides = array<i32>} : memref<128x16xf32, #tpu.memory_space<vmem>>, vector<1x16xf32>,
    %swap3A_871 = arith.constant 13 : i32
    %swap3A_872 = arith.index_cast %swap3A_871 : i32 to index
    %swap3A_873 = arith.constant 0 : index
    %swap3A_874 = tpu.vector_load %arg10[%swap3A_872, %swap3A_873] {strides = array<i32>} : memref<128x16xf32, #tpu.memory_space<vmem>>, vector<1x16xf32>,
    %swap3A_875 = vector.shape_cast %swap3A_874 : vector<1x16xf32> to vector<16xf32>
    %swap3A_876 = vector.shape_cast %broadcast_in_dim3A_792 : vector<16xf32> to vector<1x16xf32>
    tpu.vector_store %arg10[%swap3A_872, %swap3A_873], %swap3A_876 {strides = array<i32>} : memref<128x16xf32, #tpu.memory_space<vmem>>, vector<1x16xf32>,
    %swap3A_877 = arith.constant 14 : i32
    %swap3A_878 = arith.index_cast %swap3A_877 : i32 to index
    %swap3A_879 = arith.constant 0 : index
    %swap3A_880 = tpu.vector_load %arg10[%swap3A_878, %swap3A_879] {strides = array<i32>} : memref<128x16xf32, #tpu.memory_space<vmem>>, vector<1x16xf32>,
    %swap3A_881 = vector.shape_cast %swap3A_880 : vector<1x16xf32> to vector<16xf32>
    %swap3A_882 = vector.shape_cast %broadcast_in_dim3A_792 : vector<16xf32> to vector<1x16xf32>
    tpu.vector_store %arg10[%swap3A_878, %swap3A_879], %swap3A_882 {strides = array<i32>} : memref<128x16xf32, #tpu.memory_space<vmem>>, vector<1x16xf32>,
    %swap3A_883 = arith.constant 15 : i32
    %swap3A_884 = arith.index_cast %swap3A_883 : i32 to index
    %swap3A_885 = arith.constant 0 : index
    %swap3A_886 = tpu.vector_load %arg10[%swap3A_884, %swap3A_885] {strides = array<i32>} : memref<128x16xf32, #tpu.memory_space<vmem>>, vector<1x16xf32>,
    %swap3A_887 = vector.shape_cast %swap3A_886 : vector<1x16xf32> to vector<16xf32>
    %swap3A_888 = vector.shape_cast %broadcast_in_dim3A_792 : vector<16xf32> to vector<1x16xf32>
    tpu.vector_store %arg10[%swap3A_884, %swap3A_885], %swap3A_888 {strides = array<i32>} : memref<128x16xf32, #tpu.memory_space<vmem>>, vector<1x16xf32>,
    %swap3A_889 = arith.constant 16 : i32
    %swap3A_890 = arith.index_cast %swap3A_889 : i32 to index
    %swap3A_891 = arith.constant 0 : index
    %swap3A_892 = tpu.vector_load %arg10[%swap3A_890, %swap3A_891] {strides = array<i32>} : memref<128x16xf32, #tpu.memory_space<vmem>>, vector<1x16xf32>,
    %swap3A_893 = vector.shape_cast %swap3A_892 : vector<1x16xf32> to vector<16xf32>
    %swap3A_894 = vector.shape_cast %broadcast_in_dim3A_792 : vector<16xf32> to vector<1x16xf32>
    tpu.vector_store %arg10[%swap3A_890, %swap3A_891], %swap3A_894 {strides = array<i32>} : memref<128x16xf32, #tpu.memory_space<vmem>>, vector<1x16xf32>,
    %swap3A_895 = arith.constant 17 : i32
    %swap3A_896 = arith.index_cast %swap3A_895 : i32 to index
    %swap3A_897 = arith.constant 0 : index
    %swap3A_898 = tpu.vector_load %arg10[%swap3A_896, %swap3A_897] {strides = array<i32>} : memref<128x16xf32, #tpu.memory_space<vmem>>, vector<1x16xf32>,
    %swap3A_899 = vector.shape_cast %swap3A_898 : vector<1x16xf32> to vector<16xf32>
    %swap3A_900 = vector.shape_cast %broadcast_in_dim3A_792 : vector<16xf32> to vector<1x16xf32>
    tpu.vector_store %arg10[%swap3A_896, %swap3A_897], %swap3A_900 {strides = array<i32>} : memref<128x16xf32, #tpu.memory_space<vmem>>, vector<1x16xf32>,
    %swap3A_901 = arith.constant 18 : i32
    %swap3A_902 = arith.index_cast %swap3A_901 : i32 to index
    %swap3A_903 = arith.constant 0 : index
    %swap3A_904 = tpu.vector_load %arg10[%swap3A_902, %swap3A_903] {strides = array<i32>} : memref<128x16xf32, #tpu.memory_space<vmem>>, vector<1x16xf32>,
    %swap3A_905 = vector.shape_cast %swap3A_904 : vector<1x16xf32> to vector<16xf32>
    %swap3A_906 = vector.shape_cast %broadcast_in_dim3A_792 : vector<16xf32> to vector<1x16xf32>
    tpu.vector_store %arg10[%swap3A_902, %swap3A_903], %swap3A_906 {strides = array<i32>} : memref<128x16xf32, #tpu.memory_space<vmem>>, vector<1x16xf32>,
    %swap3A_907 = arith.constant 19 : i32
    %swap3A_908 = arith.index_cast %swap3A_907 : i32 to index
    %swap3A_909 = arith.constant 0 : index
    %swap3A_910 = tpu.vector_load %arg10[%swap3A_908, %swap3A_909] {strides = array<i32>} : memref<128x16xf32, #tpu.memory_space<vmem>>, vector<1x16xf32>,
    %swap3A_911 = vector.shape_cast %swap3A_910 : vector<1x16xf32> to vector<16xf32>
    %swap3A_912 = vector.shape_cast %broadcast_in_dim3A_792 : vector<16xf32> to vector<1x16xf32>
    tpu.vector_store %arg10[%swap3A_908, %swap3A_909], %swap3A_912 {strides = array<i32>} : memref<128x16xf32, #tpu.memory_space<vmem>>, vector<1x16xf32>,
    %swap3A_913 = arith.constant 20 : i32
    %swap3A_914 = arith.index_cast %swap3A_913 : i32 to index
    %swap3A_915 = arith.constant 0 : index
    %swap3A_916 = tpu.vector_load %arg10[%swap3A_914, %swap3A_915] {strides = array<i32>} : memref<128x16xf32, #tpu.memory_space<vmem>>, vector<1x16xf32>,
    %swap3A_917 = vector.shape_cast %swap3A_916 : vector<1x16xf32> to vector<16xf32>
    %swap3A_918 = vector.shape_cast %broadcast_in_dim3A_792 : vector<16xf32> to vector<1x16xf32>
    tpu.vector_store %arg10[%swap3A_914, %swap3A_915], %swap3A_918 {strides = array<i32>} : memref<128x16xf32, #tpu.memory_space<vmem>>, vector<1x16xf32>,
    %swap3A_919 = arith.constant 21 : i32
    %swap3A_920 = arith.index_cast %swap3A_919 : i32 to index
    %swap3A_921 = arith.constant 0 : index
    %swap3A_922 = tpu.vector_load %arg10[%swap3A_920, %swap3A_921] {strides = array<i32>} : memref<128x16xf32, #tpu.memory_space<vmem>>, vector<1x16xf32>,
    %swap3A_923 = vector.shape_cast %swap3A_922 : vector<1x16xf32> to vector<16xf32>
    %swap3A_924 = vector.shape_cast %broadcast_in_dim3A_792 : vector<16xf32> to vector<1x16xf32>
    tpu.vector_store %arg10[%swap3A_920, %swap3A_921], %swap3A_924 {strides = array<i32>} : memref<128x16xf32, #tpu.memory_space<vmem>>, vector<1x16xf32>,
    %swap3A_925 = arith.constant 22 : i32
    %swap3A_926 = arith.index_cast %swap3A_925 : i32 to index
    %swap3A_927 = arith.constant 0 : index
    %swap3A_928 = tpu.vector_load %arg10[%swap3A_926, %swap3A_927] {strides = array<i32>} : memref<128x16xf32, #tpu.memory_space<vmem>>, vector<1x16xf32>,
    %swap3A_929 = vector.shape_cast %swap3A_928 : vector<1x16xf32> to vector<16xf32>
    %swap3A_930 = vector.shape_cast %broadcast_in_dim3A_792 : vector<16xf32> to vector<1x16xf32>
    tpu.vector_store %arg10[%swap3A_926, %swap3A_927], %swap3A_930 {strides = array<i32>} : memref<128x16xf32, #tpu.memory_space<vmem>>, vector<1x16xf32>,
    %swap3A_931 = arith.constant 23 : i32
    %swap3A_932 = arith.index_cast %swap3A_931 : i32 to index
    %swap3A_933 = arith.constant 0 : index
    %swap3A_934 = tpu.vector_load %arg10[%swap3A_932, %swap3A_933] {strides = array<i32>} : memref<128x16xf32, #tpu.memory_space<vmem>>, vector<1x16xf32>,
    %swap3A_935 = vector.shape_cast %swap3A_934 : vector<1x16xf32> to vector<16xf32>
    %swap3A_936 = vector.shape_cast %broadcast_in_dim3A_792 : vector<16xf32> to vector<1x16xf32>
    tpu.vector_store %arg10[%swap3A_932, %swap3A_933], %swap3A_936 {strides = array<i32>} : memref<128x16xf32, #tpu.memory_space<vmem>>, vector<1x16xf32>,
    %swap3A_937 = arith.constant 24 : i32
    %swap3A_938 = arith.index_cast %swap3A_937 : i32 to index
    %swap3A_939 = arith.constant 0 : index
    %swap3A_940 = tpu.vector_load %arg10[%swap3A_938, %swap3A_939] {strides = array<i32>} : memref<128x16xf32, #tpu.memory_space<vmem>>, vector<1x16xf32>,
    %swap3A_941 = vector.shape_cast %swap3A_940 : vector<1x16xf32> to vector<16xf32>
    %swap3A_942 = vector.shape_cast %broadcast_in_dim3A_792 : vector<16xf32> to vector<1x16xf32>
    tpu.vector_store %arg10[%swap3A_938, %swap3A_939], %swap3A_942 {strides = array<i32>} : memref<128x16xf32, #tpu.memory_space<vmem>>, vector<1x16xf32>,
    %swap3A_943 = arith.constant 25 : i32
    %swap3A_944 = arith.index_cast %swap3A_943 : i32 to index
    %swap3A_945 = arith.constant 0 : index
    %swap3A_946 = tpu.vector_load %arg10[%swap3A_944, %swap3A_945] {strides = array<i32>} : memref<128x16xf32, #tpu.memory_space<vmem>>, vector<1x16xf32>,
    %swap3A_947 = vector.shape_cast %swap3A_946 : vector<1x16xf32> to vector<16xf32>
    %swap3A_948 = vector.shape_cast %broadcast_in_dim3A_792 : vector<16xf32> to vector<1x16xf32>
    tpu.vector_store %arg10[%swap3A_944, %swap3A_945], %swap3A_948 {strides = array<i32>} : memref<128x16xf32, #tpu.memory_space<vmem>>, vector<1x16xf32>,
    %swap3A_949 = arith.constant 26 : i32
    %swap3A_950 = arith.index_cast %swap3A_949 : i32 to index
    %swap3A_951 = arith.constant 0 : index
    %swap3A_952 = tpu.vector_load %arg10[%swap3A_950, %swap3A_951] {strides = array<i32>} : memref<128x16xf32, #tpu.memory_space<vmem>>, vector<1x16xf32>,
    %swap3A_953 = vector.shape_cast %swap3A_952 : vector<1x16xf32> to vector<16xf32>
    %swap3A_954 = vector.shape_cast %broadcast_in_dim3A_792 : vector<16xf32> to vector<1x16xf32>
    tpu.vector_store %arg10[%swap3A_950, %swap3A_951], %swap3A_954 {strides = array<i32>} : memref<128x16xf32, #tpu.memory_space<vmem>>, vector<1x16xf32>,
    %swap3A_955 = arith.constant 27 : i32
    %swap3A_956 = arith.index_cast %swap3A_955 : i32 to index
    %swap3A_957 = arith.constant 0 : index
    %swap3A_958 = tpu.vector_load %arg10[%swap3A_956, %swap3A_957] {strides = array<i32>} : memref<128x16xf32, #tpu.memory_space<vmem>>, vector<1x16xf32>,
    %swap3A_959 = vector.shape_cast %swap3A_958 : vector<1x16xf32> to vector<16xf32>
    %swap3A_960 = vector.shape_cast %broadcast_in_dim3A_792 : vector<16xf32> to vector<1x16xf32>
    tpu.vector_store %arg10[%swap3A_956, %swap3A_957], %swap3A_960 {strides = array<i32>} : memref<128x16xf32, #tpu.memory_space<vmem>>, vector<1x16xf32>,
    %swap3A_961 = arith.constant 28 : i32
    %swap3A_962 = arith.index_cast %swap3A_961 : i32 to index
    %swap3A_963 = arith.constant 0 : index
    %swap3A_964 = tpu.vector_load %arg10[%swap3A_962, %swap3A_963] {strides = array<i32>} : memref<128x16xf32, #tpu.memory_space<vmem>>, vector<1x16xf32>,
    %swap3A_965 = vector.shape_cast %swap3A_964 : vector<1x16xf32> to vector<16xf32>
    %swap3A_966 = vector.shape_cast %broadcast_in_dim3A_792 : vector<16xf32> to vector<1x16xf32>
    tpu.vector_store %arg10[%swap3A_962, %swap3A_963], %swap3A_966 {strides = array<i32>} : memref<128x16xf32, #tpu.memory_space<vmem>>, vector<1x16xf32>,
    %swap3A_967 = arith.constant 29 : i32
    %swap3A_968 = arith.index_cast %swap3A_967 : i32 to index
    %swap3A_969 = arith.constant 0 : index
    %swap3A_970 = tpu.vector_load %arg10[%swap3A_968, %swap3A_969] {strides = array<i32>} : memref<128x16xf32, #tpu.memory_space<vmem>>, vector<1x16xf32>,
    %swap3A_971 = vector.shape_cast %swap3A_970 : vector<1x16xf32> to vector<16xf32>
    %swap3A_972 = vector.shape_cast %broadcast_in_dim3A_792 : vector<16xf32> to vector<1x16xf32>
    tpu.vector_store %arg10[%swap3A_968, %swap3A_969], %swap3A_972 {strides = array<i32>} : memref<128x16xf32, #tpu.memory_space<vmem>>, vector<1x16xf32>,
    %swap3A_973 = arith.constant 30 : i32
    %swap3A_974 = arith.index_cast %swap3A_973 : i32 to index
    %swap3A_975 = arith.constant 0 : index
    %swap3A_976 = tpu.vector_load %arg10[%swap3A_974, %swap3A_975] {strides = array<i32>} : memref<128x16xf32, #tpu.memory_space<vmem>>, vector<1x16xf32>,
    %swap3A_977 = vector.shape_cast %swap3A_976 : vector<1x16xf32> to vector<16xf32>
    %swap3A_978 = vector.shape_cast %broadcast_in_dim3A_792 : vector<16xf32> to vector<1x16xf32>
    tpu.vector_store %arg10[%swap3A_974, %swap3A_975], %swap3A_978 {strides = array<i32>} : memref<128x16xf32, #tpu.memory_space<vmem>>, vector<1x16xf32>,
    %swap3A_979 = arith.constant 31 : i32
    %swap3A_980 = arith.index_cast %swap3A_979 : i32 to index
    %swap3A_981 = arith.constant 0 : index
    %swap3A_982 = tpu.vector_load %arg10[%swap3A_980, %swap3A_981] {strides = array<i32>} : memref<128x16xf32, #tpu.memory_space<vmem>>, vector<1x16xf32>,
    %swap3A_983 = vector.shape_cast %swap3A_982 : vector<1x16xf32> to vector<16xf32>
    %swap3A_984 = vector.shape_cast %broadcast_in_dim3A_792 : vector<16xf32> to vector<1x16xf32>
    tpu.vector_store %arg10[%swap3A_980, %swap3A_981], %swap3A_984 {strides = array<i32>} : memref<128x16xf32, #tpu.memory_space<vmem>>, vector<1x16xf32>,
    %swap3A_985 = arith.constant 32 : i32
    %swap3A_986 = arith.index_cast %swap3A_985 : i32 to index
    %swap3A_987 = arith.constant 0 : index
    %swap3A_988 = tpu.vector_load %arg10[%swap3A_986, %swap3A_987] {strides = array<i32>} : memref<128x16xf32, #tpu.memory_space<vmem>>, vector<1x16xf32>,
    %swap3A_989 = vector.shape_cast %swap3A_988 : vector<1x16xf32> to vector<16xf32>
    %swap3A_990 = vector.shape_cast %broadcast_in_dim3A_792 : vector<16xf32> to vector<1x16xf32>
    tpu.vector_store %arg10[%swap3A_986, %swap3A_987], %swap3A_990 {strides = array<i32>} : memref<128x16xf32, #tpu.memory_space<vmem>>, vector<1x16xf32>,
    %swap3A_991 = arith.constant 33 : i32
    %swap3A_992 = arith.index_cast %swap3A_991 : i32 to index
    %swap3A_993 = arith.constant 0 : index
    %swap3A_994 = tpu.vector_load %arg10[%swap3A_992, %swap3A_993] {strides = array<i32>} : memref<128x16xf32, #tpu.memory_space<vmem>>, vector<1x16xf32>,
    %swap3A_995 = vector.shape_cast %swap3A_994 : vector<1x16xf32> to vector<16xf32>
    %swap3A_996 = vector.shape_cast %broadcast_in_dim3A_792 : vector<16xf32> to vector<1x16xf32>
    tpu.vector_store %arg10[%swap3A_992, %swap3A_993], %swap3A_996 {strides = array<i32>} : memref<128x16xf32, #tpu.memory_space<vmem>>, vector<1x16xf32>,
    %swap3A_997 = arith.constant 34 : i32
    %swap3A_998 = arith.index_cast %swap3A_997 : i32 to index
    %swap3A_999 = arith.constant 0 : index
    %swap3A_1000 = tpu.vector_load %arg10[%swap3A_998, %swap3A_999] {strides = array<i32>} : memref<128x16xf32, #tpu.memory_space<vmem>>, vector<1x16xf32>,
    %swap3A_1001 = vector.shape_cast %swap3A_1000 : vector<1x16xf32> to vector<16xf32>
    %swap3A_1002 = vector.shape_cast %broadcast_in_dim3A_792 : vector<16xf32> to vector<1x16xf32>
    tpu.vector_store %arg10[%swap3A_998, %swap3A_999], %swap3A_1002 {strides = array<i32>} : memref<128x16xf32, #tpu.memory_space<vmem>>, vector<1x16xf32>,
    %swap3A_1003 = arith.constant 35 : i32
    %swap3A_1004 = arith.index_cast %swap3A_1003 : i32 to index
    %swap3A_1005 = arith.constant 0 : index
    %swap3A_1006 = tpu.vector_load %arg10[%swap3A_1004, %swap3A_1005] {strides = array<i32>} : memref<128x16xf32, #tpu.memory_space<vmem>>, vector<1x16xf32>,
    %swap3A_1007 = vector.shape_cast %swap3A_1006 : vector<1x16xf32> to vector<16xf32>
    %swap3A_1008 = vector.shape_cast %broadcast_in_dim3A_792 : vector<16xf32> to vector<1x16xf32>
    tpu.vector_store %arg10[%swap3A_1004, %swap3A_1005], %swap3A_1008 {strides = array<i32>} : memref<128x16xf32, #tpu.memory_space<vmem>>, vector<1x16xf32>,
    %swap3A_1009 = arith.constant 36 : i32
    %swap3A_1010 = arith.index_cast %swap3A_1009 : i32 to index
    %swap3A_1011 = arith.constant 0 : index
    %swap3A_1012 = tpu.vector_load %arg10[%swap3A_1010, %swap3A_1011] {strides = array<i32>} : memref<128x16xf32, #tpu.memory_space<vmem>>, vector<1x16xf32>,
    %swap3A_1013 = vector.shape_cast %swap3A_1012 : vector<1x16xf32> to vector<16xf32>
    %swap3A_1014 = vector.shape_cast %broadcast_in_dim3A_792 : vector<16xf32> to vector<1x16xf32>
    tpu.vector_store %arg10[%swap3A_1010, %swap3A_1011], %swap3A_1014 {strides = array<i32>} : memref<128x16xf32, #tpu.memory_space<vmem>>, vector<1x16xf32>,
    %swap3A_1015 = arith.constant 37 : i32
    %swap3A_1016 = arith.index_cast %swap3A_1015 : i32 to index
    %swap3A_1017 = arith.constant 0 : index
    %swap3A_1018 = tpu.vector_load %arg10[%swap3A_1016, %swap3A_1017] {strides = array<i32>} : memref<128x16xf32, #tpu.memory_space<vmem>>, vector<1x16xf32>,
    %swap3A_1019 = vector.shape_cast %swap3A_1018 : vector<1x16xf32> to vector<16xf32>
    %swap3A_1020 = vector.shape_cast %broadcast_in_dim3A_792 : vector<16xf32> to vector<1x16xf32>
    tpu.vector_store %arg10[%swap3A_1016, %swap3A_1017], %swap3A_1020 {strides = array<i32>} : memref<128x16xf32, #tpu.memory_space<vmem>>, vector<1x16xf32>,
    %swap3A_1021 = arith.constant 38 : i32
    %swap3A_1022 = arith.index_cast %swap3A_1021 : i32 to index
    %swap3A_1023 = arith.constant 0 : index
    %swap3A_1024 = tpu.vector_load %arg10[%swap3A_1022, %swap3A_1023] {strides = array<i32>} : memref<128x16xf32, #tpu.memory_space<vmem>>, vector<1x16xf32>,
    %swap3A_1025 = vector.shape_cast %swap3A_1024 : vector<1x16xf32> to vector<16xf32>
    %swap3A_1026 = vector.shape_cast %broadcast_in_dim3A_792 : vector<16xf32> to vector<1x16xf32>
    tpu.vector_store %arg10[%swap3A_1022, %swap3A_1023], %swap3A_1026 {strides = array<i32>} : memref<128x16xf32, #tpu.memory_space<vmem>>, vector<1x16xf32>,
    %swap3A_1027 = arith.constant 39 : i32
    %swap3A_1028 = arith.index_cast %swap3A_1027 : i32 to index
    %swap3A_1029 = arith.constant 0 : index
    %swap3A_1030 = tpu.vector_load %arg10[%swap3A_1028, %swap3A_1029] {strides = array<i32>} : memref<128x16xf32, #tpu.memory_space<vmem>>, vector<1x16xf32>,
    %swap3A_1031 = vector.shape_cast %swap3A_1030 : vector<1x16xf32> to vector<16xf32>
    %swap3A_1032 = vector.shape_cast %broadcast_in_dim3A_792 : vector<16xf32> to vector<1x16xf32>
    tpu.vector_store %arg10[%swap3A_1028, %swap3A_1029], %swap3A_1032 {strides = array<i32>} : memref<128x16xf32, #tpu.memory_space<vmem>>, vector<1x16xf32>,
    %swap3A_1033 = arith.constant 40 : i32
    %swap3A_1034 = arith.index_cast %swap3A_1033 : i32 to index
    %swap3A_1035 = arith.constant 0 : index
    %swap3A_1036 = tpu.vector_load %arg10[%swap3A_1034, %swap3A_1035] {strides = array<i32>} : memref<128x16xf32, #tpu.memory_space<vmem>>, vector<1x16xf32>,
    %swap3A_1037 = vector.shape_cast %swap3A_1036 : vector<1x16xf32> to vector<16xf32>
    %swap3A_1038 = vector.shape_cast %broadcast_in_dim3A_792 : vector<16xf32> to vector<1x16xf32>
    tpu.vector_store %arg10[%swap3A_1034, %swap3A_1035], %swap3A_1038 {strides = array<i32>} : memref<128x16xf32, #tpu.memory_space<vmem>>, vector<1x16xf32>,
    %swap3A_1039 = arith.constant 41 : i32
    %swap3A_1040 = arith.index_cast %swap3A_1039 : i32 to index
    %swap3A_1041 = arith.constant 0 : index
    %swap3A_1042 = tpu.vector_load %arg10[%swap3A_1040, %swap3A_1041] {strides = array<i32>} : memref<128x16xf32, #tpu.memory_space<vmem>>, vector<1x16xf32>,
    %swap3A_1043 = vector.shape_cast %swap3A_1042 : vector<1x16xf32> to vector<16xf32>
    %swap3A_1044 = vector.shape_cast %broadcast_in_dim3A_792 : vector<16xf32> to vector<1x16xf32>
    tpu.vector_store %arg10[%swap3A_1040, %swap3A_1041], %swap3A_1044 {strides = array<i32>} : memref<128x16xf32, #tpu.memory_space<vmem>>, vector<1x16xf32>,
    %swap3A_1045 = arith.constant 42 : i32
    %swap3A_1046 = arith.index_cast %swap3A_1045 : i32 to index
    %swap3A_1047 = arith.constant 0 : index
    %swap3A_1048 = tpu.vector_load %arg10[%swap3A_1046, %swap3A_1047] {strides = array<i32>} : memref<128x16xf32, #tpu.memory_space<vmem>>, vector<1x16xf32>,
    %swap3A_1049 = vector.shape_cast %swap3A_1048 : vector<1x16xf32> to vector<16xf32>
    %swap3A_1050 = vector.shape_cast %broadcast_in_dim3A_792 : vector<16xf32> to vector<1x16xf32>
    tpu.vector_store %arg10[%swap3A_1046, %swap3A_1047], %swap3A_1050 {strides = array<i32>} : memref<128x16xf32, #tpu.memory_space<vmem>>, vector<1x16xf32>,
    %swap3A_1051 = arith.constant 43 : i32
    %swap3A_1052 = arith.index_cast %swap3A_1051 : i32 to index
    %swap3A_1053 = arith.constant 0 : index
    %swap3A_1054 = tpu.vector_load %arg10[%swap3A_1052, %swap3A_1053] {strides = array<i32>} : memref<128x16xf32, #tpu.memory_space<vmem>>, vector<1x16xf32>,
    %swap3A_1055 = vector.shape_cast %swap3A_1054 : vector<1x16xf32> to vector<16xf32>
    %swap3A_1056 = vector.shape_cast %broadcast_in_dim3A_792 : vector<16xf32> to vector<1x16xf32>
    tpu.vector_store %arg10[%swap3A_1052, %swap3A_1053], %swap3A_1056 {strides = array<i32>} : memref<128x16xf32, #tpu.memory_space<vmem>>, vector<1x16xf32>,
    %swap3A_1057 = arith.constant 44 : i32
    %swap3A_1058 = arith.index_cast %swap3A_1057 : i32 to index
    %swap3A_1059 = arith.constant 0 : index
    %swap3A_1060 = tpu.vector_load %arg10[%swap3A_1058, %swap3A_1059] {strides = array<i32>} : memref<128x16xf32, #tpu.memory_space<vmem>>, vector<1x16xf32>,
    %swap3A_1061 = vector.shape_cast %swap3A_1060 : vector<1x16xf32> to vector<16xf32>
    %swap3A_1062 = vector.shape_cast %broadcast_in_dim3A_792 : vector<16xf32> to vector<1x16xf32>
    tpu.vector_store %arg10[%swap3A_1058, %swap3A_1059], %swap3A_1062 {strides = array<i32>} : memref<128x16xf32, #tpu.memory_space<vmem>>, vector<1x16xf32>,
    %swap3A_1063 = arith.constant 45 : i32
    %swap3A_1064 = arith.index_cast %swap3A_1063 : i32 to index
    %swap3A_1065 = arith.constant 0 : index
    %swap3A_1066 = tpu.vector_load %arg10[%swap3A_1064, %swap3A_1065] {strides = array<i32>} : memref<128x16xf32, #tpu.memory_space<vmem>>, vector<1x16xf32>,
    %swap3A_1067 = vector.shape_cast %swap3A_1066 : vector<1x16xf32> to vector<16xf32>
    %swap3A_1068 = vector.shape_cast %broadcast_in_dim3A_792 : vector<16xf32> to vector<1x16xf32>
    tpu.vector_store %arg10[%swap3A_1064, %swap3A_1065], %swap3A_1068 {strides = array<i32>} : memref<128x16xf32, #tpu.memory_space<vmem>>, vector<1x16xf32>,
    %swap3A_1069 = arith.constant 46 : i32
    %swap3A_1070 = arith.index_cast %swap3A_1069 : i32 to index
    %swap3A_1071 = arith.constant 0 : index
    %swap3A_1072 = tpu.vector_load %arg10[%swap3A_1070, %swap3A_1071] {strides = array<i32>} : memref<128x16xf32, #tpu.memory_space<vmem>>, vector<1x16xf32>,
    %swap3A_1073 = vector.shape_cast %swap3A_1072 : vector<1x16xf32> to vector<16xf32>
    %swap3A_1074 = vector.shape_cast %broadcast_in_dim3A_792 : vector<16xf32> to vector<1x16xf32>
    tpu.vector_store %arg10[%swap3A_1070, %swap3A_1071], %swap3A_1074 {strides = array<i32>} : memref<128x16xf32, #tpu.memory_space<vmem>>, vector<1x16xf32>,
    %swap3A_1075 = arith.constant 47 : i32
    %swap3A_1076 = arith.index_cast %swap3A_1075 : i32 to index
    %swap3A_1077 = arith.constant 0 : index
    %swap3A_1078 = tpu.vector_load %arg10[%swap3A_1076, %swap3A_1077] {strides = array<i32>} : memref<128x16xf32, #tpu.memory_space<vmem>>, vector<1x16xf32>,
    %swap3A_1079 = vector.shape_cast %swap3A_1078 : vector<1x16xf32> to vector<16xf32>
    %swap3A_1080 = vector.shape_cast %broadcast_in_dim3A_792 : vector<16xf32> to vector<1x16xf32>
    tpu.vector_store %arg10[%swap3A_1076, %swap3A_1077], %swap3A_1080 {strides = array<i32>} : memref<128x16xf32, #tpu.memory_space<vmem>>, vector<1x16xf32>,
    %swap3A_1081 = arith.constant 48 : i32
    %swap3A_1082 = arith.index_cast %swap3A_1081 : i32 to index
    %swap3A_1083 = arith.constant 0 : index
    %swap3A_1084 = tpu.vector_load %arg10[%swap3A_1082, %swap3A_1083] {strides = array<i32>} : memref<128x16xf32, #tpu.memory_space<vmem>>, vector<1x16xf32>,
    %swap3A_1085 = vector.shape_cast %swap3A_1084 : vector<1x16xf32> to vector<16xf32>
    %swap3A_1086 = vector.shape_cast %broadcast_in_dim3A_792 : vector<16xf32> to vector<1x16xf32>
    tpu.vector_store %arg10[%swap3A_1082, %swap3A_1083], %swap3A_1086 {strides = array<i32>} : memref<128x16xf32, #tpu.memory_space<vmem>>, vector<1x16xf32>,
    %swap3A_1087 = arith.constant 49 : i32
    %swap3A_1088 = arith.index_cast %swap3A_1087 : i32 to index
    %swap3A_1089 = arith.constant 0 : index
    %swap3A_1090 = tpu.vector_load %arg10[%swap3A_1088, %swap3A_1089] {strides = array<i32>} : memref<128x16xf32, #tpu.memory_space<vmem>>, vector<1x16xf32>,
    %swap3A_1091 = vector.shape_cast %swap3A_1090 : vector<1x16xf32> to vector<16xf32>
    %swap3A_1092 = vector.shape_cast %broadcast_in_dim3A_792 : vector<16xf32> to vector<1x16xf32>
    tpu.vector_store %arg10[%swap3A_1088, %swap3A_1089], %swap3A_1092 {strides = array<i32>} : memref<128x16xf32, #tpu.memory_space<vmem>>, vector<1x16xf32>,
    %swap3A_1093 = arith.constant 50 : i32
    %swap3A_1094 = arith.index_cast %swap3A_1093 : i32 to index
    %swap3A_1095 = arith.constant 0 : index
    %swap3A_1096 = tpu.vector_load %arg10[%swap3A_1094, %swap3A_1095] {strides = array<i32>} : memref<128x16xf32, #tpu.memory_space<vmem>>, vector<1x16xf32>,
    %swap3A_1097 = vector.shape_cast %swap3A_1096 : vector<1x16xf32> to vector<16xf32>
    %swap3A_1098 = vector.shape_cast %broadcast_in_dim3A_792 : vector<16xf32> to vector<1x16xf32>
    tpu.vector_store %arg10[%swap3A_1094, %swap3A_1095], %swap3A_1098 {strides = array<i32>} : memref<128x16xf32, #tpu.memory_space<vmem>>, vector<1x16xf32>,
    %swap3A_1099 = arith.constant 51 : i32
    %swap3A_1100 = arith.index_cast %swap3A_1099 : i32 to index
    %swap3A_1101 = arith.constant 0 : index
    %swap3A_1102 = tpu.vector_load %arg10[%swap3A_1100, %swap3A_1101] {strides = array<i32>} : memref<128x16xf32, #tpu.memory_space<vmem>>, vector<1x16xf32>,
    %swap3A_1103 = vector.shape_cast %swap3A_1102 : vector<1x16xf32> to vector<16xf32>
    %swap3A_1104 = vector.shape_cast %broadcast_in_dim3A_792 : vector<16xf32> to vector<1x16xf32>
    tpu.vector_store %arg10[%swap3A_1100, %swap3A_1101], %swap3A_1104 {strides = array<i32>} : memref<128x16xf32, #tpu.memory_space<vmem>>, vector<1x16xf32>,
    %swap3A_1105 = arith.constant 52 : i32
    %swap3A_1106 = arith.index_cast %swap3A_1105 : i32 to index
    %swap3A_1107 = arith.constant 0 : index
    %swap3A_1108 = tpu.vector_load %arg10[%swap3A_1106, %swap3A_1107] {strides = array<i32>} : memref<128x16xf32, #tpu.memory_space<vmem>>, vector<1x16xf32>,
    %swap3A_1109 = vector.shape_cast %swap3A_1108 : vector<1x16xf32> to vector<16xf32>
    %swap3A_1110 = vector.shape_cast %broadcast_in_dim3A_792 : vector<16xf32> to vector<1x16xf32>
    tpu.vector_store %arg10[%swap3A_1106, %swap3A_1107], %swap3A_1110 {strides = array<i32>} : memref<128x16xf32, #tpu.memory_space<vmem>>, vector<1x16xf32>,
    %swap3A_1111 = arith.constant 53 : i32
    %swap3A_1112 = arith.index_cast %swap3A_1111 : i32 to index
    %swap3A_1113 = arith.constant 0 : index
    %swap3A_1114 = tpu.vector_load %arg10[%swap3A_1112, %swap3A_1113] {strides = array<i32>} : memref<128x16xf32, #tpu.memory_space<vmem>>, vector<1x16xf32>,
    %swap3A_1115 = vector.shape_cast %swap3A_1114 : vector<1x16xf32> to vector<16xf32>
    %swap3A_1116 = vector.shape_cast %broadcast_in_dim3A_792 : vector<16xf32> to vector<1x16xf32>
    tpu.vector_store %arg10[%swap3A_1112, %swap3A_1113], %swap3A_1116 {strides = array<i32>} : memref<128x16xf32, #tpu.memory_space<vmem>>, vector<1x16xf32>,
    %swap3A_1117 = arith.constant 54 : i32
    %swap3A_1118 = arith.index_cast %swap3A_1117 : i32 to index
    %swap3A_1119 = arith.constant 0 : index
    %swap3A_1120 = tpu.vector_load %arg10[%swap3A_1118, %swap3A_1119] {strides = array<i32>} : memref<128x16xf32, #tpu.memory_space<vmem>>, vector<1x16xf32>,
    %swap3A_1121 = vector.shape_cast %swap3A_1120 : vector<1x16xf32> to vector<16xf32>
    %swap3A_1122 = vector.shape_cast %broadcast_in_dim3A_792 : vector<16xf32> to vector<1x16xf32>
    tpu.vector_store %arg10[%swap3A_1118, %swap3A_1119], %swap3A_1122 {strides = array<i32>} : memref<128x16xf32, #tpu.memory_space<vmem>>, vector<1x16xf32>,
    %swap3A_1123 = arith.constant 55 : i32
    %swap3A_1124 = arith.index_cast %swap3A_1123 : i32 to index
    %swap3A_1125 = arith.constant 0 : index
    %swap3A_1126 = tpu.vector_load %arg10[%swap3A_1124, %swap3A_1125] {strides = array<i32>} : memref<128x16xf32, #tpu.memory_space<vmem>>, vector<1x16xf32>,
    %swap3A_1127 = vector.shape_cast %swap3A_1126 : vector<1x16xf32> to vector<16xf32>
    %swap3A_1128 = vector.shape_cast %broadcast_in_dim3A_792 : vector<16xf32> to vector<1x16xf32>
    tpu.vector_store %arg10[%swap3A_1124, %swap3A_1125], %swap3A_1128 {strides = array<i32>} : memref<128x16xf32, #tpu.memory_space<vmem>>, vector<1x16xf32>,
    %swap3A_1129 = arith.constant 56 : i32
    %swap3A_1130 = arith.index_cast %swap3A_1129 : i32 to index
    %swap3A_1131 = arith.constant 0 : index
    %swap3A_1132 = tpu.vector_load %arg10[%swap3A_1130, %swap3A_1131] {strides = array<i32>} : memref<128x16xf32, #tpu.memory_space<vmem>>, vector<1x16xf32>,
    %swap3A_1133 = vector.shape_cast %swap3A_1132 : vector<1x16xf32> to vector<16xf32>
    %swap3A_1134 = vector.shape_cast %broadcast_in_dim3A_792 : vector<16xf32> to vector<1x16xf32>
    tpu.vector_store %arg10[%swap3A_1130, %swap3A_1131], %swap3A_1134 {strides = array<i32>} : memref<128x16xf32, #tpu.memory_space<vmem>>, vector<1x16xf32>,
    %swap3A_1135 = arith.constant 57 : i32
    %swap3A_1136 = arith.index_cast %swap3A_1135 : i32 to index
    %swap3A_1137 = arith.constant 0 : index
    %swap3A_1138 = tpu.vector_load %arg10[%swap3A_1136, %swap3A_1137] {strides = array<i32>} : memref<128x16xf32, #tpu.memory_space<vmem>>, vector<1x16xf32>,
    %swap3A_1139 = vector.shape_cast %swap3A_1138 : vector<1x16xf32> to vector<16xf32>
    %swap3A_1140 = vector.shape_cast %broadcast_in_dim3A_792 : vector<16xf32> to vector<1x16xf32>
    tpu.vector_store %arg10[%swap3A_1136, %swap3A_1137], %swap3A_1140 {strides = array<i32>} : memref<128x16xf32, #tpu.memory_space<vmem>>, vector<1x16xf32>,
    %swap3A_1141 = arith.constant 58 : i32
    %swap3A_1142 = arith.index_cast %swap3A_1141 : i32 to index
    %swap3A_1143 = arith.constant 0 : index
    %swap3A_1144 = tpu.vector_load %arg10[%swap3A_1142, %swap3A_1143] {strides = array<i32>} : memref<128x16xf32, #tpu.memory_space<vmem>>, vector<1x16xf32>,
    %swap3A_1145 = vector.shape_cast %swap3A_1144 : vector<1x16xf32> to vector<16xf32>
    %swap3A_1146 = vector.shape_cast %broadcast_in_dim3A_792 : vector<16xf32> to vector<1x16xf32>
    tpu.vector_store %arg10[%swap3A_1142, %swap3A_1143], %swap3A_1146 {strides = array<i32>} : memref<128x16xf32, #tpu.memory_space<vmem>>, vector<1x16xf32>,
    %swap3A_1147 = arith.constant 59 : i32
    %swap3A_1148 = arith.index_cast %swap3A_1147 : i32 to index
    %swap3A_1149 = arith.constant 0 : index
    %swap3A_1150 = tpu.vector_load %arg10[%swap3A_1148, %swap3A_1149] {strides = array<i32>} : memref<128x16xf32, #tpu.memory_space<vmem>>, vector<1x16xf32>,
    %swap3A_1151 = vector.shape_cast %swap3A_1150 : vector<1x16xf32> to vector<16xf32>
    %swap3A_1152 = vector.shape_cast %broadcast_in_dim3A_792 : vector<16xf32> to vector<1x16xf32>
    tpu.vector_store %arg10[%swap3A_1148, %swap3A_1149], %swap3A_1152 {strides = array<i32>} : memref<128x16xf32, #tpu.memory_space<vmem>>, vector<1x16xf32>,
    %swap3A_1153 = arith.constant 60 : i32
    %swap3A_1154 = arith.index_cast %swap3A_1153 : i32 to index
    %swap3A_1155 = arith.constant 0 : index
    %swap3A_1156 = tpu.vector_load %arg10[%swap3A_1154, %swap3A_1155] {strides = array<i32>} : memref<128x16xf32, #tpu.memory_space<vmem>>, vector<1x16xf32>,
    %swap3A_1157 = vector.shape_cast %swap3A_1156 : vector<1x16xf32> to vector<16xf32>
    %swap3A_1158 = vector.shape_cast %broadcast_in_dim3A_792 : vector<16xf32> to vector<1x16xf32>
    tpu.vector_store %arg10[%swap3A_1154, %swap3A_1155], %swap3A_1158 {strides = array<i32>} : memref<128x16xf32, #tpu.memory_space<vmem>>, vector<1x16xf32>,
    %swap3A_1159 = arith.constant 61 : i32
    %swap3A_1160 = arith.index_cast %swap3A_1159 : i32 to index
    %swap3A_1161 = arith.constant 0 : index
    %swap3A_1162 = tpu.vector_load %arg10[%swap3A_1160, %swap3A_1161] {strides = array<i32>} : memref<128x16xf32, #tpu.memory_space<vmem>>, vector<1x16xf32>,
    %swap3A_1163 = vector.shape_cast %swap3A_1162 : vector<1x16xf32> to vector<16xf32>
    %swap3A_1164 = vector.shape_cast %broadcast_in_dim3A_792 : vector<16xf32> to vector<1x16xf32>
    tpu.vector_store %arg10[%swap3A_1160, %swap3A_1161], %swap3A_1164 {strides = array<i32>} : memref<128x16xf32, #tpu.memory_space<vmem>>, vector<1x16xf32>,
    %swap3A_1165 = arith.constant 62 : i32
    %swap3A_1166 = arith.index_cast %swap3A_1165 : i32 to index
    %swap3A_1167 = arith.constant 0 : index
    %swap3A_1168 = tpu.vector_load %arg10[%swap3A_1166, %swap3A_1167] {strides = array<i32>} : memref<128x16xf32, #tpu.memory_space<vmem>>, vector<1x16xf32>,
    %swap3A_1169 = vector.shape_cast %swap3A_1168 : vector<1x16xf32> to vector<16xf32>
    %swap3A_1170 = vector.shape_cast %broadcast_in_dim3A_792 : vector<16xf32> to vector<1x16xf32>
    tpu.vector_store %arg10[%swap3A_1166, %swap3A_1167], %swap3A_1170 {strides = array<i32>} : memref<128x16xf32, #tpu.memory_space<vmem>>, vector<1x16xf32>,
    %swap3A_1171 = arith.constant 63 : i32
    %swap3A_1172 = arith.index_cast %swap3A_1171 : i32 to index
    %swap3A_1173 = arith.constant 0 : index
    %swap3A_1174 = tpu.vector_load %arg10[%swap3A_1172, %swap3A_1173] {strides = array<i32>} : memref<128x16xf32, #tpu.memory_space<vmem>>, vector<1x16xf32>,
    %swap3A_1175 = vector.shape_cast %swap3A_1174 : vector<1x16xf32> to vector<16xf32>
    %swap3A_1176 = vector.shape_cast %broadcast_in_dim3A_792 : vector<16xf32> to vector<1x16xf32>
    tpu.vector_store %arg10[%swap3A_1172, %swap3A_1173], %swap3A_1176 {strides = array<i32>} : memref<128x16xf32, #tpu.memory_space<vmem>>, vector<1x16xf32>,
    %swap3A_1177 = arith.constant 64 : i32
    %swap3A_1178 = arith.index_cast %swap3A_1177 : i32 to index
    %swap3A_1179 = arith.constant 0 : index
    %swap3A_1180 = tpu.vector_load %arg10[%swap3A_1178, %swap3A_1179] {strides = array<i32>} : memref<128x16xf32, #tpu.memory_space<vmem>>, vector<1x16xf32>,
    %swap3A_1181 = vector.shape_cast %swap3A_1180 : vector<1x16xf32> to vector<16xf32>
    %swap3A_1182 = vector.shape_cast %broadcast_in_dim3A_792 : vector<16xf32> to vector<1x16xf32>
    tpu.vector_store %arg10[%swap3A_1178, %swap3A_1179], %swap3A_1182 {strides = array<i32>} : memref<128x16xf32, #tpu.memory_space<vmem>>, vector<1x16xf32>,
    %swap3A_1183 = arith.constant 65 : i32
    %swap3A_1184 = arith.index_cast %swap3A_1183 : i32 to index
    %swap3A_1185 = arith.constant 0 : index
    %swap3A_1186 = tpu.vector_load %arg10[%swap3A_1184, %swap3A_1185] {strides = array<i32>} : memref<128x16xf32, #tpu.memory_space<vmem>>, vector<1x16xf32>,
    %swap3A_1187 = vector.shape_cast %swap3A_1186 : vector<1x16xf32> to vector<16xf32>
    %swap3A_1188 = vector.shape_cast %broadcast_in_dim3A_792 : vector<16xf32> to vector<1x16xf32>
    tpu.vector_store %arg10[%swap3A_1184, %swap3A_1185], %swap3A_1188 {strides = array<i32>} : memref<128x16xf32, #tpu.memory_space<vmem>>, vector<1x16xf32>,
    %swap3A_1189 = arith.constant 66 : i32
    %swap3A_1190 = arith.index_cast %swap3A_1189 : i32 to index
    %swap3A_1191 = arith.constant 0 : index
    %swap3A_1192 = tpu.vector_load %arg10[%swap3A_1190, %swap3A_1191] {strides = array<i32>} : memref<128x16xf32, #tpu.memory_space<vmem>>, vector<1x16xf32>,
    %swap3A_1193 = vector.shape_cast %swap3A_1192 : vector<1x16xf32> to vector<16xf32>
    %swap3A_1194 = vector.shape_cast %broadcast_in_dim3A_792 : vector<16xf32> to vector<1x16xf32>
    tpu.vector_store %arg10[%swap3A_1190, %swap3A_1191], %swap3A_1194 {strides = array<i32>} : memref<128x16xf32, #tpu.memory_space<vmem>>, vector<1x16xf32>,
    %swap3A_1195 = arith.constant 67 : i32
    %swap3A_1196 = arith.index_cast %swap3A_1195 : i32 to index
    %swap3A_1197 = arith.constant 0 : index
    %swap3A_1198 = tpu.vector_load %arg10[%swap3A_1196, %swap3A_1197] {strides = array<i32>} : memref<128x16xf32, #tpu.memory_space<vmem>>, vector<1x16xf32>,
    %swap3A_1199 = vector.shape_cast %swap3A_1198 : vector<1x16xf32> to vector<16xf32>
    %swap3A_1200 = vector.shape_cast %broadcast_in_dim3A_792 : vector<16xf32> to vector<1x16xf32>
    tpu.vector_store %arg10[%swap3A_1196, %swap3A_1197], %swap3A_1200 {strides = array<i32>} : memref<128x16xf32, #tpu.memory_space<vmem>>, vector<1x16xf32>,
    %swap3A_1201 = arith.constant 68 : i32
    %swap3A_1202 = arith.index_cast %swap3A_1201 : i32 to index
    %swap3A_1203 = arith.constant 0 : index
    %swap3A_1204 = tpu.vector_load %arg10[%swap3A_1202, %swap3A_1203] {strides = array<i32>} : memref<128x16xf32, #tpu.memory_space<vmem>>, vector<1x16xf32>,
    %swap3A_1205 = vector.shape_cast %swap3A_1204 : vector<1x16xf32> to vector<16xf32>
    %swap3A_1206 = vector.shape_cast %broadcast_in_dim3A_792 : vector<16xf32> to vector<1x16xf32>
    tpu.vector_store %arg10[%swap3A_1202, %swap3A_1203], %swap3A_1206 {strides = array<i32>} : memref<128x16xf32, #tpu.memory_space<vmem>>, vector<1x16xf32>,
    %swap3A_1207 = arith.constant 69 : i32
    %swap3A_1208 = arith.index_cast %swap3A_1207 : i32 to index
    %swap3A_1209 = arith.constant 0 : index
    %swap3A_1210 = tpu.vector_load %arg10[%swap3A_1208, %swap3A_1209] {strides = array<i32>} : memref<128x16xf32, #tpu.memory_space<vmem>>, vector<1x16xf32>,
    %swap3A_1211 = vector.shape_cast %swap3A_1210 : vector<1x16xf32> to vector<16xf32>
    %swap3A_1212 = vector.shape_cast %broadcast_in_dim3A_792 : vector<16xf32> to vector<1x16xf32>
    tpu.vector_store %arg10[%swap3A_1208, %swap3A_1209], %swap3A_1212 {strides = array<i32>} : memref<128x16xf32, #tpu.memory_space<vmem>>, vector<1x16xf32>,
    %swap3A_1213 = arith.constant 70 : i32
    %swap3A_1214 = arith.index_cast %swap3A_1213 : i32 to index
    %swap3A_1215 = arith.constant 0 : index
    %swap3A_1216 = tpu.vector_load %arg10[%swap3A_1214, %swap3A_1215] {strides = array<i32>} : memref<128x16xf32, #tpu.memory_space<vmem>>, vector<1x16xf32>,
    %swap3A_1217 = vector.shape_cast %swap3A_1216 : vector<1x16xf32> to vector<16xf32>
    %swap3A_1218 = vector.shape_cast %broadcast_in_dim3A_792 : vector<16xf32> to vector<1x16xf32>
    tpu.vector_store %arg10[%swap3A_1214, %swap3A_1215], %swap3A_1218 {strides = array<i32>} : memref<128x16xf32, #tpu.memory_space<vmem>>, vector<1x16xf32>,
    %swap3A_1219 = arith.constant 71 : i32
    %swap3A_1220 = arith.index_cast %swap3A_1219 : i32 to index
    %swap3A_1221 = arith.constant 0 : index
    %swap3A_1222 = tpu.vector_load %arg10[%swap3A_1220, %swap3A_1221] {strides = array<i32>} : memref<128x16xf32, #tpu.memory_space<vmem>>, vector<1x16xf32>,
    %swap3A_1223 = vector.shape_cast %swap3A_1222 : vector<1x16xf32> to vector<16xf32>
    %swap3A_1224 = vector.shape_cast %broadcast_in_dim3A_792 : vector<16xf32> to vector<1x16xf32>
    tpu.vector_store %arg10[%swap3A_1220, %swap3A_1221], %swap3A_1224 {strides = array<i32>} : memref<128x16xf32, #tpu.memory_space<vmem>>, vector<1x16xf32>,
    %swap3A_1225 = arith.constant 72 : i32
    %swap3A_1226 = arith.index_cast %swap3A_1225 : i32 to index
    %swap3A_1227 = arith.constant 0 : index
    %swap3A_1228 = tpu.vector_load %arg10[%swap3A_1226, %swap3A_1227] {strides = array<i32>} : memref<128x16xf32, #tpu.memory_space<vmem>>, vector<1x16xf32>,
    %swap3A_1229 = vector.shape_cast %swap3A_1228 : vector<1x16xf32> to vector<16xf32>
    %swap3A_1230 = vector.shape_cast %broadcast_in_dim3A_792 : vector<16xf32> to vector<1x16xf32>
    tpu.vector_store %arg10[%swap3A_1226, %swap3A_1227], %swap3A_1230 {strides = array<i32>} : memref<128x16xf32, #tpu.memory_space<vmem>>, vector<1x16xf32>,
    %swap3A_1231 = arith.constant 73 : i32
    %swap3A_1232 = arith.index_cast %swap3A_1231 : i32 to index
    %swap3A_1233 = arith.constant 0 : index
    %swap3A_1234 = tpu.vector_load %arg10[%swap3A_1232, %swap3A_1233] {strides = array<i32>} : memref<128x16xf32, #tpu.memory_space<vmem>>, vector<1x16xf32>,
    %swap3A_1235 = vector.shape_cast %swap3A_1234 : vector<1x16xf32> to vector<16xf32>
    %swap3A_1236 = vector.shape_cast %broadcast_in_dim3A_792 : vector<16xf32> to vector<1x16xf32>
    tpu.vector_store %arg10[%swap3A_1232, %swap3A_1233], %swap3A_1236 {strides = array<i32>} : memref<128x16xf32, #tpu.memory_space<vmem>>, vector<1x16xf32>,
    %swap3A_1237 = arith.constant 74 : i32
    %swap3A_1238 = arith.index_cast %swap3A_1237 : i32 to index
    %swap3A_1239 = arith.constant 0 : index
    %swap3A_1240 = tpu.vector_load %arg10[%swap3A_1238, %swap3A_1239] {strides = array<i32>} : memref<128x16xf32, #tpu.memory_space<vmem>>, vector<1x16xf32>,
    %swap3A_1241 = vector.shape_cast %swap3A_1240 : vector<1x16xf32> to vector<16xf32>
    %swap3A_1242 = vector.shape_cast %broadcast_in_dim3A_792 : vector<16xf32> to vector<1x16xf32>
    tpu.vector_store %arg10[%swap3A_1238, %swap3A_1239], %swap3A_1242 {strides = array<i32>} : memref<128x16xf32, #tpu.memory_space<vmem>>, vector<1x16xf32>,
    %swap3A_1243 = arith.constant 75 : i32
    %swap3A_1244 = arith.index_cast %swap3A_1243 : i32 to index
    %swap3A_1245 = arith.constant 0 : index
    %swap3A_1246 = tpu.vector_load %arg10[%swap3A_1244, %swap3A_1245] {strides = array<i32>} : memref<128x16xf32, #tpu.memory_space<vmem>>, vector<1x16xf32>,
    %swap3A_1247 = vector.shape_cast %swap3A_1246 : vector<1x16xf32> to vector<16xf32>
    %swap3A_1248 = vector.shape_cast %broadcast_in_dim3A_792 : vector<16xf32> to vector<1x16xf32>
    tpu.vector_store %arg10[%swap3A_1244, %swap3A_1245], %swap3A_1248 {strides = array<i32>} : memref<128x16xf32, #tpu.memory_space<vmem>>, vector<1x16xf32>,
    %swap3A_1249 = arith.constant 76 : i32
    %swap3A_1250 = arith.index_cast %swap3A_1249 : i32 to index
    %swap3A_1251 = arith.constant 0 : index
    %swap3A_1252 = tpu.vector_load %arg10[%swap3A_1250, %swap3A_1251] {strides = array<i32>} : memref<128x16xf32, #tpu.memory_space<vmem>>, vector<1x16xf32>,
    %swap3A_1253 = vector.shape_cast %swap3A_1252 : vector<1x16xf32> to vector<16xf32>
    %swap3A_1254 = vector.shape_cast %broadcast_in_dim3A_792 : vector<16xf32> to vector<1x16xf32>
    tpu.vector_store %arg10[%swap3A_1250, %swap3A_1251], %swap3A_1254 {strides = array<i32>} : memref<128x16xf32, #tpu.memory_space<vmem>>, vector<1x16xf32>,
    %swap3A_1255 = arith.constant 77 : i32
    %swap3A_1256 = arith.index_cast %swap3A_1255 : i32 to index
    %swap3A_1257 = arith.constant 0 : index
    %swap3A_1258 = tpu.vector_load %arg10[%swap3A_1256, %swap3A_1257] {strides = array<i32>} : memref<128x16xf32, #tpu.memory_space<vmem>>, vector<1x16xf32>,
    %swap3A_1259 = vector.shape_cast %swap3A_1258 : vector<1x16xf32> to vector<16xf32>
    %swap3A_1260 = vector.shape_cast %broadcast_in_dim3A_792 : vector<16xf32> to vector<1x16xf32>
    tpu.vector_store %arg10[%swap3A_1256, %swap3A_1257], %swap3A_1260 {strides = array<i32>} : memref<128x16xf32, #tpu.memory_space<vmem>>, vector<1x16xf32>,
    %swap3A_1261 = arith.constant 78 : i32
    %swap3A_1262 = arith.index_cast %swap3A_1261 : i32 to index
    %swap3A_1263 = arith.constant 0 : index
    %swap3A_1264 = tpu.vector_load %arg10[%swap3A_1262, %swap3A_1263] {strides = array<i32>} : memref<128x16xf32, #tpu.memory_space<vmem>>, vector<1x16xf32>,
    %swap3A_1265 = vector.shape_cast %swap3A_1264 : vector<1x16xf32> to vector<16xf32>
    %swap3A_1266 = vector.shape_cast %broadcast_in_dim3A_792 : vector<16xf32> to vector<1x16xf32>
    tpu.vector_store %arg10[%swap3A_1262, %swap3A_1263], %swap3A_1266 {strides = array<i32>} : memref<128x16xf32, #tpu.memory_space<vmem>>, vector<1x16xf32>,
    %swap3A_1267 = arith.constant 79 : i32
    %swap3A_1268 = arith.index_cast %swap3A_1267 : i32 to index
    %swap3A_1269 = arith.constant 0 : index
    %swap3A_1270 = tpu.vector_load %arg10[%swap3A_1268, %swap3A_1269] {strides = array<i32>} : memref<128x16xf32, #tpu.memory_space<vmem>>, vector<1x16xf32>,
    %swap3A_1271 = vector.shape_cast %swap3A_1270 : vector<1x16xf32> to vector<16xf32>
    %swap3A_1272 = vector.shape_cast %broadcast_in_dim3A_792 : vector<16xf32> to vector<1x16xf32>
    tpu.vector_store %arg10[%swap3A_1268, %swap3A_1269], %swap3A_1272 {strides = array<i32>} : memref<128x16xf32, #tpu.memory_space<vmem>>, vector<1x16xf32>,
    %swap3A_1273 = arith.constant 80 : i32
    %swap3A_1274 = arith.index_cast %swap3A_1273 : i32 to index
    %swap3A_1275 = arith.constant 0 : index
    %swap3A_1276 = tpu.vector_load %arg10[%swap3A_1274, %swap3A_1275] {strides = array<i32>} : memref<128x16xf32, #tpu.memory_space<vmem>>, vector<1x16xf32>,
    %swap3A_1277 = vector.shape_cast %swap3A_1276 : vector<1x16xf32> to vector<16xf32>
    %swap3A_1278 = vector.shape_cast %broadcast_in_dim3A_792 : vector<16xf32> to vector<1x16xf32>
    tpu.vector_store %arg10[%swap3A_1274, %swap3A_1275], %swap3A_1278 {strides = array<i32>} : memref<128x16xf32, #tpu.memory_space<vmem>>, vector<1x16xf32>,
    %swap3A_1279 = arith.constant 81 : i32
    %swap3A_1280 = arith.index_cast %swap3A_1279 : i32 to index
    %swap3A_1281 = arith.constant 0 : index
    %swap3A_1282 = tpu.vector_load %arg10[%swap3A_1280, %swap3A_1281] {strides = array<i32>} : memref<128x16xf32, #tpu.memory_space<vmem>>, vector<1x16xf32>,
    %swap3A_1283 = vector.shape_cast %swap3A_1282 : vector<1x16xf32> to vector<16xf32>
    %swap3A_1284 = vector.shape_cast %broadcast_in_dim3A_792 : vector<16xf32> to vector<1x16xf32>
    tpu.vector_store %arg10[%swap3A_1280, %swap3A_1281], %swap3A_1284 {strides = array<i32>} : memref<128x16xf32, #tpu.memory_space<vmem>>, vector<1x16xf32>,
    %swap3A_1285 = arith.constant 82 : i32
    %swap3A_1286 = arith.index_cast %swap3A_1285 : i32 to index
    %swap3A_1287 = arith.constant 0 : index
    %swap3A_1288 = tpu.vector_load %arg10[%swap3A_1286, %swap3A_1287] {strides = array<i32>} : memref<128x16xf32, #tpu.memory_space<vmem>>, vector<1x16xf32>,
    %swap3A_1289 = vector.shape_cast %swap3A_1288 : vector<1x16xf32> to vector<16xf32>
    %swap3A_1290 = vector.shape_cast %broadcast_in_dim3A_792 : vector<16xf32> to vector<1x16xf32>
    tpu.vector_store %arg10[%swap3A_1286, %swap3A_1287], %swap3A_1290 {strides = array<i32>} : memref<128x16xf32, #tpu.memory_space<vmem>>, vector<1x16xf32>,
    %swap3A_1291 = arith.constant 83 : i32
    %swap3A_1292 = arith.index_cast %swap3A_1291 : i32 to index
    %swap3A_1293 = arith.constant 0 : index
    %swap3A_1294 = tpu.vector_load %arg10[%swap3A_1292, %swap3A_1293] {strides = array<i32>} : memref<128x16xf32, #tpu.memory_space<vmem>>, vector<1x16xf32>,
    %swap3A_1295 = vector.shape_cast %swap3A_1294 : vector<1x16xf32> to vector<16xf32>
    %swap3A_1296 = vector.shape_cast %broadcast_in_dim3A_792 : vector<16xf32> to vector<1x16xf32>
    tpu.vector_store %arg10[%swap3A_1292, %swap3A_1293], %swap3A_1296 {strides = array<i32>} : memref<128x16xf32, #tpu.memory_space<vmem>>, vector<1x16xf32>,
    %swap3A_1297 = arith.constant 84 : i32
    %swap3A_1298 = arith.index_cast %swap3A_1297 : i32 to index
    %swap3A_1299 = arith.constant 0 : index
    %swap3A_1300 = tpu.vector_load %arg10[%swap3A_1298, %swap3A_1299] {strides = array<i32>} : memref<128x16xf32, #tpu.memory_space<vmem>>, vector<1x16xf32>,
    %swap3A_1301 = vector.shape_cast %swap3A_1300 : vector<1x16xf32> to vector<16xf32>
    %swap3A_1302 = vector.shape_cast %broadcast_in_dim3A_792 : vector<16xf32> to vector<1x16xf32>
    tpu.vector_store %arg10[%swap3A_1298, %swap3A_1299], %swap3A_1302 {strides = array<i32>} : memref<128x16xf32, #tpu.memory_space<vmem>>, vector<1x16xf32>,
    %swap3A_1303 = arith.constant 85 : i32
    %swap3A_1304 = arith.index_cast %swap3A_1303 : i32 to index
    %swap3A_1305 = arith.constant 0 : index
    %swap3A_1306 = tpu.vector_load %arg10[%swap3A_1304, %swap3A_1305] {strides = array<i32>} : memref<128x16xf32, #tpu.memory_space<vmem>>, vector<1x16xf32>,
    %swap3A_1307 = vector.shape_cast %swap3A_1306 : vector<1x16xf32> to vector<16xf32>
    %swap3A_1308 = vector.shape_cast %broadcast_in_dim3A_792 : vector<16xf32> to vector<1x16xf32>
    tpu.vector_store %arg10[%swap3A_1304, %swap3A_1305], %swap3A_1308 {strides = array<i32>} : memref<128x16xf32, #tpu.memory_space<vmem>>, vector<1x16xf32>,
    %swap3A_1309 = arith.constant 86 : i32
    %swap3A_1310 = arith.index_cast %swap3A_1309 : i32 to index
    %swap3A_1311 = arith.constant 0 : index
    %swap3A_1312 = tpu.vector_load %arg10[%swap3A_1310, %swap3A_1311] {strides = array<i32>} : memref<128x16xf32, #tpu.memory_space<vmem>>, vector<1x16xf32>,
    %swap3A_1313 = vector.shape_cast %swap3A_1312 : vector<1x16xf32> to vector<16xf32>
    %swap3A_1314 = vector.shape_cast %broadcast_in_dim3A_792 : vector<16xf32> to vector<1x16xf32>
    tpu.vector_store %arg10[%swap3A_1310, %swap3A_1311], %swap3A_1314 {strides = array<i32>} : memref<128x16xf32, #tpu.memory_space<vmem>>, vector<1x16xf32>,
    %swap3A_1315 = arith.constant 87 : i32
    %swap3A_1316 = arith.index_cast %swap3A_1315 : i32 to index
    %swap3A_1317 = arith.constant 0 : index
    %swap3A_1318 = tpu.vector_load %arg10[%swap3A_1316, %swap3A_1317] {strides = array<i32>} : memref<128x16xf32, #tpu.memory_space<vmem>>, vector<1x16xf32>,
    %swap3A_1319 = vector.shape_cast %swap3A_1318 : vector<1x16xf32> to vector<16xf32>
    %swap3A_1320 = vector.shape_cast %broadcast_in_dim3A_792 : vector<16xf32> to vector<1x16xf32>
    tpu.vector_store %arg10[%swap3A_1316, %swap3A_1317], %swap3A_1320 {strides = array<i32>} : memref<128x16xf32, #tpu.memory_space<vmem>>, vector<1x16xf32>,
    %swap3A_1321 = arith.constant 88 : i32
    %swap3A_1322 = arith.index_cast %swap3A_1321 : i32 to index
    %swap3A_1323 = arith.constant 0 : index
    %swap3A_1324 = tpu.vector_load %arg10[%swap3A_1322, %swap3A_1323] {strides = array<i32>} : memref<128x16xf32, #tpu.memory_space<vmem>>, vector<1x16xf32>,
    %swap3A_1325 = vector.shape_cast %swap3A_1324 : vector<1x16xf32> to vector<16xf32>
    %swap3A_1326 = vector.shape_cast %broadcast_in_dim3A_792 : vector<16xf32> to vector<1x16xf32>
    tpu.vector_store %arg10[%swap3A_1322, %swap3A_1323], %swap3A_1326 {strides = array<i32>} : memref<128x16xf32, #tpu.memory_space<vmem>>, vector<1x16xf32>,
    %swap3A_1327 = arith.constant 89 : i32
    %swap3A_1328 = arith.index_cast %swap3A_1327 : i32 to index
    %swap3A_1329 = arith.constant 0 : index
    %swap3A_1330 = tpu.vector_load %arg10[%swap3A_1328, %swap3A_1329] {strides = array<i32>} : memref<128x16xf32, #tpu.memory_space<vmem>>, vector<1x16xf32>,
    %swap3A_1331 = vector.shape_cast %swap3A_1330 : vector<1x16xf32> to vector<16xf32>
    %swap3A_1332 = vector.shape_cast %broadcast_in_dim3A_792 : vector<16xf32> to vector<1x16xf32>
    tpu.vector_store %arg10[%swap3A_1328, %swap3A_1329], %swap3A_1332 {strides = array<i32>} : memref<128x16xf32, #tpu.memory_space<vmem>>, vector<1x16xf32>,
    %swap3A_1333 = arith.constant 90 : i32
    %swap3A_1334 = arith.index_cast %swap3A_1333 : i32 to index
    %swap3A_1335 = arith.constant 0 : index
    %swap3A_1336 = tpu.vector_load %arg10[%swap3A_1334, %swap3A_1335] {strides = array<i32>} : memref<128x16xf32, #tpu.memory_space<vmem>>, vector<1x16xf32>,
    %swap3A_1337 = vector.shape_cast %swap3A_1336 : vector<1x16xf32> to vector<16xf32>
    %swap3A_1338 = vector.shape_cast %broadcast_in_dim3A_792 : vector<16xf32> to vector<1x16xf32>
    tpu.vector_store %arg10[%swap3A_1334, %swap3A_1335], %swap3A_1338 {strides = array<i32>} : memref<128x16xf32, #tpu.memory_space<vmem>>, vector<1x16xf32>,
    %swap3A_1339 = arith.constant 91 : i32
    %swap3A_1340 = arith.index_cast %swap3A_1339 : i32 to index
    %swap3A_1341 = arith.constant 0 : index
    %swap3A_1342 = tpu.vector_load %arg10[%swap3A_1340, %swap3A_1341] {strides = array<i32>} : memref<128x16xf32, #tpu.memory_space<vmem>>, vector<1x16xf32>,
    %swap3A_1343 = vector.shape_cast %swap3A_1342 : vector<1x16xf32> to vector<16xf32>
    %swap3A_1344 = vector.shape_cast %broadcast_in_dim3A_792 : vector<16xf32> to vector<1x16xf32>
    tpu.vector_store %arg10[%swap3A_1340, %swap3A_1341], %swap3A_1344 {strides = array<i32>} : memref<128x16xf32, #tpu.memory_space<vmem>>, vector<1x16xf32>,
    %swap3A_1345 = arith.constant 92 : i32
    %swap3A_1346 = arith.index_cast %swap3A_1345 : i32 to index
    %swap3A_1347 = arith.constant 0 : index
    %swap3A_1348 = tpu.vector_load %arg10[%swap3A_1346, %swap3A_1347] {strides = array<i32>} : memref<128x16xf32, #tpu.memory_space<vmem>>, vector<1x16xf32>,
    %swap3A_1349 = vector.shape_cast %swap3A_1348 : vector<1x16xf32> to vector<16xf32>
    %swap3A_1350 = vector.shape_cast %broadcast_in_dim3A_792 : vector<16xf32> to vector<1x16xf32>
    tpu.vector_store %arg10[%swap3A_1346, %swap3A_1347], %swap3A_1350 {strides = array<i32>} : memref<128x16xf32, #tpu.memory_space<vmem>>, vector<1x16xf32>,
    %swap3A_1351 = arith.constant 93 : i32
    %swap3A_1352 = arith.index_cast %swap3A_1351 : i32 to index
    %swap3A_1353 = arith.constant 0 : index
    %swap3A_1354 = tpu.vector_load %arg10[%swap3A_1352, %swap3A_1353] {strides = array<i32>} : memref<128x16xf32, #tpu.memory_space<vmem>>, vector<1x16xf32>,
    %swap3A_1355 = vector.shape_cast %swap3A_1354 : vector<1x16xf32> to vector<16xf32>
    %swap3A_1356 = vector.shape_cast %broadcast_in_dim3A_792 : vector<16xf32> to vector<1x16xf32>
    tpu.vector_store %arg10[%swap3A_1352, %swap3A_1353], %swap3A_1356 {strides = array<i32>} : memref<128x16xf32, #tpu.memory_space<vmem>>, vector<1x16xf32>,
    %swap3A_1357 = arith.constant 94 : i32
    %swap3A_1358 = arith.index_cast %swap3A_1357 : i32 to index
    %swap3A_1359 = arith.constant 0 : index
    %swap3A_1360 = tpu.vector_load %arg10[%swap3A_1358, %swap3A_1359] {strides = array<i32>} : memref<128x16xf32, #tpu.memory_space<vmem>>, vector<1x16xf32>,
    %swap3A_1361 = vector.shape_cast %swap3A_1360 : vector<1x16xf32> to vector<16xf32>
    %swap3A_1362 = vector.shape_cast %broadcast_in_dim3A_792 : vector<16xf32> to vector<1x16xf32>
    tpu.vector_store %arg10[%swap3A_1358, %swap3A_1359], %swap3A_1362 {strides = array<i32>} : memref<128x16xf32, #tpu.memory_space<vmem>>, vector<1x16xf32>,
    %swap3A_1363 = arith.constant 95 : i32
    %swap3A_1364 = arith.index_cast %swap3A_1363 : i32 to index
    %swap3A_1365 = arith.constant 0 : index
    %swap3A_1366 = tpu.vector_load %arg10[%swap3A_1364, %swap3A_1365] {strides = array<i32>} : memref<128x16xf32, #tpu.memory_space<vmem>>, vector<1x16xf32>,
    %swap3A_1367 = vector.shape_cast %swap3A_1366 : vector<1x16xf32> to vector<16xf32>
    %swap3A_1368 = vector.shape_cast %broadcast_in_dim3A_792 : vector<16xf32> to vector<1x16xf32>
    tpu.vector_store %arg10[%swap3A_1364, %swap3A_1365], %swap3A_1368 {strides = array<i32>} : memref<128x16xf32, #tpu.memory_space<vmem>>, vector<1x16xf32>,
    %swap3A_1369 = arith.constant 96 : i32
    %swap3A_1370 = arith.index_cast %swap3A_1369 : i32 to index
    %swap3A_1371 = arith.constant 0 : index
    %swap3A_1372 = tpu.vector_load %arg10[%swap3A_1370, %swap3A_1371] {strides = array<i32>} : memref<128x16xf32, #tpu.memory_space<vmem>>, vector<1x16xf32>,
    %swap3A_1373 = vector.shape_cast %swap3A_1372 : vector<1x16xf32> to vector<16xf32>
    %swap3A_1374 = vector.shape_cast %broadcast_in_dim3A_792 : vector<16xf32> to vector<1x16xf32>
    tpu.vector_store %arg10[%swap3A_1370, %swap3A_1371], %swap3A_1374 {strides = array<i32>} : memref<128x16xf32, #tpu.memory_space<vmem>>, vector<1x16xf32>,
    %swap3A_1375 = arith.constant 97 : i32
    %swap3A_1376 = arith.index_cast %swap3A_1375 : i32 to index
    %swap3A_1377 = arith.constant 0 : index
    %swap3A_1378 = tpu.vector_load %arg10[%swap3A_1376, %swap3A_1377] {strides = array<i32>} : memref<128x16xf32, #tpu.memory_space<vmem>>, vector<1x16xf32>,
    %swap3A_1379 = vector.shape_cast %swap3A_1378 : vector<1x16xf32> to vector<16xf32>
    %swap3A_1380 = vector.shape_cast %broadcast_in_dim3A_792 : vector<16xf32> to vector<1x16xf32>
    tpu.vector_store %arg10[%swap3A_1376, %swap3A_1377], %swap3A_1380 {strides = array<i32>} : memref<128x16xf32, #tpu.memory_space<vmem>>, vector<1x16xf32>,
    %swap3A_1381 = arith.constant 98 : i32
    %swap3A_1382 = arith.index_cast %swap3A_1381 : i32 to index
    %swap3A_1383 = arith.constant 0 : index
    %swap3A_1384 = tpu.vector_load %arg10[%swap3A_1382, %swap3A_1383] {strides = array<i32>} : memref<128x16xf32, #tpu.memory_space<vmem>>, vector<1x16xf32>,
    %swap3A_1385 = vector.shape_cast %swap3A_1384 : vector<1x16xf32> to vector<16xf32>
    %swap3A_1386 = vector.shape_cast %broadcast_in_dim3A_792 : vector<16xf32> to vector<1x16xf32>
    tpu.vector_store %arg10[%swap3A_1382, %swap3A_1383], %swap3A_1386 {strides = array<i32>} : memref<128x16xf32, #tpu.memory_space<vmem>>, vector<1x16xf32>,
    %swap3A_1387 = arith.constant 99 : i32
    %swap3A_1388 = arith.index_cast %swap3A_1387 : i32 to index
    %swap3A_1389 = arith.constant 0 : index
    %swap3A_1390 = tpu.vector_load %arg10[%swap3A_1388, %swap3A_1389] {strides = array<i32>} : memref<128x16xf32, #tpu.memory_space<vmem>>, vector<1x16xf32>,
    %swap3A_1391 = vector.shape_cast %swap3A_1390 : vector<1x16xf32> to vector<16xf32>
    %swap3A_1392 = vector.shape_cast %broadcast_in_dim3A_792 : vector<16xf32> to vector<1x16xf32>
    tpu.vector_store %arg10[%swap3A_1388, %swap3A_1389], %swap3A_1392 {strides = array<i32>} : memref<128x16xf32, #tpu.memory_space<vmem>>, vector<1x16xf32>,
    %swap3A_1393 = arith.constant 100 : i32
    %swap3A_1394 = arith.index_cast %swap3A_1393 : i32 to index
    %swap3A_1395 = arith.constant 0 : index
    %swap3A_1396 = tpu.vector_load %arg10[%swap3A_1394, %swap3A_1395] {strides = array<i32>} : memref<128x16xf32, #tpu.memory_space<vmem>>, vector<1x16xf32>,
    %swap3A_1397 = vector.shape_cast %swap3A_1396 : vector<1x16xf32> to vector<16xf32>
    %swap3A_1398 = vector.shape_cast %broadcast_in_dim3A_792 : vector<16xf32> to vector<1x16xf32>
    tpu.vector_store %arg10[%swap3A_1394, %swap3A_1395], %swap3A_1398 {strides = array<i32>} : memref<128x16xf32, #tpu.memory_space<vmem>>, vector<1x16xf32>,
    %swap3A_1399 = arith.constant 101 : i32
    %swap3A_1400 = arith.index_cast %swap3A_1399 : i32 to index
    %swap3A_1401 = arith.constant 0 : index
    %swap3A_1402 = tpu.vector_load %arg10[%swap3A_1400, %swap3A_1401] {strides = array<i32>} : memref<128x16xf32, #tpu.memory_space<vmem>>, vector<1x16xf32>,
    %swap3A_1403 = vector.shape_cast %swap3A_1402 : vector<1x16xf32> to vector<16xf32>
    %swap3A_1404 = vector.shape_cast %broadcast_in_dim3A_792 : vector<16xf32> to vector<1x16xf32>
    tpu.vector_store %arg10[%swap3A_1400, %swap3A_1401], %swap3A_1404 {strides = array<i32>} : memref<128x16xf32, #tpu.memory_space<vmem>>, vector<1x16xf32>,
    %swap3A_1405 = arith.constant 102 : i32
    %swap3A_1406 = arith.index_cast %swap3A_1405 : i32 to index
    %swap3A_1407 = arith.constant 0 : index
    %swap3A_1408 = tpu.vector_load %arg10[%swap3A_1406, %swap3A_1407] {strides = array<i32>} : memref<128x16xf32, #tpu.memory_space<vmem>>, vector<1x16xf32>,
    %swap3A_1409 = vector.shape_cast %swap3A_1408 : vector<1x16xf32> to vector<16xf32>
    %swap3A_1410 = vector.shape_cast %broadcast_in_dim3A_792 : vector<16xf32> to vector<1x16xf32>
    tpu.vector_store %arg10[%swap3A_1406, %swap3A_1407], %swap3A_1410 {strides = array<i32>} : memref<128x16xf32, #tpu.memory_space<vmem>>, vector<1x16xf32>,
    %swap3A_1411 = arith.constant 103 : i32
    %swap3A_1412 = arith.index_cast %swap3A_1411 : i32 to index
    %swap3A_1413 = arith.constant 0 : index
    %swap3A_1414 = tpu.vector_load %arg10[%swap3A_1412, %swap3A_1413] {strides = array<i32>} : memref<128x16xf32, #tpu.memory_space<vmem>>, vector<1x16xf32>,
    %swap3A_1415 = vector.shape_cast %swap3A_1414 : vector<1x16xf32> to vector<16xf32>
    %swap3A_1416 = vector.shape_cast %broadcast_in_dim3A_792 : vector<16xf32> to vector<1x16xf32>
    tpu.vector_store %arg10[%swap3A_1412, %swap3A_1413], %swap3A_1416 {strides = array<i32>} : memref<128x16xf32, #tpu.memory_space<vmem>>, vector<1x16xf32>,
    %swap3A_1417 = arith.constant 104 : i32
    %swap3A_1418 = arith.index_cast %swap3A_1417 : i32 to index
    %swap3A_1419 = arith.constant 0 : index
    %swap3A_1420 = tpu.vector_load %arg10[%swap3A_1418, %swap3A_1419] {strides = array<i32>} : memref<128x16xf32, #tpu.memory_space<vmem>>, vector<1x16xf32>,
    %swap3A_1421 = vector.shape_cast %swap3A_1420 : vector<1x16xf32> to vector<16xf32>
    %swap3A_1422 = vector.shape_cast %broadcast_in_dim3A_792 : vector<16xf32> to vector<1x16xf32>
    tpu.vector_store %arg10[%swap3A_1418, %swap3A_1419], %swap3A_1422 {strides = array<i32>} : memref<128x16xf32, #tpu.memory_space<vmem>>, vector<1x16xf32>,
    %swap3A_1423 = arith.constant 105 : i32
    %swap3A_1424 = arith.index_cast %swap3A_1423 : i32 to index
    %swap3A_1425 = arith.constant 0 : index
    %swap3A_1426 = tpu.vector_load %arg10[%swap3A_1424, %swap3A_1425] {strides = array<i32>} : memref<128x16xf32, #tpu.memory_space<vmem>>, vector<1x16xf32>,
    %swap3A_1427 = vector.shape_cast %swap3A_1426 : vector<1x16xf32> to vector<16xf32>
    %swap3A_1428 = vector.shape_cast %broadcast_in_dim3A_792 : vector<16xf32> to vector<1x16xf32>
    tpu.vector_store %arg10[%swap3A_1424, %swap3A_1425], %swap3A_1428 {strides = array<i32>} : memref<128x16xf32, #tpu.memory_space<vmem>>, vector<1x16xf32>,
    %swap3A_1429 = arith.constant 106 : i32
    %swap3A_1430 = arith.index_cast %swap3A_1429 : i32 to index
    %swap3A_1431 = arith.constant 0 : index
    %swap3A_1432 = tpu.vector_load %arg10[%swap3A_1430, %swap3A_1431] {strides = array<i32>} : memref<128x16xf32, #tpu.memory_space<vmem>>, vector<1x16xf32>,
    %swap3A_1433 = vector.shape_cast %swap3A_1432 : vector<1x16xf32> to vector<16xf32>
    %swap3A_1434 = vector.shape_cast %broadcast_in_dim3A_792 : vector<16xf32> to vector<1x16xf32>
    tpu.vector_store %arg10[%swap3A_1430, %swap3A_1431], %swap3A_1434 {strides = array<i32>} : memref<128x16xf32, #tpu.memory_space<vmem>>, vector<1x16xf32>,
    %swap3A_1435 = arith.constant 107 : i32
    %swap3A_1436 = arith.index_cast %swap3A_1435 : i32 to index
    %swap3A_1437 = arith.constant 0 : index
    %swap3A_1438 = tpu.vector_load %arg10[%swap3A_1436, %swap3A_1437] {strides = array<i32>} : memref<128x16xf32, #tpu.memory_space<vmem>>, vector<1x16xf32>,
    %swap3A_1439 = vector.shape_cast %swap3A_1438 : vector<1x16xf32> to vector<16xf32>
    %swap3A_1440 = vector.shape_cast %broadcast_in_dim3A_792 : vector<16xf32> to vector<1x16xf32>
    tpu.vector_store %arg10[%swap3A_1436, %swap3A_1437], %swap3A_1440 {strides = array<i32>} : memref<128x16xf32, #tpu.memory_space<vmem>>, vector<1x16xf32>,
    %swap3A_1441 = arith.constant 108 : i32
    %swap3A_1442 = arith.index_cast %swap3A_1441 : i32 to index
    %swap3A_1443 = arith.constant 0 : index
    %swap3A_1444 = tpu.vector_load %arg10[%swap3A_1442, %swap3A_1443] {strides = array<i32>} : memref<128x16xf32, #tpu.memory_space<vmem>>, vector<1x16xf32>,
    %swap3A_1445 = vector.shape_cast %swap3A_1444 : vector<1x16xf32> to vector<16xf32>
    %swap3A_1446 = vector.shape_cast %broadcast_in_dim3A_792 : vector<16xf32> to vector<1x16xf32>
    tpu.vector_store %arg10[%swap3A_1442, %swap3A_1443], %swap3A_1446 {strides = array<i32>} : memref<128x16xf32, #tpu.memory_space<vmem>>, vector<1x16xf32>,
    %swap3A_1447 = arith.constant 109 : i32
    %swap3A_1448 = arith.index_cast %swap3A_1447 : i32 to index
    %swap3A_1449 = arith.constant 0 : index
    %swap3A_1450 = tpu.vector_load %arg10[%swap3A_1448, %swap3A_1449] {strides = array<i32>} : memref<128x16xf32, #tpu.memory_space<vmem>>, vector<1x16xf32>,
    %swap3A_1451 = vector.shape_cast %swap3A_1450 : vector<1x16xf32> to vector<16xf32>
    %swap3A_1452 = vector.shape_cast %broadcast_in_dim3A_792 : vector<16xf32> to vector<1x16xf32>
    tpu.vector_store %arg10[%swap3A_1448, %swap3A_1449], %swap3A_1452 {strides = array<i32>} : memref<128x16xf32, #tpu.memory_space<vmem>>, vector<1x16xf32>,
    %swap3A_1453 = arith.constant 110 : i32
    %swap3A_1454 = arith.index_cast %swap3A_1453 : i32 to index
    %swap3A_1455 = arith.constant 0 : index
    %swap3A_1456 = tpu.vector_load %arg10[%swap3A_1454, %swap3A_1455] {strides = array<i32>} : memref<128x16xf32, #tpu.memory_space<vmem>>, vector<1x16xf32>,
    %swap3A_1457 = vector.shape_cast %swap3A_1456 : vector<1x16xf32> to vector<16xf32>
    %swap3A_1458 = vector.shape_cast %broadcast_in_dim3A_792 : vector<16xf32> to vector<1x16xf32>
    tpu.vector_store %arg10[%swap3A_1454, %swap3A_1455], %swap3A_1458 {strides = array<i32>} : memref<128x16xf32, #tpu.memory_space<vmem>>, vector<1x16xf32>,
    %swap3A_1459 = arith.constant 111 : i32
    %swap3A_1460 = arith.index_cast %swap3A_1459 : i32 to index
    %swap3A_1461 = arith.constant 0 : index
    %swap3A_1462 = tpu.vector_load %arg10[%swap3A_1460, %swap3A_1461] {strides = array<i32>} : memref<128x16xf32, #tpu.memory_space<vmem>>, vector<1x16xf32>,
    %swap3A_1463 = vector.shape_cast %swap3A_1462 : vector<1x16xf32> to vector<16xf32>
    %swap3A_1464 = vector.shape_cast %broadcast_in_dim3A_792 : vector<16xf32> to vector<1x16xf32>
    tpu.vector_store %arg10[%swap3A_1460, %swap3A_1461], %swap3A_1464 {strides = array<i32>} : memref<128x16xf32, #tpu.memory_space<vmem>>, vector<1x16xf32>,
    %swap3A_1465 = arith.constant 112 : i32
    %swap3A_1466 = arith.index_cast %swap3A_1465 : i32 to index
    %swap3A_1467 = arith.constant 0 : index
    %swap3A_1468 = tpu.vector_load %arg10[%swap3A_1466, %swap3A_1467] {strides = array<i32>} : memref<128x16xf32, #tpu.memory_space<vmem>>, vector<1x16xf32>,
    %swap3A_1469 = vector.shape_cast %swap3A_1468 : vector<1x16xf32> to vector<16xf32>
    %swap3A_1470 = vector.shape_cast %broadcast_in_dim3A_792 : vector<16xf32> to vector<1x16xf32>
    tpu.vector_store %arg10[%swap3A_1466, %swap3A_1467], %swap3A_1470 {strides = array<i32>} : memref<128x16xf32, #tpu.memory_space<vmem>>, vector<1x16xf32>,
    %swap3A_1471 = arith.constant 113 : i32
    %swap3A_1472 = arith.index_cast %swap3A_1471 : i32 to index
    %swap3A_1473 = arith.constant 0 : index
    %swap3A_1474 = tpu.vector_load %arg10[%swap3A_1472, %swap3A_1473] {strides = array<i32>} : memref<128x16xf32, #tpu.memory_space<vmem>>, vector<1x16xf32>,
    %swap3A_1475 = vector.shape_cast %swap3A_1474 : vector<1x16xf32> to vector<16xf32>
    %swap3A_1476 = vector.shape_cast %broadcast_in_dim3A_792 : vector<16xf32> to vector<1x16xf32>
    tpu.vector_store %arg10[%swap3A_1472, %swap3A_1473], %swap3A_1476 {strides = array<i32>} : memref<128x16xf32, #tpu.memory_space<vmem>>, vector<1x16xf32>,
    %swap3A_1477 = arith.constant 114 : i32
    %swap3A_1478 = arith.index_cast %swap3A_1477 : i32 to index
    %swap3A_1479 = arith.constant 0 : index
    %swap3A_1480 = tpu.vector_load %arg10[%swap3A_1478, %swap3A_1479] {strides = array<i32>} : memref<128x16xf32, #tpu.memory_space<vmem>>, vector<1x16xf32>,
    %swap3A_1481 = vector.shape_cast %swap3A_1480 : vector<1x16xf32> to vector<16xf32>
    %swap3A_1482 = vector.shape_cast %broadcast_in_dim3A_792 : vector<16xf32> to vector<1x16xf32>
    tpu.vector_store %arg10[%swap3A_1478, %swap3A_1479], %swap3A_1482 {strides = array<i32>} : memref<128x16xf32, #tpu.memory_space<vmem>>, vector<1x16xf32>,
    %swap3A_1483 = arith.constant 115 : i32
    %swap3A_1484 = arith.index_cast %swap3A_1483 : i32 to index
    %swap3A_1485 = arith.constant 0 : index
    %swap3A_1486 = tpu.vector_load %arg10[%swap3A_1484, %swap3A_1485] {strides = array<i32>} : memref<128x16xf32, #tpu.memory_space<vmem>>, vector<1x16xf32>,
    %swap3A_1487 = vector.shape_cast %swap3A_1486 : vector<1x16xf32> to vector<16xf32>
    %swap3A_1488 = vector.shape_cast %broadcast_in_dim3A_792 : vector<16xf32> to vector<1x16xf32>
    tpu.vector_store %arg10[%swap3A_1484, %swap3A_1485], %swap3A_1488 {strides = array<i32>} : memref<128x16xf32, #tpu.memory_space<vmem>>, vector<1x16xf32>,
    %swap3A_1489 = arith.constant 116 : i32
    %swap3A_1490 = arith.index_cast %swap3A_1489 : i32 to index
    %swap3A_1491 = arith.constant 0 : index
    %swap3A_1492 = tpu.vector_load %arg10[%swap3A_1490, %swap3A_1491] {strides = array<i32>} : memref<128x16xf32, #tpu.memory_space<vmem>>, vector<1x16xf32>,
    %swap3A_1493 = vector.shape_cast %swap3A_1492 : vector<1x16xf32> to vector<16xf32>
    %swap3A_1494 = vector.shape_cast %broadcast_in_dim3A_792 : vector<16xf32> to vector<1x16xf32>
    tpu.vector_store %arg10[%swap3A_1490, %swap3A_1491], %swap3A_1494 {strides = array<i32>} : memref<128x16xf32, #tpu.memory_space<vmem>>, vector<1x16xf32>,
    %swap3A_1495 = arith.constant 117 : i32
    %swap3A_1496 = arith.index_cast %swap3A_1495 : i32 to index
    %swap3A_1497 = arith.constant 0 : index
    %swap3A_1498 = tpu.vector_load %arg10[%swap3A_1496, %swap3A_1497] {strides = array<i32>} : memref<128x16xf32, #tpu.memory_space<vmem>>, vector<1x16xf32>,
    %swap3A_1499 = vector.shape_cast %swap3A_1498 : vector<1x16xf32> to vector<16xf32>
    %swap3A_1500 = vector.shape_cast %broadcast_in_dim3A_792 : vector<16xf32> to vector<1x16xf32>
    tpu.vector_store %arg10[%swap3A_1496, %swap3A_1497], %swap3A_1500 {strides = array<i32>} : memref<128x16xf32, #tpu.memory_space<vmem>>, vector<1x16xf32>,
    %swap3A_1501 = arith.constant 118 : i32
    %swap3A_1502 = arith.index_cast %swap3A_1501 : i32 to index
    %swap3A_1503 = arith.constant 0 : index
    %swap3A_1504 = tpu.vector_load %arg10[%swap3A_1502, %swap3A_1503] {strides = array<i32>} : memref<128x16xf32, #tpu.memory_space<vmem>>, vector<1x16xf32>,
    %swap3A_1505 = vector.shape_cast %swap3A_1504 : vector<1x16xf32> to vector<16xf32>
    %swap3A_1506 = vector.shape_cast %broadcast_in_dim3A_792 : vector<16xf32> to vector<1x16xf32>
    tpu.vector_store %arg10[%swap3A_1502, %swap3A_1503], %swap3A_1506 {strides = array<i32>} : memref<128x16xf32, #tpu.memory_space<vmem>>, vector<1x16xf32>,
    %swap3A_1507 = arith.constant 119 : i32
    %swap3A_1508 = arith.index_cast %swap3A_1507 : i32 to index
    %swap3A_1509 = arith.constant 0 : index
    %swap3A_1510 = tpu.vector_load %arg10[%swap3A_1508, %swap3A_1509] {strides = array<i32>} : memref<128x16xf32, #tpu.memory_space<vmem>>, vector<1x16xf32>,
    %swap3A_1511 = vector.shape_cast %swap3A_1510 : vector<1x16xf32> to vector<16xf32>
    %swap3A_1512 = vector.shape_cast %broadcast_in_dim3A_792 : vector<16xf32> to vector<1x16xf32>
    tpu.vector_store %arg10[%swap3A_1508, %swap3A_1509], %swap3A_1512 {strides = array<i32>} : memref<128x16xf32, #tpu.memory_space<vmem>>, vector<1x16xf32>,
    %swap3A_1513 = arith.constant 120 : i32
    %swap3A_1514 = arith.index_cast %swap3A_1513 : i32 to index
    %swap3A_1515 = arith.constant 0 : index
    %swap3A_1516 = tpu.vector_load %arg10[%swap3A_1514, %swap3A_1515] {strides = array<i32>} : memref<128x16xf32, #tpu.memory_space<vmem>>, vector<1x16xf32>,
    %swap3A_1517 = vector.shape_cast %swap3A_1516 : vector<1x16xf32> to vector<16xf32>
    %swap3A_1518 = vector.shape_cast %broadcast_in_dim3A_792 : vector<16xf32> to vector<1x16xf32>
    tpu.vector_store %arg10[%swap3A_1514, %swap3A_1515], %swap3A_1518 {strides = array<i32>} : memref<128x16xf32, #tpu.memory_space<vmem>>, vector<1x16xf32>,
    %swap3A_1519 = arith.constant 121 : i32
    %swap3A_1520 = arith.index_cast %swap3A_1519 : i32 to index
    %swap3A_1521 = arith.constant 0 : index
    %swap3A_1522 = tpu.vector_load %arg10[%swap3A_1520, %swap3A_1521] {strides = array<i32>} : memref<128x16xf32, #tpu.memory_space<vmem>>, vector<1x16xf32>,
    %swap3A_1523 = vector.shape_cast %swap3A_1522 : vector<1x16xf32> to vector<16xf32>
    %swap3A_1524 = vector.shape_cast %broadcast_in_dim3A_792 : vector<16xf32> to vector<1x16xf32>
    tpu.vector_store %arg10[%swap3A_1520, %swap3A_1521], %swap3A_1524 {strides = array<i32>} : memref<128x16xf32, #tpu.memory_space<vmem>>, vector<1x16xf32>,
    %swap3A_1525 = arith.constant 122 : i32
    %swap3A_1526 = arith.index_cast %swap3A_1525 : i32 to index
    %swap3A_1527 = arith.constant 0 : index
    %swap3A_1528 = tpu.vector_load %arg10[%swap3A_1526, %swap3A_1527] {strides = array<i32>} : memref<128x16xf32, #tpu.memory_space<vmem>>, vector<1x16xf32>,
    %swap3A_1529 = vector.shape_cast %swap3A_1528 : vector<1x16xf32> to vector<16xf32>
    %swap3A_1530 = vector.shape_cast %broadcast_in_dim3A_792 : vector<16xf32> to vector<1x16xf32>
    tpu.vector_store %arg10[%swap3A_1526, %swap3A_1527], %swap3A_1530 {strides = array<i32>} : memref<128x16xf32, #tpu.memory_space<vmem>>, vector<1x16xf32>,
    %swap3A_1531 = arith.constant 123 : i32
    %swap3A_1532 = arith.index_cast %swap3A_1531 : i32 to index
    %swap3A_1533 = arith.constant 0 : index
    %swap3A_1534 = tpu.vector_load %arg10[%swap3A_1532, %swap3A_1533] {strides = array<i32>} : memref<128x16xf32, #tpu.memory_space<vmem>>, vector<1x16xf32>,
    %swap3A_1535 = vector.shape_cast %swap3A_1534 : vector<1x16xf32> to vector<16xf32>
    %swap3A_1536 = vector.shape_cast %broadcast_in_dim3A_792 : vector<16xf32> to vector<1x16xf32>
    tpu.vector_store %arg10[%swap3A_1532, %swap3A_1533], %swap3A_1536 {strides = array<i32>} : memref<128x16xf32, #tpu.memory_space<vmem>>, vector<1x16xf32>,
    %swap3A_1537 = arith.constant 124 : i32
    %swap3A_1538 = arith.index_cast %swap3A_1537 : i32 to index
    %swap3A_1539 = arith.constant 0 : index
    %swap3A_1540 = tpu.vector_load %arg10[%swap3A_1538, %swap3A_1539] {strides = array<i32>} : memref<128x16xf32, #tpu.memory_space<vmem>>, vector<1x16xf32>,
    %swap3A_1541 = vector.shape_cast %swap3A_1540 : vector<1x16xf32> to vector<16xf32>
    %swap3A_1542 = vector.shape_cast %broadcast_in_dim3A_792 : vector<16xf32> to vector<1x16xf32>
    tpu.vector_store %arg10[%swap3A_1538, %swap3A_1539], %swap3A_1542 {strides = array<i32>} : memref<128x16xf32, #tpu.memory_space<vmem>>, vector<1x16xf32>,
    %swap3A_1543 = arith.constant 125 : i32
    %swap3A_1544 = arith.index_cast %swap3A_1543 : i32 to index
    %swap3A_1545 = arith.constant 0 : index
    %swap3A_1546 = tpu.vector_load %arg10[%swap3A_1544, %swap3A_1545] {strides = array<i32>} : memref<128x16xf32, #tpu.memory_space<vmem>>, vector<1x16xf32>,
    %swap3A_1547 = vector.shape_cast %swap3A_1546 : vector<1x16xf32> to vector<16xf32>
    %swap3A_1548 = vector.shape_cast %broadcast_in_dim3A_792 : vector<16xf32> to vector<1x16xf32>
    tpu.vector_store %arg10[%swap3A_1544, %swap3A_1545], %swap3A_1548 {strides = array<i32>} : memref<128x16xf32, #tpu.memory_space<vmem>>, vector<1x16xf32>,
    %swap3A_1549 = arith.constant 126 : i32
    %swap3A_1550 = arith.index_cast %swap3A_1549 : i32 to index
    %swap3A_1551 = arith.constant 0 : index
    %swap3A_1552 = tpu.vector_load %arg10[%swap3A_1550, %swap3A_1551] {strides = array<i32>} : memref<128x16xf32, #tpu.memory_space<vmem>>, vector<1x16xf32>,
    %swap3A_1553 = vector.shape_cast %swap3A_1552 : vector<1x16xf32> to vector<16xf32>
    %swap3A_1554 = vector.shape_cast %broadcast_in_dim3A_792 : vector<16xf32> to vector<1x16xf32>
    tpu.vector_store %arg10[%swap3A_1550, %swap3A_1551], %swap3A_1554 {strides = array<i32>} : memref<128x16xf32, #tpu.memory_space<vmem>>, vector<1x16xf32>,
    %swap3A_1555 = arith.constant 127 : i32
    %swap3A_1556 = arith.index_cast %swap3A_1555 : i32 to index
    %swap3A_1557 = arith.constant 0 : index
    %swap3A_1558 = tpu.vector_load %arg10[%swap3A_1556, %swap3A_1557] {strides = array<i32>} : memref<128x16xf32, #tpu.memory_space<vmem>>, vector<1x16xf32>,
    %swap3A_1559 = vector.shape_cast %swap3A_1558 : vector<1x16xf32> to vector<16xf32>
    %swap3A_1560 = vector.shape_cast %broadcast_in_dim3A_792 : vector<16xf32> to vector<1x16xf32>
    tpu.vector_store %arg10[%swap3A_1556, %swap3A_1557], %swap3A_1560 {strides = array<i32>} : memref<128x16xf32, #tpu.memory_space<vmem>>, vector<1x16xf32>,
    "tpu.region"() ({
      %run_scoped3A = tpu.sem_alloc : memref<!tpu.dma_semaphore, #tpu.memory_space<semaphore_mem>>
      %dma_start3A = arith.constant 0 : i32
      %dma_start3A_1567 = arith.constant 0 : i32
      %dma_start3A_1568 = tpu.memref_slice %arg2[%add3A, %dma_start3A, %dma_start3A_1567] : memref<32x80x128xi32, #tpu.memory_space<hbm>> -> memref<1x80x128xi32, #tpu.memory_space<hbm>>
      %dma_start3A_1569 = tpu.memref_squeeze %dma_start3A_1568 : memref<1x80x128xi32, #tpu.memory_space<hbm>> -> memref<80x128xi32, #tpu.memory_space<hbm>>
      %dma_start3A_1570 = arith.constant 0 : i32
      %dma_start3A_1571 = arith.constant 0 : i32
      %dma_start3A_1572 = tpu.memref_slice %arg2[%add3A, %dma_start3A_1570, %dma_start3A_1571] : memref<32x80x128xi32, #tpu.memory_space<hbm>> -> memref<1x80x128xi32, #tpu.memory_space<hbm>>
      %dma_start3A_1573 = tpu.memref_squeeze %dma_start3A_1572 : memref<1x80x128xi32, #tpu.memory_space<hbm>> -> memref<80x128xi32, #tpu.memory_space<hbm>>
      tpu.enqueue_dma source(%dma_start3A_1573 : memref<80x128xi32, #tpu.memory_space<hbm>>) target(%arg8 : memref<80x128xi32, #tpu.memory_space<vmem>>) target_semaphore(%run_scoped3A : memref<!tpu.dma_semaphore, #tpu.memory_space<semaphore_mem>>)
      %dma_wait3A = arith.constant 0 : i32
      %dma_wait3A_1574 = arith.constant 0 : i32
      %dma_wait3A_1575 = tpu.memref_slice %arg2[%add3A, %dma_wait3A, %dma_wait3A_1574] : memref<32x80x128xi32, #tpu.memory_space<hbm>> -> memref<1x80x128xi32, #tpu.memory_space<hbm>>
      %dma_wait3A_1576 = tpu.memref_squeeze %dma_wait3A_1575 : memref<1x80x128xi32, #tpu.memory_space<hbm>> -> memref<80x128xi32, #tpu.memory_space<hbm>>
      %dma_wait3A_1577 = arith.constant 0 : i32
      %dma_wait3A_1578 = arith.constant 0 : i32
      %dma_wait3A_1579 = tpu.memref_slice %arg2[%add3A, %dma_wait3A_1577, %dma_wait3A_1578] : memref<32x80x128xi32, #tpu.memory_space<hbm>> -> memref<1x80x128xi32, #tpu.memory_space<hbm>>
      %dma_wait3A_1580 = tpu.memref_squeeze %dma_wait3A_1579 : memref<1x80x128xi32, #tpu.memory_space<hbm>> -> memref<80x128xi32, #tpu.memory_space<hbm>>
      tpu.wait_dma2 semaphore(%run_scoped3A : memref<!tpu.dma_semaphore, #tpu.memory_space<semaphore_mem>>) src(%dma_wait3A_1580 : memref<80x128xi32, #tpu.memory_space<hbm>>) dst(%arg8 : memref<80x128xi32, #tpu.memory_space<vmem>>)
      tpu.yield
    }) : () -> ()
    "tpu.region"() ({
      %run_scoped3A = tpu.sem_alloc : memref<!tpu.dma_semaphore, #tpu.memory_space<semaphore_mem>>
      %dma_start3A = arith.constant 0 : i32
      %dma_start3A_1567 = arith.constant 0 : i32
      %dma_start3A_1568 = tpu.memref_slice %arg3[%add3A, %dma_start3A, %dma_start3A_1567] : memref<32x80x128xi32, #tpu.memory_space<hbm>> -> memref<1x80x128xi32, #tpu.memory_space<hbm>>
      %dma_start3A_1569 = tpu.memref_squeeze %dma_start3A_1568 : memref<1x80x128xi32, #tpu.memory_space<hbm>> -> memref<80x128xi32, #tpu.memory_space<hbm>>
      %dma_start3A_1570 = arith.constant 0 : i32
      %dma_start3A_1571 = arith.constant 0 : i32
      %dma_start3A_1572 = tpu.memref_slice %arg3[%add3A, %dma_start3A_1570, %dma_start3A_1571] : memref<32x80x128xi32, #tpu.memory_space<hbm>> -> memref<1x80x128xi32, #tpu.memory_space<hbm>>
      %dma_start3A_1573 = tpu.memref_squeeze %dma_start3A_1572 : memref<1x80x128xi32, #tpu.memory_space<hbm>> -> memref<80x128xi32, #tpu.memory_space<hbm>>
      tpu.enqueue_dma source(%dma_start3A_1573 : memref<80x128xi32, #tpu.memory_space<hbm>>) target(%arg9 : memref<80x128xi32, #tpu.memory_space<vmem>>) target_semaphore(%run_scoped3A : memref<!tpu.dma_semaphore, #tpu.memory_space<semaphore_mem>>)
      %dma_wait3A = arith.constant 0 : i32
      %dma_wait3A_1574 = arith.constant 0 : i32
      %dma_wait3A_1575 = tpu.memref_slice %arg3[%add3A, %dma_wait3A, %dma_wait3A_1574] : memref<32x80x128xi32, #tpu.memory_space<hbm>> -> memref<1x80x128xi32, #tpu.memory_space<hbm>>
      %dma_wait3A_1576 = tpu.memref_squeeze %dma_wait3A_1575 : memref<1x80x128xi32, #tpu.memory_space<hbm>> -> memref<80x128xi32, #tpu.memory_space<hbm>>
      %dma_wait3A_1577 = arith.constant 0 : i32
      %dma_wait3A_1578 = arith.constant 0 : i32
      %dma_wait3A_1579 = tpu.memref_slice %arg3[%add3A, %dma_wait3A_1577, %dma_wait3A_1578] : memref<32x80x128xi32, #tpu.memory_space<hbm>> -> memref<1x80x128xi32, #tpu.memory_space<hbm>>
      %dma_wait3A_1580 = tpu.memref_squeeze %dma_wait3A_1579 : memref<1x80x128xi32, #tpu.memory_space<hbm>> -> memref<80x128xi32, #tpu.memory_space<hbm>>
      tpu.wait_dma2 semaphore(%run_scoped3A : memref<!tpu.dma_semaphore, #tpu.memory_space<semaphore_mem>>) src(%dma_wait3A_1580 : memref<80x128xi32, #tpu.memory_space<hbm>>) dst(%arg9 : memref<80x128xi32, #tpu.memory_space<vmem>>)
      tpu.yield
    }) : () -> ()
    %barrier3A = arith.constant 0 : index
    tpu.barrier barrier_id(%barrier3A)
    %scan3A = arith.constant 0 : i32
    %scan3A_1561 = arith.constant 0 : i32
    %scan3A_1562 = arith.constant 40 : i32
    %scan3A_1563 = arith.addi %scan3A_1561, %scan3A_1562 : i32
    %scan3A_1564 = arith.constant 1 : i32
    scf.for %scan3A_1567 = %scan3A_1561 to %scan3A_1563 step %scan3A_1564  : i32 {
      %mul3A_1568 = arith.constant 2 : i32
      %mul3A_1569 = arith.muli %mul3A_1568, %scan3A_1567 : i32
      %dma_start3A = arith.constant 0 : i32
      %dma_start3A_1570 = tpu.memref_slice %arg8[%mul3A_1569, %dma_start3A] : memref<80x128xi32, #tpu.memory_space<vmem>> -> memref<1x128xi32, #tpu.memory_space<vmem>>
      %dma_start3A_1571 = tpu.memref_squeeze %dma_start3A_1570 : memref<1x128xi32, #tpu.memory_space<vmem>> -> memref<128xi32, #tpu.memory_space<vmem>>
      %dma_start3A_1572 = arith.constant 0 : i32
      %dma_start3A_1573 = arith.constant 0 : i32
      %dma_start3A_1574 = tpu.memref_slice %arg6[%dma_start3A_1572, %dma_start3A_1573] : memref<10240x16xf32, #tpu.memory_space<vmem_shared>> -> memref<10240x16xf32, #tpu.memory_space<vmem_shared>>
      tpu.enqueue_indirect_dma source(%arg10 : memref<128x16xf32, #tpu.memory_space<vmem>>) target(%dma_start3A_1574 : memref<10240x16xf32, #tpu.memory_space<vmem_shared>>) offsets(%dma_start3A_1571 : memref<128xi32, #tpu.memory_space<vmem>>) semaphore(%arg11 : memref<!tpu.dma_semaphore, #tpu.memory_space<semaphore_mem>>) {add = true}
      %dma_start3A_1575 = arith.constant 0 : i32
      %dma_start3A_1576 = tpu.memref_slice %arg9[%mul3A_1569, %dma_start3A_1575] : memref<80x128xi32, #tpu.memory_space<vmem>> -> memref<1x128xi32, #tpu.memory_space<vmem>>
      %dma_start3A_1577 = tpu.memref_squeeze %dma_start3A_1576 : memref<1x128xi32, #tpu.memory_space<vmem>> -> memref<128xi32, #tpu.memory_space<vmem>>
      %dma_start3A_1578 = arith.constant 0 : i32
      %dma_start3A_1579 = arith.constant 0 : i32
      %dma_start3A_1580 = tpu.memref_slice %arg7[%dma_start3A_1578, %dma_start3A_1579] : memref<10240x16xf32, #tpu.memory_space<vmem_shared>> -> memref<10240x16xf32, #tpu.memory_space<vmem_shared>>
      tpu.enqueue_indirect_dma source(%arg10 : memref<128x16xf32, #tpu.memory_space<vmem>>) target(%dma_start3A_1580 : memref<10240x16xf32, #tpu.memory_space<vmem_shared>>) offsets(%dma_start3A_1577 : memref<128xi32, #tpu.memory_space<vmem>>) semaphore(%arg11 : memref<!tpu.dma_semaphore, #tpu.memory_space<semaphore_mem>>) {add = true}
      %add3A_1581 = arith.constant 1 : i32
      %add3A_1582 = arith.addi %mul3A_1569, %add3A_1581 : i32
      %dma_start3A_1583 = arith.constant 0 : i32
      %dma_start3A_1584 = tpu.memref_slice %arg8[%add3A_1582, %dma_start3A_1583] : memref<80x128xi32, #tpu.memory_space<vmem>> -> memref<1x128xi32, #tpu.memory_space<vmem>>
      %dma_start3A_1585 = tpu.memref_squeeze %dma_start3A_1584 : memref<1x128xi32, #tpu.memory_space<vmem>> -> memref<128xi32, #tpu.memory_space<vmem>>
      %dma_start3A_1586 = arith.constant 0 : i32
      %dma_start3A_1587 = arith.constant 0 : i32
      %dma_start3A_1588 = tpu.memref_slice %arg6[%dma_start3A_1586, %dma_start3A_1587] : memref<10240x16xf32, #tpu.memory_space<vmem_shared>> -> memref<10240x16xf32, #tpu.memory_space<vmem_shared>>
      tpu.enqueue_indirect_dma source(%arg10 : memref<128x16xf32, #tpu.memory_space<vmem>>) target(%dma_start3A_1588 : memref<10240x16xf32, #tpu.memory_space<vmem_shared>>) offsets(%dma_start3A_1585 : memref<128xi32, #tpu.memory_space<vmem>>) semaphore(%arg11 : memref<!tpu.dma_semaphore, #tpu.memory_space<semaphore_mem>>) {add = true}
      %add3A_1589 = arith.constant 1 : i32
      %add3A_1590 = arith.addi %mul3A_1569, %add3A_1589 : i32
      %dma_start3A_1591 = arith.constant 0 : i32
      %dma_start3A_1592 = tpu.memref_slice %arg9[%add3A_1590, %dma_start3A_1591] : memref<80x128xi32, #tpu.memory_space<vmem>> -> memref<1x128xi32, #tpu.memory_space<vmem>>
      %dma_start3A_1593 = tpu.memref_squeeze %dma_start3A_1592 : memref<1x128xi32, #tpu.memory_space<vmem>> -> memref<128xi32, #tpu.memory_space<vmem>>
      %dma_start3A_1594 = arith.constant 0 : i32
      %dma_start3A_1595 = arith.constant 0 : i32
      %dma_start3A_1596 = tpu.memref_slice %arg7[%dma_start3A_1594, %dma_start3A_1595] : memref<10240x16xf32, #tpu.memory_space<vmem_shared>> -> memref<10240x16xf32, #tpu.memory_space<vmem_shared>>
      tpu.enqueue_indirect_dma source(%arg10 : memref<128x16xf32, #tpu.memory_space<vmem>>) target(%dma_start3A_1596 : memref<10240x16xf32, #tpu.memory_space<vmem_shared>>) offsets(%dma_start3A_1593 : memref<128xi32, #tpu.memory_space<vmem>>) semaphore(%arg11 : memref<!tpu.dma_semaphore, #tpu.memory_space<semaphore_mem>>) {add = true}
      %dma_wait3A = arith.constant 0 : i32
      %dma_wait3A_1597 = tpu.memref_slice %arg8[%mul3A_1569, %dma_wait3A] : memref<80x128xi32, #tpu.memory_space<vmem>> -> memref<1x128xi32, #tpu.memory_space<vmem>>
      %dma_wait3A_1598 = tpu.memref_squeeze %dma_wait3A_1597 : memref<1x128xi32, #tpu.memory_space<vmem>> -> memref<128xi32, #tpu.memory_space<vmem>>
      %dma_wait3A_1599 = arith.constant 0 : i32
      %dma_wait3A_1600 = arith.constant 0 : i32
      %dma_wait3A_1601 = tpu.memref_slice %arg6[%dma_wait3A_1599, %dma_wait3A_1600] : memref<10240x16xf32, #tpu.memory_space<vmem_shared>> -> memref<10240x16xf32, #tpu.memory_space<vmem_shared>>
      tpu.wait_indirect_dma semaphore(%arg11 : memref<!tpu.dma_semaphore, #tpu.memory_space<semaphore_mem>>) src(%arg10 : memref<128x16xf32, #tpu.memory_space<vmem>>) dst(%dma_wait3A_1601 : memref<10240x16xf32, #tpu.memory_space<vmem_shared>>)
      %dma_wait3A_1602 = arith.constant 0 : i32
      %dma_wait3A_1603 = tpu.memref_slice %arg9[%mul3A_1569, %dma_wait3A_1602] : memref<80x128xi32, #tpu.memory_space<vmem>> -> memref<1x128xi32, #tpu.memory_space<vmem>>
      %dma_wait3A_1604 = tpu.memref_squeeze %dma_wait3A_1603 : memref<1x128xi32, #tpu.memory_space<vmem>> -> memref<128xi32, #tpu.memory_space<vmem>>
      %dma_wait3A_1605 = arith.constant 0 : i32
      %dma_wait3A_1606 = arith.constant 0 : i32
      %dma_wait3A_1607 = tpu.memref_slice %arg7[%dma_wait3A_1605, %dma_wait3A_1606] : memref<10240x16xf32, #tpu.memory_space<vmem_shared>> -> memref<10240x16xf32, #tpu.memory_space<vmem_shared>>
      tpu.wait_indirect_dma semaphore(%arg11 : memref<!tpu.dma_semaphore, #tpu.memory_space<semaphore_mem>>) src(%arg10 : memref<128x16xf32, #tpu.memory_space<vmem>>) dst(%dma_wait3A_1607 : memref<10240x16xf32, #tpu.memory_space<vmem_shared>>)
      %dma_wait3A_1608 = arith.constant 0 : i32
      %dma_wait3A_1609 = tpu.memref_slice %arg8[%add3A_1582, %dma_wait3A_1608] : memref<80x128xi32, #tpu.memory_space<vmem>> -> memref<1x128xi32, #tpu.memory_space<vmem>>
      %dma_wait3A_1610 = tpu.memref_squeeze %dma_wait3A_1609 : memref<1x128xi32, #tpu.memory_space<vmem>> -> memref<128xi32, #tpu.memory_space<vmem>>
      %dma_wait3A_1611 = arith.constant 0 : i32
      %dma_wait3A_1612 = arith.constant 0 : i32
      %dma_wait3A_1613 = tpu.memref_slice %arg6[%dma_wait3A_1611, %dma_wait3A_1612] : memref<10240x16xf32, #tpu.memory_space<vmem_shared>> -> memref<10240x16xf32, #tpu.memory_space<vmem_shared>>
      tpu.wait_indirect_dma semaphore(%arg11 : memref<!tpu.dma_semaphore, #tpu.memory_space<semaphore_mem>>) src(%arg10 : memref<128x16xf32, #tpu.memory_space<vmem>>) dst(%dma_wait3A_1613 : memref<10240x16xf32, #tpu.memory_space<vmem_shared>>)
      %dma_wait3A_1614 = arith.constant 0 : i32
      %dma_wait3A_1615 = tpu.memref_slice %arg9[%add3A_1590, %dma_wait3A_1614] : memref<80x128xi32, #tpu.memory_space<vmem>> -> memref<1x128xi32, #tpu.memory_space<vmem>>
      %dma_wait3A_1616 = tpu.memref_squeeze %dma_wait3A_1615 : memref<1x128xi32, #tpu.memory_space<vmem>> -> memref<128xi32, #tpu.memory_space<vmem>>
      %dma_wait3A_1617 = arith.constant 0 : i32
      %dma_wait3A_1618 = arith.constant 0 : i32
      %dma_wait3A_1619 = tpu.memref_slice %arg7[%dma_wait3A_1617, %dma_wait3A_1618] : memref<10240x16xf32, #tpu.memory_space<vmem_shared>> -> memref<10240x16xf32, #tpu.memory_space<vmem_shared>>
      tpu.wait_indirect_dma semaphore(%arg11 : memref<!tpu.dma_semaphore, #tpu.memory_space<semaphore_mem>>) src(%arg10 : memref<128x16xf32, #tpu.memory_space<vmem>>) dst(%dma_wait3A_1619 : memref<10240x16xf32, #tpu.memory_space<vmem_shared>>)
    }
    %scan3A_1565 = arith.constant 40 : i32
    %barrier3A_1566 = arith.constant 0 : index
    tpu.barrier barrier_id(%barrier3A_1566)
    "tpu.region"() ({
      %run_scoped3A = tpu.sem_alloc : memref<!tpu.dma_semaphore, #tpu.memory_space<semaphore_mem>>
      %dma_start3A = arith.constant 0 : i32
      %dma_start3A_1567 = tpu.memref_slice %arg4[%arg0, %mul3A_2, %dma_start3A] : memref<2x10240x16xf32, #tpu.memory_space<hbm>> -> memref<1x640x16xf32, #tpu.memory_space<hbm>>
      %dma_start3A_1568 = tpu.memref_squeeze %dma_start3A_1567 : memref<1x640x16xf32, #tpu.memory_space<hbm>> -> memref<640x16xf32, #tpu.memory_space<hbm>>
      %dma_start3A_1569 = arith.constant 0 : i32
      %dma_start3A_1570 = tpu.memref_slice %arg6[%mul3A_2, %dma_start3A_1569] : memref<10240x16xf32, #tpu.memory_space<vmem_shared>> -> memref<640x16xf32, #tpu.memory_space<vmem_shared>>
      tpu.enqueue_dma source(%dma_start3A_1570 : memref<640x16xf32, #tpu.memory_space<vmem_shared>>) target(%dma_start3A_1568 : memref<640x16xf32, #tpu.memory_space<hbm>>) target_semaphore(%run_scoped3A : memref<!tpu.dma_semaphore, #tpu.memory_space<semaphore_mem>>)
      %dma_wait3A = arith.constant 0 : i32
      %dma_wait3A_1571 = tpu.memref_slice %arg4[%arg0, %mul3A_2, %dma_wait3A] : memref<2x10240x16xf32, #tpu.memory_space<hbm>> -> memref<1x640x16xf32, #tpu.memory_space<hbm>>
      %dma_wait3A_1572 = tpu.memref_squeeze %dma_wait3A_1571 : memref<1x640x16xf32, #tpu.memory_space<hbm>> -> memref<640x16xf32, #tpu.memory_space<hbm>>
      %dma_wait3A_1573 = arith.constant 0 : i32
      %dma_wait3A_1574 = tpu.memref_slice %arg6[%mul3A_2, %dma_wait3A_1573] : memref<10240x16xf32, #tpu.memory_space<vmem_shared>> -> memref<640x16xf32, #tpu.memory_space<vmem_shared>>
      tpu.wait_dma2 semaphore(%run_scoped3A : memref<!tpu.dma_semaphore, #tpu.memory_space<semaphore_mem>>) src(%dma_wait3A_1574 : memref<640x16xf32, #tpu.memory_space<vmem_shared>>) dst(%dma_wait3A_1572 : memref<640x16xf32, #tpu.memory_space<hbm>>)
      tpu.yield
    }) : () -> ()
    "tpu.region"() ({
      %run_scoped3A = tpu.sem_alloc : memref<!tpu.dma_semaphore, #tpu.memory_space<semaphore_mem>>
      %dma_start3A = arith.constant 0 : i32
      %dma_start3A_1567 = tpu.memref_slice %arg5[%arg0, %mul3A_2, %dma_start3A] : memref<2x10240x16xf32, #tpu.memory_space<hbm>> -> memref<1x640x16xf32, #tpu.memory_space<hbm>>
      %dma_start3A_1568 = tpu.memref_squeeze %dma_start3A_1567 : memref<1x640x16xf32, #tpu.memory_space<hbm>> -> memref<640x16xf32, #tpu.memory_space<hbm>>
      %dma_start3A_1569 = arith.constant 0 : i32
      %dma_start3A_1570 = tpu.memref_slice %arg7[%mul3A_2, %dma_start3A_1569] : memref<10240x16xf32, #tpu.memory_space<vmem_shared>> -> memref<640x16xf32, #tpu.memory_space<vmem_shared>>
      tpu.enqueue_dma source(%dma_start3A_1570 : memref<640x16xf32, #tpu.memory_space<vmem_shared>>) target(%dma_start3A_1568 : memref<640x16xf32, #tpu.memory_space<hbm>>) target_semaphore(%run_scoped3A : memref<!tpu.dma_semaphore, #tpu.memory_space<semaphore_mem>>)
      %dma_wait3A = arith.constant 0 : i32
      %dma_wait3A_1571 = tpu.memref_slice %arg5[%arg0, %mul3A_2, %dma_wait3A] : memref<2x10240x16xf32, #tpu.memory_space<hbm>> -> memref<1x640x16xf32, #tpu.memory_space<hbm>>
      %dma_wait3A_1572 = tpu.memref_squeeze %dma_wait3A_1571 : memref<1x640x16xf32, #tpu.memory_space<hbm>> -> memref<640x16xf32, #tpu.memory_space<hbm>>
      %dma_wait3A_1573 = arith.constant 0 : i32
      %dma_wait3A_1574 = tpu.memref_slice %arg7[%mul3A_2, %dma_wait3A_1573] : memref<10240x16xf32, #tpu.memory_space<vmem_shared>> -> memref<640x16xf32, #tpu.memory_space<vmem_shared>>
      tpu.wait_dma2 semaphore(%run_scoped3A : memref<!tpu.dma_semaphore, #tpu.memory_space<semaphore_mem>>) src(%dma_wait3A_1574 : memref<640x16xf32, #tpu.memory_space<vmem_shared>>) dst(%dma_wait3A_1572 : memref<640x16xf32, #tpu.memory_space<hbm>>)
      tpu.yield
    }) : () -> ()
    return
  }
}

#map = affine_map<(d0, d1) -> (0, 0)>
#map1 = affine_map<(d0, d1) -> (0, 0, 0)>
module attributes {stable_mosaic.version = 14 : i64} {
  func.func @agg(%arg0: i32, %arg1: i32, %arg2: memref<10240x128xf32, #tpu.memory_space<hbm>>, %arg3: memref<32x80x128xi32, #tpu.memory_space<hbm>>, %arg4: memref<32x80x128xi32, #tpu.memory_space<hbm>>, %arg5: memref<640x128xf32, #tpu.memory_space<hbm>>, %arg6: memref<2x10240x128xf32, #tpu.memory_space<hbm>>, %arg7: memref<10240x128xf32, #tpu.memory_space<vmem_shared>>, %arg8: memref<40x128xi32, #tpu.memory_space<vmem>>, %arg9: memref<40x128xi32, #tpu.memory_space<vmem>>, %arg10: memref<128x128xf32, #tpu.memory_space<vmem>>, %arg11: memref<128x128xf32, #tpu.memory_space<vmem>>, %arg12: memref<!tpu.dma_semaphore, #tpu.memory_space<semaphore_mem>>, %arg13: memref<!tpu.dma_semaphore, #tpu.memory_space<semaphore_mem>>) attributes {dimension_semantics = [#tpu.dimension_semantics<core_parallel>, #tpu.dimension_semantics<subcore_parallel>], iteration_bounds = array<i64: 2, 16>, scalar_prefetch = 0 : i64, scratch_operands = 7 : i64, tpu.core_type = #tpu.core_type<sc_vector_subcore>, window_params = [{transform_indices = #map}, {transform_indices = #map1}, {transform_indices = #map1}, {transform_indices = #map}, {transform_indices = #map1}]} {
    %mul3A = arith.constant 16 : i32
    %mul3A_0 = arith.muli %arg0, %mul3A : i32
    %add3A = arith.addi %mul3A_0, %arg1 : i32
    %mul3A_1 = arith.constant 640 : i32
    %mul3A_2 = arith.muli %arg1, %mul3A_1 : i32
    "tpu.region"() ({
      %run_scoped3A_72 = tpu.sem_alloc : memref<!tpu.dma_semaphore, #tpu.memory_space<semaphore_mem>>
      %dma_start3A_73 = arith.constant 0 : i32
      %dma_start3A_74 = tpu.memref_slice %arg7[%mul3A_2, %dma_start3A_73] : memref<10240x128xf32, #tpu.memory_space<vmem_shared>> -> memref<640x128xf32, #tpu.memory_space<vmem_shared>>
      tpu.enqueue_dma source(%arg5 : memref<640x128xf32, #tpu.memory_space<hbm>>) target(%dma_start3A_74 : memref<640x128xf32, #tpu.memory_space<vmem_shared>>) target_semaphore(%run_scoped3A_72 : memref<!tpu.dma_semaphore, #tpu.memory_space<semaphore_mem>>)
      %dma_wait3A_75 = arith.constant 0 : i32
      %dma_wait3A_76 = tpu.memref_slice %arg7[%mul3A_2, %dma_wait3A_75] : memref<10240x128xf32, #tpu.memory_space<vmem_shared>> -> memref<640x128xf32, #tpu.memory_space<vmem_shared>>
      tpu.wait_dma2 semaphore(%run_scoped3A_72 : memref<!tpu.dma_semaphore, #tpu.memory_space<semaphore_mem>>) src(%arg5 : memref<640x128xf32, #tpu.memory_space<hbm>>) dst(%dma_wait3A_76 : memref<640x128xf32, #tpu.memory_space<vmem_shared>>)
      tpu.yield
    }) : () -> ()
    %barrier3A = arith.constant 0 : index
    tpu.barrier barrier_id(%barrier3A)
    "tpu.region"() ({
      %run_scoped3A_72 = tpu.sem_alloc : memref<!tpu.dma_semaphore, #tpu.memory_space<semaphore_mem>>
      %dma_start3A_73 = arith.constant 0 : i32
      %dma_start3A_74 = arith.constant 0 : i32
      %dma_start3A_75 = tpu.memref_slice %arg3[%add3A, %dma_start3A_73, %dma_start3A_74] : memref<32x80x128xi32, #tpu.memory_space<hbm>> -> memref<1x40x128xi32, #tpu.memory_space<hbm>>
      %dma_start3A_76 = tpu.memref_squeeze %dma_start3A_75 : memref<1x40x128xi32, #tpu.memory_space<hbm>> -> memref<40x128xi32, #tpu.memory_space<hbm>>
      %dma_start3A_77 = arith.constant 0 : i32
      %dma_start3A_78 = arith.constant 0 : i32
      %dma_start3A_79 = tpu.memref_slice %arg3[%add3A, %dma_start3A_77, %dma_start3A_78] : memref<32x80x128xi32, #tpu.memory_space<hbm>> -> memref<1x40x128xi32, #tpu.memory_space<hbm>>
      %dma_start3A_80 = tpu.memref_squeeze %dma_start3A_79 : memref<1x40x128xi32, #tpu.memory_space<hbm>> -> memref<40x128xi32, #tpu.memory_space<hbm>>
      tpu.enqueue_dma source(%dma_start3A_80 : memref<40x128xi32, #tpu.memory_space<hbm>>) target(%arg8 : memref<40x128xi32, #tpu.memory_space<vmem>>) target_semaphore(%run_scoped3A_72 : memref<!tpu.dma_semaphore, #tpu.memory_space<semaphore_mem>>)
      %dma_wait3A_81 = arith.constant 0 : i32
      %dma_wait3A_82 = arith.constant 0 : i32
      %dma_wait3A_83 = tpu.memref_slice %arg3[%add3A, %dma_wait3A_81, %dma_wait3A_82] : memref<32x80x128xi32, #tpu.memory_space<hbm>> -> memref<1x40x128xi32, #tpu.memory_space<hbm>>
      %dma_wait3A_84 = tpu.memref_squeeze %dma_wait3A_83 : memref<1x40x128xi32, #tpu.memory_space<hbm>> -> memref<40x128xi32, #tpu.memory_space<hbm>>
      %dma_wait3A_85 = arith.constant 0 : i32
      %dma_wait3A_86 = arith.constant 0 : i32
      %dma_wait3A_87 = tpu.memref_slice %arg3[%add3A, %dma_wait3A_85, %dma_wait3A_86] : memref<32x80x128xi32, #tpu.memory_space<hbm>> -> memref<1x40x128xi32, #tpu.memory_space<hbm>>
      %dma_wait3A_88 = tpu.memref_squeeze %dma_wait3A_87 : memref<1x40x128xi32, #tpu.memory_space<hbm>> -> memref<40x128xi32, #tpu.memory_space<hbm>>
      tpu.wait_dma2 semaphore(%run_scoped3A_72 : memref<!tpu.dma_semaphore, #tpu.memory_space<semaphore_mem>>) src(%dma_wait3A_88 : memref<40x128xi32, #tpu.memory_space<hbm>>) dst(%arg8 : memref<40x128xi32, #tpu.memory_space<vmem>>)
      tpu.yield
    }) : () -> ()
    "tpu.region"() ({
      %run_scoped3A_72 = tpu.sem_alloc : memref<!tpu.dma_semaphore, #tpu.memory_space<semaphore_mem>>
      %dma_start3A_73 = arith.constant 0 : i32
      %dma_start3A_74 = arith.constant 0 : i32
      %dma_start3A_75 = tpu.memref_slice %arg4[%add3A, %dma_start3A_73, %dma_start3A_74] : memref<32x80x128xi32, #tpu.memory_space<hbm>> -> memref<1x40x128xi32, #tpu.memory_space<hbm>>
      %dma_start3A_76 = tpu.memref_squeeze %dma_start3A_75 : memref<1x40x128xi32, #tpu.memory_space<hbm>> -> memref<40x128xi32, #tpu.memory_space<hbm>>
      %dma_start3A_77 = arith.constant 0 : i32
      %dma_start3A_78 = arith.constant 0 : i32
      %dma_start3A_79 = tpu.memref_slice %arg4[%add3A, %dma_start3A_77, %dma_start3A_78] : memref<32x80x128xi32, #tpu.memory_space<hbm>> -> memref<1x40x128xi32, #tpu.memory_space<hbm>>
      %dma_start3A_80 = tpu.memref_squeeze %dma_start3A_79 : memref<1x40x128xi32, #tpu.memory_space<hbm>> -> memref<40x128xi32, #tpu.memory_space<hbm>>
      tpu.enqueue_dma source(%dma_start3A_80 : memref<40x128xi32, #tpu.memory_space<hbm>>) target(%arg9 : memref<40x128xi32, #tpu.memory_space<vmem>>) target_semaphore(%run_scoped3A_72 : memref<!tpu.dma_semaphore, #tpu.memory_space<semaphore_mem>>)
      %dma_wait3A_81 = arith.constant 0 : i32
      %dma_wait3A_82 = arith.constant 0 : i32
      %dma_wait3A_83 = tpu.memref_slice %arg4[%add3A, %dma_wait3A_81, %dma_wait3A_82] : memref<32x80x128xi32, #tpu.memory_space<hbm>> -> memref<1x40x128xi32, #tpu.memory_space<hbm>>
      %dma_wait3A_84 = tpu.memref_squeeze %dma_wait3A_83 : memref<1x40x128xi32, #tpu.memory_space<hbm>> -> memref<40x128xi32, #tpu.memory_space<hbm>>
      %dma_wait3A_85 = arith.constant 0 : i32
      %dma_wait3A_86 = arith.constant 0 : i32
      %dma_wait3A_87 = tpu.memref_slice %arg4[%add3A, %dma_wait3A_85, %dma_wait3A_86] : memref<32x80x128xi32, #tpu.memory_space<hbm>> -> memref<1x40x128xi32, #tpu.memory_space<hbm>>
      %dma_wait3A_88 = tpu.memref_squeeze %dma_wait3A_87 : memref<1x40x128xi32, #tpu.memory_space<hbm>> -> memref<40x128xi32, #tpu.memory_space<hbm>>
      tpu.wait_dma2 semaphore(%run_scoped3A_72 : memref<!tpu.dma_semaphore, #tpu.memory_space<semaphore_mem>>) src(%dma_wait3A_88 : memref<40x128xi32, #tpu.memory_space<hbm>>) dst(%arg9 : memref<40x128xi32, #tpu.memory_space<vmem>>)
      tpu.yield
    }) : () -> ()
    %dma_start3A = arith.constant 0 : i32
    %dma_start3A_3 = arith.constant 0 : i32
    %dma_start3A_4 = tpu.memref_slice %arg8[%dma_start3A, %dma_start3A_3] : memref<40x128xi32, #tpu.memory_space<vmem>> -> memref<1x128xi32, #tpu.memory_space<vmem>>
    %dma_start3A_5 = tpu.memref_squeeze %dma_start3A_4 : memref<1x128xi32, #tpu.memory_space<vmem>> -> memref<128xi32, #tpu.memory_space<vmem>>
    %dma_start3A_6 = arith.constant 0 : i32
    %dma_start3A_7 = arith.constant 0 : i32
    %dma_start3A_8 = tpu.memref_slice %arg2[%dma_start3A_6, %dma_start3A_7] : memref<10240x128xf32, #tpu.memory_space<hbm>> -> memref<10240x128xf32, #tpu.memory_space<hbm>>
    tpu.enqueue_indirect_dma source(%dma_start3A_8 : memref<10240x128xf32, #tpu.memory_space<hbm>>) target(%arg10 : memref<128x128xf32, #tpu.memory_space<vmem>>) offsets(%dma_start3A_5 : memref<128xi32, #tpu.memory_space<vmem>>) semaphore(%arg12 : memref<!tpu.dma_semaphore, #tpu.memory_space<semaphore_mem>>)
    %dma_start3A_9 = arith.constant 1 : i32
    %dma_start3A_10 = arith.constant 0 : i32
    %dma_start3A_11 = tpu.memref_slice %arg8[%dma_start3A_9, %dma_start3A_10] : memref<40x128xi32, #tpu.memory_space<vmem>> -> memref<1x128xi32, #tpu.memory_space<vmem>>
    %dma_start3A_12 = tpu.memref_squeeze %dma_start3A_11 : memref<1x128xi32, #tpu.memory_space<vmem>> -> memref<128xi32, #tpu.memory_space<vmem>>
    %dma_start3A_13 = arith.constant 0 : i32
    %dma_start3A_14 = arith.constant 0 : i32
    %dma_start3A_15 = tpu.memref_slice %arg2[%dma_start3A_13, %dma_start3A_14] : memref<10240x128xf32, #tpu.memory_space<hbm>> -> memref<10240x128xf32, #tpu.memory_space<hbm>>
    tpu.enqueue_indirect_dma source(%dma_start3A_15 : memref<10240x128xf32, #tpu.memory_space<hbm>>) target(%arg11 : memref<128x128xf32, #tpu.memory_space<vmem>>) offsets(%dma_start3A_12 : memref<128xi32, #tpu.memory_space<vmem>>) semaphore(%arg13 : memref<!tpu.dma_semaphore, #tpu.memory_space<semaphore_mem>>)
    %scan3A = arith.constant 0 : i32
    %scan3A_16 = arith.constant 0 : i32
    %scan3A_17 = arith.constant 19 : i32
    %scan3A_18 = arith.addi %scan3A_16, %scan3A_17 : i32
    %scan3A_19 = arith.constant 1 : i32
    scf.for %scan3A_72 = %scan3A_16 to %scan3A_18 step %scan3A_19  : i32 {
      %mul3A_73 = arith.constant 2 : i32
      %mul3A_74 = arith.muli %mul3A_73, %scan3A_72 : i32
      %dma_wait3A_75 = arith.constant 0 : i32
      %dma_wait3A_76 = tpu.memref_slice %arg8[%mul3A_74, %dma_wait3A_75] : memref<40x128xi32, #tpu.memory_space<vmem>> -> memref<1x128xi32, #tpu.memory_space<vmem>>
      %dma_wait3A_77 = tpu.memref_squeeze %dma_wait3A_76 : memref<1x128xi32, #tpu.memory_space<vmem>> -> memref<128xi32, #tpu.memory_space<vmem>>
      %dma_wait3A_78 = arith.constant 0 : i32
      %dma_wait3A_79 = arith.constant 0 : i32
      %dma_wait3A_80 = tpu.memref_slice %arg2[%dma_wait3A_78, %dma_wait3A_79] : memref<10240x128xf32, #tpu.memory_space<hbm>> -> memref<10240x128xf32, #tpu.memory_space<hbm>>
      tpu.wait_indirect_dma semaphore(%arg12 : memref<!tpu.dma_semaphore, #tpu.memory_space<semaphore_mem>>) src(%dma_wait3A_80 : memref<10240x128xf32, #tpu.memory_space<hbm>>) dst(%arg10 : memref<128x128xf32, #tpu.memory_space<vmem>>)
      "tpu.region"() ({
        %run_scoped3A_107 = tpu.sem_alloc : memref<!tpu.dma_semaphore, #tpu.memory_space<semaphore_mem>>
        %dma_start3A_108 = arith.constant 0 : i32
        %dma_start3A_109 = tpu.memref_slice %arg9[%mul3A_74, %dma_start3A_108] : memref<40x128xi32, #tpu.memory_space<vmem>> -> memref<1x128xi32, #tpu.memory_space<vmem>>
        %dma_start3A_110 = tpu.memref_squeeze %dma_start3A_109 : memref<1x128xi32, #tpu.memory_space<vmem>> -> memref<128xi32, #tpu.memory_space<vmem>>
        %dma_start3A_111 = arith.constant 0 : i32
        %dma_start3A_112 = arith.constant 0 : i32
        %dma_start3A_113 = tpu.memref_slice %arg7[%dma_start3A_111, %dma_start3A_112] : memref<10240x128xf32, #tpu.memory_space<vmem_shared>> -> memref<10240x128xf32, #tpu.memory_space<vmem_shared>>
        tpu.enqueue_indirect_dma source(%arg10 : memref<128x128xf32, #tpu.memory_space<vmem>>) target(%dma_start3A_113 : memref<10240x128xf32, #tpu.memory_space<vmem_shared>>) offsets(%dma_start3A_110 : memref<128xi32, #tpu.memory_space<vmem>>) semaphore(%run_scoped3A_107 : memref<!tpu.dma_semaphore, #tpu.memory_space<semaphore_mem>>) {add = true}
        %dma_wait3A_114 = arith.constant 0 : i32
        %dma_wait3A_115 = tpu.memref_slice %arg9[%mul3A_74, %dma_wait3A_114] : memref<40x128xi32, #tpu.memory_space<vmem>> -> memref<1x128xi32, #tpu.memory_space<vmem>>
        %dma_wait3A_116 = tpu.memref_squeeze %dma_wait3A_115 : memref<1x128xi32, #tpu.memory_space<vmem>> -> memref<128xi32, #tpu.memory_space<vmem>>
        %dma_wait3A_117 = arith.constant 0 : i32
        %dma_wait3A_118 = arith.constant 0 : i32
        %dma_wait3A_119 = tpu.memref_slice %arg7[%dma_wait3A_117, %dma_wait3A_118] : memref<10240x128xf32, #tpu.memory_space<vmem_shared>> -> memref<10240x128xf32, #tpu.memory_space<vmem_shared>>
        tpu.wait_indirect_dma semaphore(%run_scoped3A_107 : memref<!tpu.dma_semaphore, #tpu.memory_space<semaphore_mem>>) src(%arg10 : memref<128x128xf32, #tpu.memory_space<vmem>>) dst(%dma_wait3A_119 : memref<10240x128xf32, #tpu.memory_space<vmem_shared>>)
        tpu.yield
      }) : () -> ()
      %add3A_81 = arith.constant 2 : i32
      %add3A_82 = arith.addi %mul3A_74, %add3A_81 : i32
      %dma_start3A_83 = arith.constant 0 : i32
      %dma_start3A_84 = tpu.memref_slice %arg8[%add3A_82, %dma_start3A_83] : memref<40x128xi32, #tpu.memory_space<vmem>> -> memref<1x128xi32, #tpu.memory_space<vmem>>
      %dma_start3A_85 = tpu.memref_squeeze %dma_start3A_84 : memref<1x128xi32, #tpu.memory_space<vmem>> -> memref<128xi32, #tpu.memory_space<vmem>>
      %dma_start3A_86 = arith.constant 0 : i32
      %dma_start3A_87 = arith.constant 0 : i32
      %dma_start3A_88 = tpu.memref_slice %arg2[%dma_start3A_86, %dma_start3A_87] : memref<10240x128xf32, #tpu.memory_space<hbm>> -> memref<10240x128xf32, #tpu.memory_space<hbm>>
      tpu.enqueue_indirect_dma source(%dma_start3A_88 : memref<10240x128xf32, #tpu.memory_space<hbm>>) target(%arg10 : memref<128x128xf32, #tpu.memory_space<vmem>>) offsets(%dma_start3A_85 : memref<128xi32, #tpu.memory_space<vmem>>) semaphore(%arg12 : memref<!tpu.dma_semaphore, #tpu.memory_space<semaphore_mem>>)
      %add3A_89 = arith.constant 1 : i32
      %add3A_90 = arith.addi %mul3A_74, %add3A_89 : i32
      %dma_wait3A_91 = arith.constant 0 : i32
      %dma_wait3A_92 = tpu.memref_slice %arg8[%add3A_90, %dma_wait3A_91] : memref<40x128xi32, #tpu.memory_space<vmem>> -> memref<1x128xi32, #tpu.memory_space<vmem>>
      %dma_wait3A_93 = tpu.memref_squeeze %dma_wait3A_92 : memref<1x128xi32, #tpu.memory_space<vmem>> -> memref<128xi32, #tpu.memory_space<vmem>>
      %dma_wait3A_94 = arith.constant 0 : i32
      %dma_wait3A_95 = arith.constant 0 : i32
      %dma_wait3A_96 = tpu.memref_slice %arg2[%dma_wait3A_94, %dma_wait3A_95] : memref<10240x128xf32, #tpu.memory_space<hbm>> -> memref<10240x128xf32, #tpu.memory_space<hbm>>
      tpu.wait_indirect_dma semaphore(%arg13 : memref<!tpu.dma_semaphore, #tpu.memory_space<semaphore_mem>>) src(%dma_wait3A_96 : memref<10240x128xf32, #tpu.memory_space<hbm>>) dst(%arg11 : memref<128x128xf32, #tpu.memory_space<vmem>>)
      %add3A_97 = arith.constant 1 : i32
      %add3A_98 = arith.addi %mul3A_74, %add3A_97 : i32
      "tpu.region"() ({
        %run_scoped3A_107 = tpu.sem_alloc : memref<!tpu.dma_semaphore, #tpu.memory_space<semaphore_mem>>
        %dma_start3A_108 = arith.constant 0 : i32
        %dma_start3A_109 = tpu.memref_slice %arg9[%add3A_98, %dma_start3A_108] : memref<40x128xi32, #tpu.memory_space<vmem>> -> memref<1x128xi32, #tpu.memory_space<vmem>>
        %dma_start3A_110 = tpu.memref_squeeze %dma_start3A_109 : memref<1x128xi32, #tpu.memory_space<vmem>> -> memref<128xi32, #tpu.memory_space<vmem>>
        %dma_start3A_111 = arith.constant 0 : i32
        %dma_start3A_112 = arith.constant 0 : i32
        %dma_start3A_113 = tpu.memref_slice %arg7[%dma_start3A_111, %dma_start3A_112] : memref<10240x128xf32, #tpu.memory_space<vmem_shared>> -> memref<10240x128xf32, #tpu.memory_space<vmem_shared>>
        tpu.enqueue_indirect_dma source(%arg11 : memref<128x128xf32, #tpu.memory_space<vmem>>) target(%dma_start3A_113 : memref<10240x128xf32, #tpu.memory_space<vmem_shared>>) offsets(%dma_start3A_110 : memref<128xi32, #tpu.memory_space<vmem>>) semaphore(%run_scoped3A_107 : memref<!tpu.dma_semaphore, #tpu.memory_space<semaphore_mem>>) {add = true}
        %dma_wait3A_114 = arith.constant 0 : i32
        %dma_wait3A_115 = tpu.memref_slice %arg9[%add3A_98, %dma_wait3A_114] : memref<40x128xi32, #tpu.memory_space<vmem>> -> memref<1x128xi32, #tpu.memory_space<vmem>>
        %dma_wait3A_116 = tpu.memref_squeeze %dma_wait3A_115 : memref<1x128xi32, #tpu.memory_space<vmem>> -> memref<128xi32, #tpu.memory_space<vmem>>
        %dma_wait3A_117 = arith.constant 0 : i32
        %dma_wait3A_118 = arith.constant 0 : i32
        %dma_wait3A_119 = tpu.memref_slice %arg7[%dma_wait3A_117, %dma_wait3A_118] : memref<10240x128xf32, #tpu.memory_space<vmem_shared>> -> memref<10240x128xf32, #tpu.memory_space<vmem_shared>>
        tpu.wait_indirect_dma semaphore(%run_scoped3A_107 : memref<!tpu.dma_semaphore, #tpu.memory_space<semaphore_mem>>) src(%arg11 : memref<128x128xf32, #tpu.memory_space<vmem>>) dst(%dma_wait3A_119 : memref<10240x128xf32, #tpu.memory_space<vmem_shared>>)
        tpu.yield
      }) : () -> ()
      %add3A_99 = arith.constant 3 : i32
      %add3A_100 = arith.addi %mul3A_74, %add3A_99 : i32
      %dma_start3A_101 = arith.constant 0 : i32
      %dma_start3A_102 = tpu.memref_slice %arg8[%add3A_100, %dma_start3A_101] : memref<40x128xi32, #tpu.memory_space<vmem>> -> memref<1x128xi32, #tpu.memory_space<vmem>>
      %dma_start3A_103 = tpu.memref_squeeze %dma_start3A_102 : memref<1x128xi32, #tpu.memory_space<vmem>> -> memref<128xi32, #tpu.memory_space<vmem>>
      %dma_start3A_104 = arith.constant 0 : i32
      %dma_start3A_105 = arith.constant 0 : i32
      %dma_start3A_106 = tpu.memref_slice %arg2[%dma_start3A_104, %dma_start3A_105] : memref<10240x128xf32, #tpu.memory_space<hbm>> -> memref<10240x128xf32, #tpu.memory_space<hbm>>
      tpu.enqueue_indirect_dma source(%dma_start3A_106 : memref<10240x128xf32, #tpu.memory_space<hbm>>) target(%arg11 : memref<128x128xf32, #tpu.memory_space<vmem>>) offsets(%dma_start3A_103 : memref<128xi32, #tpu.memory_space<vmem>>) semaphore(%arg13 : memref<!tpu.dma_semaphore, #tpu.memory_space<semaphore_mem>>)
    }
    %scan3A_20 = arith.constant 19 : i32
    %dma_wait3A = arith.constant 38 : i32
    %dma_wait3A_21 = arith.constant 0 : i32
    %dma_wait3A_22 = tpu.memref_slice %arg8[%dma_wait3A, %dma_wait3A_21] : memref<40x128xi32, #tpu.memory_space<vmem>> -> memref<1x128xi32, #tpu.memory_space<vmem>>
    %dma_wait3A_23 = tpu.memref_squeeze %dma_wait3A_22 : memref<1x128xi32, #tpu.memory_space<vmem>> -> memref<128xi32, #tpu.memory_space<vmem>>
    %dma_wait3A_24 = arith.constant 0 : i32
    %dma_wait3A_25 = arith.constant 0 : i32
    %dma_wait3A_26 = tpu.memref_slice %arg2[%dma_wait3A_24, %dma_wait3A_25] : memref<10240x128xf32, #tpu.memory_space<hbm>> -> memref<10240x128xf32, #tpu.memory_space<hbm>>
    tpu.wait_indirect_dma semaphore(%arg12 : memref<!tpu.dma_semaphore, #tpu.memory_space<semaphore_mem>>) src(%dma_wait3A_26 : memref<10240x128xf32, #tpu.memory_space<hbm>>) dst(%arg10 : memref<128x128xf32, #tpu.memory_space<vmem>>)
    %run_scoped3A = arith.constant 38 : i32
    "tpu.region"() ({
      %run_scoped3A_72 = tpu.sem_alloc : memref<!tpu.dma_semaphore, #tpu.memory_space<semaphore_mem>>
      %dma_start3A_73 = arith.constant 0 : i32
      %dma_start3A_74 = tpu.memref_slice %arg9[%run_scoped3A, %dma_start3A_73] : memref<40x128xi32, #tpu.memory_space<vmem>> -> memref<1x128xi32, #tpu.memory_space<vmem>>
      %dma_start3A_75 = tpu.memref_squeeze %dma_start3A_74 : memref<1x128xi32, #tpu.memory_space<vmem>> -> memref<128xi32, #tpu.memory_space<vmem>>
      %dma_start3A_76 = arith.constant 0 : i32
      %dma_start3A_77 = arith.constant 0 : i32
      %dma_start3A_78 = tpu.memref_slice %arg7[%dma_start3A_76, %dma_start3A_77] : memref<10240x128xf32, #tpu.memory_space<vmem_shared>> -> memref<10240x128xf32, #tpu.memory_space<vmem_shared>>
      tpu.enqueue_indirect_dma source(%arg10 : memref<128x128xf32, #tpu.memory_space<vmem>>) target(%dma_start3A_78 : memref<10240x128xf32, #tpu.memory_space<vmem_shared>>) offsets(%dma_start3A_75 : memref<128xi32, #tpu.memory_space<vmem>>) semaphore(%run_scoped3A_72 : memref<!tpu.dma_semaphore, #tpu.memory_space<semaphore_mem>>) {add = true}
      %dma_wait3A_79 = arith.constant 0 : i32
      %dma_wait3A_80 = tpu.memref_slice %arg9[%run_scoped3A, %dma_wait3A_79] : memref<40x128xi32, #tpu.memory_space<vmem>> -> memref<1x128xi32, #tpu.memory_space<vmem>>
      %dma_wait3A_81 = tpu.memref_squeeze %dma_wait3A_80 : memref<1x128xi32, #tpu.memory_space<vmem>> -> memref<128xi32, #tpu.memory_space<vmem>>
      %dma_wait3A_82 = arith.constant 0 : i32
      %dma_wait3A_83 = arith.constant 0 : i32
      %dma_wait3A_84 = tpu.memref_slice %arg7[%dma_wait3A_82, %dma_wait3A_83] : memref<10240x128xf32, #tpu.memory_space<vmem_shared>> -> memref<10240x128xf32, #tpu.memory_space<vmem_shared>>
      tpu.wait_indirect_dma semaphore(%run_scoped3A_72 : memref<!tpu.dma_semaphore, #tpu.memory_space<semaphore_mem>>) src(%arg10 : memref<128x128xf32, #tpu.memory_space<vmem>>) dst(%dma_wait3A_84 : memref<10240x128xf32, #tpu.memory_space<vmem_shared>>)
      tpu.yield
    }) : () -> ()
    %dma_wait3A_27 = arith.constant 39 : i32
    %dma_wait3A_28 = arith.constant 0 : i32
    %dma_wait3A_29 = tpu.memref_slice %arg8[%dma_wait3A_27, %dma_wait3A_28] : memref<40x128xi32, #tpu.memory_space<vmem>> -> memref<1x128xi32, #tpu.memory_space<vmem>>
    %dma_wait3A_30 = tpu.memref_squeeze %dma_wait3A_29 : memref<1x128xi32, #tpu.memory_space<vmem>> -> memref<128xi32, #tpu.memory_space<vmem>>
    %dma_wait3A_31 = arith.constant 0 : i32
    %dma_wait3A_32 = arith.constant 0 : i32
    %dma_wait3A_33 = tpu.memref_slice %arg2[%dma_wait3A_31, %dma_wait3A_32] : memref<10240x128xf32, #tpu.memory_space<hbm>> -> memref<10240x128xf32, #tpu.memory_space<hbm>>
    tpu.wait_indirect_dma semaphore(%arg13 : memref<!tpu.dma_semaphore, #tpu.memory_space<semaphore_mem>>) src(%dma_wait3A_33 : memref<10240x128xf32, #tpu.memory_space<hbm>>) dst(%arg11 : memref<128x128xf32, #tpu.memory_space<vmem>>)
    %run_scoped3A_34 = arith.constant 39 : i32
    "tpu.region"() ({
      %run_scoped3A_72 = tpu.sem_alloc : memref<!tpu.dma_semaphore, #tpu.memory_space<semaphore_mem>>
      %dma_start3A_73 = arith.constant 0 : i32
      %dma_start3A_74 = tpu.memref_slice %arg9[%run_scoped3A_34, %dma_start3A_73] : memref<40x128xi32, #tpu.memory_space<vmem>> -> memref<1x128xi32, #tpu.memory_space<vmem>>
      %dma_start3A_75 = tpu.memref_squeeze %dma_start3A_74 : memref<1x128xi32, #tpu.memory_space<vmem>> -> memref<128xi32, #tpu.memory_space<vmem>>
      %dma_start3A_76 = arith.constant 0 : i32
      %dma_start3A_77 = arith.constant 0 : i32
      %dma_start3A_78 = tpu.memref_slice %arg7[%dma_start3A_76, %dma_start3A_77] : memref<10240x128xf32, #tpu.memory_space<vmem_shared>> -> memref<10240x128xf32, #tpu.memory_space<vmem_shared>>
      tpu.enqueue_indirect_dma source(%arg11 : memref<128x128xf32, #tpu.memory_space<vmem>>) target(%dma_start3A_78 : memref<10240x128xf32, #tpu.memory_space<vmem_shared>>) offsets(%dma_start3A_75 : memref<128xi32, #tpu.memory_space<vmem>>) semaphore(%run_scoped3A_72 : memref<!tpu.dma_semaphore, #tpu.memory_space<semaphore_mem>>) {add = true}
      %dma_wait3A_79 = arith.constant 0 : i32
      %dma_wait3A_80 = tpu.memref_slice %arg9[%run_scoped3A_34, %dma_wait3A_79] : memref<40x128xi32, #tpu.memory_space<vmem>> -> memref<1x128xi32, #tpu.memory_space<vmem>>
      %dma_wait3A_81 = tpu.memref_squeeze %dma_wait3A_80 : memref<1x128xi32, #tpu.memory_space<vmem>> -> memref<128xi32, #tpu.memory_space<vmem>>
      %dma_wait3A_82 = arith.constant 0 : i32
      %dma_wait3A_83 = arith.constant 0 : i32
      %dma_wait3A_84 = tpu.memref_slice %arg7[%dma_wait3A_82, %dma_wait3A_83] : memref<10240x128xf32, #tpu.memory_space<vmem_shared>> -> memref<10240x128xf32, #tpu.memory_space<vmem_shared>>
      tpu.wait_indirect_dma semaphore(%run_scoped3A_72 : memref<!tpu.dma_semaphore, #tpu.memory_space<semaphore_mem>>) src(%arg11 : memref<128x128xf32, #tpu.memory_space<vmem>>) dst(%dma_wait3A_84 : memref<10240x128xf32, #tpu.memory_space<vmem_shared>>)
      tpu.yield
    }) : () -> ()
    "tpu.region"() ({
      %run_scoped3A_72 = tpu.sem_alloc : memref<!tpu.dma_semaphore, #tpu.memory_space<semaphore_mem>>
      %dma_start3A_73 = arith.constant 40 : i32
      %dma_start3A_74 = arith.constant 0 : i32
      %dma_start3A_75 = tpu.memref_slice %arg3[%add3A, %dma_start3A_73, %dma_start3A_74] : memref<32x80x128xi32, #tpu.memory_space<hbm>> -> memref<1x40x128xi32, #tpu.memory_space<hbm>>
      %dma_start3A_76 = tpu.memref_squeeze %dma_start3A_75 : memref<1x40x128xi32, #tpu.memory_space<hbm>> -> memref<40x128xi32, #tpu.memory_space<hbm>>
      %dma_start3A_77 = arith.constant 40 : i32
      %dma_start3A_78 = arith.constant 0 : i32
      %dma_start3A_79 = tpu.memref_slice %arg3[%add3A, %dma_start3A_77, %dma_start3A_78] : memref<32x80x128xi32, #tpu.memory_space<hbm>> -> memref<1x40x128xi32, #tpu.memory_space<hbm>>
      %dma_start3A_80 = tpu.memref_squeeze %dma_start3A_79 : memref<1x40x128xi32, #tpu.memory_space<hbm>> -> memref<40x128xi32, #tpu.memory_space<hbm>>
      tpu.enqueue_dma source(%dma_start3A_80 : memref<40x128xi32, #tpu.memory_space<hbm>>) target(%arg8 : memref<40x128xi32, #tpu.memory_space<vmem>>) target_semaphore(%run_scoped3A_72 : memref<!tpu.dma_semaphore, #tpu.memory_space<semaphore_mem>>)
      %dma_wait3A_81 = arith.constant 40 : i32
      %dma_wait3A_82 = arith.constant 0 : i32
      %dma_wait3A_83 = tpu.memref_slice %arg3[%add3A, %dma_wait3A_81, %dma_wait3A_82] : memref<32x80x128xi32, #tpu.memory_space<hbm>> -> memref<1x40x128xi32, #tpu.memory_space<hbm>>
      %dma_wait3A_84 = tpu.memref_squeeze %dma_wait3A_83 : memref<1x40x128xi32, #tpu.memory_space<hbm>> -> memref<40x128xi32, #tpu.memory_space<hbm>>
      %dma_wait3A_85 = arith.constant 40 : i32
      %dma_wait3A_86 = arith.constant 0 : i32
      %dma_wait3A_87 = tpu.memref_slice %arg3[%add3A, %dma_wait3A_85, %dma_wait3A_86] : memref<32x80x128xi32, #tpu.memory_space<hbm>> -> memref<1x40x128xi32, #tpu.memory_space<hbm>>
      %dma_wait3A_88 = tpu.memref_squeeze %dma_wait3A_87 : memref<1x40x128xi32, #tpu.memory_space<hbm>> -> memref<40x128xi32, #tpu.memory_space<hbm>>
      tpu.wait_dma2 semaphore(%run_scoped3A_72 : memref<!tpu.dma_semaphore, #tpu.memory_space<semaphore_mem>>) src(%dma_wait3A_88 : memref<40x128xi32, #tpu.memory_space<hbm>>) dst(%arg8 : memref<40x128xi32, #tpu.memory_space<vmem>>)
      tpu.yield
    }) : () -> ()
    "tpu.region"() ({
      %run_scoped3A_72 = tpu.sem_alloc : memref<!tpu.dma_semaphore, #tpu.memory_space<semaphore_mem>>
      %dma_start3A_73 = arith.constant 40 : i32
      %dma_start3A_74 = arith.constant 0 : i32
      %dma_start3A_75 = tpu.memref_slice %arg4[%add3A, %dma_start3A_73, %dma_start3A_74] : memref<32x80x128xi32, #tpu.memory_space<hbm>> -> memref<1x40x128xi32, #tpu.memory_space<hbm>>
      %dma_start3A_76 = tpu.memref_squeeze %dma_start3A_75 : memref<1x40x128xi32, #tpu.memory_space<hbm>> -> memref<40x128xi32, #tpu.memory_space<hbm>>
      %dma_start3A_77 = arith.constant 40 : i32
      %dma_start3A_78 = arith.constant 0 : i32
      %dma_start3A_79 = tpu.memref_slice %arg4[%add3A, %dma_start3A_77, %dma_start3A_78] : memref<32x80x128xi32, #tpu.memory_space<hbm>> -> memref<1x40x128xi32, #tpu.memory_space<hbm>>
      %dma_start3A_80 = tpu.memref_squeeze %dma_start3A_79 : memref<1x40x128xi32, #tpu.memory_space<hbm>> -> memref<40x128xi32, #tpu.memory_space<hbm>>
      tpu.enqueue_dma source(%dma_start3A_80 : memref<40x128xi32, #tpu.memory_space<hbm>>) target(%arg9 : memref<40x128xi32, #tpu.memory_space<vmem>>) target_semaphore(%run_scoped3A_72 : memref<!tpu.dma_semaphore, #tpu.memory_space<semaphore_mem>>)
      %dma_wait3A_81 = arith.constant 40 : i32
      %dma_wait3A_82 = arith.constant 0 : i32
      %dma_wait3A_83 = tpu.memref_slice %arg4[%add3A, %dma_wait3A_81, %dma_wait3A_82] : memref<32x80x128xi32, #tpu.memory_space<hbm>> -> memref<1x40x128xi32, #tpu.memory_space<hbm>>
      %dma_wait3A_84 = tpu.memref_squeeze %dma_wait3A_83 : memref<1x40x128xi32, #tpu.memory_space<hbm>> -> memref<40x128xi32, #tpu.memory_space<hbm>>
      %dma_wait3A_85 = arith.constant 40 : i32
      %dma_wait3A_86 = arith.constant 0 : i32
      %dma_wait3A_87 = tpu.memref_slice %arg4[%add3A, %dma_wait3A_85, %dma_wait3A_86] : memref<32x80x128xi32, #tpu.memory_space<hbm>> -> memref<1x40x128xi32, #tpu.memory_space<hbm>>
      %dma_wait3A_88 = tpu.memref_squeeze %dma_wait3A_87 : memref<1x40x128xi32, #tpu.memory_space<hbm>> -> memref<40x128xi32, #tpu.memory_space<hbm>>
      tpu.wait_dma2 semaphore(%run_scoped3A_72 : memref<!tpu.dma_semaphore, #tpu.memory_space<semaphore_mem>>) src(%dma_wait3A_88 : memref<40x128xi32, #tpu.memory_space<hbm>>) dst(%arg9 : memref<40x128xi32, #tpu.memory_space<vmem>>)
      tpu.yield
    }) : () -> ()
    %dma_start3A_35 = arith.constant 0 : i32
    %dma_start3A_36 = arith.constant 0 : i32
    %dma_start3A_37 = tpu.memref_slice %arg8[%dma_start3A_35, %dma_start3A_36] : memref<40x128xi32, #tpu.memory_space<vmem>> -> memref<1x128xi32, #tpu.memory_space<vmem>>
    %dma_start3A_38 = tpu.memref_squeeze %dma_start3A_37 : memref<1x128xi32, #tpu.memory_space<vmem>> -> memref<128xi32, #tpu.memory_space<vmem>>
    %dma_start3A_39 = arith.constant 0 : i32
    %dma_start3A_40 = arith.constant 0 : i32
    %dma_start3A_41 = tpu.memref_slice %arg2[%dma_start3A_39, %dma_start3A_40] : memref<10240x128xf32, #tpu.memory_space<hbm>> -> memref<10240x128xf32, #tpu.memory_space<hbm>>
    tpu.enqueue_indirect_dma source(%dma_start3A_41 : memref<10240x128xf32, #tpu.memory_space<hbm>>) target(%arg10 : memref<128x128xf32, #tpu.memory_space<vmem>>) offsets(%dma_start3A_38 : memref<128xi32, #tpu.memory_space<vmem>>) semaphore(%arg12 : memref<!tpu.dma_semaphore, #tpu.memory_space<semaphore_mem>>)
    %dma_start3A_42 = arith.constant 1 : i32
    %dma_start3A_43 = arith.constant 0 : i32
    %dma_start3A_44 = tpu.memref_slice %arg8[%dma_start3A_42, %dma_start3A_43] : memref<40x128xi32, #tpu.memory_space<vmem>> -> memref<1x128xi32, #tpu.memory_space<vmem>>
    %dma_start3A_45 = tpu.memref_squeeze %dma_start3A_44 : memref<1x128xi32, #tpu.memory_space<vmem>> -> memref<128xi32, #tpu.memory_space<vmem>>
    %dma_start3A_46 = arith.constant 0 : i32
    %dma_start3A_47 = arith.constant 0 : i32
    %dma_start3A_48 = tpu.memref_slice %arg2[%dma_start3A_46, %dma_start3A_47] : memref<10240x128xf32, #tpu.memory_space<hbm>> -> memref<10240x128xf32, #tpu.memory_space<hbm>>
    tpu.enqueue_indirect_dma source(%dma_start3A_48 : memref<10240x128xf32, #tpu.memory_space<hbm>>) target(%arg11 : memref<128x128xf32, #tpu.memory_space<vmem>>) offsets(%dma_start3A_45 : memref<128xi32, #tpu.memory_space<vmem>>) semaphore(%arg13 : memref<!tpu.dma_semaphore, #tpu.memory_space<semaphore_mem>>)
    %scan3A_49 = arith.constant 0 : i32
    %scan3A_50 = arith.constant 0 : i32
    %scan3A_51 = arith.constant 19 : i32
    %scan3A_52 = arith.addi %scan3A_50, %scan3A_51 : i32
    %scan3A_53 = arith.constant 1 : i32
    scf.for %scan3A_72 = %scan3A_50 to %scan3A_52 step %scan3A_53  : i32 {
      %mul3A_73 = arith.constant 2 : i32
      %mul3A_74 = arith.muli %mul3A_73, %scan3A_72 : i32
      %dma_wait3A_75 = arith.constant 0 : i32
      %dma_wait3A_76 = tpu.memref_slice %arg8[%mul3A_74, %dma_wait3A_75] : memref<40x128xi32, #tpu.memory_space<vmem>> -> memref<1x128xi32, #tpu.memory_space<vmem>>
      %dma_wait3A_77 = tpu.memref_squeeze %dma_wait3A_76 : memref<1x128xi32, #tpu.memory_space<vmem>> -> memref<128xi32, #tpu.memory_space<vmem>>
      %dma_wait3A_78 = arith.constant 0 : i32
      %dma_wait3A_79 = arith.constant 0 : i32
      %dma_wait3A_80 = tpu.memref_slice %arg2[%dma_wait3A_78, %dma_wait3A_79] : memref<10240x128xf32, #tpu.memory_space<hbm>> -> memref<10240x128xf32, #tpu.memory_space<hbm>>
      tpu.wait_indirect_dma semaphore(%arg12 : memref<!tpu.dma_semaphore, #tpu.memory_space<semaphore_mem>>) src(%dma_wait3A_80 : memref<10240x128xf32, #tpu.memory_space<hbm>>) dst(%arg10 : memref<128x128xf32, #tpu.memory_space<vmem>>)
      "tpu.region"() ({
        %run_scoped3A_107 = tpu.sem_alloc : memref<!tpu.dma_semaphore, #tpu.memory_space<semaphore_mem>>
        %dma_start3A_108 = arith.constant 0 : i32
        %dma_start3A_109 = tpu.memref_slice %arg9[%mul3A_74, %dma_start3A_108] : memref<40x128xi32, #tpu.memory_space<vmem>> -> memref<1x128xi32, #tpu.memory_space<vmem>>
        %dma_start3A_110 = tpu.memref_squeeze %dma_start3A_109 : memref<1x128xi32, #tpu.memory_space<vmem>> -> memref<128xi32, #tpu.memory_space<vmem>>
        %dma_start3A_111 = arith.constant 0 : i32
        %dma_start3A_112 = arith.constant 0 : i32
        %dma_start3A_113 = tpu.memref_slice %arg7[%dma_start3A_111, %dma_start3A_112] : memref<10240x128xf32, #tpu.memory_space<vmem_shared>> -> memref<10240x128xf32, #tpu.memory_space<vmem_shared>>
        tpu.enqueue_indirect_dma source(%arg10 : memref<128x128xf32, #tpu.memory_space<vmem>>) target(%dma_start3A_113 : memref<10240x128xf32, #tpu.memory_space<vmem_shared>>) offsets(%dma_start3A_110 : memref<128xi32, #tpu.memory_space<vmem>>) semaphore(%run_scoped3A_107 : memref<!tpu.dma_semaphore, #tpu.memory_space<semaphore_mem>>) {add = true}
        %dma_wait3A_114 = arith.constant 0 : i32
        %dma_wait3A_115 = tpu.memref_slice %arg9[%mul3A_74, %dma_wait3A_114] : memref<40x128xi32, #tpu.memory_space<vmem>> -> memref<1x128xi32, #tpu.memory_space<vmem>>
        %dma_wait3A_116 = tpu.memref_squeeze %dma_wait3A_115 : memref<1x128xi32, #tpu.memory_space<vmem>> -> memref<128xi32, #tpu.memory_space<vmem>>
        %dma_wait3A_117 = arith.constant 0 : i32
        %dma_wait3A_118 = arith.constant 0 : i32
        %dma_wait3A_119 = tpu.memref_slice %arg7[%dma_wait3A_117, %dma_wait3A_118] : memref<10240x128xf32, #tpu.memory_space<vmem_shared>> -> memref<10240x128xf32, #tpu.memory_space<vmem_shared>>
        tpu.wait_indirect_dma semaphore(%run_scoped3A_107 : memref<!tpu.dma_semaphore, #tpu.memory_space<semaphore_mem>>) src(%arg10 : memref<128x128xf32, #tpu.memory_space<vmem>>) dst(%dma_wait3A_119 : memref<10240x128xf32, #tpu.memory_space<vmem_shared>>)
        tpu.yield
      }) : () -> ()
      %add3A_81 = arith.constant 2 : i32
      %add3A_82 = arith.addi %mul3A_74, %add3A_81 : i32
      %dma_start3A_83 = arith.constant 0 : i32
      %dma_start3A_84 = tpu.memref_slice %arg8[%add3A_82, %dma_start3A_83] : memref<40x128xi32, #tpu.memory_space<vmem>> -> memref<1x128xi32, #tpu.memory_space<vmem>>
      %dma_start3A_85 = tpu.memref_squeeze %dma_start3A_84 : memref<1x128xi32, #tpu.memory_space<vmem>> -> memref<128xi32, #tpu.memory_space<vmem>>
      %dma_start3A_86 = arith.constant 0 : i32
      %dma_start3A_87 = arith.constant 0 : i32
      %dma_start3A_88 = tpu.memref_slice %arg2[%dma_start3A_86, %dma_start3A_87] : memref<10240x128xf32, #tpu.memory_space<hbm>> -> memref<10240x128xf32, #tpu.memory_space<hbm>>
      tpu.enqueue_indirect_dma source(%dma_start3A_88 : memref<10240x128xf32, #tpu.memory_space<hbm>>) target(%arg10 : memref<128x128xf32, #tpu.memory_space<vmem>>) offsets(%dma_start3A_85 : memref<128xi32, #tpu.memory_space<vmem>>) semaphore(%arg12 : memref<!tpu.dma_semaphore, #tpu.memory_space<semaphore_mem>>)
      %add3A_89 = arith.constant 1 : i32
      %add3A_90 = arith.addi %mul3A_74, %add3A_89 : i32
      %dma_wait3A_91 = arith.constant 0 : i32
      %dma_wait3A_92 = tpu.memref_slice %arg8[%add3A_90, %dma_wait3A_91] : memref<40x128xi32, #tpu.memory_space<vmem>> -> memref<1x128xi32, #tpu.memory_space<vmem>>
      %dma_wait3A_93 = tpu.memref_squeeze %dma_wait3A_92 : memref<1x128xi32, #tpu.memory_space<vmem>> -> memref<128xi32, #tpu.memory_space<vmem>>
      %dma_wait3A_94 = arith.constant 0 : i32
      %dma_wait3A_95 = arith.constant 0 : i32
      %dma_wait3A_96 = tpu.memref_slice %arg2[%dma_wait3A_94, %dma_wait3A_95] : memref<10240x128xf32, #tpu.memory_space<hbm>> -> memref<10240x128xf32, #tpu.memory_space<hbm>>
      tpu.wait_indirect_dma semaphore(%arg13 : memref<!tpu.dma_semaphore, #tpu.memory_space<semaphore_mem>>) src(%dma_wait3A_96 : memref<10240x128xf32, #tpu.memory_space<hbm>>) dst(%arg11 : memref<128x128xf32, #tpu.memory_space<vmem>>)
      %add3A_97 = arith.constant 1 : i32
      %add3A_98 = arith.addi %mul3A_74, %add3A_97 : i32
      "tpu.region"() ({
        %run_scoped3A_107 = tpu.sem_alloc : memref<!tpu.dma_semaphore, #tpu.memory_space<semaphore_mem>>
        %dma_start3A_108 = arith.constant 0 : i32
        %dma_start3A_109 = tpu.memref_slice %arg9[%add3A_98, %dma_start3A_108] : memref<40x128xi32, #tpu.memory_space<vmem>> -> memref<1x128xi32, #tpu.memory_space<vmem>>
        %dma_start3A_110 = tpu.memref_squeeze %dma_start3A_109 : memref<1x128xi32, #tpu.memory_space<vmem>> -> memref<128xi32, #tpu.memory_space<vmem>>
        %dma_start3A_111 = arith.constant 0 : i32
        %dma_start3A_112 = arith.constant 0 : i32
        %dma_start3A_113 = tpu.memref_slice %arg7[%dma_start3A_111, %dma_start3A_112] : memref<10240x128xf32, #tpu.memory_space<vmem_shared>> -> memref<10240x128xf32, #tpu.memory_space<vmem_shared>>
        tpu.enqueue_indirect_dma source(%arg11 : memref<128x128xf32, #tpu.memory_space<vmem>>) target(%dma_start3A_113 : memref<10240x128xf32, #tpu.memory_space<vmem_shared>>) offsets(%dma_start3A_110 : memref<128xi32, #tpu.memory_space<vmem>>) semaphore(%run_scoped3A_107 : memref<!tpu.dma_semaphore, #tpu.memory_space<semaphore_mem>>) {add = true}
        %dma_wait3A_114 = arith.constant 0 : i32
        %dma_wait3A_115 = tpu.memref_slice %arg9[%add3A_98, %dma_wait3A_114] : memref<40x128xi32, #tpu.memory_space<vmem>> -> memref<1x128xi32, #tpu.memory_space<vmem>>
        %dma_wait3A_116 = tpu.memref_squeeze %dma_wait3A_115 : memref<1x128xi32, #tpu.memory_space<vmem>> -> memref<128xi32, #tpu.memory_space<vmem>>
        %dma_wait3A_117 = arith.constant 0 : i32
        %dma_wait3A_118 = arith.constant 0 : i32
        %dma_wait3A_119 = tpu.memref_slice %arg7[%dma_wait3A_117, %dma_wait3A_118] : memref<10240x128xf32, #tpu.memory_space<vmem_shared>> -> memref<10240x128xf32, #tpu.memory_space<vmem_shared>>
        tpu.wait_indirect_dma semaphore(%run_scoped3A_107 : memref<!tpu.dma_semaphore, #tpu.memory_space<semaphore_mem>>) src(%arg11 : memref<128x128xf32, #tpu.memory_space<vmem>>) dst(%dma_wait3A_119 : memref<10240x128xf32, #tpu.memory_space<vmem_shared>>)
        tpu.yield
      }) : () -> ()
      %add3A_99 = arith.constant 3 : i32
      %add3A_100 = arith.addi %mul3A_74, %add3A_99 : i32
      %dma_start3A_101 = arith.constant 0 : i32
      %dma_start3A_102 = tpu.memref_slice %arg8[%add3A_100, %dma_start3A_101] : memref<40x128xi32, #tpu.memory_space<vmem>> -> memref<1x128xi32, #tpu.memory_space<vmem>>
      %dma_start3A_103 = tpu.memref_squeeze %dma_start3A_102 : memref<1x128xi32, #tpu.memory_space<vmem>> -> memref<128xi32, #tpu.memory_space<vmem>>
      %dma_start3A_104 = arith.constant 0 : i32
      %dma_start3A_105 = arith.constant 0 : i32
      %dma_start3A_106 = tpu.memref_slice %arg2[%dma_start3A_104, %dma_start3A_105] : memref<10240x128xf32, #tpu.memory_space<hbm>> -> memref<10240x128xf32, #tpu.memory_space<hbm>>
      tpu.enqueue_indirect_dma source(%dma_start3A_106 : memref<10240x128xf32, #tpu.memory_space<hbm>>) target(%arg11 : memref<128x128xf32, #tpu.memory_space<vmem>>) offsets(%dma_start3A_103 : memref<128xi32, #tpu.memory_space<vmem>>) semaphore(%arg13 : memref<!tpu.dma_semaphore, #tpu.memory_space<semaphore_mem>>)
    }
    %scan3A_54 = arith.constant 19 : i32
    %dma_wait3A_55 = arith.constant 38 : i32
    %dma_wait3A_56 = arith.constant 0 : i32
    %dma_wait3A_57 = tpu.memref_slice %arg8[%dma_wait3A_55, %dma_wait3A_56] : memref<40x128xi32, #tpu.memory_space<vmem>> -> memref<1x128xi32, #tpu.memory_space<vmem>>
    %dma_wait3A_58 = tpu.memref_squeeze %dma_wait3A_57 : memref<1x128xi32, #tpu.memory_space<vmem>> -> memref<128xi32, #tpu.memory_space<vmem>>
    %dma_wait3A_59 = arith.constant 0 : i32
    %dma_wait3A_60 = arith.constant 0 : i32
    %dma_wait3A_61 = tpu.memref_slice %arg2[%dma_wait3A_59, %dma_wait3A_60] : memref<10240x128xf32, #tpu.memory_space<hbm>> -> memref<10240x128xf32, #tpu.memory_space<hbm>>
    tpu.wait_indirect_dma semaphore(%arg12 : memref<!tpu.dma_semaphore, #tpu.memory_space<semaphore_mem>>) src(%dma_wait3A_61 : memref<10240x128xf32, #tpu.memory_space<hbm>>) dst(%arg10 : memref<128x128xf32, #tpu.memory_space<vmem>>)
    %run_scoped3A_62 = arith.constant 38 : i32
    "tpu.region"() ({
      %run_scoped3A_72 = tpu.sem_alloc : memref<!tpu.dma_semaphore, #tpu.memory_space<semaphore_mem>>
      %dma_start3A_73 = arith.constant 0 : i32
      %dma_start3A_74 = tpu.memref_slice %arg9[%run_scoped3A_62, %dma_start3A_73] : memref<40x128xi32, #tpu.memory_space<vmem>> -> memref<1x128xi32, #tpu.memory_space<vmem>>
      %dma_start3A_75 = tpu.memref_squeeze %dma_start3A_74 : memref<1x128xi32, #tpu.memory_space<vmem>> -> memref<128xi32, #tpu.memory_space<vmem>>
      %dma_start3A_76 = arith.constant 0 : i32
      %dma_start3A_77 = arith.constant 0 : i32
      %dma_start3A_78 = tpu.memref_slice %arg7[%dma_start3A_76, %dma_start3A_77] : memref<10240x128xf32, #tpu.memory_space<vmem_shared>> -> memref<10240x128xf32, #tpu.memory_space<vmem_shared>>
      tpu.enqueue_indirect_dma source(%arg10 : memref<128x128xf32, #tpu.memory_space<vmem>>) target(%dma_start3A_78 : memref<10240x128xf32, #tpu.memory_space<vmem_shared>>) offsets(%dma_start3A_75 : memref<128xi32, #tpu.memory_space<vmem>>) semaphore(%run_scoped3A_72 : memref<!tpu.dma_semaphore, #tpu.memory_space<semaphore_mem>>) {add = true}
      %dma_wait3A_79 = arith.constant 0 : i32
      %dma_wait3A_80 = tpu.memref_slice %arg9[%run_scoped3A_62, %dma_wait3A_79] : memref<40x128xi32, #tpu.memory_space<vmem>> -> memref<1x128xi32, #tpu.memory_space<vmem>>
      %dma_wait3A_81 = tpu.memref_squeeze %dma_wait3A_80 : memref<1x128xi32, #tpu.memory_space<vmem>> -> memref<128xi32, #tpu.memory_space<vmem>>
      %dma_wait3A_82 = arith.constant 0 : i32
      %dma_wait3A_83 = arith.constant 0 : i32
      %dma_wait3A_84 = tpu.memref_slice %arg7[%dma_wait3A_82, %dma_wait3A_83] : memref<10240x128xf32, #tpu.memory_space<vmem_shared>> -> memref<10240x128xf32, #tpu.memory_space<vmem_shared>>
      tpu.wait_indirect_dma semaphore(%run_scoped3A_72 : memref<!tpu.dma_semaphore, #tpu.memory_space<semaphore_mem>>) src(%arg10 : memref<128x128xf32, #tpu.memory_space<vmem>>) dst(%dma_wait3A_84 : memref<10240x128xf32, #tpu.memory_space<vmem_shared>>)
      tpu.yield
    }) : () -> ()
    %dma_wait3A_63 = arith.constant 39 : i32
    %dma_wait3A_64 = arith.constant 0 : i32
    %dma_wait3A_65 = tpu.memref_slice %arg8[%dma_wait3A_63, %dma_wait3A_64] : memref<40x128xi32, #tpu.memory_space<vmem>> -> memref<1x128xi32, #tpu.memory_space<vmem>>
    %dma_wait3A_66 = tpu.memref_squeeze %dma_wait3A_65 : memref<1x128xi32, #tpu.memory_space<vmem>> -> memref<128xi32, #tpu.memory_space<vmem>>
    %dma_wait3A_67 = arith.constant 0 : i32
    %dma_wait3A_68 = arith.constant 0 : i32
    %dma_wait3A_69 = tpu.memref_slice %arg2[%dma_wait3A_67, %dma_wait3A_68] : memref<10240x128xf32, #tpu.memory_space<hbm>> -> memref<10240x128xf32, #tpu.memory_space<hbm>>
    tpu.wait_indirect_dma semaphore(%arg13 : memref<!tpu.dma_semaphore, #tpu.memory_space<semaphore_mem>>) src(%dma_wait3A_69 : memref<10240x128xf32, #tpu.memory_space<hbm>>) dst(%arg11 : memref<128x128xf32, #tpu.memory_space<vmem>>)
    %run_scoped3A_70 = arith.constant 39 : i32
    "tpu.region"() ({
      %run_scoped3A_72 = tpu.sem_alloc : memref<!tpu.dma_semaphore, #tpu.memory_space<semaphore_mem>>
      %dma_start3A_73 = arith.constant 0 : i32
      %dma_start3A_74 = tpu.memref_slice %arg9[%run_scoped3A_70, %dma_start3A_73] : memref<40x128xi32, #tpu.memory_space<vmem>> -> memref<1x128xi32, #tpu.memory_space<vmem>>
      %dma_start3A_75 = tpu.memref_squeeze %dma_start3A_74 : memref<1x128xi32, #tpu.memory_space<vmem>> -> memref<128xi32, #tpu.memory_space<vmem>>
      %dma_start3A_76 = arith.constant 0 : i32
      %dma_start3A_77 = arith.constant 0 : i32
      %dma_start3A_78 = tpu.memref_slice %arg7[%dma_start3A_76, %dma_start3A_77] : memref<10240x128xf32, #tpu.memory_space<vmem_shared>> -> memref<10240x128xf32, #tpu.memory_space<vmem_shared>>
      tpu.enqueue_indirect_dma source(%arg11 : memref<128x128xf32, #tpu.memory_space<vmem>>) target(%dma_start3A_78 : memref<10240x128xf32, #tpu.memory_space<vmem_shared>>) offsets(%dma_start3A_75 : memref<128xi32, #tpu.memory_space<vmem>>) semaphore(%run_scoped3A_72 : memref<!tpu.dma_semaphore, #tpu.memory_space<semaphore_mem>>) {add = true}
      %dma_wait3A_79 = arith.constant 0 : i32
      %dma_wait3A_80 = tpu.memref_slice %arg9[%run_scoped3A_70, %dma_wait3A_79] : memref<40x128xi32, #tpu.memory_space<vmem>> -> memref<1x128xi32, #tpu.memory_space<vmem>>
      %dma_wait3A_81 = tpu.memref_squeeze %dma_wait3A_80 : memref<1x128xi32, #tpu.memory_space<vmem>> -> memref<128xi32, #tpu.memory_space<vmem>>
      %dma_wait3A_82 = arith.constant 0 : i32
      %dma_wait3A_83 = arith.constant 0 : i32
      %dma_wait3A_84 = tpu.memref_slice %arg7[%dma_wait3A_82, %dma_wait3A_83] : memref<10240x128xf32, #tpu.memory_space<vmem_shared>> -> memref<10240x128xf32, #tpu.memory_space<vmem_shared>>
      tpu.wait_indirect_dma semaphore(%run_scoped3A_72 : memref<!tpu.dma_semaphore, #tpu.memory_space<semaphore_mem>>) src(%arg11 : memref<128x128xf32, #tpu.memory_space<vmem>>) dst(%dma_wait3A_84 : memref<10240x128xf32, #tpu.memory_space<vmem_shared>>)
      tpu.yield
    }) : () -> ()
    %barrier3A_71 = arith.constant 0 : index
    tpu.barrier barrier_id(%barrier3A_71)
    "tpu.region"() ({
      %run_scoped3A_72 = tpu.sem_alloc : memref<!tpu.dma_semaphore, #tpu.memory_space<semaphore_mem>>
      %dma_start3A_73 = arith.constant 0 : i32
      %dma_start3A_74 = tpu.memref_slice %arg6[%arg0, %mul3A_2, %dma_start3A_73] : memref<2x10240x128xf32, #tpu.memory_space<hbm>> -> memref<1x640x128xf32, #tpu.memory_space<hbm>>
      %dma_start3A_75 = tpu.memref_squeeze %dma_start3A_74 : memref<1x640x128xf32, #tpu.memory_space<hbm>> -> memref<640x128xf32, #tpu.memory_space<hbm>>
      %dma_start3A_76 = arith.constant 0 : i32
      %dma_start3A_77 = tpu.memref_slice %arg7[%mul3A_2, %dma_start3A_76] : memref<10240x128xf32, #tpu.memory_space<vmem_shared>> -> memref<640x128xf32, #tpu.memory_space<vmem_shared>>
      tpu.enqueue_dma source(%dma_start3A_77 : memref<640x128xf32, #tpu.memory_space<vmem_shared>>) target(%dma_start3A_75 : memref<640x128xf32, #tpu.memory_space<hbm>>) target_semaphore(%run_scoped3A_72 : memref<!tpu.dma_semaphore, #tpu.memory_space<semaphore_mem>>)
      %dma_wait3A_78 = arith.constant 0 : i32
      %dma_wait3A_79 = tpu.memref_slice %arg6[%arg0, %mul3A_2, %dma_wait3A_78] : memref<2x10240x128xf32, #tpu.memory_space<hbm>> -> memref<1x640x128xf32, #tpu.memory_space<hbm>>
      %dma_wait3A_80 = tpu.memref_squeeze %dma_wait3A_79 : memref<1x640x128xf32, #tpu.memory_space<hbm>> -> memref<640x128xf32, #tpu.memory_space<hbm>>
      %dma_wait3A_81 = arith.constant 0 : i32
      %dma_wait3A_82 = tpu.memref_slice %arg7[%mul3A_2, %dma_wait3A_81] : memref<10240x128xf32, #tpu.memory_space<vmem_shared>> -> memref<640x128xf32, #tpu.memory_space<vmem_shared>>
      tpu.wait_dma2 semaphore(%run_scoped3A_72 : memref<!tpu.dma_semaphore, #tpu.memory_space<semaphore_mem>>) src(%dma_wait3A_82 : memref<640x128xf32, #tpu.memory_space<vmem_shared>>) dst(%dma_wait3A_80 : memref<640x128xf32, #tpu.memory_space<hbm>>)
      tpu.yield
    }) : () -> ()
    return
  }
}

#map = affine_map<(d0, d1) -> (0, 0)>
#map1 = affine_map<(d0, d1) -> (0, 0, 0)>
module attributes {stable_mosaic.version = 14 : i64} {
  func.func @agg(%arg0: i32, %arg1: i32, %arg2: memref<10240x32xf32, #tpu.memory_space<hbm>>, %arg3: memref<32x80x128xi32, #tpu.memory_space<hbm>>, %arg4: memref<32x80x128xi32, #tpu.memory_space<hbm>>, %arg5: memref<2x10240x32xf32, #tpu.memory_space<hbm>>, %arg6: memref<10240x32xf32, #tpu.memory_space<vmem_shared>>, %arg7: memref<80x128xi32, #tpu.memory_space<vmem>>, %arg8: memref<80x128xi32, #tpu.memory_space<vmem>>, %arg9: memref<128x32xf32, #tpu.memory_space<vmem>>, %arg10: memref<128x32xf32, #tpu.memory_space<vmem>>, %arg11: memref<!tpu.dma_semaphore, #tpu.memory_space<semaphore_mem>>, %arg12: memref<!tpu.dma_semaphore, #tpu.memory_space<semaphore_mem>>, %arg13: memref<128x32xf32, #tpu.memory_space<vmem>>) attributes {dimension_semantics = [#tpu.dimension_semantics<core_parallel>, #tpu.dimension_semantics<subcore_parallel>], iteration_bounds = array<i64: 2, 16>, scalar_prefetch = 0 : i64, scratch_operands = 8 : i64, tpu.core_type = #tpu.core_type<sc_vector_subcore>, window_params = [{transform_indices = #map}, {transform_indices = #map1}, {transform_indices = #map1}, {transform_indices = #map1}]} {
    %mul3A = arith.constant 16 : i32
    %mul3A_0 = arith.muli %arg0, %mul3A : i32
    %add3A = arith.addi %mul3A_0, %arg1 : i32
    %mul3A_1 = arith.constant 640 : i32
    %mul3A_2 = arith.muli %arg1, %mul3A_1 : i32
    %broadcast_in_dim3A = arith.constant 0.000000e+00 : f32
    %broadcast_in_dim3A_3 = vector.broadcast %broadcast_in_dim3A : f32 to vector<16xf32>
    %swap3A = arith.constant 0 : i32
    %swap3A_4 = arith.index_cast %swap3A : i32 to index
    %swap3A_5 = arith.constant 0 : index
    %swap3A_6 = tpu.vector_load %arg13[%swap3A_4, %swap3A_5] {strides = array<i32>} : memref<128x32xf32, #tpu.memory_space<vmem>>, vector<1x16xf32>,
    %swap3A_7 = vector.shape_cast %swap3A_6 : vector<1x16xf32> to vector<16xf32>
    %swap3A_8 = vector.shape_cast %broadcast_in_dim3A_3 : vector<16xf32> to vector<1x16xf32>
    tpu.vector_store %arg13[%swap3A_4, %swap3A_5], %swap3A_8 {strides = array<i32>} : memref<128x32xf32, #tpu.memory_space<vmem>>, vector<1x16xf32>,
    %swap3A_9 = arith.constant 0 : i32
    %swap3A_10 = arith.index_cast %swap3A_9 : i32 to index
    %swap3A_11 = arith.constant 16 : index
    %swap3A_12 = tpu.vector_load %arg13[%swap3A_10, %swap3A_11] {strides = array<i32>} : memref<128x32xf32, #tpu.memory_space<vmem>>, vector<1x16xf32>,
    %swap3A_13 = vector.shape_cast %swap3A_12 : vector<1x16xf32> to vector<16xf32>
    %swap3A_14 = vector.shape_cast %broadcast_in_dim3A_3 : vector<16xf32> to vector<1x16xf32>
    tpu.vector_store %arg13[%swap3A_10, %swap3A_11], %swap3A_14 {strides = array<i32>} : memref<128x32xf32, #tpu.memory_space<vmem>>, vector<1x16xf32>,
    %swap3A_15 = arith.constant 1 : i32
    %swap3A_16 = arith.index_cast %swap3A_15 : i32 to index
    %swap3A_17 = arith.constant 0 : index
    %swap3A_18 = tpu.vector_load %arg13[%swap3A_16, %swap3A_17] {strides = array<i32>} : memref<128x32xf32, #tpu.memory_space<vmem>>, vector<1x16xf32>,
    %swap3A_19 = vector.shape_cast %swap3A_18 : vector<1x16xf32> to vector<16xf32>
    %swap3A_20 = vector.shape_cast %broadcast_in_dim3A_3 : vector<16xf32> to vector<1x16xf32>
    tpu.vector_store %arg13[%swap3A_16, %swap3A_17], %swap3A_20 {strides = array<i32>} : memref<128x32xf32, #tpu.memory_space<vmem>>, vector<1x16xf32>,
    %swap3A_21 = arith.constant 1 : i32
    %swap3A_22 = arith.index_cast %swap3A_21 : i32 to index
    %swap3A_23 = arith.constant 16 : index
    %swap3A_24 = tpu.vector_load %arg13[%swap3A_22, %swap3A_23] {strides = array<i32>} : memref<128x32xf32, #tpu.memory_space<vmem>>, vector<1x16xf32>,
    %swap3A_25 = vector.shape_cast %swap3A_24 : vector<1x16xf32> to vector<16xf32>
    %swap3A_26 = vector.shape_cast %broadcast_in_dim3A_3 : vector<16xf32> to vector<1x16xf32>
    tpu.vector_store %arg13[%swap3A_22, %swap3A_23], %swap3A_26 {strides = array<i32>} : memref<128x32xf32, #tpu.memory_space<vmem>>, vector<1x16xf32>,
    %swap3A_27 = arith.constant 2 : i32
    %swap3A_28 = arith.index_cast %swap3A_27 : i32 to index
    %swap3A_29 = arith.constant 0 : index
    %swap3A_30 = tpu.vector_load %arg13[%swap3A_28, %swap3A_29] {strides = array<i32>} : memref<128x32xf32, #tpu.memory_space<vmem>>, vector<1x16xf32>,
    %swap3A_31 = vector.shape_cast %swap3A_30 : vector<1x16xf32> to vector<16xf32>
    %swap3A_32 = vector.shape_cast %broadcast_in_dim3A_3 : vector<16xf32> to vector<1x16xf32>
    tpu.vector_store %arg13[%swap3A_28, %swap3A_29], %swap3A_32 {strides = array<i32>} : memref<128x32xf32, #tpu.memory_space<vmem>>, vector<1x16xf32>,
    %swap3A_33 = arith.constant 2 : i32
    %swap3A_34 = arith.index_cast %swap3A_33 : i32 to index
    %swap3A_35 = arith.constant 16 : index
    %swap3A_36 = tpu.vector_load %arg13[%swap3A_34, %swap3A_35] {strides = array<i32>} : memref<128x32xf32, #tpu.memory_space<vmem>>, vector<1x16xf32>,
    %swap3A_37 = vector.shape_cast %swap3A_36 : vector<1x16xf32> to vector<16xf32>
    %swap3A_38 = vector.shape_cast %broadcast_in_dim3A_3 : vector<16xf32> to vector<1x16xf32>
    tpu.vector_store %arg13[%swap3A_34, %swap3A_35], %swap3A_38 {strides = array<i32>} : memref<128x32xf32, #tpu.memory_space<vmem>>, vector<1x16xf32>,
    %swap3A_39 = arith.constant 3 : i32
    %swap3A_40 = arith.index_cast %swap3A_39 : i32 to index
    %swap3A_41 = arith.constant 0 : index
    %swap3A_42 = tpu.vector_load %arg13[%swap3A_40, %swap3A_41] {strides = array<i32>} : memref<128x32xf32, #tpu.memory_space<vmem>>, vector<1x16xf32>,
    %swap3A_43 = vector.shape_cast %swap3A_42 : vector<1x16xf32> to vector<16xf32>
    %swap3A_44 = vector.shape_cast %broadcast_in_dim3A_3 : vector<16xf32> to vector<1x16xf32>
    tpu.vector_store %arg13[%swap3A_40, %swap3A_41], %swap3A_44 {strides = array<i32>} : memref<128x32xf32, #tpu.memory_space<vmem>>, vector<1x16xf32>,
    %swap3A_45 = arith.constant 3 : i32
    %swap3A_46 = arith.index_cast %swap3A_45 : i32 to index
    %swap3A_47 = arith.constant 16 : index
    %swap3A_48 = tpu.vector_load %arg13[%swap3A_46, %swap3A_47] {strides = array<i32>} : memref<128x32xf32, #tpu.memory_space<vmem>>, vector<1x16xf32>,
    %swap3A_49 = vector.shape_cast %swap3A_48 : vector<1x16xf32> to vector<16xf32>
    %swap3A_50 = vector.shape_cast %broadcast_in_dim3A_3 : vector<16xf32> to vector<1x16xf32>
    tpu.vector_store %arg13[%swap3A_46, %swap3A_47], %swap3A_50 {strides = array<i32>} : memref<128x32xf32, #tpu.memory_space<vmem>>, vector<1x16xf32>,
    %swap3A_51 = arith.constant 4 : i32
    %swap3A_52 = arith.index_cast %swap3A_51 : i32 to index
    %swap3A_53 = arith.constant 0 : index
    %swap3A_54 = tpu.vector_load %arg13[%swap3A_52, %swap3A_53] {strides = array<i32>} : memref<128x32xf32, #tpu.memory_space<vmem>>, vector<1x16xf32>,
    %swap3A_55 = vector.shape_cast %swap3A_54 : vector<1x16xf32> to vector<16xf32>
    %swap3A_56 = vector.shape_cast %broadcast_in_dim3A_3 : vector<16xf32> to vector<1x16xf32>
    tpu.vector_store %arg13[%swap3A_52, %swap3A_53], %swap3A_56 {strides = array<i32>} : memref<128x32xf32, #tpu.memory_space<vmem>>, vector<1x16xf32>,
    %swap3A_57 = arith.constant 4 : i32
    %swap3A_58 = arith.index_cast %swap3A_57 : i32 to index
    %swap3A_59 = arith.constant 16 : index
    %swap3A_60 = tpu.vector_load %arg13[%swap3A_58, %swap3A_59] {strides = array<i32>} : memref<128x32xf32, #tpu.memory_space<vmem>>, vector<1x16xf32>,
    %swap3A_61 = vector.shape_cast %swap3A_60 : vector<1x16xf32> to vector<16xf32>
    %swap3A_62 = vector.shape_cast %broadcast_in_dim3A_3 : vector<16xf32> to vector<1x16xf32>
    tpu.vector_store %arg13[%swap3A_58, %swap3A_59], %swap3A_62 {strides = array<i32>} : memref<128x32xf32, #tpu.memory_space<vmem>>, vector<1x16xf32>,
    %swap3A_63 = arith.constant 5 : i32
    %swap3A_64 = arith.index_cast %swap3A_63 : i32 to index
    %swap3A_65 = arith.constant 0 : index
    %swap3A_66 = tpu.vector_load %arg13[%swap3A_64, %swap3A_65] {strides = array<i32>} : memref<128x32xf32, #tpu.memory_space<vmem>>, vector<1x16xf32>,
    %swap3A_67 = vector.shape_cast %swap3A_66 : vector<1x16xf32> to vector<16xf32>
    %swap3A_68 = vector.shape_cast %broadcast_in_dim3A_3 : vector<16xf32> to vector<1x16xf32>
    tpu.vector_store %arg13[%swap3A_64, %swap3A_65], %swap3A_68 {strides = array<i32>} : memref<128x32xf32, #tpu.memory_space<vmem>>, vector<1x16xf32>,
    %swap3A_69 = arith.constant 5 : i32
    %swap3A_70 = arith.index_cast %swap3A_69 : i32 to index
    %swap3A_71 = arith.constant 16 : index
    %swap3A_72 = tpu.vector_load %arg13[%swap3A_70, %swap3A_71] {strides = array<i32>} : memref<128x32xf32, #tpu.memory_space<vmem>>, vector<1x16xf32>,
    %swap3A_73 = vector.shape_cast %swap3A_72 : vector<1x16xf32> to vector<16xf32>
    %swap3A_74 = vector.shape_cast %broadcast_in_dim3A_3 : vector<16xf32> to vector<1x16xf32>
    tpu.vector_store %arg13[%swap3A_70, %swap3A_71], %swap3A_74 {strides = array<i32>} : memref<128x32xf32, #tpu.memory_space<vmem>>, vector<1x16xf32>,
    %swap3A_75 = arith.constant 6 : i32
    %swap3A_76 = arith.index_cast %swap3A_75 : i32 to index
    %swap3A_77 = arith.constant 0 : index
    %swap3A_78 = tpu.vector_load %arg13[%swap3A_76, %swap3A_77] {strides = array<i32>} : memref<128x32xf32, #tpu.memory_space<vmem>>, vector<1x16xf32>,
    %swap3A_79 = vector.shape_cast %swap3A_78 : vector<1x16xf32> to vector<16xf32>
    %swap3A_80 = vector.shape_cast %broadcast_in_dim3A_3 : vector<16xf32> to vector<1x16xf32>
    tpu.vector_store %arg13[%swap3A_76, %swap3A_77], %swap3A_80 {strides = array<i32>} : memref<128x32xf32, #tpu.memory_space<vmem>>, vector<1x16xf32>,
    %swap3A_81 = arith.constant 6 : i32
    %swap3A_82 = arith.index_cast %swap3A_81 : i32 to index
    %swap3A_83 = arith.constant 16 : index
    %swap3A_84 = tpu.vector_load %arg13[%swap3A_82, %swap3A_83] {strides = array<i32>} : memref<128x32xf32, #tpu.memory_space<vmem>>, vector<1x16xf32>,
    %swap3A_85 = vector.shape_cast %swap3A_84 : vector<1x16xf32> to vector<16xf32>
    %swap3A_86 = vector.shape_cast %broadcast_in_dim3A_3 : vector<16xf32> to vector<1x16xf32>
    tpu.vector_store %arg13[%swap3A_82, %swap3A_83], %swap3A_86 {strides = array<i32>} : memref<128x32xf32, #tpu.memory_space<vmem>>, vector<1x16xf32>,
    %swap3A_87 = arith.constant 7 : i32
    %swap3A_88 = arith.index_cast %swap3A_87 : i32 to index
    %swap3A_89 = arith.constant 0 : index
    %swap3A_90 = tpu.vector_load %arg13[%swap3A_88, %swap3A_89] {strides = array<i32>} : memref<128x32xf32, #tpu.memory_space<vmem>>, vector<1x16xf32>,
    %swap3A_91 = vector.shape_cast %swap3A_90 : vector<1x16xf32> to vector<16xf32>
    %swap3A_92 = vector.shape_cast %broadcast_in_dim3A_3 : vector<16xf32> to vector<1x16xf32>
    tpu.vector_store %arg13[%swap3A_88, %swap3A_89], %swap3A_92 {strides = array<i32>} : memref<128x32xf32, #tpu.memory_space<vmem>>, vector<1x16xf32>,
    %swap3A_93 = arith.constant 7 : i32
    %swap3A_94 = arith.index_cast %swap3A_93 : i32 to index
    %swap3A_95 = arith.constant 16 : index
    %swap3A_96 = tpu.vector_load %arg13[%swap3A_94, %swap3A_95] {strides = array<i32>} : memref<128x32xf32, #tpu.memory_space<vmem>>, vector<1x16xf32>,
    %swap3A_97 = vector.shape_cast %swap3A_96 : vector<1x16xf32> to vector<16xf32>
    %swap3A_98 = vector.shape_cast %broadcast_in_dim3A_3 : vector<16xf32> to vector<1x16xf32>
    tpu.vector_store %arg13[%swap3A_94, %swap3A_95], %swap3A_98 {strides = array<i32>} : memref<128x32xf32, #tpu.memory_space<vmem>>, vector<1x16xf32>,
    %swap3A_99 = arith.constant 8 : i32
    %swap3A_100 = arith.index_cast %swap3A_99 : i32 to index
    %swap3A_101 = arith.constant 0 : index
    %swap3A_102 = tpu.vector_load %arg13[%swap3A_100, %swap3A_101] {strides = array<i32>} : memref<128x32xf32, #tpu.memory_space<vmem>>, vector<1x16xf32>,
    %swap3A_103 = vector.shape_cast %swap3A_102 : vector<1x16xf32> to vector<16xf32>
    %swap3A_104 = vector.shape_cast %broadcast_in_dim3A_3 : vector<16xf32> to vector<1x16xf32>
    tpu.vector_store %arg13[%swap3A_100, %swap3A_101], %swap3A_104 {strides = array<i32>} : memref<128x32xf32, #tpu.memory_space<vmem>>, vector<1x16xf32>,
    %swap3A_105 = arith.constant 8 : i32
    %swap3A_106 = arith.index_cast %swap3A_105 : i32 to index
    %swap3A_107 = arith.constant 16 : index
    %swap3A_108 = tpu.vector_load %arg13[%swap3A_106, %swap3A_107] {strides = array<i32>} : memref<128x32xf32, #tpu.memory_space<vmem>>, vector<1x16xf32>,
    %swap3A_109 = vector.shape_cast %swap3A_108 : vector<1x16xf32> to vector<16xf32>
    %swap3A_110 = vector.shape_cast %broadcast_in_dim3A_3 : vector<16xf32> to vector<1x16xf32>
    tpu.vector_store %arg13[%swap3A_106, %swap3A_107], %swap3A_110 {strides = array<i32>} : memref<128x32xf32, #tpu.memory_space<vmem>>, vector<1x16xf32>,
    %swap3A_111 = arith.constant 9 : i32
    %swap3A_112 = arith.index_cast %swap3A_111 : i32 to index
    %swap3A_113 = arith.constant 0 : index
    %swap3A_114 = tpu.vector_load %arg13[%swap3A_112, %swap3A_113] {strides = array<i32>} : memref<128x32xf32, #tpu.memory_space<vmem>>, vector<1x16xf32>,
    %swap3A_115 = vector.shape_cast %swap3A_114 : vector<1x16xf32> to vector<16xf32>
    %swap3A_116 = vector.shape_cast %broadcast_in_dim3A_3 : vector<16xf32> to vector<1x16xf32>
    tpu.vector_store %arg13[%swap3A_112, %swap3A_113], %swap3A_116 {strides = array<i32>} : memref<128x32xf32, #tpu.memory_space<vmem>>, vector<1x16xf32>,
    %swap3A_117 = arith.constant 9 : i32
    %swap3A_118 = arith.index_cast %swap3A_117 : i32 to index
    %swap3A_119 = arith.constant 16 : index
    %swap3A_120 = tpu.vector_load %arg13[%swap3A_118, %swap3A_119] {strides = array<i32>} : memref<128x32xf32, #tpu.memory_space<vmem>>, vector<1x16xf32>,
    %swap3A_121 = vector.shape_cast %swap3A_120 : vector<1x16xf32> to vector<16xf32>
    %swap3A_122 = vector.shape_cast %broadcast_in_dim3A_3 : vector<16xf32> to vector<1x16xf32>
    tpu.vector_store %arg13[%swap3A_118, %swap3A_119], %swap3A_122 {strides = array<i32>} : memref<128x32xf32, #tpu.memory_space<vmem>>, vector<1x16xf32>,
    %swap3A_123 = arith.constant 10 : i32
    %swap3A_124 = arith.index_cast %swap3A_123 : i32 to index
    %swap3A_125 = arith.constant 0 : index
    %swap3A_126 = tpu.vector_load %arg13[%swap3A_124, %swap3A_125] {strides = array<i32>} : memref<128x32xf32, #tpu.memory_space<vmem>>, vector<1x16xf32>,
    %swap3A_127 = vector.shape_cast %swap3A_126 : vector<1x16xf32> to vector<16xf32>
    %swap3A_128 = vector.shape_cast %broadcast_in_dim3A_3 : vector<16xf32> to vector<1x16xf32>
    tpu.vector_store %arg13[%swap3A_124, %swap3A_125], %swap3A_128 {strides = array<i32>} : memref<128x32xf32, #tpu.memory_space<vmem>>, vector<1x16xf32>,
    %swap3A_129 = arith.constant 10 : i32
    %swap3A_130 = arith.index_cast %swap3A_129 : i32 to index
    %swap3A_131 = arith.constant 16 : index
    %swap3A_132 = tpu.vector_load %arg13[%swap3A_130, %swap3A_131] {strides = array<i32>} : memref<128x32xf32, #tpu.memory_space<vmem>>, vector<1x16xf32>,
    %swap3A_133 = vector.shape_cast %swap3A_132 : vector<1x16xf32> to vector<16xf32>
    %swap3A_134 = vector.shape_cast %broadcast_in_dim3A_3 : vector<16xf32> to vector<1x16xf32>
    tpu.vector_store %arg13[%swap3A_130, %swap3A_131], %swap3A_134 {strides = array<i32>} : memref<128x32xf32, #tpu.memory_space<vmem>>, vector<1x16xf32>,
    %swap3A_135 = arith.constant 11 : i32
    %swap3A_136 = arith.index_cast %swap3A_135 : i32 to index
    %swap3A_137 = arith.constant 0 : index
    %swap3A_138 = tpu.vector_load %arg13[%swap3A_136, %swap3A_137] {strides = array<i32>} : memref<128x32xf32, #tpu.memory_space<vmem>>, vector<1x16xf32>,
    %swap3A_139 = vector.shape_cast %swap3A_138 : vector<1x16xf32> to vector<16xf32>
    %swap3A_140 = vector.shape_cast %broadcast_in_dim3A_3 : vector<16xf32> to vector<1x16xf32>
    tpu.vector_store %arg13[%swap3A_136, %swap3A_137], %swap3A_140 {strides = array<i32>} : memref<128x32xf32, #tpu.memory_space<vmem>>, vector<1x16xf32>,
    %swap3A_141 = arith.constant 11 : i32
    %swap3A_142 = arith.index_cast %swap3A_141 : i32 to index
    %swap3A_143 = arith.constant 16 : index
    %swap3A_144 = tpu.vector_load %arg13[%swap3A_142, %swap3A_143] {strides = array<i32>} : memref<128x32xf32, #tpu.memory_space<vmem>>, vector<1x16xf32>,
    %swap3A_145 = vector.shape_cast %swap3A_144 : vector<1x16xf32> to vector<16xf32>
    %swap3A_146 = vector.shape_cast %broadcast_in_dim3A_3 : vector<16xf32> to vector<1x16xf32>
    tpu.vector_store %arg13[%swap3A_142, %swap3A_143], %swap3A_146 {strides = array<i32>} : memref<128x32xf32, #tpu.memory_space<vmem>>, vector<1x16xf32>,
    %swap3A_147 = arith.constant 12 : i32
    %swap3A_148 = arith.index_cast %swap3A_147 : i32 to index
    %swap3A_149 = arith.constant 0 : index
    %swap3A_150 = tpu.vector_load %arg13[%swap3A_148, %swap3A_149] {strides = array<i32>} : memref<128x32xf32, #tpu.memory_space<vmem>>, vector<1x16xf32>,
    %swap3A_151 = vector.shape_cast %swap3A_150 : vector<1x16xf32> to vector<16xf32>
    %swap3A_152 = vector.shape_cast %broadcast_in_dim3A_3 : vector<16xf32> to vector<1x16xf32>
    tpu.vector_store %arg13[%swap3A_148, %swap3A_149], %swap3A_152 {strides = array<i32>} : memref<128x32xf32, #tpu.memory_space<vmem>>, vector<1x16xf32>,
    %swap3A_153 = arith.constant 12 : i32
    %swap3A_154 = arith.index_cast %swap3A_153 : i32 to index
    %swap3A_155 = arith.constant 16 : index
    %swap3A_156 = tpu.vector_load %arg13[%swap3A_154, %swap3A_155] {strides = array<i32>} : memref<128x32xf32, #tpu.memory_space<vmem>>, vector<1x16xf32>,
    %swap3A_157 = vector.shape_cast %swap3A_156 : vector<1x16xf32> to vector<16xf32>
    %swap3A_158 = vector.shape_cast %broadcast_in_dim3A_3 : vector<16xf32> to vector<1x16xf32>
    tpu.vector_store %arg13[%swap3A_154, %swap3A_155], %swap3A_158 {strides = array<i32>} : memref<128x32xf32, #tpu.memory_space<vmem>>, vector<1x16xf32>,
    %swap3A_159 = arith.constant 13 : i32
    %swap3A_160 = arith.index_cast %swap3A_159 : i32 to index
    %swap3A_161 = arith.constant 0 : index
    %swap3A_162 = tpu.vector_load %arg13[%swap3A_160, %swap3A_161] {strides = array<i32>} : memref<128x32xf32, #tpu.memory_space<vmem>>, vector<1x16xf32>,
    %swap3A_163 = vector.shape_cast %swap3A_162 : vector<1x16xf32> to vector<16xf32>
    %swap3A_164 = vector.shape_cast %broadcast_in_dim3A_3 : vector<16xf32> to vector<1x16xf32>
    tpu.vector_store %arg13[%swap3A_160, %swap3A_161], %swap3A_164 {strides = array<i32>} : memref<128x32xf32, #tpu.memory_space<vmem>>, vector<1x16xf32>,
    %swap3A_165 = arith.constant 13 : i32
    %swap3A_166 = arith.index_cast %swap3A_165 : i32 to index
    %swap3A_167 = arith.constant 16 : index
    %swap3A_168 = tpu.vector_load %arg13[%swap3A_166, %swap3A_167] {strides = array<i32>} : memref<128x32xf32, #tpu.memory_space<vmem>>, vector<1x16xf32>,
    %swap3A_169 = vector.shape_cast %swap3A_168 : vector<1x16xf32> to vector<16xf32>
    %swap3A_170 = vector.shape_cast %broadcast_in_dim3A_3 : vector<16xf32> to vector<1x16xf32>
    tpu.vector_store %arg13[%swap3A_166, %swap3A_167], %swap3A_170 {strides = array<i32>} : memref<128x32xf32, #tpu.memory_space<vmem>>, vector<1x16xf32>,
    %swap3A_171 = arith.constant 14 : i32
    %swap3A_172 = arith.index_cast %swap3A_171 : i32 to index
    %swap3A_173 = arith.constant 0 : index
    %swap3A_174 = tpu.vector_load %arg13[%swap3A_172, %swap3A_173] {strides = array<i32>} : memref<128x32xf32, #tpu.memory_space<vmem>>, vector<1x16xf32>,
    %swap3A_175 = vector.shape_cast %swap3A_174 : vector<1x16xf32> to vector<16xf32>
    %swap3A_176 = vector.shape_cast %broadcast_in_dim3A_3 : vector<16xf32> to vector<1x16xf32>
    tpu.vector_store %arg13[%swap3A_172, %swap3A_173], %swap3A_176 {strides = array<i32>} : memref<128x32xf32, #tpu.memory_space<vmem>>, vector<1x16xf32>,
    %swap3A_177 = arith.constant 14 : i32
    %swap3A_178 = arith.index_cast %swap3A_177 : i32 to index
    %swap3A_179 = arith.constant 16 : index
    %swap3A_180 = tpu.vector_load %arg13[%swap3A_178, %swap3A_179] {strides = array<i32>} : memref<128x32xf32, #tpu.memory_space<vmem>>, vector<1x16xf32>,
    %swap3A_181 = vector.shape_cast %swap3A_180 : vector<1x16xf32> to vector<16xf32>
    %swap3A_182 = vector.shape_cast %broadcast_in_dim3A_3 : vector<16xf32> to vector<1x16xf32>
    tpu.vector_store %arg13[%swap3A_178, %swap3A_179], %swap3A_182 {strides = array<i32>} : memref<128x32xf32, #tpu.memory_space<vmem>>, vector<1x16xf32>,
    %swap3A_183 = arith.constant 15 : i32
    %swap3A_184 = arith.index_cast %swap3A_183 : i32 to index
    %swap3A_185 = arith.constant 0 : index
    %swap3A_186 = tpu.vector_load %arg13[%swap3A_184, %swap3A_185] {strides = array<i32>} : memref<128x32xf32, #tpu.memory_space<vmem>>, vector<1x16xf32>,
    %swap3A_187 = vector.shape_cast %swap3A_186 : vector<1x16xf32> to vector<16xf32>
    %swap3A_188 = vector.shape_cast %broadcast_in_dim3A_3 : vector<16xf32> to vector<1x16xf32>
    tpu.vector_store %arg13[%swap3A_184, %swap3A_185], %swap3A_188 {strides = array<i32>} : memref<128x32xf32, #tpu.memory_space<vmem>>, vector<1x16xf32>,
    %swap3A_189 = arith.constant 15 : i32
    %swap3A_190 = arith.index_cast %swap3A_189 : i32 to index
    %swap3A_191 = arith.constant 16 : index
    %swap3A_192 = tpu.vector_load %arg13[%swap3A_190, %swap3A_191] {strides = array<i32>} : memref<128x32xf32, #tpu.memory_space<vmem>>, vector<1x16xf32>,
    %swap3A_193 = vector.shape_cast %swap3A_192 : vector<1x16xf32> to vector<16xf32>
    %swap3A_194 = vector.shape_cast %broadcast_in_dim3A_3 : vector<16xf32> to vector<1x16xf32>
    tpu.vector_store %arg13[%swap3A_190, %swap3A_191], %swap3A_194 {strides = array<i32>} : memref<128x32xf32, #tpu.memory_space<vmem>>, vector<1x16xf32>,
    %swap3A_195 = arith.constant 16 : i32
    %swap3A_196 = arith.index_cast %swap3A_195 : i32 to index
    %swap3A_197 = arith.constant 0 : index
    %swap3A_198 = tpu.vector_load %arg13[%swap3A_196, %swap3A_197] {strides = array<i32>} : memref<128x32xf32, #tpu.memory_space<vmem>>, vector<1x16xf32>,
    %swap3A_199 = vector.shape_cast %swap3A_198 : vector<1x16xf32> to vector<16xf32>
    %swap3A_200 = vector.shape_cast %broadcast_in_dim3A_3 : vector<16xf32> to vector<1x16xf32>
    tpu.vector_store %arg13[%swap3A_196, %swap3A_197], %swap3A_200 {strides = array<i32>} : memref<128x32xf32, #tpu.memory_space<vmem>>, vector<1x16xf32>,
    %swap3A_201 = arith.constant 16 : i32
    %swap3A_202 = arith.index_cast %swap3A_201 : i32 to index
    %swap3A_203 = arith.constant 16 : index
    %swap3A_204 = tpu.vector_load %arg13[%swap3A_202, %swap3A_203] {strides = array<i32>} : memref<128x32xf32, #tpu.memory_space<vmem>>, vector<1x16xf32>,
    %swap3A_205 = vector.shape_cast %swap3A_204 : vector<1x16xf32> to vector<16xf32>
    %swap3A_206 = vector.shape_cast %broadcast_in_dim3A_3 : vector<16xf32> to vector<1x16xf32>
    tpu.vector_store %arg13[%swap3A_202, %swap3A_203], %swap3A_206 {strides = array<i32>} : memref<128x32xf32, #tpu.memory_space<vmem>>, vector<1x16xf32>,
    %swap3A_207 = arith.constant 17 : i32
    %swap3A_208 = arith.index_cast %swap3A_207 : i32 to index
    %swap3A_209 = arith.constant 0 : index
    %swap3A_210 = tpu.vector_load %arg13[%swap3A_208, %swap3A_209] {strides = array<i32>} : memref<128x32xf32, #tpu.memory_space<vmem>>, vector<1x16xf32>,
    %swap3A_211 = vector.shape_cast %swap3A_210 : vector<1x16xf32> to vector<16xf32>
    %swap3A_212 = vector.shape_cast %broadcast_in_dim3A_3 : vector<16xf32> to vector<1x16xf32>
    tpu.vector_store %arg13[%swap3A_208, %swap3A_209], %swap3A_212 {strides = array<i32>} : memref<128x32xf32, #tpu.memory_space<vmem>>, vector<1x16xf32>,
    %swap3A_213 = arith.constant 17 : i32
    %swap3A_214 = arith.index_cast %swap3A_213 : i32 to index
    %swap3A_215 = arith.constant 16 : index
    %swap3A_216 = tpu.vector_load %arg13[%swap3A_214, %swap3A_215] {strides = array<i32>} : memref<128x32xf32, #tpu.memory_space<vmem>>, vector<1x16xf32>,
    %swap3A_217 = vector.shape_cast %swap3A_216 : vector<1x16xf32> to vector<16xf32>
    %swap3A_218 = vector.shape_cast %broadcast_in_dim3A_3 : vector<16xf32> to vector<1x16xf32>
    tpu.vector_store %arg13[%swap3A_214, %swap3A_215], %swap3A_218 {strides = array<i32>} : memref<128x32xf32, #tpu.memory_space<vmem>>, vector<1x16xf32>,
    %swap3A_219 = arith.constant 18 : i32
    %swap3A_220 = arith.index_cast %swap3A_219 : i32 to index
    %swap3A_221 = arith.constant 0 : index
    %swap3A_222 = tpu.vector_load %arg13[%swap3A_220, %swap3A_221] {strides = array<i32>} : memref<128x32xf32, #tpu.memory_space<vmem>>, vector<1x16xf32>,
    %swap3A_223 = vector.shape_cast %swap3A_222 : vector<1x16xf32> to vector<16xf32>
    %swap3A_224 = vector.shape_cast %broadcast_in_dim3A_3 : vector<16xf32> to vector<1x16xf32>
    tpu.vector_store %arg13[%swap3A_220, %swap3A_221], %swap3A_224 {strides = array<i32>} : memref<128x32xf32, #tpu.memory_space<vmem>>, vector<1x16xf32>,
    %swap3A_225 = arith.constant 18 : i32
    %swap3A_226 = arith.index_cast %swap3A_225 : i32 to index
    %swap3A_227 = arith.constant 16 : index
    %swap3A_228 = tpu.vector_load %arg13[%swap3A_226, %swap3A_227] {strides = array<i32>} : memref<128x32xf32, #tpu.memory_space<vmem>>, vector<1x16xf32>,
    %swap3A_229 = vector.shape_cast %swap3A_228 : vector<1x16xf32> to vector<16xf32>
    %swap3A_230 = vector.shape_cast %broadcast_in_dim3A_3 : vector<16xf32> to vector<1x16xf32>
    tpu.vector_store %arg13[%swap3A_226, %swap3A_227], %swap3A_230 {strides = array<i32>} : memref<128x32xf32, #tpu.memory_space<vmem>>, vector<1x16xf32>,
    %swap3A_231 = arith.constant 19 : i32
    %swap3A_232 = arith.index_cast %swap3A_231 : i32 to index
    %swap3A_233 = arith.constant 0 : index
    %swap3A_234 = tpu.vector_load %arg13[%swap3A_232, %swap3A_233] {strides = array<i32>} : memref<128x32xf32, #tpu.memory_space<vmem>>, vector<1x16xf32>,
    %swap3A_235 = vector.shape_cast %swap3A_234 : vector<1x16xf32> to vector<16xf32>
    %swap3A_236 = vector.shape_cast %broadcast_in_dim3A_3 : vector<16xf32> to vector<1x16xf32>
    tpu.vector_store %arg13[%swap3A_232, %swap3A_233], %swap3A_236 {strides = array<i32>} : memref<128x32xf32, #tpu.memory_space<vmem>>, vector<1x16xf32>,
    %swap3A_237 = arith.constant 19 : i32
    %swap3A_238 = arith.index_cast %swap3A_237 : i32 to index
    %swap3A_239 = arith.constant 16 : index
    %swap3A_240 = tpu.vector_load %arg13[%swap3A_238, %swap3A_239] {strides = array<i32>} : memref<128x32xf32, #tpu.memory_space<vmem>>, vector<1x16xf32>,
    %swap3A_241 = vector.shape_cast %swap3A_240 : vector<1x16xf32> to vector<16xf32>
    %swap3A_242 = vector.shape_cast %broadcast_in_dim3A_3 : vector<16xf32> to vector<1x16xf32>
    tpu.vector_store %arg13[%swap3A_238, %swap3A_239], %swap3A_242 {strides = array<i32>} : memref<128x32xf32, #tpu.memory_space<vmem>>, vector<1x16xf32>,
    %swap3A_243 = arith.constant 20 : i32
    %swap3A_244 = arith.index_cast %swap3A_243 : i32 to index
    %swap3A_245 = arith.constant 0 : index
    %swap3A_246 = tpu.vector_load %arg13[%swap3A_244, %swap3A_245] {strides = array<i32>} : memref<128x32xf32, #tpu.memory_space<vmem>>, vector<1x16xf32>,
    %swap3A_247 = vector.shape_cast %swap3A_246 : vector<1x16xf32> to vector<16xf32>
    %swap3A_248 = vector.shape_cast %broadcast_in_dim3A_3 : vector<16xf32> to vector<1x16xf32>
    tpu.vector_store %arg13[%swap3A_244, %swap3A_245], %swap3A_248 {strides = array<i32>} : memref<128x32xf32, #tpu.memory_space<vmem>>, vector<1x16xf32>,
    %swap3A_249 = arith.constant 20 : i32
    %swap3A_250 = arith.index_cast %swap3A_249 : i32 to index
    %swap3A_251 = arith.constant 16 : index
    %swap3A_252 = tpu.vector_load %arg13[%swap3A_250, %swap3A_251] {strides = array<i32>} : memref<128x32xf32, #tpu.memory_space<vmem>>, vector<1x16xf32>,
    %swap3A_253 = vector.shape_cast %swap3A_252 : vector<1x16xf32> to vector<16xf32>
    %swap3A_254 = vector.shape_cast %broadcast_in_dim3A_3 : vector<16xf32> to vector<1x16xf32>
    tpu.vector_store %arg13[%swap3A_250, %swap3A_251], %swap3A_254 {strides = array<i32>} : memref<128x32xf32, #tpu.memory_space<vmem>>, vector<1x16xf32>,
    %swap3A_255 = arith.constant 21 : i32
    %swap3A_256 = arith.index_cast %swap3A_255 : i32 to index
    %swap3A_257 = arith.constant 0 : index
    %swap3A_258 = tpu.vector_load %arg13[%swap3A_256, %swap3A_257] {strides = array<i32>} : memref<128x32xf32, #tpu.memory_space<vmem>>, vector<1x16xf32>,
    %swap3A_259 = vector.shape_cast %swap3A_258 : vector<1x16xf32> to vector<16xf32>
    %swap3A_260 = vector.shape_cast %broadcast_in_dim3A_3 : vector<16xf32> to vector<1x16xf32>
    tpu.vector_store %arg13[%swap3A_256, %swap3A_257], %swap3A_260 {strides = array<i32>} : memref<128x32xf32, #tpu.memory_space<vmem>>, vector<1x16xf32>,
    %swap3A_261 = arith.constant 21 : i32
    %swap3A_262 = arith.index_cast %swap3A_261 : i32 to index
    %swap3A_263 = arith.constant 16 : index
    %swap3A_264 = tpu.vector_load %arg13[%swap3A_262, %swap3A_263] {strides = array<i32>} : memref<128x32xf32, #tpu.memory_space<vmem>>, vector<1x16xf32>,
    %swap3A_265 = vector.shape_cast %swap3A_264 : vector<1x16xf32> to vector<16xf32>
    %swap3A_266 = vector.shape_cast %broadcast_in_dim3A_3 : vector<16xf32> to vector<1x16xf32>
    tpu.vector_store %arg13[%swap3A_262, %swap3A_263], %swap3A_266 {strides = array<i32>} : memref<128x32xf32, #tpu.memory_space<vmem>>, vector<1x16xf32>,
    %swap3A_267 = arith.constant 22 : i32
    %swap3A_268 = arith.index_cast %swap3A_267 : i32 to index
    %swap3A_269 = arith.constant 0 : index
    %swap3A_270 = tpu.vector_load %arg13[%swap3A_268, %swap3A_269] {strides = array<i32>} : memref<128x32xf32, #tpu.memory_space<vmem>>, vector<1x16xf32>,
    %swap3A_271 = vector.shape_cast %swap3A_270 : vector<1x16xf32> to vector<16xf32>
    %swap3A_272 = vector.shape_cast %broadcast_in_dim3A_3 : vector<16xf32> to vector<1x16xf32>
    tpu.vector_store %arg13[%swap3A_268, %swap3A_269], %swap3A_272 {strides = array<i32>} : memref<128x32xf32, #tpu.memory_space<vmem>>, vector<1x16xf32>,
    %swap3A_273 = arith.constant 22 : i32
    %swap3A_274 = arith.index_cast %swap3A_273 : i32 to index
    %swap3A_275 = arith.constant 16 : index
    %swap3A_276 = tpu.vector_load %arg13[%swap3A_274, %swap3A_275] {strides = array<i32>} : memref<128x32xf32, #tpu.memory_space<vmem>>, vector<1x16xf32>,
    %swap3A_277 = vector.shape_cast %swap3A_276 : vector<1x16xf32> to vector<16xf32>
    %swap3A_278 = vector.shape_cast %broadcast_in_dim3A_3 : vector<16xf32> to vector<1x16xf32>
    tpu.vector_store %arg13[%swap3A_274, %swap3A_275], %swap3A_278 {strides = array<i32>} : memref<128x32xf32, #tpu.memory_space<vmem>>, vector<1x16xf32>,
    %swap3A_279 = arith.constant 23 : i32
    %swap3A_280 = arith.index_cast %swap3A_279 : i32 to index
    %swap3A_281 = arith.constant 0 : index
    %swap3A_282 = tpu.vector_load %arg13[%swap3A_280, %swap3A_281] {strides = array<i32>} : memref<128x32xf32, #tpu.memory_space<vmem>>, vector<1x16xf32>,
    %swap3A_283 = vector.shape_cast %swap3A_282 : vector<1x16xf32> to vector<16xf32>
    %swap3A_284 = vector.shape_cast %broadcast_in_dim3A_3 : vector<16xf32> to vector<1x16xf32>
    tpu.vector_store %arg13[%swap3A_280, %swap3A_281], %swap3A_284 {strides = array<i32>} : memref<128x32xf32, #tpu.memory_space<vmem>>, vector<1x16xf32>,
    %swap3A_285 = arith.constant 23 : i32
    %swap3A_286 = arith.index_cast %swap3A_285 : i32 to index
    %swap3A_287 = arith.constant 16 : index
    %swap3A_288 = tpu.vector_load %arg13[%swap3A_286, %swap3A_287] {strides = array<i32>} : memref<128x32xf32, #tpu.memory_space<vmem>>, vector<1x16xf32>,
    %swap3A_289 = vector.shape_cast %swap3A_288 : vector<1x16xf32> to vector<16xf32>
    %swap3A_290 = vector.shape_cast %broadcast_in_dim3A_3 : vector<16xf32> to vector<1x16xf32>
    tpu.vector_store %arg13[%swap3A_286, %swap3A_287], %swap3A_290 {strides = array<i32>} : memref<128x32xf32, #tpu.memory_space<vmem>>, vector<1x16xf32>,
    %swap3A_291 = arith.constant 24 : i32
    %swap3A_292 = arith.index_cast %swap3A_291 : i32 to index
    %swap3A_293 = arith.constant 0 : index
    %swap3A_294 = tpu.vector_load %arg13[%swap3A_292, %swap3A_293] {strides = array<i32>} : memref<128x32xf32, #tpu.memory_space<vmem>>, vector<1x16xf32>,
    %swap3A_295 = vector.shape_cast %swap3A_294 : vector<1x16xf32> to vector<16xf32>
    %swap3A_296 = vector.shape_cast %broadcast_in_dim3A_3 : vector<16xf32> to vector<1x16xf32>
    tpu.vector_store %arg13[%swap3A_292, %swap3A_293], %swap3A_296 {strides = array<i32>} : memref<128x32xf32, #tpu.memory_space<vmem>>, vector<1x16xf32>,
    %swap3A_297 = arith.constant 24 : i32
    %swap3A_298 = arith.index_cast %swap3A_297 : i32 to index
    %swap3A_299 = arith.constant 16 : index
    %swap3A_300 = tpu.vector_load %arg13[%swap3A_298, %swap3A_299] {strides = array<i32>} : memref<128x32xf32, #tpu.memory_space<vmem>>, vector<1x16xf32>,
    %swap3A_301 = vector.shape_cast %swap3A_300 : vector<1x16xf32> to vector<16xf32>
    %swap3A_302 = vector.shape_cast %broadcast_in_dim3A_3 : vector<16xf32> to vector<1x16xf32>
    tpu.vector_store %arg13[%swap3A_298, %swap3A_299], %swap3A_302 {strides = array<i32>} : memref<128x32xf32, #tpu.memory_space<vmem>>, vector<1x16xf32>,
    %swap3A_303 = arith.constant 25 : i32
    %swap3A_304 = arith.index_cast %swap3A_303 : i32 to index
    %swap3A_305 = arith.constant 0 : index
    %swap3A_306 = tpu.vector_load %arg13[%swap3A_304, %swap3A_305] {strides = array<i32>} : memref<128x32xf32, #tpu.memory_space<vmem>>, vector<1x16xf32>,
    %swap3A_307 = vector.shape_cast %swap3A_306 : vector<1x16xf32> to vector<16xf32>
    %swap3A_308 = vector.shape_cast %broadcast_in_dim3A_3 : vector<16xf32> to vector<1x16xf32>
    tpu.vector_store %arg13[%swap3A_304, %swap3A_305], %swap3A_308 {strides = array<i32>} : memref<128x32xf32, #tpu.memory_space<vmem>>, vector<1x16xf32>,
    %swap3A_309 = arith.constant 25 : i32
    %swap3A_310 = arith.index_cast %swap3A_309 : i32 to index
    %swap3A_311 = arith.constant 16 : index
    %swap3A_312 = tpu.vector_load %arg13[%swap3A_310, %swap3A_311] {strides = array<i32>} : memref<128x32xf32, #tpu.memory_space<vmem>>, vector<1x16xf32>,
    %swap3A_313 = vector.shape_cast %swap3A_312 : vector<1x16xf32> to vector<16xf32>
    %swap3A_314 = vector.shape_cast %broadcast_in_dim3A_3 : vector<16xf32> to vector<1x16xf32>
    tpu.vector_store %arg13[%swap3A_310, %swap3A_311], %swap3A_314 {strides = array<i32>} : memref<128x32xf32, #tpu.memory_space<vmem>>, vector<1x16xf32>,
    %swap3A_315 = arith.constant 26 : i32
    %swap3A_316 = arith.index_cast %swap3A_315 : i32 to index
    %swap3A_317 = arith.constant 0 : index
    %swap3A_318 = tpu.vector_load %arg13[%swap3A_316, %swap3A_317] {strides = array<i32>} : memref<128x32xf32, #tpu.memory_space<vmem>>, vector<1x16xf32>,
    %swap3A_319 = vector.shape_cast %swap3A_318 : vector<1x16xf32> to vector<16xf32>
    %swap3A_320 = vector.shape_cast %broadcast_in_dim3A_3 : vector<16xf32> to vector<1x16xf32>
    tpu.vector_store %arg13[%swap3A_316, %swap3A_317], %swap3A_320 {strides = array<i32>} : memref<128x32xf32, #tpu.memory_space<vmem>>, vector<1x16xf32>,
    %swap3A_321 = arith.constant 26 : i32
    %swap3A_322 = arith.index_cast %swap3A_321 : i32 to index
    %swap3A_323 = arith.constant 16 : index
    %swap3A_324 = tpu.vector_load %arg13[%swap3A_322, %swap3A_323] {strides = array<i32>} : memref<128x32xf32, #tpu.memory_space<vmem>>, vector<1x16xf32>,
    %swap3A_325 = vector.shape_cast %swap3A_324 : vector<1x16xf32> to vector<16xf32>
    %swap3A_326 = vector.shape_cast %broadcast_in_dim3A_3 : vector<16xf32> to vector<1x16xf32>
    tpu.vector_store %arg13[%swap3A_322, %swap3A_323], %swap3A_326 {strides = array<i32>} : memref<128x32xf32, #tpu.memory_space<vmem>>, vector<1x16xf32>,
    %swap3A_327 = arith.constant 27 : i32
    %swap3A_328 = arith.index_cast %swap3A_327 : i32 to index
    %swap3A_329 = arith.constant 0 : index
    %swap3A_330 = tpu.vector_load %arg13[%swap3A_328, %swap3A_329] {strides = array<i32>} : memref<128x32xf32, #tpu.memory_space<vmem>>, vector<1x16xf32>,
    %swap3A_331 = vector.shape_cast %swap3A_330 : vector<1x16xf32> to vector<16xf32>
    %swap3A_332 = vector.shape_cast %broadcast_in_dim3A_3 : vector<16xf32> to vector<1x16xf32>
    tpu.vector_store %arg13[%swap3A_328, %swap3A_329], %swap3A_332 {strides = array<i32>} : memref<128x32xf32, #tpu.memory_space<vmem>>, vector<1x16xf32>,
    %swap3A_333 = arith.constant 27 : i32
    %swap3A_334 = arith.index_cast %swap3A_333 : i32 to index
    %swap3A_335 = arith.constant 16 : index
    %swap3A_336 = tpu.vector_load %arg13[%swap3A_334, %swap3A_335] {strides = array<i32>} : memref<128x32xf32, #tpu.memory_space<vmem>>, vector<1x16xf32>,
    %swap3A_337 = vector.shape_cast %swap3A_336 : vector<1x16xf32> to vector<16xf32>
    %swap3A_338 = vector.shape_cast %broadcast_in_dim3A_3 : vector<16xf32> to vector<1x16xf32>
    tpu.vector_store %arg13[%swap3A_334, %swap3A_335], %swap3A_338 {strides = array<i32>} : memref<128x32xf32, #tpu.memory_space<vmem>>, vector<1x16xf32>,
    %swap3A_339 = arith.constant 28 : i32
    %swap3A_340 = arith.index_cast %swap3A_339 : i32 to index
    %swap3A_341 = arith.constant 0 : index
    %swap3A_342 = tpu.vector_load %arg13[%swap3A_340, %swap3A_341] {strides = array<i32>} : memref<128x32xf32, #tpu.memory_space<vmem>>, vector<1x16xf32>,
    %swap3A_343 = vector.shape_cast %swap3A_342 : vector<1x16xf32> to vector<16xf32>
    %swap3A_344 = vector.shape_cast %broadcast_in_dim3A_3 : vector<16xf32> to vector<1x16xf32>
    tpu.vector_store %arg13[%swap3A_340, %swap3A_341], %swap3A_344 {strides = array<i32>} : memref<128x32xf32, #tpu.memory_space<vmem>>, vector<1x16xf32>,
    %swap3A_345 = arith.constant 28 : i32
    %swap3A_346 = arith.index_cast %swap3A_345 : i32 to index
    %swap3A_347 = arith.constant 16 : index
    %swap3A_348 = tpu.vector_load %arg13[%swap3A_346, %swap3A_347] {strides = array<i32>} : memref<128x32xf32, #tpu.memory_space<vmem>>, vector<1x16xf32>,
    %swap3A_349 = vector.shape_cast %swap3A_348 : vector<1x16xf32> to vector<16xf32>
    %swap3A_350 = vector.shape_cast %broadcast_in_dim3A_3 : vector<16xf32> to vector<1x16xf32>
    tpu.vector_store %arg13[%swap3A_346, %swap3A_347], %swap3A_350 {strides = array<i32>} : memref<128x32xf32, #tpu.memory_space<vmem>>, vector<1x16xf32>,
    %swap3A_351 = arith.constant 29 : i32
    %swap3A_352 = arith.index_cast %swap3A_351 : i32 to index
    %swap3A_353 = arith.constant 0 : index
    %swap3A_354 = tpu.vector_load %arg13[%swap3A_352, %swap3A_353] {strides = array<i32>} : memref<128x32xf32, #tpu.memory_space<vmem>>, vector<1x16xf32>,
    %swap3A_355 = vector.shape_cast %swap3A_354 : vector<1x16xf32> to vector<16xf32>
    %swap3A_356 = vector.shape_cast %broadcast_in_dim3A_3 : vector<16xf32> to vector<1x16xf32>
    tpu.vector_store %arg13[%swap3A_352, %swap3A_353], %swap3A_356 {strides = array<i32>} : memref<128x32xf32, #tpu.memory_space<vmem>>, vector<1x16xf32>,
    %swap3A_357 = arith.constant 29 : i32
    %swap3A_358 = arith.index_cast %swap3A_357 : i32 to index
    %swap3A_359 = arith.constant 16 : index
    %swap3A_360 = tpu.vector_load %arg13[%swap3A_358, %swap3A_359] {strides = array<i32>} : memref<128x32xf32, #tpu.memory_space<vmem>>, vector<1x16xf32>,
    %swap3A_361 = vector.shape_cast %swap3A_360 : vector<1x16xf32> to vector<16xf32>
    %swap3A_362 = vector.shape_cast %broadcast_in_dim3A_3 : vector<16xf32> to vector<1x16xf32>
    tpu.vector_store %arg13[%swap3A_358, %swap3A_359], %swap3A_362 {strides = array<i32>} : memref<128x32xf32, #tpu.memory_space<vmem>>, vector<1x16xf32>,
    %swap3A_363 = arith.constant 30 : i32
    %swap3A_364 = arith.index_cast %swap3A_363 : i32 to index
    %swap3A_365 = arith.constant 0 : index
    %swap3A_366 = tpu.vector_load %arg13[%swap3A_364, %swap3A_365] {strides = array<i32>} : memref<128x32xf32, #tpu.memory_space<vmem>>, vector<1x16xf32>,
    %swap3A_367 = vector.shape_cast %swap3A_366 : vector<1x16xf32> to vector<16xf32>
    %swap3A_368 = vector.shape_cast %broadcast_in_dim3A_3 : vector<16xf32> to vector<1x16xf32>
    tpu.vector_store %arg13[%swap3A_364, %swap3A_365], %swap3A_368 {strides = array<i32>} : memref<128x32xf32, #tpu.memory_space<vmem>>, vector<1x16xf32>,
    %swap3A_369 = arith.constant 30 : i32
    %swap3A_370 = arith.index_cast %swap3A_369 : i32 to index
    %swap3A_371 = arith.constant 16 : index
    %swap3A_372 = tpu.vector_load %arg13[%swap3A_370, %swap3A_371] {strides = array<i32>} : memref<128x32xf32, #tpu.memory_space<vmem>>, vector<1x16xf32>,
    %swap3A_373 = vector.shape_cast %swap3A_372 : vector<1x16xf32> to vector<16xf32>
    %swap3A_374 = vector.shape_cast %broadcast_in_dim3A_3 : vector<16xf32> to vector<1x16xf32>
    tpu.vector_store %arg13[%swap3A_370, %swap3A_371], %swap3A_374 {strides = array<i32>} : memref<128x32xf32, #tpu.memory_space<vmem>>, vector<1x16xf32>,
    %swap3A_375 = arith.constant 31 : i32
    %swap3A_376 = arith.index_cast %swap3A_375 : i32 to index
    %swap3A_377 = arith.constant 0 : index
    %swap3A_378 = tpu.vector_load %arg13[%swap3A_376, %swap3A_377] {strides = array<i32>} : memref<128x32xf32, #tpu.memory_space<vmem>>, vector<1x16xf32>,
    %swap3A_379 = vector.shape_cast %swap3A_378 : vector<1x16xf32> to vector<16xf32>
    %swap3A_380 = vector.shape_cast %broadcast_in_dim3A_3 : vector<16xf32> to vector<1x16xf32>
    tpu.vector_store %arg13[%swap3A_376, %swap3A_377], %swap3A_380 {strides = array<i32>} : memref<128x32xf32, #tpu.memory_space<vmem>>, vector<1x16xf32>,
    %swap3A_381 = arith.constant 31 : i32
    %swap3A_382 = arith.index_cast %swap3A_381 : i32 to index
    %swap3A_383 = arith.constant 16 : index
    %swap3A_384 = tpu.vector_load %arg13[%swap3A_382, %swap3A_383] {strides = array<i32>} : memref<128x32xf32, #tpu.memory_space<vmem>>, vector<1x16xf32>,
    %swap3A_385 = vector.shape_cast %swap3A_384 : vector<1x16xf32> to vector<16xf32>
    %swap3A_386 = vector.shape_cast %broadcast_in_dim3A_3 : vector<16xf32> to vector<1x16xf32>
    tpu.vector_store %arg13[%swap3A_382, %swap3A_383], %swap3A_386 {strides = array<i32>} : memref<128x32xf32, #tpu.memory_space<vmem>>, vector<1x16xf32>,
    %swap3A_387 = arith.constant 32 : i32
    %swap3A_388 = arith.index_cast %swap3A_387 : i32 to index
    %swap3A_389 = arith.constant 0 : index
    %swap3A_390 = tpu.vector_load %arg13[%swap3A_388, %swap3A_389] {strides = array<i32>} : memref<128x32xf32, #tpu.memory_space<vmem>>, vector<1x16xf32>,
    %swap3A_391 = vector.shape_cast %swap3A_390 : vector<1x16xf32> to vector<16xf32>
    %swap3A_392 = vector.shape_cast %broadcast_in_dim3A_3 : vector<16xf32> to vector<1x16xf32>
    tpu.vector_store %arg13[%swap3A_388, %swap3A_389], %swap3A_392 {strides = array<i32>} : memref<128x32xf32, #tpu.memory_space<vmem>>, vector<1x16xf32>,
    %swap3A_393 = arith.constant 32 : i32
    %swap3A_394 = arith.index_cast %swap3A_393 : i32 to index
    %swap3A_395 = arith.constant 16 : index
    %swap3A_396 = tpu.vector_load %arg13[%swap3A_394, %swap3A_395] {strides = array<i32>} : memref<128x32xf32, #tpu.memory_space<vmem>>, vector<1x16xf32>,
    %swap3A_397 = vector.shape_cast %swap3A_396 : vector<1x16xf32> to vector<16xf32>
    %swap3A_398 = vector.shape_cast %broadcast_in_dim3A_3 : vector<16xf32> to vector<1x16xf32>
    tpu.vector_store %arg13[%swap3A_394, %swap3A_395], %swap3A_398 {strides = array<i32>} : memref<128x32xf32, #tpu.memory_space<vmem>>, vector<1x16xf32>,
    %swap3A_399 = arith.constant 33 : i32
    %swap3A_400 = arith.index_cast %swap3A_399 : i32 to index
    %swap3A_401 = arith.constant 0 : index
    %swap3A_402 = tpu.vector_load %arg13[%swap3A_400, %swap3A_401] {strides = array<i32>} : memref<128x32xf32, #tpu.memory_space<vmem>>, vector<1x16xf32>,
    %swap3A_403 = vector.shape_cast %swap3A_402 : vector<1x16xf32> to vector<16xf32>
    %swap3A_404 = vector.shape_cast %broadcast_in_dim3A_3 : vector<16xf32> to vector<1x16xf32>
    tpu.vector_store %arg13[%swap3A_400, %swap3A_401], %swap3A_404 {strides = array<i32>} : memref<128x32xf32, #tpu.memory_space<vmem>>, vector<1x16xf32>,
    %swap3A_405 = arith.constant 33 : i32
    %swap3A_406 = arith.index_cast %swap3A_405 : i32 to index
    %swap3A_407 = arith.constant 16 : index
    %swap3A_408 = tpu.vector_load %arg13[%swap3A_406, %swap3A_407] {strides = array<i32>} : memref<128x32xf32, #tpu.memory_space<vmem>>, vector<1x16xf32>,
    %swap3A_409 = vector.shape_cast %swap3A_408 : vector<1x16xf32> to vector<16xf32>
    %swap3A_410 = vector.shape_cast %broadcast_in_dim3A_3 : vector<16xf32> to vector<1x16xf32>
    tpu.vector_store %arg13[%swap3A_406, %swap3A_407], %swap3A_410 {strides = array<i32>} : memref<128x32xf32, #tpu.memory_space<vmem>>, vector<1x16xf32>,
    %swap3A_411 = arith.constant 34 : i32
    %swap3A_412 = arith.index_cast %swap3A_411 : i32 to index
    %swap3A_413 = arith.constant 0 : index
    %swap3A_414 = tpu.vector_load %arg13[%swap3A_412, %swap3A_413] {strides = array<i32>} : memref<128x32xf32, #tpu.memory_space<vmem>>, vector<1x16xf32>,
    %swap3A_415 = vector.shape_cast %swap3A_414 : vector<1x16xf32> to vector<16xf32>
    %swap3A_416 = vector.shape_cast %broadcast_in_dim3A_3 : vector<16xf32> to vector<1x16xf32>
    tpu.vector_store %arg13[%swap3A_412, %swap3A_413], %swap3A_416 {strides = array<i32>} : memref<128x32xf32, #tpu.memory_space<vmem>>, vector<1x16xf32>,
    %swap3A_417 = arith.constant 34 : i32
    %swap3A_418 = arith.index_cast %swap3A_417 : i32 to index
    %swap3A_419 = arith.constant 16 : index
    %swap3A_420 = tpu.vector_load %arg13[%swap3A_418, %swap3A_419] {strides = array<i32>} : memref<128x32xf32, #tpu.memory_space<vmem>>, vector<1x16xf32>,
    %swap3A_421 = vector.shape_cast %swap3A_420 : vector<1x16xf32> to vector<16xf32>
    %swap3A_422 = vector.shape_cast %broadcast_in_dim3A_3 : vector<16xf32> to vector<1x16xf32>
    tpu.vector_store %arg13[%swap3A_418, %swap3A_419], %swap3A_422 {strides = array<i32>} : memref<128x32xf32, #tpu.memory_space<vmem>>, vector<1x16xf32>,
    %swap3A_423 = arith.constant 35 : i32
    %swap3A_424 = arith.index_cast %swap3A_423 : i32 to index
    %swap3A_425 = arith.constant 0 : index
    %swap3A_426 = tpu.vector_load %arg13[%swap3A_424, %swap3A_425] {strides = array<i32>} : memref<128x32xf32, #tpu.memory_space<vmem>>, vector<1x16xf32>,
    %swap3A_427 = vector.shape_cast %swap3A_426 : vector<1x16xf32> to vector<16xf32>
    %swap3A_428 = vector.shape_cast %broadcast_in_dim3A_3 : vector<16xf32> to vector<1x16xf32>
    tpu.vector_store %arg13[%swap3A_424, %swap3A_425], %swap3A_428 {strides = array<i32>} : memref<128x32xf32, #tpu.memory_space<vmem>>, vector<1x16xf32>,
    %swap3A_429 = arith.constant 35 : i32
    %swap3A_430 = arith.index_cast %swap3A_429 : i32 to index
    %swap3A_431 = arith.constant 16 : index
    %swap3A_432 = tpu.vector_load %arg13[%swap3A_430, %swap3A_431] {strides = array<i32>} : memref<128x32xf32, #tpu.memory_space<vmem>>, vector<1x16xf32>,
    %swap3A_433 = vector.shape_cast %swap3A_432 : vector<1x16xf32> to vector<16xf32>
    %swap3A_434 = vector.shape_cast %broadcast_in_dim3A_3 : vector<16xf32> to vector<1x16xf32>
    tpu.vector_store %arg13[%swap3A_430, %swap3A_431], %swap3A_434 {strides = array<i32>} : memref<128x32xf32, #tpu.memory_space<vmem>>, vector<1x16xf32>,
    %swap3A_435 = arith.constant 36 : i32
    %swap3A_436 = arith.index_cast %swap3A_435 : i32 to index
    %swap3A_437 = arith.constant 0 : index
    %swap3A_438 = tpu.vector_load %arg13[%swap3A_436, %swap3A_437] {strides = array<i32>} : memref<128x32xf32, #tpu.memory_space<vmem>>, vector<1x16xf32>,
    %swap3A_439 = vector.shape_cast %swap3A_438 : vector<1x16xf32> to vector<16xf32>
    %swap3A_440 = vector.shape_cast %broadcast_in_dim3A_3 : vector<16xf32> to vector<1x16xf32>
    tpu.vector_store %arg13[%swap3A_436, %swap3A_437], %swap3A_440 {strides = array<i32>} : memref<128x32xf32, #tpu.memory_space<vmem>>, vector<1x16xf32>,
    %swap3A_441 = arith.constant 36 : i32
    %swap3A_442 = arith.index_cast %swap3A_441 : i32 to index
    %swap3A_443 = arith.constant 16 : index
    %swap3A_444 = tpu.vector_load %arg13[%swap3A_442, %swap3A_443] {strides = array<i32>} : memref<128x32xf32, #tpu.memory_space<vmem>>, vector<1x16xf32>,
    %swap3A_445 = vector.shape_cast %swap3A_444 : vector<1x16xf32> to vector<16xf32>
    %swap3A_446 = vector.shape_cast %broadcast_in_dim3A_3 : vector<16xf32> to vector<1x16xf32>
    tpu.vector_store %arg13[%swap3A_442, %swap3A_443], %swap3A_446 {strides = array<i32>} : memref<128x32xf32, #tpu.memory_space<vmem>>, vector<1x16xf32>,
    %swap3A_447 = arith.constant 37 : i32
    %swap3A_448 = arith.index_cast %swap3A_447 : i32 to index
    %swap3A_449 = arith.constant 0 : index
    %swap3A_450 = tpu.vector_load %arg13[%swap3A_448, %swap3A_449] {strides = array<i32>} : memref<128x32xf32, #tpu.memory_space<vmem>>, vector<1x16xf32>,
    %swap3A_451 = vector.shape_cast %swap3A_450 : vector<1x16xf32> to vector<16xf32>
    %swap3A_452 = vector.shape_cast %broadcast_in_dim3A_3 : vector<16xf32> to vector<1x16xf32>
    tpu.vector_store %arg13[%swap3A_448, %swap3A_449], %swap3A_452 {strides = array<i32>} : memref<128x32xf32, #tpu.memory_space<vmem>>, vector<1x16xf32>,
    %swap3A_453 = arith.constant 37 : i32
    %swap3A_454 = arith.index_cast %swap3A_453 : i32 to index
    %swap3A_455 = arith.constant 16 : index
    %swap3A_456 = tpu.vector_load %arg13[%swap3A_454, %swap3A_455] {strides = array<i32>} : memref<128x32xf32, #tpu.memory_space<vmem>>, vector<1x16xf32>,
    %swap3A_457 = vector.shape_cast %swap3A_456 : vector<1x16xf32> to vector<16xf32>
    %swap3A_458 = vector.shape_cast %broadcast_in_dim3A_3 : vector<16xf32> to vector<1x16xf32>
    tpu.vector_store %arg13[%swap3A_454, %swap3A_455], %swap3A_458 {strides = array<i32>} : memref<128x32xf32, #tpu.memory_space<vmem>>, vector<1x16xf32>,
    %swap3A_459 = arith.constant 38 : i32
    %swap3A_460 = arith.index_cast %swap3A_459 : i32 to index
    %swap3A_461 = arith.constant 0 : index
    %swap3A_462 = tpu.vector_load %arg13[%swap3A_460, %swap3A_461] {strides = array<i32>} : memref<128x32xf32, #tpu.memory_space<vmem>>, vector<1x16xf32>,
    %swap3A_463 = vector.shape_cast %swap3A_462 : vector<1x16xf32> to vector<16xf32>
    %swap3A_464 = vector.shape_cast %broadcast_in_dim3A_3 : vector<16xf32> to vector<1x16xf32>
    tpu.vector_store %arg13[%swap3A_460, %swap3A_461], %swap3A_464 {strides = array<i32>} : memref<128x32xf32, #tpu.memory_space<vmem>>, vector<1x16xf32>,
    %swap3A_465 = arith.constant 38 : i32
    %swap3A_466 = arith.index_cast %swap3A_465 : i32 to index
    %swap3A_467 = arith.constant 16 : index
    %swap3A_468 = tpu.vector_load %arg13[%swap3A_466, %swap3A_467] {strides = array<i32>} : memref<128x32xf32, #tpu.memory_space<vmem>>, vector<1x16xf32>,
    %swap3A_469 = vector.shape_cast %swap3A_468 : vector<1x16xf32> to vector<16xf32>
    %swap3A_470 = vector.shape_cast %broadcast_in_dim3A_3 : vector<16xf32> to vector<1x16xf32>
    tpu.vector_store %arg13[%swap3A_466, %swap3A_467], %swap3A_470 {strides = array<i32>} : memref<128x32xf32, #tpu.memory_space<vmem>>, vector<1x16xf32>,
    %swap3A_471 = arith.constant 39 : i32
    %swap3A_472 = arith.index_cast %swap3A_471 : i32 to index
    %swap3A_473 = arith.constant 0 : index
    %swap3A_474 = tpu.vector_load %arg13[%swap3A_472, %swap3A_473] {strides = array<i32>} : memref<128x32xf32, #tpu.memory_space<vmem>>, vector<1x16xf32>,
    %swap3A_475 = vector.shape_cast %swap3A_474 : vector<1x16xf32> to vector<16xf32>
    %swap3A_476 = vector.shape_cast %broadcast_in_dim3A_3 : vector<16xf32> to vector<1x16xf32>
    tpu.vector_store %arg13[%swap3A_472, %swap3A_473], %swap3A_476 {strides = array<i32>} : memref<128x32xf32, #tpu.memory_space<vmem>>, vector<1x16xf32>,
    %swap3A_477 = arith.constant 39 : i32
    %swap3A_478 = arith.index_cast %swap3A_477 : i32 to index
    %swap3A_479 = arith.constant 16 : index
    %swap3A_480 = tpu.vector_load %arg13[%swap3A_478, %swap3A_479] {strides = array<i32>} : memref<128x32xf32, #tpu.memory_space<vmem>>, vector<1x16xf32>,
    %swap3A_481 = vector.shape_cast %swap3A_480 : vector<1x16xf32> to vector<16xf32>
    %swap3A_482 = vector.shape_cast %broadcast_in_dim3A_3 : vector<16xf32> to vector<1x16xf32>
    tpu.vector_store %arg13[%swap3A_478, %swap3A_479], %swap3A_482 {strides = array<i32>} : memref<128x32xf32, #tpu.memory_space<vmem>>, vector<1x16xf32>,
    %swap3A_483 = arith.constant 40 : i32
    %swap3A_484 = arith.index_cast %swap3A_483 : i32 to index
    %swap3A_485 = arith.constant 0 : index
    %swap3A_486 = tpu.vector_load %arg13[%swap3A_484, %swap3A_485] {strides = array<i32>} : memref<128x32xf32, #tpu.memory_space<vmem>>, vector<1x16xf32>,
    %swap3A_487 = vector.shape_cast %swap3A_486 : vector<1x16xf32> to vector<16xf32>
    %swap3A_488 = vector.shape_cast %broadcast_in_dim3A_3 : vector<16xf32> to vector<1x16xf32>
    tpu.vector_store %arg13[%swap3A_484, %swap3A_485], %swap3A_488 {strides = array<i32>} : memref<128x32xf32, #tpu.memory_space<vmem>>, vector<1x16xf32>,
    %swap3A_489 = arith.constant 40 : i32
    %swap3A_490 = arith.index_cast %swap3A_489 : i32 to index
    %swap3A_491 = arith.constant 16 : index
    %swap3A_492 = tpu.vector_load %arg13[%swap3A_490, %swap3A_491] {strides = array<i32>} : memref<128x32xf32, #tpu.memory_space<vmem>>, vector<1x16xf32>,
    %swap3A_493 = vector.shape_cast %swap3A_492 : vector<1x16xf32> to vector<16xf32>
    %swap3A_494 = vector.shape_cast %broadcast_in_dim3A_3 : vector<16xf32> to vector<1x16xf32>
    tpu.vector_store %arg13[%swap3A_490, %swap3A_491], %swap3A_494 {strides = array<i32>} : memref<128x32xf32, #tpu.memory_space<vmem>>, vector<1x16xf32>,
    %swap3A_495 = arith.constant 41 : i32
    %swap3A_496 = arith.index_cast %swap3A_495 : i32 to index
    %swap3A_497 = arith.constant 0 : index
    %swap3A_498 = tpu.vector_load %arg13[%swap3A_496, %swap3A_497] {strides = array<i32>} : memref<128x32xf32, #tpu.memory_space<vmem>>, vector<1x16xf32>,
    %swap3A_499 = vector.shape_cast %swap3A_498 : vector<1x16xf32> to vector<16xf32>
    %swap3A_500 = vector.shape_cast %broadcast_in_dim3A_3 : vector<16xf32> to vector<1x16xf32>
    tpu.vector_store %arg13[%swap3A_496, %swap3A_497], %swap3A_500 {strides = array<i32>} : memref<128x32xf32, #tpu.memory_space<vmem>>, vector<1x16xf32>,
    %swap3A_501 = arith.constant 41 : i32
    %swap3A_502 = arith.index_cast %swap3A_501 : i32 to index
    %swap3A_503 = arith.constant 16 : index
    %swap3A_504 = tpu.vector_load %arg13[%swap3A_502, %swap3A_503] {strides = array<i32>} : memref<128x32xf32, #tpu.memory_space<vmem>>, vector<1x16xf32>,
    %swap3A_505 = vector.shape_cast %swap3A_504 : vector<1x16xf32> to vector<16xf32>
    %swap3A_506 = vector.shape_cast %broadcast_in_dim3A_3 : vector<16xf32> to vector<1x16xf32>
    tpu.vector_store %arg13[%swap3A_502, %swap3A_503], %swap3A_506 {strides = array<i32>} : memref<128x32xf32, #tpu.memory_space<vmem>>, vector<1x16xf32>,
    %swap3A_507 = arith.constant 42 : i32
    %swap3A_508 = arith.index_cast %swap3A_507 : i32 to index
    %swap3A_509 = arith.constant 0 : index
    %swap3A_510 = tpu.vector_load %arg13[%swap3A_508, %swap3A_509] {strides = array<i32>} : memref<128x32xf32, #tpu.memory_space<vmem>>, vector<1x16xf32>,
    %swap3A_511 = vector.shape_cast %swap3A_510 : vector<1x16xf32> to vector<16xf32>
    %swap3A_512 = vector.shape_cast %broadcast_in_dim3A_3 : vector<16xf32> to vector<1x16xf32>
    tpu.vector_store %arg13[%swap3A_508, %swap3A_509], %swap3A_512 {strides = array<i32>} : memref<128x32xf32, #tpu.memory_space<vmem>>, vector<1x16xf32>,
    %swap3A_513 = arith.constant 42 : i32
    %swap3A_514 = arith.index_cast %swap3A_513 : i32 to index
    %swap3A_515 = arith.constant 16 : index
    %swap3A_516 = tpu.vector_load %arg13[%swap3A_514, %swap3A_515] {strides = array<i32>} : memref<128x32xf32, #tpu.memory_space<vmem>>, vector<1x16xf32>,
    %swap3A_517 = vector.shape_cast %swap3A_516 : vector<1x16xf32> to vector<16xf32>
    %swap3A_518 = vector.shape_cast %broadcast_in_dim3A_3 : vector<16xf32> to vector<1x16xf32>
    tpu.vector_store %arg13[%swap3A_514, %swap3A_515], %swap3A_518 {strides = array<i32>} : memref<128x32xf32, #tpu.memory_space<vmem>>, vector<1x16xf32>,
    %swap3A_519 = arith.constant 43 : i32
    %swap3A_520 = arith.index_cast %swap3A_519 : i32 to index
    %swap3A_521 = arith.constant 0 : index
    %swap3A_522 = tpu.vector_load %arg13[%swap3A_520, %swap3A_521] {strides = array<i32>} : memref<128x32xf32, #tpu.memory_space<vmem>>, vector<1x16xf32>,
    %swap3A_523 = vector.shape_cast %swap3A_522 : vector<1x16xf32> to vector<16xf32>
    %swap3A_524 = vector.shape_cast %broadcast_in_dim3A_3 : vector<16xf32> to vector<1x16xf32>
    tpu.vector_store %arg13[%swap3A_520, %swap3A_521], %swap3A_524 {strides = array<i32>} : memref<128x32xf32, #tpu.memory_space<vmem>>, vector<1x16xf32>,
    %swap3A_525 = arith.constant 43 : i32
    %swap3A_526 = arith.index_cast %swap3A_525 : i32 to index
    %swap3A_527 = arith.constant 16 : index
    %swap3A_528 = tpu.vector_load %arg13[%swap3A_526, %swap3A_527] {strides = array<i32>} : memref<128x32xf32, #tpu.memory_space<vmem>>, vector<1x16xf32>,
    %swap3A_529 = vector.shape_cast %swap3A_528 : vector<1x16xf32> to vector<16xf32>
    %swap3A_530 = vector.shape_cast %broadcast_in_dim3A_3 : vector<16xf32> to vector<1x16xf32>
    tpu.vector_store %arg13[%swap3A_526, %swap3A_527], %swap3A_530 {strides = array<i32>} : memref<128x32xf32, #tpu.memory_space<vmem>>, vector<1x16xf32>,
    %swap3A_531 = arith.constant 44 : i32
    %swap3A_532 = arith.index_cast %swap3A_531 : i32 to index
    %swap3A_533 = arith.constant 0 : index
    %swap3A_534 = tpu.vector_load %arg13[%swap3A_532, %swap3A_533] {strides = array<i32>} : memref<128x32xf32, #tpu.memory_space<vmem>>, vector<1x16xf32>,
    %swap3A_535 = vector.shape_cast %swap3A_534 : vector<1x16xf32> to vector<16xf32>
    %swap3A_536 = vector.shape_cast %broadcast_in_dim3A_3 : vector<16xf32> to vector<1x16xf32>
    tpu.vector_store %arg13[%swap3A_532, %swap3A_533], %swap3A_536 {strides = array<i32>} : memref<128x32xf32, #tpu.memory_space<vmem>>, vector<1x16xf32>,
    %swap3A_537 = arith.constant 44 : i32
    %swap3A_538 = arith.index_cast %swap3A_537 : i32 to index
    %swap3A_539 = arith.constant 16 : index
    %swap3A_540 = tpu.vector_load %arg13[%swap3A_538, %swap3A_539] {strides = array<i32>} : memref<128x32xf32, #tpu.memory_space<vmem>>, vector<1x16xf32>,
    %swap3A_541 = vector.shape_cast %swap3A_540 : vector<1x16xf32> to vector<16xf32>
    %swap3A_542 = vector.shape_cast %broadcast_in_dim3A_3 : vector<16xf32> to vector<1x16xf32>
    tpu.vector_store %arg13[%swap3A_538, %swap3A_539], %swap3A_542 {strides = array<i32>} : memref<128x32xf32, #tpu.memory_space<vmem>>, vector<1x16xf32>,
    %swap3A_543 = arith.constant 45 : i32
    %swap3A_544 = arith.index_cast %swap3A_543 : i32 to index
    %swap3A_545 = arith.constant 0 : index
    %swap3A_546 = tpu.vector_load %arg13[%swap3A_544, %swap3A_545] {strides = array<i32>} : memref<128x32xf32, #tpu.memory_space<vmem>>, vector<1x16xf32>,
    %swap3A_547 = vector.shape_cast %swap3A_546 : vector<1x16xf32> to vector<16xf32>
    %swap3A_548 = vector.shape_cast %broadcast_in_dim3A_3 : vector<16xf32> to vector<1x16xf32>
    tpu.vector_store %arg13[%swap3A_544, %swap3A_545], %swap3A_548 {strides = array<i32>} : memref<128x32xf32, #tpu.memory_space<vmem>>, vector<1x16xf32>,
    %swap3A_549 = arith.constant 45 : i32
    %swap3A_550 = arith.index_cast %swap3A_549 : i32 to index
    %swap3A_551 = arith.constant 16 : index
    %swap3A_552 = tpu.vector_load %arg13[%swap3A_550, %swap3A_551] {strides = array<i32>} : memref<128x32xf32, #tpu.memory_space<vmem>>, vector<1x16xf32>,
    %swap3A_553 = vector.shape_cast %swap3A_552 : vector<1x16xf32> to vector<16xf32>
    %swap3A_554 = vector.shape_cast %broadcast_in_dim3A_3 : vector<16xf32> to vector<1x16xf32>
    tpu.vector_store %arg13[%swap3A_550, %swap3A_551], %swap3A_554 {strides = array<i32>} : memref<128x32xf32, #tpu.memory_space<vmem>>, vector<1x16xf32>,
    %swap3A_555 = arith.constant 46 : i32
    %swap3A_556 = arith.index_cast %swap3A_555 : i32 to index
    %swap3A_557 = arith.constant 0 : index
    %swap3A_558 = tpu.vector_load %arg13[%swap3A_556, %swap3A_557] {strides = array<i32>} : memref<128x32xf32, #tpu.memory_space<vmem>>, vector<1x16xf32>,
    %swap3A_559 = vector.shape_cast %swap3A_558 : vector<1x16xf32> to vector<16xf32>
    %swap3A_560 = vector.shape_cast %broadcast_in_dim3A_3 : vector<16xf32> to vector<1x16xf32>
    tpu.vector_store %arg13[%swap3A_556, %swap3A_557], %swap3A_560 {strides = array<i32>} : memref<128x32xf32, #tpu.memory_space<vmem>>, vector<1x16xf32>,
    %swap3A_561 = arith.constant 46 : i32
    %swap3A_562 = arith.index_cast %swap3A_561 : i32 to index
    %swap3A_563 = arith.constant 16 : index
    %swap3A_564 = tpu.vector_load %arg13[%swap3A_562, %swap3A_563] {strides = array<i32>} : memref<128x32xf32, #tpu.memory_space<vmem>>, vector<1x16xf32>,
    %swap3A_565 = vector.shape_cast %swap3A_564 : vector<1x16xf32> to vector<16xf32>
    %swap3A_566 = vector.shape_cast %broadcast_in_dim3A_3 : vector<16xf32> to vector<1x16xf32>
    tpu.vector_store %arg13[%swap3A_562, %swap3A_563], %swap3A_566 {strides = array<i32>} : memref<128x32xf32, #tpu.memory_space<vmem>>, vector<1x16xf32>,
    %swap3A_567 = arith.constant 47 : i32
    %swap3A_568 = arith.index_cast %swap3A_567 : i32 to index
    %swap3A_569 = arith.constant 0 : index
    %swap3A_570 = tpu.vector_load %arg13[%swap3A_568, %swap3A_569] {strides = array<i32>} : memref<128x32xf32, #tpu.memory_space<vmem>>, vector<1x16xf32>,
    %swap3A_571 = vector.shape_cast %swap3A_570 : vector<1x16xf32> to vector<16xf32>
    %swap3A_572 = vector.shape_cast %broadcast_in_dim3A_3 : vector<16xf32> to vector<1x16xf32>
    tpu.vector_store %arg13[%swap3A_568, %swap3A_569], %swap3A_572 {strides = array<i32>} : memref<128x32xf32, #tpu.memory_space<vmem>>, vector<1x16xf32>,
    %swap3A_573 = arith.constant 47 : i32
    %swap3A_574 = arith.index_cast %swap3A_573 : i32 to index
    %swap3A_575 = arith.constant 16 : index
    %swap3A_576 = tpu.vector_load %arg13[%swap3A_574, %swap3A_575] {strides = array<i32>} : memref<128x32xf32, #tpu.memory_space<vmem>>, vector<1x16xf32>,
    %swap3A_577 = vector.shape_cast %swap3A_576 : vector<1x16xf32> to vector<16xf32>
    %swap3A_578 = vector.shape_cast %broadcast_in_dim3A_3 : vector<16xf32> to vector<1x16xf32>
    tpu.vector_store %arg13[%swap3A_574, %swap3A_575], %swap3A_578 {strides = array<i32>} : memref<128x32xf32, #tpu.memory_space<vmem>>, vector<1x16xf32>,
    %swap3A_579 = arith.constant 48 : i32
    %swap3A_580 = arith.index_cast %swap3A_579 : i32 to index
    %swap3A_581 = arith.constant 0 : index
    %swap3A_582 = tpu.vector_load %arg13[%swap3A_580, %swap3A_581] {strides = array<i32>} : memref<128x32xf32, #tpu.memory_space<vmem>>, vector<1x16xf32>,
    %swap3A_583 = vector.shape_cast %swap3A_582 : vector<1x16xf32> to vector<16xf32>
    %swap3A_584 = vector.shape_cast %broadcast_in_dim3A_3 : vector<16xf32> to vector<1x16xf32>
    tpu.vector_store %arg13[%swap3A_580, %swap3A_581], %swap3A_584 {strides = array<i32>} : memref<128x32xf32, #tpu.memory_space<vmem>>, vector<1x16xf32>,
    %swap3A_585 = arith.constant 48 : i32
    %swap3A_586 = arith.index_cast %swap3A_585 : i32 to index
    %swap3A_587 = arith.constant 16 : index
    %swap3A_588 = tpu.vector_load %arg13[%swap3A_586, %swap3A_587] {strides = array<i32>} : memref<128x32xf32, #tpu.memory_space<vmem>>, vector<1x16xf32>,
    %swap3A_589 = vector.shape_cast %swap3A_588 : vector<1x16xf32> to vector<16xf32>
    %swap3A_590 = vector.shape_cast %broadcast_in_dim3A_3 : vector<16xf32> to vector<1x16xf32>
    tpu.vector_store %arg13[%swap3A_586, %swap3A_587], %swap3A_590 {strides = array<i32>} : memref<128x32xf32, #tpu.memory_space<vmem>>, vector<1x16xf32>,
    %swap3A_591 = arith.constant 49 : i32
    %swap3A_592 = arith.index_cast %swap3A_591 : i32 to index
    %swap3A_593 = arith.constant 0 : index
    %swap3A_594 = tpu.vector_load %arg13[%swap3A_592, %swap3A_593] {strides = array<i32>} : memref<128x32xf32, #tpu.memory_space<vmem>>, vector<1x16xf32>,
    %swap3A_595 = vector.shape_cast %swap3A_594 : vector<1x16xf32> to vector<16xf32>
    %swap3A_596 = vector.shape_cast %broadcast_in_dim3A_3 : vector<16xf32> to vector<1x16xf32>
    tpu.vector_store %arg13[%swap3A_592, %swap3A_593], %swap3A_596 {strides = array<i32>} : memref<128x32xf32, #tpu.memory_space<vmem>>, vector<1x16xf32>,
    %swap3A_597 = arith.constant 49 : i32
    %swap3A_598 = arith.index_cast %swap3A_597 : i32 to index
    %swap3A_599 = arith.constant 16 : index
    %swap3A_600 = tpu.vector_load %arg13[%swap3A_598, %swap3A_599] {strides = array<i32>} : memref<128x32xf32, #tpu.memory_space<vmem>>, vector<1x16xf32>,
    %swap3A_601 = vector.shape_cast %swap3A_600 : vector<1x16xf32> to vector<16xf32>
    %swap3A_602 = vector.shape_cast %broadcast_in_dim3A_3 : vector<16xf32> to vector<1x16xf32>
    tpu.vector_store %arg13[%swap3A_598, %swap3A_599], %swap3A_602 {strides = array<i32>} : memref<128x32xf32, #tpu.memory_space<vmem>>, vector<1x16xf32>,
    %swap3A_603 = arith.constant 50 : i32
    %swap3A_604 = arith.index_cast %swap3A_603 : i32 to index
    %swap3A_605 = arith.constant 0 : index
    %swap3A_606 = tpu.vector_load %arg13[%swap3A_604, %swap3A_605] {strides = array<i32>} : memref<128x32xf32, #tpu.memory_space<vmem>>, vector<1x16xf32>,
    %swap3A_607 = vector.shape_cast %swap3A_606 : vector<1x16xf32> to vector<16xf32>
    %swap3A_608 = vector.shape_cast %broadcast_in_dim3A_3 : vector<16xf32> to vector<1x16xf32>
    tpu.vector_store %arg13[%swap3A_604, %swap3A_605], %swap3A_608 {strides = array<i32>} : memref<128x32xf32, #tpu.memory_space<vmem>>, vector<1x16xf32>,
    %swap3A_609 = arith.constant 50 : i32
    %swap3A_610 = arith.index_cast %swap3A_609 : i32 to index
    %swap3A_611 = arith.constant 16 : index
    %swap3A_612 = tpu.vector_load %arg13[%swap3A_610, %swap3A_611] {strides = array<i32>} : memref<128x32xf32, #tpu.memory_space<vmem>>, vector<1x16xf32>,
    %swap3A_613 = vector.shape_cast %swap3A_612 : vector<1x16xf32> to vector<16xf32>
    %swap3A_614 = vector.shape_cast %broadcast_in_dim3A_3 : vector<16xf32> to vector<1x16xf32>
    tpu.vector_store %arg13[%swap3A_610, %swap3A_611], %swap3A_614 {strides = array<i32>} : memref<128x32xf32, #tpu.memory_space<vmem>>, vector<1x16xf32>,
    %swap3A_615 = arith.constant 51 : i32
    %swap3A_616 = arith.index_cast %swap3A_615 : i32 to index
    %swap3A_617 = arith.constant 0 : index
    %swap3A_618 = tpu.vector_load %arg13[%swap3A_616, %swap3A_617] {strides = array<i32>} : memref<128x32xf32, #tpu.memory_space<vmem>>, vector<1x16xf32>,
    %swap3A_619 = vector.shape_cast %swap3A_618 : vector<1x16xf32> to vector<16xf32>
    %swap3A_620 = vector.shape_cast %broadcast_in_dim3A_3 : vector<16xf32> to vector<1x16xf32>
    tpu.vector_store %arg13[%swap3A_616, %swap3A_617], %swap3A_620 {strides = array<i32>} : memref<128x32xf32, #tpu.memory_space<vmem>>, vector<1x16xf32>,
    %swap3A_621 = arith.constant 51 : i32
    %swap3A_622 = arith.index_cast %swap3A_621 : i32 to index
    %swap3A_623 = arith.constant 16 : index
    %swap3A_624 = tpu.vector_load %arg13[%swap3A_622, %swap3A_623] {strides = array<i32>} : memref<128x32xf32, #tpu.memory_space<vmem>>, vector<1x16xf32>,
    %swap3A_625 = vector.shape_cast %swap3A_624 : vector<1x16xf32> to vector<16xf32>
    %swap3A_626 = vector.shape_cast %broadcast_in_dim3A_3 : vector<16xf32> to vector<1x16xf32>
    tpu.vector_store %arg13[%swap3A_622, %swap3A_623], %swap3A_626 {strides = array<i32>} : memref<128x32xf32, #tpu.memory_space<vmem>>, vector<1x16xf32>,
    %swap3A_627 = arith.constant 52 : i32
    %swap3A_628 = arith.index_cast %swap3A_627 : i32 to index
    %swap3A_629 = arith.constant 0 : index
    %swap3A_630 = tpu.vector_load %arg13[%swap3A_628, %swap3A_629] {strides = array<i32>} : memref<128x32xf32, #tpu.memory_space<vmem>>, vector<1x16xf32>,
    %swap3A_631 = vector.shape_cast %swap3A_630 : vector<1x16xf32> to vector<16xf32>
    %swap3A_632 = vector.shape_cast %broadcast_in_dim3A_3 : vector<16xf32> to vector<1x16xf32>
    tpu.vector_store %arg13[%swap3A_628, %swap3A_629], %swap3A_632 {strides = array<i32>} : memref<128x32xf32, #tpu.memory_space<vmem>>, vector<1x16xf32>,
    %swap3A_633 = arith.constant 52 : i32
    %swap3A_634 = arith.index_cast %swap3A_633 : i32 to index
    %swap3A_635 = arith.constant 16 : index
    %swap3A_636 = tpu.vector_load %arg13[%swap3A_634, %swap3A_635] {strides = array<i32>} : memref<128x32xf32, #tpu.memory_space<vmem>>, vector<1x16xf32>,
    %swap3A_637 = vector.shape_cast %swap3A_636 : vector<1x16xf32> to vector<16xf32>
    %swap3A_638 = vector.shape_cast %broadcast_in_dim3A_3 : vector<16xf32> to vector<1x16xf32>
    tpu.vector_store %arg13[%swap3A_634, %swap3A_635], %swap3A_638 {strides = array<i32>} : memref<128x32xf32, #tpu.memory_space<vmem>>, vector<1x16xf32>,
    %swap3A_639 = arith.constant 53 : i32
    %swap3A_640 = arith.index_cast %swap3A_639 : i32 to index
    %swap3A_641 = arith.constant 0 : index
    %swap3A_642 = tpu.vector_load %arg13[%swap3A_640, %swap3A_641] {strides = array<i32>} : memref<128x32xf32, #tpu.memory_space<vmem>>, vector<1x16xf32>,
    %swap3A_643 = vector.shape_cast %swap3A_642 : vector<1x16xf32> to vector<16xf32>
    %swap3A_644 = vector.shape_cast %broadcast_in_dim3A_3 : vector<16xf32> to vector<1x16xf32>
    tpu.vector_store %arg13[%swap3A_640, %swap3A_641], %swap3A_644 {strides = array<i32>} : memref<128x32xf32, #tpu.memory_space<vmem>>, vector<1x16xf32>,
    %swap3A_645 = arith.constant 53 : i32
    %swap3A_646 = arith.index_cast %swap3A_645 : i32 to index
    %swap3A_647 = arith.constant 16 : index
    %swap3A_648 = tpu.vector_load %arg13[%swap3A_646, %swap3A_647] {strides = array<i32>} : memref<128x32xf32, #tpu.memory_space<vmem>>, vector<1x16xf32>,
    %swap3A_649 = vector.shape_cast %swap3A_648 : vector<1x16xf32> to vector<16xf32>
    %swap3A_650 = vector.shape_cast %broadcast_in_dim3A_3 : vector<16xf32> to vector<1x16xf32>
    tpu.vector_store %arg13[%swap3A_646, %swap3A_647], %swap3A_650 {strides = array<i32>} : memref<128x32xf32, #tpu.memory_space<vmem>>, vector<1x16xf32>,
    %swap3A_651 = arith.constant 54 : i32
    %swap3A_652 = arith.index_cast %swap3A_651 : i32 to index
    %swap3A_653 = arith.constant 0 : index
    %swap3A_654 = tpu.vector_load %arg13[%swap3A_652, %swap3A_653] {strides = array<i32>} : memref<128x32xf32, #tpu.memory_space<vmem>>, vector<1x16xf32>,
    %swap3A_655 = vector.shape_cast %swap3A_654 : vector<1x16xf32> to vector<16xf32>
    %swap3A_656 = vector.shape_cast %broadcast_in_dim3A_3 : vector<16xf32> to vector<1x16xf32>
    tpu.vector_store %arg13[%swap3A_652, %swap3A_653], %swap3A_656 {strides = array<i32>} : memref<128x32xf32, #tpu.memory_space<vmem>>, vector<1x16xf32>,
    %swap3A_657 = arith.constant 54 : i32
    %swap3A_658 = arith.index_cast %swap3A_657 : i32 to index
    %swap3A_659 = arith.constant 16 : index
    %swap3A_660 = tpu.vector_load %arg13[%swap3A_658, %swap3A_659] {strides = array<i32>} : memref<128x32xf32, #tpu.memory_space<vmem>>, vector<1x16xf32>,
    %swap3A_661 = vector.shape_cast %swap3A_660 : vector<1x16xf32> to vector<16xf32>
    %swap3A_662 = vector.shape_cast %broadcast_in_dim3A_3 : vector<16xf32> to vector<1x16xf32>
    tpu.vector_store %arg13[%swap3A_658, %swap3A_659], %swap3A_662 {strides = array<i32>} : memref<128x32xf32, #tpu.memory_space<vmem>>, vector<1x16xf32>,
    %swap3A_663 = arith.constant 55 : i32
    %swap3A_664 = arith.index_cast %swap3A_663 : i32 to index
    %swap3A_665 = arith.constant 0 : index
    %swap3A_666 = tpu.vector_load %arg13[%swap3A_664, %swap3A_665] {strides = array<i32>} : memref<128x32xf32, #tpu.memory_space<vmem>>, vector<1x16xf32>,
    %swap3A_667 = vector.shape_cast %swap3A_666 : vector<1x16xf32> to vector<16xf32>
    %swap3A_668 = vector.shape_cast %broadcast_in_dim3A_3 : vector<16xf32> to vector<1x16xf32>
    tpu.vector_store %arg13[%swap3A_664, %swap3A_665], %swap3A_668 {strides = array<i32>} : memref<128x32xf32, #tpu.memory_space<vmem>>, vector<1x16xf32>,
    %swap3A_669 = arith.constant 55 : i32
    %swap3A_670 = arith.index_cast %swap3A_669 : i32 to index
    %swap3A_671 = arith.constant 16 : index
    %swap3A_672 = tpu.vector_load %arg13[%swap3A_670, %swap3A_671] {strides = array<i32>} : memref<128x32xf32, #tpu.memory_space<vmem>>, vector<1x16xf32>,
    %swap3A_673 = vector.shape_cast %swap3A_672 : vector<1x16xf32> to vector<16xf32>
    %swap3A_674 = vector.shape_cast %broadcast_in_dim3A_3 : vector<16xf32> to vector<1x16xf32>
    tpu.vector_store %arg13[%swap3A_670, %swap3A_671], %swap3A_674 {strides = array<i32>} : memref<128x32xf32, #tpu.memory_space<vmem>>, vector<1x16xf32>,
    %swap3A_675 = arith.constant 56 : i32
    %swap3A_676 = arith.index_cast %swap3A_675 : i32 to index
    %swap3A_677 = arith.constant 0 : index
    %swap3A_678 = tpu.vector_load %arg13[%swap3A_676, %swap3A_677] {strides = array<i32>} : memref<128x32xf32, #tpu.memory_space<vmem>>, vector<1x16xf32>,
    %swap3A_679 = vector.shape_cast %swap3A_678 : vector<1x16xf32> to vector<16xf32>
    %swap3A_680 = vector.shape_cast %broadcast_in_dim3A_3 : vector<16xf32> to vector<1x16xf32>
    tpu.vector_store %arg13[%swap3A_676, %swap3A_677], %swap3A_680 {strides = array<i32>} : memref<128x32xf32, #tpu.memory_space<vmem>>, vector<1x16xf32>,
    %swap3A_681 = arith.constant 56 : i32
    %swap3A_682 = arith.index_cast %swap3A_681 : i32 to index
    %swap3A_683 = arith.constant 16 : index
    %swap3A_684 = tpu.vector_load %arg13[%swap3A_682, %swap3A_683] {strides = array<i32>} : memref<128x32xf32, #tpu.memory_space<vmem>>, vector<1x16xf32>,
    %swap3A_685 = vector.shape_cast %swap3A_684 : vector<1x16xf32> to vector<16xf32>
    %swap3A_686 = vector.shape_cast %broadcast_in_dim3A_3 : vector<16xf32> to vector<1x16xf32>
    tpu.vector_store %arg13[%swap3A_682, %swap3A_683], %swap3A_686 {strides = array<i32>} : memref<128x32xf32, #tpu.memory_space<vmem>>, vector<1x16xf32>,
    %swap3A_687 = arith.constant 57 : i32
    %swap3A_688 = arith.index_cast %swap3A_687 : i32 to index
    %swap3A_689 = arith.constant 0 : index
    %swap3A_690 = tpu.vector_load %arg13[%swap3A_688, %swap3A_689] {strides = array<i32>} : memref<128x32xf32, #tpu.memory_space<vmem>>, vector<1x16xf32>,
    %swap3A_691 = vector.shape_cast %swap3A_690 : vector<1x16xf32> to vector<16xf32>
    %swap3A_692 = vector.shape_cast %broadcast_in_dim3A_3 : vector<16xf32> to vector<1x16xf32>
    tpu.vector_store %arg13[%swap3A_688, %swap3A_689], %swap3A_692 {strides = array<i32>} : memref<128x32xf32, #tpu.memory_space<vmem>>, vector<1x16xf32>,
    %swap3A_693 = arith.constant 57 : i32
    %swap3A_694 = arith.index_cast %swap3A_693 : i32 to index
    %swap3A_695 = arith.constant 16 : index
    %swap3A_696 = tpu.vector_load %arg13[%swap3A_694, %swap3A_695] {strides = array<i32>} : memref<128x32xf32, #tpu.memory_space<vmem>>, vector<1x16xf32>,
    %swap3A_697 = vector.shape_cast %swap3A_696 : vector<1x16xf32> to vector<16xf32>
    %swap3A_698 = vector.shape_cast %broadcast_in_dim3A_3 : vector<16xf32> to vector<1x16xf32>
    tpu.vector_store %arg13[%swap3A_694, %swap3A_695], %swap3A_698 {strides = array<i32>} : memref<128x32xf32, #tpu.memory_space<vmem>>, vector<1x16xf32>,
    %swap3A_699 = arith.constant 58 : i32
    %swap3A_700 = arith.index_cast %swap3A_699 : i32 to index
    %swap3A_701 = arith.constant 0 : index
    %swap3A_702 = tpu.vector_load %arg13[%swap3A_700, %swap3A_701] {strides = array<i32>} : memref<128x32xf32, #tpu.memory_space<vmem>>, vector<1x16xf32>,
    %swap3A_703 = vector.shape_cast %swap3A_702 : vector<1x16xf32> to vector<16xf32>
    %swap3A_704 = vector.shape_cast %broadcast_in_dim3A_3 : vector<16xf32> to vector<1x16xf32>
    tpu.vector_store %arg13[%swap3A_700, %swap3A_701], %swap3A_704 {strides = array<i32>} : memref<128x32xf32, #tpu.memory_space<vmem>>, vector<1x16xf32>,
    %swap3A_705 = arith.constant 58 : i32
    %swap3A_706 = arith.index_cast %swap3A_705 : i32 to index
    %swap3A_707 = arith.constant 16 : index
    %swap3A_708 = tpu.vector_load %arg13[%swap3A_706, %swap3A_707] {strides = array<i32>} : memref<128x32xf32, #tpu.memory_space<vmem>>, vector<1x16xf32>,
    %swap3A_709 = vector.shape_cast %swap3A_708 : vector<1x16xf32> to vector<16xf32>
    %swap3A_710 = vector.shape_cast %broadcast_in_dim3A_3 : vector<16xf32> to vector<1x16xf32>
    tpu.vector_store %arg13[%swap3A_706, %swap3A_707], %swap3A_710 {strides = array<i32>} : memref<128x32xf32, #tpu.memory_space<vmem>>, vector<1x16xf32>,
    %swap3A_711 = arith.constant 59 : i32
    %swap3A_712 = arith.index_cast %swap3A_711 : i32 to index
    %swap3A_713 = arith.constant 0 : index
    %swap3A_714 = tpu.vector_load %arg13[%swap3A_712, %swap3A_713] {strides = array<i32>} : memref<128x32xf32, #tpu.memory_space<vmem>>, vector<1x16xf32>,
    %swap3A_715 = vector.shape_cast %swap3A_714 : vector<1x16xf32> to vector<16xf32>
    %swap3A_716 = vector.shape_cast %broadcast_in_dim3A_3 : vector<16xf32> to vector<1x16xf32>
    tpu.vector_store %arg13[%swap3A_712, %swap3A_713], %swap3A_716 {strides = array<i32>} : memref<128x32xf32, #tpu.memory_space<vmem>>, vector<1x16xf32>,
    %swap3A_717 = arith.constant 59 : i32
    %swap3A_718 = arith.index_cast %swap3A_717 : i32 to index
    %swap3A_719 = arith.constant 16 : index
    %swap3A_720 = tpu.vector_load %arg13[%swap3A_718, %swap3A_719] {strides = array<i32>} : memref<128x32xf32, #tpu.memory_space<vmem>>, vector<1x16xf32>,
    %swap3A_721 = vector.shape_cast %swap3A_720 : vector<1x16xf32> to vector<16xf32>
    %swap3A_722 = vector.shape_cast %broadcast_in_dim3A_3 : vector<16xf32> to vector<1x16xf32>
    tpu.vector_store %arg13[%swap3A_718, %swap3A_719], %swap3A_722 {strides = array<i32>} : memref<128x32xf32, #tpu.memory_space<vmem>>, vector<1x16xf32>,
    %swap3A_723 = arith.constant 60 : i32
    %swap3A_724 = arith.index_cast %swap3A_723 : i32 to index
    %swap3A_725 = arith.constant 0 : index
    %swap3A_726 = tpu.vector_load %arg13[%swap3A_724, %swap3A_725] {strides = array<i32>} : memref<128x32xf32, #tpu.memory_space<vmem>>, vector<1x16xf32>,
    %swap3A_727 = vector.shape_cast %swap3A_726 : vector<1x16xf32> to vector<16xf32>
    %swap3A_728 = vector.shape_cast %broadcast_in_dim3A_3 : vector<16xf32> to vector<1x16xf32>
    tpu.vector_store %arg13[%swap3A_724, %swap3A_725], %swap3A_728 {strides = array<i32>} : memref<128x32xf32, #tpu.memory_space<vmem>>, vector<1x16xf32>,
    %swap3A_729 = arith.constant 60 : i32
    %swap3A_730 = arith.index_cast %swap3A_729 : i32 to index
    %swap3A_731 = arith.constant 16 : index
    %swap3A_732 = tpu.vector_load %arg13[%swap3A_730, %swap3A_731] {strides = array<i32>} : memref<128x32xf32, #tpu.memory_space<vmem>>, vector<1x16xf32>,
    %swap3A_733 = vector.shape_cast %swap3A_732 : vector<1x16xf32> to vector<16xf32>
    %swap3A_734 = vector.shape_cast %broadcast_in_dim3A_3 : vector<16xf32> to vector<1x16xf32>
    tpu.vector_store %arg13[%swap3A_730, %swap3A_731], %swap3A_734 {strides = array<i32>} : memref<128x32xf32, #tpu.memory_space<vmem>>, vector<1x16xf32>,
    %swap3A_735 = arith.constant 61 : i32
    %swap3A_736 = arith.index_cast %swap3A_735 : i32 to index
    %swap3A_737 = arith.constant 0 : index
    %swap3A_738 = tpu.vector_load %arg13[%swap3A_736, %swap3A_737] {strides = array<i32>} : memref<128x32xf32, #tpu.memory_space<vmem>>, vector<1x16xf32>,
    %swap3A_739 = vector.shape_cast %swap3A_738 : vector<1x16xf32> to vector<16xf32>
    %swap3A_740 = vector.shape_cast %broadcast_in_dim3A_3 : vector<16xf32> to vector<1x16xf32>
    tpu.vector_store %arg13[%swap3A_736, %swap3A_737], %swap3A_740 {strides = array<i32>} : memref<128x32xf32, #tpu.memory_space<vmem>>, vector<1x16xf32>,
    %swap3A_741 = arith.constant 61 : i32
    %swap3A_742 = arith.index_cast %swap3A_741 : i32 to index
    %swap3A_743 = arith.constant 16 : index
    %swap3A_744 = tpu.vector_load %arg13[%swap3A_742, %swap3A_743] {strides = array<i32>} : memref<128x32xf32, #tpu.memory_space<vmem>>, vector<1x16xf32>,
    %swap3A_745 = vector.shape_cast %swap3A_744 : vector<1x16xf32> to vector<16xf32>
    %swap3A_746 = vector.shape_cast %broadcast_in_dim3A_3 : vector<16xf32> to vector<1x16xf32>
    tpu.vector_store %arg13[%swap3A_742, %swap3A_743], %swap3A_746 {strides = array<i32>} : memref<128x32xf32, #tpu.memory_space<vmem>>, vector<1x16xf32>,
    %swap3A_747 = arith.constant 62 : i32
    %swap3A_748 = arith.index_cast %swap3A_747 : i32 to index
    %swap3A_749 = arith.constant 0 : index
    %swap3A_750 = tpu.vector_load %arg13[%swap3A_748, %swap3A_749] {strides = array<i32>} : memref<128x32xf32, #tpu.memory_space<vmem>>, vector<1x16xf32>,
    %swap3A_751 = vector.shape_cast %swap3A_750 : vector<1x16xf32> to vector<16xf32>
    %swap3A_752 = vector.shape_cast %broadcast_in_dim3A_3 : vector<16xf32> to vector<1x16xf32>
    tpu.vector_store %arg13[%swap3A_748, %swap3A_749], %swap3A_752 {strides = array<i32>} : memref<128x32xf32, #tpu.memory_space<vmem>>, vector<1x16xf32>,
    %swap3A_753 = arith.constant 62 : i32
    %swap3A_754 = arith.index_cast %swap3A_753 : i32 to index
    %swap3A_755 = arith.constant 16 : index
    %swap3A_756 = tpu.vector_load %arg13[%swap3A_754, %swap3A_755] {strides = array<i32>} : memref<128x32xf32, #tpu.memory_space<vmem>>, vector<1x16xf32>,
    %swap3A_757 = vector.shape_cast %swap3A_756 : vector<1x16xf32> to vector<16xf32>
    %swap3A_758 = vector.shape_cast %broadcast_in_dim3A_3 : vector<16xf32> to vector<1x16xf32>
    tpu.vector_store %arg13[%swap3A_754, %swap3A_755], %swap3A_758 {strides = array<i32>} : memref<128x32xf32, #tpu.memory_space<vmem>>, vector<1x16xf32>,
    %swap3A_759 = arith.constant 63 : i32
    %swap3A_760 = arith.index_cast %swap3A_759 : i32 to index
    %swap3A_761 = arith.constant 0 : index
    %swap3A_762 = tpu.vector_load %arg13[%swap3A_760, %swap3A_761] {strides = array<i32>} : memref<128x32xf32, #tpu.memory_space<vmem>>, vector<1x16xf32>,
    %swap3A_763 = vector.shape_cast %swap3A_762 : vector<1x16xf32> to vector<16xf32>
    %swap3A_764 = vector.shape_cast %broadcast_in_dim3A_3 : vector<16xf32> to vector<1x16xf32>
    tpu.vector_store %arg13[%swap3A_760, %swap3A_761], %swap3A_764 {strides = array<i32>} : memref<128x32xf32, #tpu.memory_space<vmem>>, vector<1x16xf32>,
    %swap3A_765 = arith.constant 63 : i32
    %swap3A_766 = arith.index_cast %swap3A_765 : i32 to index
    %swap3A_767 = arith.constant 16 : index
    %swap3A_768 = tpu.vector_load %arg13[%swap3A_766, %swap3A_767] {strides = array<i32>} : memref<128x32xf32, #tpu.memory_space<vmem>>, vector<1x16xf32>,
    %swap3A_769 = vector.shape_cast %swap3A_768 : vector<1x16xf32> to vector<16xf32>
    %swap3A_770 = vector.shape_cast %broadcast_in_dim3A_3 : vector<16xf32> to vector<1x16xf32>
    tpu.vector_store %arg13[%swap3A_766, %swap3A_767], %swap3A_770 {strides = array<i32>} : memref<128x32xf32, #tpu.memory_space<vmem>>, vector<1x16xf32>,
    %swap3A_771 = arith.constant 64 : i32
    %swap3A_772 = arith.index_cast %swap3A_771 : i32 to index
    %swap3A_773 = arith.constant 0 : index
    %swap3A_774 = tpu.vector_load %arg13[%swap3A_772, %swap3A_773] {strides = array<i32>} : memref<128x32xf32, #tpu.memory_space<vmem>>, vector<1x16xf32>,
    %swap3A_775 = vector.shape_cast %swap3A_774 : vector<1x16xf32> to vector<16xf32>
    %swap3A_776 = vector.shape_cast %broadcast_in_dim3A_3 : vector<16xf32> to vector<1x16xf32>
    tpu.vector_store %arg13[%swap3A_772, %swap3A_773], %swap3A_776 {strides = array<i32>} : memref<128x32xf32, #tpu.memory_space<vmem>>, vector<1x16xf32>,
    %swap3A_777 = arith.constant 64 : i32
    %swap3A_778 = arith.index_cast %swap3A_777 : i32 to index
    %swap3A_779 = arith.constant 16 : index
    %swap3A_780 = tpu.vector_load %arg13[%swap3A_778, %swap3A_779] {strides = array<i32>} : memref<128x32xf32, #tpu.memory_space<vmem>>, vector<1x16xf32>,
    %swap3A_781 = vector.shape_cast %swap3A_780 : vector<1x16xf32> to vector<16xf32>
    %swap3A_782 = vector.shape_cast %broadcast_in_dim3A_3 : vector<16xf32> to vector<1x16xf32>
    tpu.vector_store %arg13[%swap3A_778, %swap3A_779], %swap3A_782 {strides = array<i32>} : memref<128x32xf32, #tpu.memory_space<vmem>>, vector<1x16xf32>,
    %swap3A_783 = arith.constant 65 : i32
    %swap3A_784 = arith.index_cast %swap3A_783 : i32 to index
    %swap3A_785 = arith.constant 0 : index
    %swap3A_786 = tpu.vector_load %arg13[%swap3A_784, %swap3A_785] {strides = array<i32>} : memref<128x32xf32, #tpu.memory_space<vmem>>, vector<1x16xf32>,
    %swap3A_787 = vector.shape_cast %swap3A_786 : vector<1x16xf32> to vector<16xf32>
    %swap3A_788 = vector.shape_cast %broadcast_in_dim3A_3 : vector<16xf32> to vector<1x16xf32>
    tpu.vector_store %arg13[%swap3A_784, %swap3A_785], %swap3A_788 {strides = array<i32>} : memref<128x32xf32, #tpu.memory_space<vmem>>, vector<1x16xf32>,
    %swap3A_789 = arith.constant 65 : i32
    %swap3A_790 = arith.index_cast %swap3A_789 : i32 to index
    %swap3A_791 = arith.constant 16 : index
    %swap3A_792 = tpu.vector_load %arg13[%swap3A_790, %swap3A_791] {strides = array<i32>} : memref<128x32xf32, #tpu.memory_space<vmem>>, vector<1x16xf32>,
    %swap3A_793 = vector.shape_cast %swap3A_792 : vector<1x16xf32> to vector<16xf32>
    %swap3A_794 = vector.shape_cast %broadcast_in_dim3A_3 : vector<16xf32> to vector<1x16xf32>
    tpu.vector_store %arg13[%swap3A_790, %swap3A_791], %swap3A_794 {strides = array<i32>} : memref<128x32xf32, #tpu.memory_space<vmem>>, vector<1x16xf32>,
    %swap3A_795 = arith.constant 66 : i32
    %swap3A_796 = arith.index_cast %swap3A_795 : i32 to index
    %swap3A_797 = arith.constant 0 : index
    %swap3A_798 = tpu.vector_load %arg13[%swap3A_796, %swap3A_797] {strides = array<i32>} : memref<128x32xf32, #tpu.memory_space<vmem>>, vector<1x16xf32>,
    %swap3A_799 = vector.shape_cast %swap3A_798 : vector<1x16xf32> to vector<16xf32>
    %swap3A_800 = vector.shape_cast %broadcast_in_dim3A_3 : vector<16xf32> to vector<1x16xf32>
    tpu.vector_store %arg13[%swap3A_796, %swap3A_797], %swap3A_800 {strides = array<i32>} : memref<128x32xf32, #tpu.memory_space<vmem>>, vector<1x16xf32>,
    %swap3A_801 = arith.constant 66 : i32
    %swap3A_802 = arith.index_cast %swap3A_801 : i32 to index
    %swap3A_803 = arith.constant 16 : index
    %swap3A_804 = tpu.vector_load %arg13[%swap3A_802, %swap3A_803] {strides = array<i32>} : memref<128x32xf32, #tpu.memory_space<vmem>>, vector<1x16xf32>,
    %swap3A_805 = vector.shape_cast %swap3A_804 : vector<1x16xf32> to vector<16xf32>
    %swap3A_806 = vector.shape_cast %broadcast_in_dim3A_3 : vector<16xf32> to vector<1x16xf32>
    tpu.vector_store %arg13[%swap3A_802, %swap3A_803], %swap3A_806 {strides = array<i32>} : memref<128x32xf32, #tpu.memory_space<vmem>>, vector<1x16xf32>,
    %swap3A_807 = arith.constant 67 : i32
    %swap3A_808 = arith.index_cast %swap3A_807 : i32 to index
    %swap3A_809 = arith.constant 0 : index
    %swap3A_810 = tpu.vector_load %arg13[%swap3A_808, %swap3A_809] {strides = array<i32>} : memref<128x32xf32, #tpu.memory_space<vmem>>, vector<1x16xf32>,
    %swap3A_811 = vector.shape_cast %swap3A_810 : vector<1x16xf32> to vector<16xf32>
    %swap3A_812 = vector.shape_cast %broadcast_in_dim3A_3 : vector<16xf32> to vector<1x16xf32>
    tpu.vector_store %arg13[%swap3A_808, %swap3A_809], %swap3A_812 {strides = array<i32>} : memref<128x32xf32, #tpu.memory_space<vmem>>, vector<1x16xf32>,
    %swap3A_813 = arith.constant 67 : i32
    %swap3A_814 = arith.index_cast %swap3A_813 : i32 to index
    %swap3A_815 = arith.constant 16 : index
    %swap3A_816 = tpu.vector_load %arg13[%swap3A_814, %swap3A_815] {strides = array<i32>} : memref<128x32xf32, #tpu.memory_space<vmem>>, vector<1x16xf32>,
    %swap3A_817 = vector.shape_cast %swap3A_816 : vector<1x16xf32> to vector<16xf32>
    %swap3A_818 = vector.shape_cast %broadcast_in_dim3A_3 : vector<16xf32> to vector<1x16xf32>
    tpu.vector_store %arg13[%swap3A_814, %swap3A_815], %swap3A_818 {strides = array<i32>} : memref<128x32xf32, #tpu.memory_space<vmem>>, vector<1x16xf32>,
    %swap3A_819 = arith.constant 68 : i32
    %swap3A_820 = arith.index_cast %swap3A_819 : i32 to index
    %swap3A_821 = arith.constant 0 : index
    %swap3A_822 = tpu.vector_load %arg13[%swap3A_820, %swap3A_821] {strides = array<i32>} : memref<128x32xf32, #tpu.memory_space<vmem>>, vector<1x16xf32>,
    %swap3A_823 = vector.shape_cast %swap3A_822 : vector<1x16xf32> to vector<16xf32>
    %swap3A_824 = vector.shape_cast %broadcast_in_dim3A_3 : vector<16xf32> to vector<1x16xf32>
    tpu.vector_store %arg13[%swap3A_820, %swap3A_821], %swap3A_824 {strides = array<i32>} : memref<128x32xf32, #tpu.memory_space<vmem>>, vector<1x16xf32>,
    %swap3A_825 = arith.constant 68 : i32
    %swap3A_826 = arith.index_cast %swap3A_825 : i32 to index
    %swap3A_827 = arith.constant 16 : index
    %swap3A_828 = tpu.vector_load %arg13[%swap3A_826, %swap3A_827] {strides = array<i32>} : memref<128x32xf32, #tpu.memory_space<vmem>>, vector<1x16xf32>,
    %swap3A_829 = vector.shape_cast %swap3A_828 : vector<1x16xf32> to vector<16xf32>
    %swap3A_830 = vector.shape_cast %broadcast_in_dim3A_3 : vector<16xf32> to vector<1x16xf32>
    tpu.vector_store %arg13[%swap3A_826, %swap3A_827], %swap3A_830 {strides = array<i32>} : memref<128x32xf32, #tpu.memory_space<vmem>>, vector<1x16xf32>,
    %swap3A_831 = arith.constant 69 : i32
    %swap3A_832 = arith.index_cast %swap3A_831 : i32 to index
    %swap3A_833 = arith.constant 0 : index
    %swap3A_834 = tpu.vector_load %arg13[%swap3A_832, %swap3A_833] {strides = array<i32>} : memref<128x32xf32, #tpu.memory_space<vmem>>, vector<1x16xf32>,
    %swap3A_835 = vector.shape_cast %swap3A_834 : vector<1x16xf32> to vector<16xf32>
    %swap3A_836 = vector.shape_cast %broadcast_in_dim3A_3 : vector<16xf32> to vector<1x16xf32>
    tpu.vector_store %arg13[%swap3A_832, %swap3A_833], %swap3A_836 {strides = array<i32>} : memref<128x32xf32, #tpu.memory_space<vmem>>, vector<1x16xf32>,
    %swap3A_837 = arith.constant 69 : i32
    %swap3A_838 = arith.index_cast %swap3A_837 : i32 to index
    %swap3A_839 = arith.constant 16 : index
    %swap3A_840 = tpu.vector_load %arg13[%swap3A_838, %swap3A_839] {strides = array<i32>} : memref<128x32xf32, #tpu.memory_space<vmem>>, vector<1x16xf32>,
    %swap3A_841 = vector.shape_cast %swap3A_840 : vector<1x16xf32> to vector<16xf32>
    %swap3A_842 = vector.shape_cast %broadcast_in_dim3A_3 : vector<16xf32> to vector<1x16xf32>
    tpu.vector_store %arg13[%swap3A_838, %swap3A_839], %swap3A_842 {strides = array<i32>} : memref<128x32xf32, #tpu.memory_space<vmem>>, vector<1x16xf32>,
    %swap3A_843 = arith.constant 70 : i32
    %swap3A_844 = arith.index_cast %swap3A_843 : i32 to index
    %swap3A_845 = arith.constant 0 : index
    %swap3A_846 = tpu.vector_load %arg13[%swap3A_844, %swap3A_845] {strides = array<i32>} : memref<128x32xf32, #tpu.memory_space<vmem>>, vector<1x16xf32>,
    %swap3A_847 = vector.shape_cast %swap3A_846 : vector<1x16xf32> to vector<16xf32>
    %swap3A_848 = vector.shape_cast %broadcast_in_dim3A_3 : vector<16xf32> to vector<1x16xf32>
    tpu.vector_store %arg13[%swap3A_844, %swap3A_845], %swap3A_848 {strides = array<i32>} : memref<128x32xf32, #tpu.memory_space<vmem>>, vector<1x16xf32>,
    %swap3A_849 = arith.constant 70 : i32
    %swap3A_850 = arith.index_cast %swap3A_849 : i32 to index
    %swap3A_851 = arith.constant 16 : index
    %swap3A_852 = tpu.vector_load %arg13[%swap3A_850, %swap3A_851] {strides = array<i32>} : memref<128x32xf32, #tpu.memory_space<vmem>>, vector<1x16xf32>,
    %swap3A_853 = vector.shape_cast %swap3A_852 : vector<1x16xf32> to vector<16xf32>
    %swap3A_854 = vector.shape_cast %broadcast_in_dim3A_3 : vector<16xf32> to vector<1x16xf32>
    tpu.vector_store %arg13[%swap3A_850, %swap3A_851], %swap3A_854 {strides = array<i32>} : memref<128x32xf32, #tpu.memory_space<vmem>>, vector<1x16xf32>,
    %swap3A_855 = arith.constant 71 : i32
    %swap3A_856 = arith.index_cast %swap3A_855 : i32 to index
    %swap3A_857 = arith.constant 0 : index
    %swap3A_858 = tpu.vector_load %arg13[%swap3A_856, %swap3A_857] {strides = array<i32>} : memref<128x32xf32, #tpu.memory_space<vmem>>, vector<1x16xf32>,
    %swap3A_859 = vector.shape_cast %swap3A_858 : vector<1x16xf32> to vector<16xf32>
    %swap3A_860 = vector.shape_cast %broadcast_in_dim3A_3 : vector<16xf32> to vector<1x16xf32>
    tpu.vector_store %arg13[%swap3A_856, %swap3A_857], %swap3A_860 {strides = array<i32>} : memref<128x32xf32, #tpu.memory_space<vmem>>, vector<1x16xf32>,
    %swap3A_861 = arith.constant 71 : i32
    %swap3A_862 = arith.index_cast %swap3A_861 : i32 to index
    %swap3A_863 = arith.constant 16 : index
    %swap3A_864 = tpu.vector_load %arg13[%swap3A_862, %swap3A_863] {strides = array<i32>} : memref<128x32xf32, #tpu.memory_space<vmem>>, vector<1x16xf32>,
    %swap3A_865 = vector.shape_cast %swap3A_864 : vector<1x16xf32> to vector<16xf32>
    %swap3A_866 = vector.shape_cast %broadcast_in_dim3A_3 : vector<16xf32> to vector<1x16xf32>
    tpu.vector_store %arg13[%swap3A_862, %swap3A_863], %swap3A_866 {strides = array<i32>} : memref<128x32xf32, #tpu.memory_space<vmem>>, vector<1x16xf32>,
    %swap3A_867 = arith.constant 72 : i32
    %swap3A_868 = arith.index_cast %swap3A_867 : i32 to index
    %swap3A_869 = arith.constant 0 : index
    %swap3A_870 = tpu.vector_load %arg13[%swap3A_868, %swap3A_869] {strides = array<i32>} : memref<128x32xf32, #tpu.memory_space<vmem>>, vector<1x16xf32>,
    %swap3A_871 = vector.shape_cast %swap3A_870 : vector<1x16xf32> to vector<16xf32>
    %swap3A_872 = vector.shape_cast %broadcast_in_dim3A_3 : vector<16xf32> to vector<1x16xf32>
    tpu.vector_store %arg13[%swap3A_868, %swap3A_869], %swap3A_872 {strides = array<i32>} : memref<128x32xf32, #tpu.memory_space<vmem>>, vector<1x16xf32>,
    %swap3A_873 = arith.constant 72 : i32
    %swap3A_874 = arith.index_cast %swap3A_873 : i32 to index
    %swap3A_875 = arith.constant 16 : index
    %swap3A_876 = tpu.vector_load %arg13[%swap3A_874, %swap3A_875] {strides = array<i32>} : memref<128x32xf32, #tpu.memory_space<vmem>>, vector<1x16xf32>,
    %swap3A_877 = vector.shape_cast %swap3A_876 : vector<1x16xf32> to vector<16xf32>
    %swap3A_878 = vector.shape_cast %broadcast_in_dim3A_3 : vector<16xf32> to vector<1x16xf32>
    tpu.vector_store %arg13[%swap3A_874, %swap3A_875], %swap3A_878 {strides = array<i32>} : memref<128x32xf32, #tpu.memory_space<vmem>>, vector<1x16xf32>,
    %swap3A_879 = arith.constant 73 : i32
    %swap3A_880 = arith.index_cast %swap3A_879 : i32 to index
    %swap3A_881 = arith.constant 0 : index
    %swap3A_882 = tpu.vector_load %arg13[%swap3A_880, %swap3A_881] {strides = array<i32>} : memref<128x32xf32, #tpu.memory_space<vmem>>, vector<1x16xf32>,
    %swap3A_883 = vector.shape_cast %swap3A_882 : vector<1x16xf32> to vector<16xf32>
    %swap3A_884 = vector.shape_cast %broadcast_in_dim3A_3 : vector<16xf32> to vector<1x16xf32>
    tpu.vector_store %arg13[%swap3A_880, %swap3A_881], %swap3A_884 {strides = array<i32>} : memref<128x32xf32, #tpu.memory_space<vmem>>, vector<1x16xf32>,
    %swap3A_885 = arith.constant 73 : i32
    %swap3A_886 = arith.index_cast %swap3A_885 : i32 to index
    %swap3A_887 = arith.constant 16 : index
    %swap3A_888 = tpu.vector_load %arg13[%swap3A_886, %swap3A_887] {strides = array<i32>} : memref<128x32xf32, #tpu.memory_space<vmem>>, vector<1x16xf32>,
    %swap3A_889 = vector.shape_cast %swap3A_888 : vector<1x16xf32> to vector<16xf32>
    %swap3A_890 = vector.shape_cast %broadcast_in_dim3A_3 : vector<16xf32> to vector<1x16xf32>
    tpu.vector_store %arg13[%swap3A_886, %swap3A_887], %swap3A_890 {strides = array<i32>} : memref<128x32xf32, #tpu.memory_space<vmem>>, vector<1x16xf32>,
    %swap3A_891 = arith.constant 74 : i32
    %swap3A_892 = arith.index_cast %swap3A_891 : i32 to index
    %swap3A_893 = arith.constant 0 : index
    %swap3A_894 = tpu.vector_load %arg13[%swap3A_892, %swap3A_893] {strides = array<i32>} : memref<128x32xf32, #tpu.memory_space<vmem>>, vector<1x16xf32>,
    %swap3A_895 = vector.shape_cast %swap3A_894 : vector<1x16xf32> to vector<16xf32>
    %swap3A_896 = vector.shape_cast %broadcast_in_dim3A_3 : vector<16xf32> to vector<1x16xf32>
    tpu.vector_store %arg13[%swap3A_892, %swap3A_893], %swap3A_896 {strides = array<i32>} : memref<128x32xf32, #tpu.memory_space<vmem>>, vector<1x16xf32>,
    %swap3A_897 = arith.constant 74 : i32
    %swap3A_898 = arith.index_cast %swap3A_897 : i32 to index
    %swap3A_899 = arith.constant 16 : index
    %swap3A_900 = tpu.vector_load %arg13[%swap3A_898, %swap3A_899] {strides = array<i32>} : memref<128x32xf32, #tpu.memory_space<vmem>>, vector<1x16xf32>,
    %swap3A_901 = vector.shape_cast %swap3A_900 : vector<1x16xf32> to vector<16xf32>
    %swap3A_902 = vector.shape_cast %broadcast_in_dim3A_3 : vector<16xf32> to vector<1x16xf32>
    tpu.vector_store %arg13[%swap3A_898, %swap3A_899], %swap3A_902 {strides = array<i32>} : memref<128x32xf32, #tpu.memory_space<vmem>>, vector<1x16xf32>,
    %swap3A_903 = arith.constant 75 : i32
    %swap3A_904 = arith.index_cast %swap3A_903 : i32 to index
    %swap3A_905 = arith.constant 0 : index
    %swap3A_906 = tpu.vector_load %arg13[%swap3A_904, %swap3A_905] {strides = array<i32>} : memref<128x32xf32, #tpu.memory_space<vmem>>, vector<1x16xf32>,
    %swap3A_907 = vector.shape_cast %swap3A_906 : vector<1x16xf32> to vector<16xf32>
    %swap3A_908 = vector.shape_cast %broadcast_in_dim3A_3 : vector<16xf32> to vector<1x16xf32>
    tpu.vector_store %arg13[%swap3A_904, %swap3A_905], %swap3A_908 {strides = array<i32>} : memref<128x32xf32, #tpu.memory_space<vmem>>, vector<1x16xf32>,
    %swap3A_909 = arith.constant 75 : i32
    %swap3A_910 = arith.index_cast %swap3A_909 : i32 to index
    %swap3A_911 = arith.constant 16 : index
    %swap3A_912 = tpu.vector_load %arg13[%swap3A_910, %swap3A_911] {strides = array<i32>} : memref<128x32xf32, #tpu.memory_space<vmem>>, vector<1x16xf32>,
    %swap3A_913 = vector.shape_cast %swap3A_912 : vector<1x16xf32> to vector<16xf32>
    %swap3A_914 = vector.shape_cast %broadcast_in_dim3A_3 : vector<16xf32> to vector<1x16xf32>
    tpu.vector_store %arg13[%swap3A_910, %swap3A_911], %swap3A_914 {strides = array<i32>} : memref<128x32xf32, #tpu.memory_space<vmem>>, vector<1x16xf32>,
    %swap3A_915 = arith.constant 76 : i32
    %swap3A_916 = arith.index_cast %swap3A_915 : i32 to index
    %swap3A_917 = arith.constant 0 : index
    %swap3A_918 = tpu.vector_load %arg13[%swap3A_916, %swap3A_917] {strides = array<i32>} : memref<128x32xf32, #tpu.memory_space<vmem>>, vector<1x16xf32>,
    %swap3A_919 = vector.shape_cast %swap3A_918 : vector<1x16xf32> to vector<16xf32>
    %swap3A_920 = vector.shape_cast %broadcast_in_dim3A_3 : vector<16xf32> to vector<1x16xf32>
    tpu.vector_store %arg13[%swap3A_916, %swap3A_917], %swap3A_920 {strides = array<i32>} : memref<128x32xf32, #tpu.memory_space<vmem>>, vector<1x16xf32>,
    %swap3A_921 = arith.constant 76 : i32
    %swap3A_922 = arith.index_cast %swap3A_921 : i32 to index
    %swap3A_923 = arith.constant 16 : index
    %swap3A_924 = tpu.vector_load %arg13[%swap3A_922, %swap3A_923] {strides = array<i32>} : memref<128x32xf32, #tpu.memory_space<vmem>>, vector<1x16xf32>,
    %swap3A_925 = vector.shape_cast %swap3A_924 : vector<1x16xf32> to vector<16xf32>
    %swap3A_926 = vector.shape_cast %broadcast_in_dim3A_3 : vector<16xf32> to vector<1x16xf32>
    tpu.vector_store %arg13[%swap3A_922, %swap3A_923], %swap3A_926 {strides = array<i32>} : memref<128x32xf32, #tpu.memory_space<vmem>>, vector<1x16xf32>,
    %swap3A_927 = arith.constant 77 : i32
    %swap3A_928 = arith.index_cast %swap3A_927 : i32 to index
    %swap3A_929 = arith.constant 0 : index
    %swap3A_930 = tpu.vector_load %arg13[%swap3A_928, %swap3A_929] {strides = array<i32>} : memref<128x32xf32, #tpu.memory_space<vmem>>, vector<1x16xf32>,
    %swap3A_931 = vector.shape_cast %swap3A_930 : vector<1x16xf32> to vector<16xf32>
    %swap3A_932 = vector.shape_cast %broadcast_in_dim3A_3 : vector<16xf32> to vector<1x16xf32>
    tpu.vector_store %arg13[%swap3A_928, %swap3A_929], %swap3A_932 {strides = array<i32>} : memref<128x32xf32, #tpu.memory_space<vmem>>, vector<1x16xf32>,
    %swap3A_933 = arith.constant 77 : i32
    %swap3A_934 = arith.index_cast %swap3A_933 : i32 to index
    %swap3A_935 = arith.constant 16 : index
    %swap3A_936 = tpu.vector_load %arg13[%swap3A_934, %swap3A_935] {strides = array<i32>} : memref<128x32xf32, #tpu.memory_space<vmem>>, vector<1x16xf32>,
    %swap3A_937 = vector.shape_cast %swap3A_936 : vector<1x16xf32> to vector<16xf32>
    %swap3A_938 = vector.shape_cast %broadcast_in_dim3A_3 : vector<16xf32> to vector<1x16xf32>
    tpu.vector_store %arg13[%swap3A_934, %swap3A_935], %swap3A_938 {strides = array<i32>} : memref<128x32xf32, #tpu.memory_space<vmem>>, vector<1x16xf32>,
    %swap3A_939 = arith.constant 78 : i32
    %swap3A_940 = arith.index_cast %swap3A_939 : i32 to index
    %swap3A_941 = arith.constant 0 : index
    %swap3A_942 = tpu.vector_load %arg13[%swap3A_940, %swap3A_941] {strides = array<i32>} : memref<128x32xf32, #tpu.memory_space<vmem>>, vector<1x16xf32>,
    %swap3A_943 = vector.shape_cast %swap3A_942 : vector<1x16xf32> to vector<16xf32>
    %swap3A_944 = vector.shape_cast %broadcast_in_dim3A_3 : vector<16xf32> to vector<1x16xf32>
    tpu.vector_store %arg13[%swap3A_940, %swap3A_941], %swap3A_944 {strides = array<i32>} : memref<128x32xf32, #tpu.memory_space<vmem>>, vector<1x16xf32>,
    %swap3A_945 = arith.constant 78 : i32
    %swap3A_946 = arith.index_cast %swap3A_945 : i32 to index
    %swap3A_947 = arith.constant 16 : index
    %swap3A_948 = tpu.vector_load %arg13[%swap3A_946, %swap3A_947] {strides = array<i32>} : memref<128x32xf32, #tpu.memory_space<vmem>>, vector<1x16xf32>,
    %swap3A_949 = vector.shape_cast %swap3A_948 : vector<1x16xf32> to vector<16xf32>
    %swap3A_950 = vector.shape_cast %broadcast_in_dim3A_3 : vector<16xf32> to vector<1x16xf32>
    tpu.vector_store %arg13[%swap3A_946, %swap3A_947], %swap3A_950 {strides = array<i32>} : memref<128x32xf32, #tpu.memory_space<vmem>>, vector<1x16xf32>,
    %swap3A_951 = arith.constant 79 : i32
    %swap3A_952 = arith.index_cast %swap3A_951 : i32 to index
    %swap3A_953 = arith.constant 0 : index
    %swap3A_954 = tpu.vector_load %arg13[%swap3A_952, %swap3A_953] {strides = array<i32>} : memref<128x32xf32, #tpu.memory_space<vmem>>, vector<1x16xf32>,
    %swap3A_955 = vector.shape_cast %swap3A_954 : vector<1x16xf32> to vector<16xf32>
    %swap3A_956 = vector.shape_cast %broadcast_in_dim3A_3 : vector<16xf32> to vector<1x16xf32>
    tpu.vector_store %arg13[%swap3A_952, %swap3A_953], %swap3A_956 {strides = array<i32>} : memref<128x32xf32, #tpu.memory_space<vmem>>, vector<1x16xf32>,
    %swap3A_957 = arith.constant 79 : i32
    %swap3A_958 = arith.index_cast %swap3A_957 : i32 to index
    %swap3A_959 = arith.constant 16 : index
    %swap3A_960 = tpu.vector_load %arg13[%swap3A_958, %swap3A_959] {strides = array<i32>} : memref<128x32xf32, #tpu.memory_space<vmem>>, vector<1x16xf32>,
    %swap3A_961 = vector.shape_cast %swap3A_960 : vector<1x16xf32> to vector<16xf32>
    %swap3A_962 = vector.shape_cast %broadcast_in_dim3A_3 : vector<16xf32> to vector<1x16xf32>
    tpu.vector_store %arg13[%swap3A_958, %swap3A_959], %swap3A_962 {strides = array<i32>} : memref<128x32xf32, #tpu.memory_space<vmem>>, vector<1x16xf32>,
    %swap3A_963 = arith.constant 80 : i32
    %swap3A_964 = arith.index_cast %swap3A_963 : i32 to index
    %swap3A_965 = arith.constant 0 : index
    %swap3A_966 = tpu.vector_load %arg13[%swap3A_964, %swap3A_965] {strides = array<i32>} : memref<128x32xf32, #tpu.memory_space<vmem>>, vector<1x16xf32>,
    %swap3A_967 = vector.shape_cast %swap3A_966 : vector<1x16xf32> to vector<16xf32>
    %swap3A_968 = vector.shape_cast %broadcast_in_dim3A_3 : vector<16xf32> to vector<1x16xf32>
    tpu.vector_store %arg13[%swap3A_964, %swap3A_965], %swap3A_968 {strides = array<i32>} : memref<128x32xf32, #tpu.memory_space<vmem>>, vector<1x16xf32>,
    %swap3A_969 = arith.constant 80 : i32
    %swap3A_970 = arith.index_cast %swap3A_969 : i32 to index
    %swap3A_971 = arith.constant 16 : index
    %swap3A_972 = tpu.vector_load %arg13[%swap3A_970, %swap3A_971] {strides = array<i32>} : memref<128x32xf32, #tpu.memory_space<vmem>>, vector<1x16xf32>,
    %swap3A_973 = vector.shape_cast %swap3A_972 : vector<1x16xf32> to vector<16xf32>
    %swap3A_974 = vector.shape_cast %broadcast_in_dim3A_3 : vector<16xf32> to vector<1x16xf32>
    tpu.vector_store %arg13[%swap3A_970, %swap3A_971], %swap3A_974 {strides = array<i32>} : memref<128x32xf32, #tpu.memory_space<vmem>>, vector<1x16xf32>,
    %swap3A_975 = arith.constant 81 : i32
    %swap3A_976 = arith.index_cast %swap3A_975 : i32 to index
    %swap3A_977 = arith.constant 0 : index
    %swap3A_978 = tpu.vector_load %arg13[%swap3A_976, %swap3A_977] {strides = array<i32>} : memref<128x32xf32, #tpu.memory_space<vmem>>, vector<1x16xf32>,
    %swap3A_979 = vector.shape_cast %swap3A_978 : vector<1x16xf32> to vector<16xf32>
    %swap3A_980 = vector.shape_cast %broadcast_in_dim3A_3 : vector<16xf32> to vector<1x16xf32>
    tpu.vector_store %arg13[%swap3A_976, %swap3A_977], %swap3A_980 {strides = array<i32>} : memref<128x32xf32, #tpu.memory_space<vmem>>, vector<1x16xf32>,
    %swap3A_981 = arith.constant 81 : i32
    %swap3A_982 = arith.index_cast %swap3A_981 : i32 to index
    %swap3A_983 = arith.constant 16 : index
    %swap3A_984 = tpu.vector_load %arg13[%swap3A_982, %swap3A_983] {strides = array<i32>} : memref<128x32xf32, #tpu.memory_space<vmem>>, vector<1x16xf32>,
    %swap3A_985 = vector.shape_cast %swap3A_984 : vector<1x16xf32> to vector<16xf32>
    %swap3A_986 = vector.shape_cast %broadcast_in_dim3A_3 : vector<16xf32> to vector<1x16xf32>
    tpu.vector_store %arg13[%swap3A_982, %swap3A_983], %swap3A_986 {strides = array<i32>} : memref<128x32xf32, #tpu.memory_space<vmem>>, vector<1x16xf32>,
    %swap3A_987 = arith.constant 82 : i32
    %swap3A_988 = arith.index_cast %swap3A_987 : i32 to index
    %swap3A_989 = arith.constant 0 : index
    %swap3A_990 = tpu.vector_load %arg13[%swap3A_988, %swap3A_989] {strides = array<i32>} : memref<128x32xf32, #tpu.memory_space<vmem>>, vector<1x16xf32>,
    %swap3A_991 = vector.shape_cast %swap3A_990 : vector<1x16xf32> to vector<16xf32>
    %swap3A_992 = vector.shape_cast %broadcast_in_dim3A_3 : vector<16xf32> to vector<1x16xf32>
    tpu.vector_store %arg13[%swap3A_988, %swap3A_989], %swap3A_992 {strides = array<i32>} : memref<128x32xf32, #tpu.memory_space<vmem>>, vector<1x16xf32>,
    %swap3A_993 = arith.constant 82 : i32
    %swap3A_994 = arith.index_cast %swap3A_993 : i32 to index
    %swap3A_995 = arith.constant 16 : index
    %swap3A_996 = tpu.vector_load %arg13[%swap3A_994, %swap3A_995] {strides = array<i32>} : memref<128x32xf32, #tpu.memory_space<vmem>>, vector<1x16xf32>,
    %swap3A_997 = vector.shape_cast %swap3A_996 : vector<1x16xf32> to vector<16xf32>
    %swap3A_998 = vector.shape_cast %broadcast_in_dim3A_3 : vector<16xf32> to vector<1x16xf32>
    tpu.vector_store %arg13[%swap3A_994, %swap3A_995], %swap3A_998 {strides = array<i32>} : memref<128x32xf32, #tpu.memory_space<vmem>>, vector<1x16xf32>,
    %swap3A_999 = arith.constant 83 : i32
    %swap3A_1000 = arith.index_cast %swap3A_999 : i32 to index
    %swap3A_1001 = arith.constant 0 : index
    %swap3A_1002 = tpu.vector_load %arg13[%swap3A_1000, %swap3A_1001] {strides = array<i32>} : memref<128x32xf32, #tpu.memory_space<vmem>>, vector<1x16xf32>,
    %swap3A_1003 = vector.shape_cast %swap3A_1002 : vector<1x16xf32> to vector<16xf32>
    %swap3A_1004 = vector.shape_cast %broadcast_in_dim3A_3 : vector<16xf32> to vector<1x16xf32>
    tpu.vector_store %arg13[%swap3A_1000, %swap3A_1001], %swap3A_1004 {strides = array<i32>} : memref<128x32xf32, #tpu.memory_space<vmem>>, vector<1x16xf32>,
    %swap3A_1005 = arith.constant 83 : i32
    %swap3A_1006 = arith.index_cast %swap3A_1005 : i32 to index
    %swap3A_1007 = arith.constant 16 : index
    %swap3A_1008 = tpu.vector_load %arg13[%swap3A_1006, %swap3A_1007] {strides = array<i32>} : memref<128x32xf32, #tpu.memory_space<vmem>>, vector<1x16xf32>,
    %swap3A_1009 = vector.shape_cast %swap3A_1008 : vector<1x16xf32> to vector<16xf32>
    %swap3A_1010 = vector.shape_cast %broadcast_in_dim3A_3 : vector<16xf32> to vector<1x16xf32>
    tpu.vector_store %arg13[%swap3A_1006, %swap3A_1007], %swap3A_1010 {strides = array<i32>} : memref<128x32xf32, #tpu.memory_space<vmem>>, vector<1x16xf32>,
    %swap3A_1011 = arith.constant 84 : i32
    %swap3A_1012 = arith.index_cast %swap3A_1011 : i32 to index
    %swap3A_1013 = arith.constant 0 : index
    %swap3A_1014 = tpu.vector_load %arg13[%swap3A_1012, %swap3A_1013] {strides = array<i32>} : memref<128x32xf32, #tpu.memory_space<vmem>>, vector<1x16xf32>,
    %swap3A_1015 = vector.shape_cast %swap3A_1014 : vector<1x16xf32> to vector<16xf32>
    %swap3A_1016 = vector.shape_cast %broadcast_in_dim3A_3 : vector<16xf32> to vector<1x16xf32>
    tpu.vector_store %arg13[%swap3A_1012, %swap3A_1013], %swap3A_1016 {strides = array<i32>} : memref<128x32xf32, #tpu.memory_space<vmem>>, vector<1x16xf32>,
    %swap3A_1017 = arith.constant 84 : i32
    %swap3A_1018 = arith.index_cast %swap3A_1017 : i32 to index
    %swap3A_1019 = arith.constant 16 : index
    %swap3A_1020 = tpu.vector_load %arg13[%swap3A_1018, %swap3A_1019] {strides = array<i32>} : memref<128x32xf32, #tpu.memory_space<vmem>>, vector<1x16xf32>,
    %swap3A_1021 = vector.shape_cast %swap3A_1020 : vector<1x16xf32> to vector<16xf32>
    %swap3A_1022 = vector.shape_cast %broadcast_in_dim3A_3 : vector<16xf32> to vector<1x16xf32>
    tpu.vector_store %arg13[%swap3A_1018, %swap3A_1019], %swap3A_1022 {strides = array<i32>} : memref<128x32xf32, #tpu.memory_space<vmem>>, vector<1x16xf32>,
    %swap3A_1023 = arith.constant 85 : i32
    %swap3A_1024 = arith.index_cast %swap3A_1023 : i32 to index
    %swap3A_1025 = arith.constant 0 : index
    %swap3A_1026 = tpu.vector_load %arg13[%swap3A_1024, %swap3A_1025] {strides = array<i32>} : memref<128x32xf32, #tpu.memory_space<vmem>>, vector<1x16xf32>,
    %swap3A_1027 = vector.shape_cast %swap3A_1026 : vector<1x16xf32> to vector<16xf32>
    %swap3A_1028 = vector.shape_cast %broadcast_in_dim3A_3 : vector<16xf32> to vector<1x16xf32>
    tpu.vector_store %arg13[%swap3A_1024, %swap3A_1025], %swap3A_1028 {strides = array<i32>} : memref<128x32xf32, #tpu.memory_space<vmem>>, vector<1x16xf32>,
    %swap3A_1029 = arith.constant 85 : i32
    %swap3A_1030 = arith.index_cast %swap3A_1029 : i32 to index
    %swap3A_1031 = arith.constant 16 : index
    %swap3A_1032 = tpu.vector_load %arg13[%swap3A_1030, %swap3A_1031] {strides = array<i32>} : memref<128x32xf32, #tpu.memory_space<vmem>>, vector<1x16xf32>,
    %swap3A_1033 = vector.shape_cast %swap3A_1032 : vector<1x16xf32> to vector<16xf32>
    %swap3A_1034 = vector.shape_cast %broadcast_in_dim3A_3 : vector<16xf32> to vector<1x16xf32>
    tpu.vector_store %arg13[%swap3A_1030, %swap3A_1031], %swap3A_1034 {strides = array<i32>} : memref<128x32xf32, #tpu.memory_space<vmem>>, vector<1x16xf32>,
    %swap3A_1035 = arith.constant 86 : i32
    %swap3A_1036 = arith.index_cast %swap3A_1035 : i32 to index
    %swap3A_1037 = arith.constant 0 : index
    %swap3A_1038 = tpu.vector_load %arg13[%swap3A_1036, %swap3A_1037] {strides = array<i32>} : memref<128x32xf32, #tpu.memory_space<vmem>>, vector<1x16xf32>,
    %swap3A_1039 = vector.shape_cast %swap3A_1038 : vector<1x16xf32> to vector<16xf32>
    %swap3A_1040 = vector.shape_cast %broadcast_in_dim3A_3 : vector<16xf32> to vector<1x16xf32>
    tpu.vector_store %arg13[%swap3A_1036, %swap3A_1037], %swap3A_1040 {strides = array<i32>} : memref<128x32xf32, #tpu.memory_space<vmem>>, vector<1x16xf32>,
    %swap3A_1041 = arith.constant 86 : i32
    %swap3A_1042 = arith.index_cast %swap3A_1041 : i32 to index
    %swap3A_1043 = arith.constant 16 : index
    %swap3A_1044 = tpu.vector_load %arg13[%swap3A_1042, %swap3A_1043] {strides = array<i32>} : memref<128x32xf32, #tpu.memory_space<vmem>>, vector<1x16xf32>,
    %swap3A_1045 = vector.shape_cast %swap3A_1044 : vector<1x16xf32> to vector<16xf32>
    %swap3A_1046 = vector.shape_cast %broadcast_in_dim3A_3 : vector<16xf32> to vector<1x16xf32>
    tpu.vector_store %arg13[%swap3A_1042, %swap3A_1043], %swap3A_1046 {strides = array<i32>} : memref<128x32xf32, #tpu.memory_space<vmem>>, vector<1x16xf32>,
    %swap3A_1047 = arith.constant 87 : i32
    %swap3A_1048 = arith.index_cast %swap3A_1047 : i32 to index
    %swap3A_1049 = arith.constant 0 : index
    %swap3A_1050 = tpu.vector_load %arg13[%swap3A_1048, %swap3A_1049] {strides = array<i32>} : memref<128x32xf32, #tpu.memory_space<vmem>>, vector<1x16xf32>,
    %swap3A_1051 = vector.shape_cast %swap3A_1050 : vector<1x16xf32> to vector<16xf32>
    %swap3A_1052 = vector.shape_cast %broadcast_in_dim3A_3 : vector<16xf32> to vector<1x16xf32>
    tpu.vector_store %arg13[%swap3A_1048, %swap3A_1049], %swap3A_1052 {strides = array<i32>} : memref<128x32xf32, #tpu.memory_space<vmem>>, vector<1x16xf32>,
    %swap3A_1053 = arith.constant 87 : i32
    %swap3A_1054 = arith.index_cast %swap3A_1053 : i32 to index
    %swap3A_1055 = arith.constant 16 : index
    %swap3A_1056 = tpu.vector_load %arg13[%swap3A_1054, %swap3A_1055] {strides = array<i32>} : memref<128x32xf32, #tpu.memory_space<vmem>>, vector<1x16xf32>,
    %swap3A_1057 = vector.shape_cast %swap3A_1056 : vector<1x16xf32> to vector<16xf32>
    %swap3A_1058 = vector.shape_cast %broadcast_in_dim3A_3 : vector<16xf32> to vector<1x16xf32>
    tpu.vector_store %arg13[%swap3A_1054, %swap3A_1055], %swap3A_1058 {strides = array<i32>} : memref<128x32xf32, #tpu.memory_space<vmem>>, vector<1x16xf32>,
    %swap3A_1059 = arith.constant 88 : i32
    %swap3A_1060 = arith.index_cast %swap3A_1059 : i32 to index
    %swap3A_1061 = arith.constant 0 : index
    %swap3A_1062 = tpu.vector_load %arg13[%swap3A_1060, %swap3A_1061] {strides = array<i32>} : memref<128x32xf32, #tpu.memory_space<vmem>>, vector<1x16xf32>,
    %swap3A_1063 = vector.shape_cast %swap3A_1062 : vector<1x16xf32> to vector<16xf32>
    %swap3A_1064 = vector.shape_cast %broadcast_in_dim3A_3 : vector<16xf32> to vector<1x16xf32>
    tpu.vector_store %arg13[%swap3A_1060, %swap3A_1061], %swap3A_1064 {strides = array<i32>} : memref<128x32xf32, #tpu.memory_space<vmem>>, vector<1x16xf32>,
    %swap3A_1065 = arith.constant 88 : i32
    %swap3A_1066 = arith.index_cast %swap3A_1065 : i32 to index
    %swap3A_1067 = arith.constant 16 : index
    %swap3A_1068 = tpu.vector_load %arg13[%swap3A_1066, %swap3A_1067] {strides = array<i32>} : memref<128x32xf32, #tpu.memory_space<vmem>>, vector<1x16xf32>,
    %swap3A_1069 = vector.shape_cast %swap3A_1068 : vector<1x16xf32> to vector<16xf32>
    %swap3A_1070 = vector.shape_cast %broadcast_in_dim3A_3 : vector<16xf32> to vector<1x16xf32>
    tpu.vector_store %arg13[%swap3A_1066, %swap3A_1067], %swap3A_1070 {strides = array<i32>} : memref<128x32xf32, #tpu.memory_space<vmem>>, vector<1x16xf32>,
    %swap3A_1071 = arith.constant 89 : i32
    %swap3A_1072 = arith.index_cast %swap3A_1071 : i32 to index
    %swap3A_1073 = arith.constant 0 : index
    %swap3A_1074 = tpu.vector_load %arg13[%swap3A_1072, %swap3A_1073] {strides = array<i32>} : memref<128x32xf32, #tpu.memory_space<vmem>>, vector<1x16xf32>,
    %swap3A_1075 = vector.shape_cast %swap3A_1074 : vector<1x16xf32> to vector<16xf32>
    %swap3A_1076 = vector.shape_cast %broadcast_in_dim3A_3 : vector<16xf32> to vector<1x16xf32>
    tpu.vector_store %arg13[%swap3A_1072, %swap3A_1073], %swap3A_1076 {strides = array<i32>} : memref<128x32xf32, #tpu.memory_space<vmem>>, vector<1x16xf32>,
    %swap3A_1077 = arith.constant 89 : i32
    %swap3A_1078 = arith.index_cast %swap3A_1077 : i32 to index
    %swap3A_1079 = arith.constant 16 : index
    %swap3A_1080 = tpu.vector_load %arg13[%swap3A_1078, %swap3A_1079] {strides = array<i32>} : memref<128x32xf32, #tpu.memory_space<vmem>>, vector<1x16xf32>,
    %swap3A_1081 = vector.shape_cast %swap3A_1080 : vector<1x16xf32> to vector<16xf32>
    %swap3A_1082 = vector.shape_cast %broadcast_in_dim3A_3 : vector<16xf32> to vector<1x16xf32>
    tpu.vector_store %arg13[%swap3A_1078, %swap3A_1079], %swap3A_1082 {strides = array<i32>} : memref<128x32xf32, #tpu.memory_space<vmem>>, vector<1x16xf32>,
    %swap3A_1083 = arith.constant 90 : i32
    %swap3A_1084 = arith.index_cast %swap3A_1083 : i32 to index
    %swap3A_1085 = arith.constant 0 : index
    %swap3A_1086 = tpu.vector_load %arg13[%swap3A_1084, %swap3A_1085] {strides = array<i32>} : memref<128x32xf32, #tpu.memory_space<vmem>>, vector<1x16xf32>,
    %swap3A_1087 = vector.shape_cast %swap3A_1086 : vector<1x16xf32> to vector<16xf32>
    %swap3A_1088 = vector.shape_cast %broadcast_in_dim3A_3 : vector<16xf32> to vector<1x16xf32>
    tpu.vector_store %arg13[%swap3A_1084, %swap3A_1085], %swap3A_1088 {strides = array<i32>} : memref<128x32xf32, #tpu.memory_space<vmem>>, vector<1x16xf32>,
    %swap3A_1089 = arith.constant 90 : i32
    %swap3A_1090 = arith.index_cast %swap3A_1089 : i32 to index
    %swap3A_1091 = arith.constant 16 : index
    %swap3A_1092 = tpu.vector_load %arg13[%swap3A_1090, %swap3A_1091] {strides = array<i32>} : memref<128x32xf32, #tpu.memory_space<vmem>>, vector<1x16xf32>,
    %swap3A_1093 = vector.shape_cast %swap3A_1092 : vector<1x16xf32> to vector<16xf32>
    %swap3A_1094 = vector.shape_cast %broadcast_in_dim3A_3 : vector<16xf32> to vector<1x16xf32>
    tpu.vector_store %arg13[%swap3A_1090, %swap3A_1091], %swap3A_1094 {strides = array<i32>} : memref<128x32xf32, #tpu.memory_space<vmem>>, vector<1x16xf32>,
    %swap3A_1095 = arith.constant 91 : i32
    %swap3A_1096 = arith.index_cast %swap3A_1095 : i32 to index
    %swap3A_1097 = arith.constant 0 : index
    %swap3A_1098 = tpu.vector_load %arg13[%swap3A_1096, %swap3A_1097] {strides = array<i32>} : memref<128x32xf32, #tpu.memory_space<vmem>>, vector<1x16xf32>,
    %swap3A_1099 = vector.shape_cast %swap3A_1098 : vector<1x16xf32> to vector<16xf32>
    %swap3A_1100 = vector.shape_cast %broadcast_in_dim3A_3 : vector<16xf32> to vector<1x16xf32>
    tpu.vector_store %arg13[%swap3A_1096, %swap3A_1097], %swap3A_1100 {strides = array<i32>} : memref<128x32xf32, #tpu.memory_space<vmem>>, vector<1x16xf32>,
    %swap3A_1101 = arith.constant 91 : i32
    %swap3A_1102 = arith.index_cast %swap3A_1101 : i32 to index
    %swap3A_1103 = arith.constant 16 : index
    %swap3A_1104 = tpu.vector_load %arg13[%swap3A_1102, %swap3A_1103] {strides = array<i32>} : memref<128x32xf32, #tpu.memory_space<vmem>>, vector<1x16xf32>,
    %swap3A_1105 = vector.shape_cast %swap3A_1104 : vector<1x16xf32> to vector<16xf32>
    %swap3A_1106 = vector.shape_cast %broadcast_in_dim3A_3 : vector<16xf32> to vector<1x16xf32>
    tpu.vector_store %arg13[%swap3A_1102, %swap3A_1103], %swap3A_1106 {strides = array<i32>} : memref<128x32xf32, #tpu.memory_space<vmem>>, vector<1x16xf32>,
    %swap3A_1107 = arith.constant 92 : i32
    %swap3A_1108 = arith.index_cast %swap3A_1107 : i32 to index
    %swap3A_1109 = arith.constant 0 : index
    %swap3A_1110 = tpu.vector_load %arg13[%swap3A_1108, %swap3A_1109] {strides = array<i32>} : memref<128x32xf32, #tpu.memory_space<vmem>>, vector<1x16xf32>,
    %swap3A_1111 = vector.shape_cast %swap3A_1110 : vector<1x16xf32> to vector<16xf32>
    %swap3A_1112 = vector.shape_cast %broadcast_in_dim3A_3 : vector<16xf32> to vector<1x16xf32>
    tpu.vector_store %arg13[%swap3A_1108, %swap3A_1109], %swap3A_1112 {strides = array<i32>} : memref<128x32xf32, #tpu.memory_space<vmem>>, vector<1x16xf32>,
    %swap3A_1113 = arith.constant 92 : i32
    %swap3A_1114 = arith.index_cast %swap3A_1113 : i32 to index
    %swap3A_1115 = arith.constant 16 : index
    %swap3A_1116 = tpu.vector_load %arg13[%swap3A_1114, %swap3A_1115] {strides = array<i32>} : memref<128x32xf32, #tpu.memory_space<vmem>>, vector<1x16xf32>,
    %swap3A_1117 = vector.shape_cast %swap3A_1116 : vector<1x16xf32> to vector<16xf32>
    %swap3A_1118 = vector.shape_cast %broadcast_in_dim3A_3 : vector<16xf32> to vector<1x16xf32>
    tpu.vector_store %arg13[%swap3A_1114, %swap3A_1115], %swap3A_1118 {strides = array<i32>} : memref<128x32xf32, #tpu.memory_space<vmem>>, vector<1x16xf32>,
    %swap3A_1119 = arith.constant 93 : i32
    %swap3A_1120 = arith.index_cast %swap3A_1119 : i32 to index
    %swap3A_1121 = arith.constant 0 : index
    %swap3A_1122 = tpu.vector_load %arg13[%swap3A_1120, %swap3A_1121] {strides = array<i32>} : memref<128x32xf32, #tpu.memory_space<vmem>>, vector<1x16xf32>,
    %swap3A_1123 = vector.shape_cast %swap3A_1122 : vector<1x16xf32> to vector<16xf32>
    %swap3A_1124 = vector.shape_cast %broadcast_in_dim3A_3 : vector<16xf32> to vector<1x16xf32>
    tpu.vector_store %arg13[%swap3A_1120, %swap3A_1121], %swap3A_1124 {strides = array<i32>} : memref<128x32xf32, #tpu.memory_space<vmem>>, vector<1x16xf32>,
    %swap3A_1125 = arith.constant 93 : i32
    %swap3A_1126 = arith.index_cast %swap3A_1125 : i32 to index
    %swap3A_1127 = arith.constant 16 : index
    %swap3A_1128 = tpu.vector_load %arg13[%swap3A_1126, %swap3A_1127] {strides = array<i32>} : memref<128x32xf32, #tpu.memory_space<vmem>>, vector<1x16xf32>,
    %swap3A_1129 = vector.shape_cast %swap3A_1128 : vector<1x16xf32> to vector<16xf32>
    %swap3A_1130 = vector.shape_cast %broadcast_in_dim3A_3 : vector<16xf32> to vector<1x16xf32>
    tpu.vector_store %arg13[%swap3A_1126, %swap3A_1127], %swap3A_1130 {strides = array<i32>} : memref<128x32xf32, #tpu.memory_space<vmem>>, vector<1x16xf32>,
    %swap3A_1131 = arith.constant 94 : i32
    %swap3A_1132 = arith.index_cast %swap3A_1131 : i32 to index
    %swap3A_1133 = arith.constant 0 : index
    %swap3A_1134 = tpu.vector_load %arg13[%swap3A_1132, %swap3A_1133] {strides = array<i32>} : memref<128x32xf32, #tpu.memory_space<vmem>>, vector<1x16xf32>,
    %swap3A_1135 = vector.shape_cast %swap3A_1134 : vector<1x16xf32> to vector<16xf32>
    %swap3A_1136 = vector.shape_cast %broadcast_in_dim3A_3 : vector<16xf32> to vector<1x16xf32>
    tpu.vector_store %arg13[%swap3A_1132, %swap3A_1133], %swap3A_1136 {strides = array<i32>} : memref<128x32xf32, #tpu.memory_space<vmem>>, vector<1x16xf32>,
    %swap3A_1137 = arith.constant 94 : i32
    %swap3A_1138 = arith.index_cast %swap3A_1137 : i32 to index
    %swap3A_1139 = arith.constant 16 : index
    %swap3A_1140 = tpu.vector_load %arg13[%swap3A_1138, %swap3A_1139] {strides = array<i32>} : memref<128x32xf32, #tpu.memory_space<vmem>>, vector<1x16xf32>,
    %swap3A_1141 = vector.shape_cast %swap3A_1140 : vector<1x16xf32> to vector<16xf32>
    %swap3A_1142 = vector.shape_cast %broadcast_in_dim3A_3 : vector<16xf32> to vector<1x16xf32>
    tpu.vector_store %arg13[%swap3A_1138, %swap3A_1139], %swap3A_1142 {strides = array<i32>} : memref<128x32xf32, #tpu.memory_space<vmem>>, vector<1x16xf32>,
    %swap3A_1143 = arith.constant 95 : i32
    %swap3A_1144 = arith.index_cast %swap3A_1143 : i32 to index
    %swap3A_1145 = arith.constant 0 : index
    %swap3A_1146 = tpu.vector_load %arg13[%swap3A_1144, %swap3A_1145] {strides = array<i32>} : memref<128x32xf32, #tpu.memory_space<vmem>>, vector<1x16xf32>,
    %swap3A_1147 = vector.shape_cast %swap3A_1146 : vector<1x16xf32> to vector<16xf32>
    %swap3A_1148 = vector.shape_cast %broadcast_in_dim3A_3 : vector<16xf32> to vector<1x16xf32>
    tpu.vector_store %arg13[%swap3A_1144, %swap3A_1145], %swap3A_1148 {strides = array<i32>} : memref<128x32xf32, #tpu.memory_space<vmem>>, vector<1x16xf32>,
    %swap3A_1149 = arith.constant 95 : i32
    %swap3A_1150 = arith.index_cast %swap3A_1149 : i32 to index
    %swap3A_1151 = arith.constant 16 : index
    %swap3A_1152 = tpu.vector_load %arg13[%swap3A_1150, %swap3A_1151] {strides = array<i32>} : memref<128x32xf32, #tpu.memory_space<vmem>>, vector<1x16xf32>,
    %swap3A_1153 = vector.shape_cast %swap3A_1152 : vector<1x16xf32> to vector<16xf32>
    %swap3A_1154 = vector.shape_cast %broadcast_in_dim3A_3 : vector<16xf32> to vector<1x16xf32>
    tpu.vector_store %arg13[%swap3A_1150, %swap3A_1151], %swap3A_1154 {strides = array<i32>} : memref<128x32xf32, #tpu.memory_space<vmem>>, vector<1x16xf32>,
    %swap3A_1155 = arith.constant 96 : i32
    %swap3A_1156 = arith.index_cast %swap3A_1155 : i32 to index
    %swap3A_1157 = arith.constant 0 : index
    %swap3A_1158 = tpu.vector_load %arg13[%swap3A_1156, %swap3A_1157] {strides = array<i32>} : memref<128x32xf32, #tpu.memory_space<vmem>>, vector<1x16xf32>,
    %swap3A_1159 = vector.shape_cast %swap3A_1158 : vector<1x16xf32> to vector<16xf32>
    %swap3A_1160 = vector.shape_cast %broadcast_in_dim3A_3 : vector<16xf32> to vector<1x16xf32>
    tpu.vector_store %arg13[%swap3A_1156, %swap3A_1157], %swap3A_1160 {strides = array<i32>} : memref<128x32xf32, #tpu.memory_space<vmem>>, vector<1x16xf32>,
    %swap3A_1161 = arith.constant 96 : i32
    %swap3A_1162 = arith.index_cast %swap3A_1161 : i32 to index
    %swap3A_1163 = arith.constant 16 : index
    %swap3A_1164 = tpu.vector_load %arg13[%swap3A_1162, %swap3A_1163] {strides = array<i32>} : memref<128x32xf32, #tpu.memory_space<vmem>>, vector<1x16xf32>,
    %swap3A_1165 = vector.shape_cast %swap3A_1164 : vector<1x16xf32> to vector<16xf32>
    %swap3A_1166 = vector.shape_cast %broadcast_in_dim3A_3 : vector<16xf32> to vector<1x16xf32>
    tpu.vector_store %arg13[%swap3A_1162, %swap3A_1163], %swap3A_1166 {strides = array<i32>} : memref<128x32xf32, #tpu.memory_space<vmem>>, vector<1x16xf32>,
    %swap3A_1167 = arith.constant 97 : i32
    %swap3A_1168 = arith.index_cast %swap3A_1167 : i32 to index
    %swap3A_1169 = arith.constant 0 : index
    %swap3A_1170 = tpu.vector_load %arg13[%swap3A_1168, %swap3A_1169] {strides = array<i32>} : memref<128x32xf32, #tpu.memory_space<vmem>>, vector<1x16xf32>,
    %swap3A_1171 = vector.shape_cast %swap3A_1170 : vector<1x16xf32> to vector<16xf32>
    %swap3A_1172 = vector.shape_cast %broadcast_in_dim3A_3 : vector<16xf32> to vector<1x16xf32>
    tpu.vector_store %arg13[%swap3A_1168, %swap3A_1169], %swap3A_1172 {strides = array<i32>} : memref<128x32xf32, #tpu.memory_space<vmem>>, vector<1x16xf32>,
    %swap3A_1173 = arith.constant 97 : i32
    %swap3A_1174 = arith.index_cast %swap3A_1173 : i32 to index
    %swap3A_1175 = arith.constant 16 : index
    %swap3A_1176 = tpu.vector_load %arg13[%swap3A_1174, %swap3A_1175] {strides = array<i32>} : memref<128x32xf32, #tpu.memory_space<vmem>>, vector<1x16xf32>,
    %swap3A_1177 = vector.shape_cast %swap3A_1176 : vector<1x16xf32> to vector<16xf32>
    %swap3A_1178 = vector.shape_cast %broadcast_in_dim3A_3 : vector<16xf32> to vector<1x16xf32>
    tpu.vector_store %arg13[%swap3A_1174, %swap3A_1175], %swap3A_1178 {strides = array<i32>} : memref<128x32xf32, #tpu.memory_space<vmem>>, vector<1x16xf32>,
    %swap3A_1179 = arith.constant 98 : i32
    %swap3A_1180 = arith.index_cast %swap3A_1179 : i32 to index
    %swap3A_1181 = arith.constant 0 : index
    %swap3A_1182 = tpu.vector_load %arg13[%swap3A_1180, %swap3A_1181] {strides = array<i32>} : memref<128x32xf32, #tpu.memory_space<vmem>>, vector<1x16xf32>,
    %swap3A_1183 = vector.shape_cast %swap3A_1182 : vector<1x16xf32> to vector<16xf32>
    %swap3A_1184 = vector.shape_cast %broadcast_in_dim3A_3 : vector<16xf32> to vector<1x16xf32>
    tpu.vector_store %arg13[%swap3A_1180, %swap3A_1181], %swap3A_1184 {strides = array<i32>} : memref<128x32xf32, #tpu.memory_space<vmem>>, vector<1x16xf32>,
    %swap3A_1185 = arith.constant 98 : i32
    %swap3A_1186 = arith.index_cast %swap3A_1185 : i32 to index
    %swap3A_1187 = arith.constant 16 : index
    %swap3A_1188 = tpu.vector_load %arg13[%swap3A_1186, %swap3A_1187] {strides = array<i32>} : memref<128x32xf32, #tpu.memory_space<vmem>>, vector<1x16xf32>,
    %swap3A_1189 = vector.shape_cast %swap3A_1188 : vector<1x16xf32> to vector<16xf32>
    %swap3A_1190 = vector.shape_cast %broadcast_in_dim3A_3 : vector<16xf32> to vector<1x16xf32>
    tpu.vector_store %arg13[%swap3A_1186, %swap3A_1187], %swap3A_1190 {strides = array<i32>} : memref<128x32xf32, #tpu.memory_space<vmem>>, vector<1x16xf32>,
    %swap3A_1191 = arith.constant 99 : i32
    %swap3A_1192 = arith.index_cast %swap3A_1191 : i32 to index
    %swap3A_1193 = arith.constant 0 : index
    %swap3A_1194 = tpu.vector_load %arg13[%swap3A_1192, %swap3A_1193] {strides = array<i32>} : memref<128x32xf32, #tpu.memory_space<vmem>>, vector<1x16xf32>,
    %swap3A_1195 = vector.shape_cast %swap3A_1194 : vector<1x16xf32> to vector<16xf32>
    %swap3A_1196 = vector.shape_cast %broadcast_in_dim3A_3 : vector<16xf32> to vector<1x16xf32>
    tpu.vector_store %arg13[%swap3A_1192, %swap3A_1193], %swap3A_1196 {strides = array<i32>} : memref<128x32xf32, #tpu.memory_space<vmem>>, vector<1x16xf32>,
    %swap3A_1197 = arith.constant 99 : i32
    %swap3A_1198 = arith.index_cast %swap3A_1197 : i32 to index
    %swap3A_1199 = arith.constant 16 : index
    %swap3A_1200 = tpu.vector_load %arg13[%swap3A_1198, %swap3A_1199] {strides = array<i32>} : memref<128x32xf32, #tpu.memory_space<vmem>>, vector<1x16xf32>,
    %swap3A_1201 = vector.shape_cast %swap3A_1200 : vector<1x16xf32> to vector<16xf32>
    %swap3A_1202 = vector.shape_cast %broadcast_in_dim3A_3 : vector<16xf32> to vector<1x16xf32>
    tpu.vector_store %arg13[%swap3A_1198, %swap3A_1199], %swap3A_1202 {strides = array<i32>} : memref<128x32xf32, #tpu.memory_space<vmem>>, vector<1x16xf32>,
    %swap3A_1203 = arith.constant 100 : i32
    %swap3A_1204 = arith.index_cast %swap3A_1203 : i32 to index
    %swap3A_1205 = arith.constant 0 : index
    %swap3A_1206 = tpu.vector_load %arg13[%swap3A_1204, %swap3A_1205] {strides = array<i32>} : memref<128x32xf32, #tpu.memory_space<vmem>>, vector<1x16xf32>,
    %swap3A_1207 = vector.shape_cast %swap3A_1206 : vector<1x16xf32> to vector<16xf32>
    %swap3A_1208 = vector.shape_cast %broadcast_in_dim3A_3 : vector<16xf32> to vector<1x16xf32>
    tpu.vector_store %arg13[%swap3A_1204, %swap3A_1205], %swap3A_1208 {strides = array<i32>} : memref<128x32xf32, #tpu.memory_space<vmem>>, vector<1x16xf32>,
    %swap3A_1209 = arith.constant 100 : i32
    %swap3A_1210 = arith.index_cast %swap3A_1209 : i32 to index
    %swap3A_1211 = arith.constant 16 : index
    %swap3A_1212 = tpu.vector_load %arg13[%swap3A_1210, %swap3A_1211] {strides = array<i32>} : memref<128x32xf32, #tpu.memory_space<vmem>>, vector<1x16xf32>,
    %swap3A_1213 = vector.shape_cast %swap3A_1212 : vector<1x16xf32> to vector<16xf32>
    %swap3A_1214 = vector.shape_cast %broadcast_in_dim3A_3 : vector<16xf32> to vector<1x16xf32>
    tpu.vector_store %arg13[%swap3A_1210, %swap3A_1211], %swap3A_1214 {strides = array<i32>} : memref<128x32xf32, #tpu.memory_space<vmem>>, vector<1x16xf32>,
    %swap3A_1215 = arith.constant 101 : i32
    %swap3A_1216 = arith.index_cast %swap3A_1215 : i32 to index
    %swap3A_1217 = arith.constant 0 : index
    %swap3A_1218 = tpu.vector_load %arg13[%swap3A_1216, %swap3A_1217] {strides = array<i32>} : memref<128x32xf32, #tpu.memory_space<vmem>>, vector<1x16xf32>,
    %swap3A_1219 = vector.shape_cast %swap3A_1218 : vector<1x16xf32> to vector<16xf32>
    %swap3A_1220 = vector.shape_cast %broadcast_in_dim3A_3 : vector<16xf32> to vector<1x16xf32>
    tpu.vector_store %arg13[%swap3A_1216, %swap3A_1217], %swap3A_1220 {strides = array<i32>} : memref<128x32xf32, #tpu.memory_space<vmem>>, vector<1x16xf32>,
    %swap3A_1221 = arith.constant 101 : i32
    %swap3A_1222 = arith.index_cast %swap3A_1221 : i32 to index
    %swap3A_1223 = arith.constant 16 : index
    %swap3A_1224 = tpu.vector_load %arg13[%swap3A_1222, %swap3A_1223] {strides = array<i32>} : memref<128x32xf32, #tpu.memory_space<vmem>>, vector<1x16xf32>,
    %swap3A_1225 = vector.shape_cast %swap3A_1224 : vector<1x16xf32> to vector<16xf32>
    %swap3A_1226 = vector.shape_cast %broadcast_in_dim3A_3 : vector<16xf32> to vector<1x16xf32>
    tpu.vector_store %arg13[%swap3A_1222, %swap3A_1223], %swap3A_1226 {strides = array<i32>} : memref<128x32xf32, #tpu.memory_space<vmem>>, vector<1x16xf32>,
    %swap3A_1227 = arith.constant 102 : i32
    %swap3A_1228 = arith.index_cast %swap3A_1227 : i32 to index
    %swap3A_1229 = arith.constant 0 : index
    %swap3A_1230 = tpu.vector_load %arg13[%swap3A_1228, %swap3A_1229] {strides = array<i32>} : memref<128x32xf32, #tpu.memory_space<vmem>>, vector<1x16xf32>,
    %swap3A_1231 = vector.shape_cast %swap3A_1230 : vector<1x16xf32> to vector<16xf32>
    %swap3A_1232 = vector.shape_cast %broadcast_in_dim3A_3 : vector<16xf32> to vector<1x16xf32>
    tpu.vector_store %arg13[%swap3A_1228, %swap3A_1229], %swap3A_1232 {strides = array<i32>} : memref<128x32xf32, #tpu.memory_space<vmem>>, vector<1x16xf32>,
    %swap3A_1233 = arith.constant 102 : i32
    %swap3A_1234 = arith.index_cast %swap3A_1233 : i32 to index
    %swap3A_1235 = arith.constant 16 : index
    %swap3A_1236 = tpu.vector_load %arg13[%swap3A_1234, %swap3A_1235] {strides = array<i32>} : memref<128x32xf32, #tpu.memory_space<vmem>>, vector<1x16xf32>,
    %swap3A_1237 = vector.shape_cast %swap3A_1236 : vector<1x16xf32> to vector<16xf32>
    %swap3A_1238 = vector.shape_cast %broadcast_in_dim3A_3 : vector<16xf32> to vector<1x16xf32>
    tpu.vector_store %arg13[%swap3A_1234, %swap3A_1235], %swap3A_1238 {strides = array<i32>} : memref<128x32xf32, #tpu.memory_space<vmem>>, vector<1x16xf32>,
    %swap3A_1239 = arith.constant 103 : i32
    %swap3A_1240 = arith.index_cast %swap3A_1239 : i32 to index
    %swap3A_1241 = arith.constant 0 : index
    %swap3A_1242 = tpu.vector_load %arg13[%swap3A_1240, %swap3A_1241] {strides = array<i32>} : memref<128x32xf32, #tpu.memory_space<vmem>>, vector<1x16xf32>,
    %swap3A_1243 = vector.shape_cast %swap3A_1242 : vector<1x16xf32> to vector<16xf32>
    %swap3A_1244 = vector.shape_cast %broadcast_in_dim3A_3 : vector<16xf32> to vector<1x16xf32>
    tpu.vector_store %arg13[%swap3A_1240, %swap3A_1241], %swap3A_1244 {strides = array<i32>} : memref<128x32xf32, #tpu.memory_space<vmem>>, vector<1x16xf32>,
    %swap3A_1245 = arith.constant 103 : i32
    %swap3A_1246 = arith.index_cast %swap3A_1245 : i32 to index
    %swap3A_1247 = arith.constant 16 : index
    %swap3A_1248 = tpu.vector_load %arg13[%swap3A_1246, %swap3A_1247] {strides = array<i32>} : memref<128x32xf32, #tpu.memory_space<vmem>>, vector<1x16xf32>,
    %swap3A_1249 = vector.shape_cast %swap3A_1248 : vector<1x16xf32> to vector<16xf32>
    %swap3A_1250 = vector.shape_cast %broadcast_in_dim3A_3 : vector<16xf32> to vector<1x16xf32>
    tpu.vector_store %arg13[%swap3A_1246, %swap3A_1247], %swap3A_1250 {strides = array<i32>} : memref<128x32xf32, #tpu.memory_space<vmem>>, vector<1x16xf32>,
    %swap3A_1251 = arith.constant 104 : i32
    %swap3A_1252 = arith.index_cast %swap3A_1251 : i32 to index
    %swap3A_1253 = arith.constant 0 : index
    %swap3A_1254 = tpu.vector_load %arg13[%swap3A_1252, %swap3A_1253] {strides = array<i32>} : memref<128x32xf32, #tpu.memory_space<vmem>>, vector<1x16xf32>,
    %swap3A_1255 = vector.shape_cast %swap3A_1254 : vector<1x16xf32> to vector<16xf32>
    %swap3A_1256 = vector.shape_cast %broadcast_in_dim3A_3 : vector<16xf32> to vector<1x16xf32>
    tpu.vector_store %arg13[%swap3A_1252, %swap3A_1253], %swap3A_1256 {strides = array<i32>} : memref<128x32xf32, #tpu.memory_space<vmem>>, vector<1x16xf32>,
    %swap3A_1257 = arith.constant 104 : i32
    %swap3A_1258 = arith.index_cast %swap3A_1257 : i32 to index
    %swap3A_1259 = arith.constant 16 : index
    %swap3A_1260 = tpu.vector_load %arg13[%swap3A_1258, %swap3A_1259] {strides = array<i32>} : memref<128x32xf32, #tpu.memory_space<vmem>>, vector<1x16xf32>,
    %swap3A_1261 = vector.shape_cast %swap3A_1260 : vector<1x16xf32> to vector<16xf32>
    %swap3A_1262 = vector.shape_cast %broadcast_in_dim3A_3 : vector<16xf32> to vector<1x16xf32>
    tpu.vector_store %arg13[%swap3A_1258, %swap3A_1259], %swap3A_1262 {strides = array<i32>} : memref<128x32xf32, #tpu.memory_space<vmem>>, vector<1x16xf32>,
    %swap3A_1263 = arith.constant 105 : i32
    %swap3A_1264 = arith.index_cast %swap3A_1263 : i32 to index
    %swap3A_1265 = arith.constant 0 : index
    %swap3A_1266 = tpu.vector_load %arg13[%swap3A_1264, %swap3A_1265] {strides = array<i32>} : memref<128x32xf32, #tpu.memory_space<vmem>>, vector<1x16xf32>,
    %swap3A_1267 = vector.shape_cast %swap3A_1266 : vector<1x16xf32> to vector<16xf32>
    %swap3A_1268 = vector.shape_cast %broadcast_in_dim3A_3 : vector<16xf32> to vector<1x16xf32>
    tpu.vector_store %arg13[%swap3A_1264, %swap3A_1265], %swap3A_1268 {strides = array<i32>} : memref<128x32xf32, #tpu.memory_space<vmem>>, vector<1x16xf32>,
    %swap3A_1269 = arith.constant 105 : i32
    %swap3A_1270 = arith.index_cast %swap3A_1269 : i32 to index
    %swap3A_1271 = arith.constant 16 : index
    %swap3A_1272 = tpu.vector_load %arg13[%swap3A_1270, %swap3A_1271] {strides = array<i32>} : memref<128x32xf32, #tpu.memory_space<vmem>>, vector<1x16xf32>,
    %swap3A_1273 = vector.shape_cast %swap3A_1272 : vector<1x16xf32> to vector<16xf32>
    %swap3A_1274 = vector.shape_cast %broadcast_in_dim3A_3 : vector<16xf32> to vector<1x16xf32>
    tpu.vector_store %arg13[%swap3A_1270, %swap3A_1271], %swap3A_1274 {strides = array<i32>} : memref<128x32xf32, #tpu.memory_space<vmem>>, vector<1x16xf32>,
    %swap3A_1275 = arith.constant 106 : i32
    %swap3A_1276 = arith.index_cast %swap3A_1275 : i32 to index
    %swap3A_1277 = arith.constant 0 : index
    %swap3A_1278 = tpu.vector_load %arg13[%swap3A_1276, %swap3A_1277] {strides = array<i32>} : memref<128x32xf32, #tpu.memory_space<vmem>>, vector<1x16xf32>,
    %swap3A_1279 = vector.shape_cast %swap3A_1278 : vector<1x16xf32> to vector<16xf32>
    %swap3A_1280 = vector.shape_cast %broadcast_in_dim3A_3 : vector<16xf32> to vector<1x16xf32>
    tpu.vector_store %arg13[%swap3A_1276, %swap3A_1277], %swap3A_1280 {strides = array<i32>} : memref<128x32xf32, #tpu.memory_space<vmem>>, vector<1x16xf32>,
    %swap3A_1281 = arith.constant 106 : i32
    %swap3A_1282 = arith.index_cast %swap3A_1281 : i32 to index
    %swap3A_1283 = arith.constant 16 : index
    %swap3A_1284 = tpu.vector_load %arg13[%swap3A_1282, %swap3A_1283] {strides = array<i32>} : memref<128x32xf32, #tpu.memory_space<vmem>>, vector<1x16xf32>,
    %swap3A_1285 = vector.shape_cast %swap3A_1284 : vector<1x16xf32> to vector<16xf32>
    %swap3A_1286 = vector.shape_cast %broadcast_in_dim3A_3 : vector<16xf32> to vector<1x16xf32>
    tpu.vector_store %arg13[%swap3A_1282, %swap3A_1283], %swap3A_1286 {strides = array<i32>} : memref<128x32xf32, #tpu.memory_space<vmem>>, vector<1x16xf32>,
    %swap3A_1287 = arith.constant 107 : i32
    %swap3A_1288 = arith.index_cast %swap3A_1287 : i32 to index
    %swap3A_1289 = arith.constant 0 : index
    %swap3A_1290 = tpu.vector_load %arg13[%swap3A_1288, %swap3A_1289] {strides = array<i32>} : memref<128x32xf32, #tpu.memory_space<vmem>>, vector<1x16xf32>,
    %swap3A_1291 = vector.shape_cast %swap3A_1290 : vector<1x16xf32> to vector<16xf32>
    %swap3A_1292 = vector.shape_cast %broadcast_in_dim3A_3 : vector<16xf32> to vector<1x16xf32>
    tpu.vector_store %arg13[%swap3A_1288, %swap3A_1289], %swap3A_1292 {strides = array<i32>} : memref<128x32xf32, #tpu.memory_space<vmem>>, vector<1x16xf32>,
    %swap3A_1293 = arith.constant 107 : i32
    %swap3A_1294 = arith.index_cast %swap3A_1293 : i32 to index
    %swap3A_1295 = arith.constant 16 : index
    %swap3A_1296 = tpu.vector_load %arg13[%swap3A_1294, %swap3A_1295] {strides = array<i32>} : memref<128x32xf32, #tpu.memory_space<vmem>>, vector<1x16xf32>,
    %swap3A_1297 = vector.shape_cast %swap3A_1296 : vector<1x16xf32> to vector<16xf32>
    %swap3A_1298 = vector.shape_cast %broadcast_in_dim3A_3 : vector<16xf32> to vector<1x16xf32>
    tpu.vector_store %arg13[%swap3A_1294, %swap3A_1295], %swap3A_1298 {strides = array<i32>} : memref<128x32xf32, #tpu.memory_space<vmem>>, vector<1x16xf32>,
    %swap3A_1299 = arith.constant 108 : i32
    %swap3A_1300 = arith.index_cast %swap3A_1299 : i32 to index
    %swap3A_1301 = arith.constant 0 : index
    %swap3A_1302 = tpu.vector_load %arg13[%swap3A_1300, %swap3A_1301] {strides = array<i32>} : memref<128x32xf32, #tpu.memory_space<vmem>>, vector<1x16xf32>,
    %swap3A_1303 = vector.shape_cast %swap3A_1302 : vector<1x16xf32> to vector<16xf32>
    %swap3A_1304 = vector.shape_cast %broadcast_in_dim3A_3 : vector<16xf32> to vector<1x16xf32>
    tpu.vector_store %arg13[%swap3A_1300, %swap3A_1301], %swap3A_1304 {strides = array<i32>} : memref<128x32xf32, #tpu.memory_space<vmem>>, vector<1x16xf32>,
    %swap3A_1305 = arith.constant 108 : i32
    %swap3A_1306 = arith.index_cast %swap3A_1305 : i32 to index
    %swap3A_1307 = arith.constant 16 : index
    %swap3A_1308 = tpu.vector_load %arg13[%swap3A_1306, %swap3A_1307] {strides = array<i32>} : memref<128x32xf32, #tpu.memory_space<vmem>>, vector<1x16xf32>,
    %swap3A_1309 = vector.shape_cast %swap3A_1308 : vector<1x16xf32> to vector<16xf32>
    %swap3A_1310 = vector.shape_cast %broadcast_in_dim3A_3 : vector<16xf32> to vector<1x16xf32>
    tpu.vector_store %arg13[%swap3A_1306, %swap3A_1307], %swap3A_1310 {strides = array<i32>} : memref<128x32xf32, #tpu.memory_space<vmem>>, vector<1x16xf32>,
    %swap3A_1311 = arith.constant 109 : i32
    %swap3A_1312 = arith.index_cast %swap3A_1311 : i32 to index
    %swap3A_1313 = arith.constant 0 : index
    %swap3A_1314 = tpu.vector_load %arg13[%swap3A_1312, %swap3A_1313] {strides = array<i32>} : memref<128x32xf32, #tpu.memory_space<vmem>>, vector<1x16xf32>,
    %swap3A_1315 = vector.shape_cast %swap3A_1314 : vector<1x16xf32> to vector<16xf32>
    %swap3A_1316 = vector.shape_cast %broadcast_in_dim3A_3 : vector<16xf32> to vector<1x16xf32>
    tpu.vector_store %arg13[%swap3A_1312, %swap3A_1313], %swap3A_1316 {strides = array<i32>} : memref<128x32xf32, #tpu.memory_space<vmem>>, vector<1x16xf32>,
    %swap3A_1317 = arith.constant 109 : i32
    %swap3A_1318 = arith.index_cast %swap3A_1317 : i32 to index
    %swap3A_1319 = arith.constant 16 : index
    %swap3A_1320 = tpu.vector_load %arg13[%swap3A_1318, %swap3A_1319] {strides = array<i32>} : memref<128x32xf32, #tpu.memory_space<vmem>>, vector<1x16xf32>,
    %swap3A_1321 = vector.shape_cast %swap3A_1320 : vector<1x16xf32> to vector<16xf32>
    %swap3A_1322 = vector.shape_cast %broadcast_in_dim3A_3 : vector<16xf32> to vector<1x16xf32>
    tpu.vector_store %arg13[%swap3A_1318, %swap3A_1319], %swap3A_1322 {strides = array<i32>} : memref<128x32xf32, #tpu.memory_space<vmem>>, vector<1x16xf32>,
    %swap3A_1323 = arith.constant 110 : i32
    %swap3A_1324 = arith.index_cast %swap3A_1323 : i32 to index
    %swap3A_1325 = arith.constant 0 : index
    %swap3A_1326 = tpu.vector_load %arg13[%swap3A_1324, %swap3A_1325] {strides = array<i32>} : memref<128x32xf32, #tpu.memory_space<vmem>>, vector<1x16xf32>,
    %swap3A_1327 = vector.shape_cast %swap3A_1326 : vector<1x16xf32> to vector<16xf32>
    %swap3A_1328 = vector.shape_cast %broadcast_in_dim3A_3 : vector<16xf32> to vector<1x16xf32>
    tpu.vector_store %arg13[%swap3A_1324, %swap3A_1325], %swap3A_1328 {strides = array<i32>} : memref<128x32xf32, #tpu.memory_space<vmem>>, vector<1x16xf32>,
    %swap3A_1329 = arith.constant 110 : i32
    %swap3A_1330 = arith.index_cast %swap3A_1329 : i32 to index
    %swap3A_1331 = arith.constant 16 : index
    %swap3A_1332 = tpu.vector_load %arg13[%swap3A_1330, %swap3A_1331] {strides = array<i32>} : memref<128x32xf32, #tpu.memory_space<vmem>>, vector<1x16xf32>,
    %swap3A_1333 = vector.shape_cast %swap3A_1332 : vector<1x16xf32> to vector<16xf32>
    %swap3A_1334 = vector.shape_cast %broadcast_in_dim3A_3 : vector<16xf32> to vector<1x16xf32>
    tpu.vector_store %arg13[%swap3A_1330, %swap3A_1331], %swap3A_1334 {strides = array<i32>} : memref<128x32xf32, #tpu.memory_space<vmem>>, vector<1x16xf32>,
    %swap3A_1335 = arith.constant 111 : i32
    %swap3A_1336 = arith.index_cast %swap3A_1335 : i32 to index
    %swap3A_1337 = arith.constant 0 : index
    %swap3A_1338 = tpu.vector_load %arg13[%swap3A_1336, %swap3A_1337] {strides = array<i32>} : memref<128x32xf32, #tpu.memory_space<vmem>>, vector<1x16xf32>,
    %swap3A_1339 = vector.shape_cast %swap3A_1338 : vector<1x16xf32> to vector<16xf32>
    %swap3A_1340 = vector.shape_cast %broadcast_in_dim3A_3 : vector<16xf32> to vector<1x16xf32>
    tpu.vector_store %arg13[%swap3A_1336, %swap3A_1337], %swap3A_1340 {strides = array<i32>} : memref<128x32xf32, #tpu.memory_space<vmem>>, vector<1x16xf32>,
    %swap3A_1341 = arith.constant 111 : i32
    %swap3A_1342 = arith.index_cast %swap3A_1341 : i32 to index
    %swap3A_1343 = arith.constant 16 : index
    %swap3A_1344 = tpu.vector_load %arg13[%swap3A_1342, %swap3A_1343] {strides = array<i32>} : memref<128x32xf32, #tpu.memory_space<vmem>>, vector<1x16xf32>,
    %swap3A_1345 = vector.shape_cast %swap3A_1344 : vector<1x16xf32> to vector<16xf32>
    %swap3A_1346 = vector.shape_cast %broadcast_in_dim3A_3 : vector<16xf32> to vector<1x16xf32>
    tpu.vector_store %arg13[%swap3A_1342, %swap3A_1343], %swap3A_1346 {strides = array<i32>} : memref<128x32xf32, #tpu.memory_space<vmem>>, vector<1x16xf32>,
    %swap3A_1347 = arith.constant 112 : i32
    %swap3A_1348 = arith.index_cast %swap3A_1347 : i32 to index
    %swap3A_1349 = arith.constant 0 : index
    %swap3A_1350 = tpu.vector_load %arg13[%swap3A_1348, %swap3A_1349] {strides = array<i32>} : memref<128x32xf32, #tpu.memory_space<vmem>>, vector<1x16xf32>,
    %swap3A_1351 = vector.shape_cast %swap3A_1350 : vector<1x16xf32> to vector<16xf32>
    %swap3A_1352 = vector.shape_cast %broadcast_in_dim3A_3 : vector<16xf32> to vector<1x16xf32>
    tpu.vector_store %arg13[%swap3A_1348, %swap3A_1349], %swap3A_1352 {strides = array<i32>} : memref<128x32xf32, #tpu.memory_space<vmem>>, vector<1x16xf32>,
    %swap3A_1353 = arith.constant 112 : i32
    %swap3A_1354 = arith.index_cast %swap3A_1353 : i32 to index
    %swap3A_1355 = arith.constant 16 : index
    %swap3A_1356 = tpu.vector_load %arg13[%swap3A_1354, %swap3A_1355] {strides = array<i32>} : memref<128x32xf32, #tpu.memory_space<vmem>>, vector<1x16xf32>,
    %swap3A_1357 = vector.shape_cast %swap3A_1356 : vector<1x16xf32> to vector<16xf32>
    %swap3A_1358 = vector.shape_cast %broadcast_in_dim3A_3 : vector<16xf32> to vector<1x16xf32>
    tpu.vector_store %arg13[%swap3A_1354, %swap3A_1355], %swap3A_1358 {strides = array<i32>} : memref<128x32xf32, #tpu.memory_space<vmem>>, vector<1x16xf32>,
    %swap3A_1359 = arith.constant 113 : i32
    %swap3A_1360 = arith.index_cast %swap3A_1359 : i32 to index
    %swap3A_1361 = arith.constant 0 : index
    %swap3A_1362 = tpu.vector_load %arg13[%swap3A_1360, %swap3A_1361] {strides = array<i32>} : memref<128x32xf32, #tpu.memory_space<vmem>>, vector<1x16xf32>,
    %swap3A_1363 = vector.shape_cast %swap3A_1362 : vector<1x16xf32> to vector<16xf32>
    %swap3A_1364 = vector.shape_cast %broadcast_in_dim3A_3 : vector<16xf32> to vector<1x16xf32>
    tpu.vector_store %arg13[%swap3A_1360, %swap3A_1361], %swap3A_1364 {strides = array<i32>} : memref<128x32xf32, #tpu.memory_space<vmem>>, vector<1x16xf32>,
    %swap3A_1365 = arith.constant 113 : i32
    %swap3A_1366 = arith.index_cast %swap3A_1365 : i32 to index
    %swap3A_1367 = arith.constant 16 : index
    %swap3A_1368 = tpu.vector_load %arg13[%swap3A_1366, %swap3A_1367] {strides = array<i32>} : memref<128x32xf32, #tpu.memory_space<vmem>>, vector<1x16xf32>,
    %swap3A_1369 = vector.shape_cast %swap3A_1368 : vector<1x16xf32> to vector<16xf32>
    %swap3A_1370 = vector.shape_cast %broadcast_in_dim3A_3 : vector<16xf32> to vector<1x16xf32>
    tpu.vector_store %arg13[%swap3A_1366, %swap3A_1367], %swap3A_1370 {strides = array<i32>} : memref<128x32xf32, #tpu.memory_space<vmem>>, vector<1x16xf32>,
    %swap3A_1371 = arith.constant 114 : i32
    %swap3A_1372 = arith.index_cast %swap3A_1371 : i32 to index
    %swap3A_1373 = arith.constant 0 : index
    %swap3A_1374 = tpu.vector_load %arg13[%swap3A_1372, %swap3A_1373] {strides = array<i32>} : memref<128x32xf32, #tpu.memory_space<vmem>>, vector<1x16xf32>,
    %swap3A_1375 = vector.shape_cast %swap3A_1374 : vector<1x16xf32> to vector<16xf32>
    %swap3A_1376 = vector.shape_cast %broadcast_in_dim3A_3 : vector<16xf32> to vector<1x16xf32>
    tpu.vector_store %arg13[%swap3A_1372, %swap3A_1373], %swap3A_1376 {strides = array<i32>} : memref<128x32xf32, #tpu.memory_space<vmem>>, vector<1x16xf32>,
    %swap3A_1377 = arith.constant 114 : i32
    %swap3A_1378 = arith.index_cast %swap3A_1377 : i32 to index
    %swap3A_1379 = arith.constant 16 : index
    %swap3A_1380 = tpu.vector_load %arg13[%swap3A_1378, %swap3A_1379] {strides = array<i32>} : memref<128x32xf32, #tpu.memory_space<vmem>>, vector<1x16xf32>,
    %swap3A_1381 = vector.shape_cast %swap3A_1380 : vector<1x16xf32> to vector<16xf32>
    %swap3A_1382 = vector.shape_cast %broadcast_in_dim3A_3 : vector<16xf32> to vector<1x16xf32>
    tpu.vector_store %arg13[%swap3A_1378, %swap3A_1379], %swap3A_1382 {strides = array<i32>} : memref<128x32xf32, #tpu.memory_space<vmem>>, vector<1x16xf32>,
    %swap3A_1383 = arith.constant 115 : i32
    %swap3A_1384 = arith.index_cast %swap3A_1383 : i32 to index
    %swap3A_1385 = arith.constant 0 : index
    %swap3A_1386 = tpu.vector_load %arg13[%swap3A_1384, %swap3A_1385] {strides = array<i32>} : memref<128x32xf32, #tpu.memory_space<vmem>>, vector<1x16xf32>,
    %swap3A_1387 = vector.shape_cast %swap3A_1386 : vector<1x16xf32> to vector<16xf32>
    %swap3A_1388 = vector.shape_cast %broadcast_in_dim3A_3 : vector<16xf32> to vector<1x16xf32>
    tpu.vector_store %arg13[%swap3A_1384, %swap3A_1385], %swap3A_1388 {strides = array<i32>} : memref<128x32xf32, #tpu.memory_space<vmem>>, vector<1x16xf32>,
    %swap3A_1389 = arith.constant 115 : i32
    %swap3A_1390 = arith.index_cast %swap3A_1389 : i32 to index
    %swap3A_1391 = arith.constant 16 : index
    %swap3A_1392 = tpu.vector_load %arg13[%swap3A_1390, %swap3A_1391] {strides = array<i32>} : memref<128x32xf32, #tpu.memory_space<vmem>>, vector<1x16xf32>,
    %swap3A_1393 = vector.shape_cast %swap3A_1392 : vector<1x16xf32> to vector<16xf32>
    %swap3A_1394 = vector.shape_cast %broadcast_in_dim3A_3 : vector<16xf32> to vector<1x16xf32>
    tpu.vector_store %arg13[%swap3A_1390, %swap3A_1391], %swap3A_1394 {strides = array<i32>} : memref<128x32xf32, #tpu.memory_space<vmem>>, vector<1x16xf32>,
    %swap3A_1395 = arith.constant 116 : i32
    %swap3A_1396 = arith.index_cast %swap3A_1395 : i32 to index
    %swap3A_1397 = arith.constant 0 : index
    %swap3A_1398 = tpu.vector_load %arg13[%swap3A_1396, %swap3A_1397] {strides = array<i32>} : memref<128x32xf32, #tpu.memory_space<vmem>>, vector<1x16xf32>,
    %swap3A_1399 = vector.shape_cast %swap3A_1398 : vector<1x16xf32> to vector<16xf32>
    %swap3A_1400 = vector.shape_cast %broadcast_in_dim3A_3 : vector<16xf32> to vector<1x16xf32>
    tpu.vector_store %arg13[%swap3A_1396, %swap3A_1397], %swap3A_1400 {strides = array<i32>} : memref<128x32xf32, #tpu.memory_space<vmem>>, vector<1x16xf32>,
    %swap3A_1401 = arith.constant 116 : i32
    %swap3A_1402 = arith.index_cast %swap3A_1401 : i32 to index
    %swap3A_1403 = arith.constant 16 : index
    %swap3A_1404 = tpu.vector_load %arg13[%swap3A_1402, %swap3A_1403] {strides = array<i32>} : memref<128x32xf32, #tpu.memory_space<vmem>>, vector<1x16xf32>,
    %swap3A_1405 = vector.shape_cast %swap3A_1404 : vector<1x16xf32> to vector<16xf32>
    %swap3A_1406 = vector.shape_cast %broadcast_in_dim3A_3 : vector<16xf32> to vector<1x16xf32>
    tpu.vector_store %arg13[%swap3A_1402, %swap3A_1403], %swap3A_1406 {strides = array<i32>} : memref<128x32xf32, #tpu.memory_space<vmem>>, vector<1x16xf32>,
    %swap3A_1407 = arith.constant 117 : i32
    %swap3A_1408 = arith.index_cast %swap3A_1407 : i32 to index
    %swap3A_1409 = arith.constant 0 : index
    %swap3A_1410 = tpu.vector_load %arg13[%swap3A_1408, %swap3A_1409] {strides = array<i32>} : memref<128x32xf32, #tpu.memory_space<vmem>>, vector<1x16xf32>,
    %swap3A_1411 = vector.shape_cast %swap3A_1410 : vector<1x16xf32> to vector<16xf32>
    %swap3A_1412 = vector.shape_cast %broadcast_in_dim3A_3 : vector<16xf32> to vector<1x16xf32>
    tpu.vector_store %arg13[%swap3A_1408, %swap3A_1409], %swap3A_1412 {strides = array<i32>} : memref<128x32xf32, #tpu.memory_space<vmem>>, vector<1x16xf32>,
    %swap3A_1413 = arith.constant 117 : i32
    %swap3A_1414 = arith.index_cast %swap3A_1413 : i32 to index
    %swap3A_1415 = arith.constant 16 : index
    %swap3A_1416 = tpu.vector_load %arg13[%swap3A_1414, %swap3A_1415] {strides = array<i32>} : memref<128x32xf32, #tpu.memory_space<vmem>>, vector<1x16xf32>,
    %swap3A_1417 = vector.shape_cast %swap3A_1416 : vector<1x16xf32> to vector<16xf32>
    %swap3A_1418 = vector.shape_cast %broadcast_in_dim3A_3 : vector<16xf32> to vector<1x16xf32>
    tpu.vector_store %arg13[%swap3A_1414, %swap3A_1415], %swap3A_1418 {strides = array<i32>} : memref<128x32xf32, #tpu.memory_space<vmem>>, vector<1x16xf32>,
    %swap3A_1419 = arith.constant 118 : i32
    %swap3A_1420 = arith.index_cast %swap3A_1419 : i32 to index
    %swap3A_1421 = arith.constant 0 : index
    %swap3A_1422 = tpu.vector_load %arg13[%swap3A_1420, %swap3A_1421] {strides = array<i32>} : memref<128x32xf32, #tpu.memory_space<vmem>>, vector<1x16xf32>,
    %swap3A_1423 = vector.shape_cast %swap3A_1422 : vector<1x16xf32> to vector<16xf32>
    %swap3A_1424 = vector.shape_cast %broadcast_in_dim3A_3 : vector<16xf32> to vector<1x16xf32>
    tpu.vector_store %arg13[%swap3A_1420, %swap3A_1421], %swap3A_1424 {strides = array<i32>} : memref<128x32xf32, #tpu.memory_space<vmem>>, vector<1x16xf32>,
    %swap3A_1425 = arith.constant 118 : i32
    %swap3A_1426 = arith.index_cast %swap3A_1425 : i32 to index
    %swap3A_1427 = arith.constant 16 : index
    %swap3A_1428 = tpu.vector_load %arg13[%swap3A_1426, %swap3A_1427] {strides = array<i32>} : memref<128x32xf32, #tpu.memory_space<vmem>>, vector<1x16xf32>,
    %swap3A_1429 = vector.shape_cast %swap3A_1428 : vector<1x16xf32> to vector<16xf32>
    %swap3A_1430 = vector.shape_cast %broadcast_in_dim3A_3 : vector<16xf32> to vector<1x16xf32>
    tpu.vector_store %arg13[%swap3A_1426, %swap3A_1427], %swap3A_1430 {strides = array<i32>} : memref<128x32xf32, #tpu.memory_space<vmem>>, vector<1x16xf32>,
    %swap3A_1431 = arith.constant 119 : i32
    %swap3A_1432 = arith.index_cast %swap3A_1431 : i32 to index
    %swap3A_1433 = arith.constant 0 : index
    %swap3A_1434 = tpu.vector_load %arg13[%swap3A_1432, %swap3A_1433] {strides = array<i32>} : memref<128x32xf32, #tpu.memory_space<vmem>>, vector<1x16xf32>,
    %swap3A_1435 = vector.shape_cast %swap3A_1434 : vector<1x16xf32> to vector<16xf32>
    %swap3A_1436 = vector.shape_cast %broadcast_in_dim3A_3 : vector<16xf32> to vector<1x16xf32>
    tpu.vector_store %arg13[%swap3A_1432, %swap3A_1433], %swap3A_1436 {strides = array<i32>} : memref<128x32xf32, #tpu.memory_space<vmem>>, vector<1x16xf32>,
    %swap3A_1437 = arith.constant 119 : i32
    %swap3A_1438 = arith.index_cast %swap3A_1437 : i32 to index
    %swap3A_1439 = arith.constant 16 : index
    %swap3A_1440 = tpu.vector_load %arg13[%swap3A_1438, %swap3A_1439] {strides = array<i32>} : memref<128x32xf32, #tpu.memory_space<vmem>>, vector<1x16xf32>,
    %swap3A_1441 = vector.shape_cast %swap3A_1440 : vector<1x16xf32> to vector<16xf32>
    %swap3A_1442 = vector.shape_cast %broadcast_in_dim3A_3 : vector<16xf32> to vector<1x16xf32>
    tpu.vector_store %arg13[%swap3A_1438, %swap3A_1439], %swap3A_1442 {strides = array<i32>} : memref<128x32xf32, #tpu.memory_space<vmem>>, vector<1x16xf32>,
    %swap3A_1443 = arith.constant 120 : i32
    %swap3A_1444 = arith.index_cast %swap3A_1443 : i32 to index
    %swap3A_1445 = arith.constant 0 : index
    %swap3A_1446 = tpu.vector_load %arg13[%swap3A_1444, %swap3A_1445] {strides = array<i32>} : memref<128x32xf32, #tpu.memory_space<vmem>>, vector<1x16xf32>,
    %swap3A_1447 = vector.shape_cast %swap3A_1446 : vector<1x16xf32> to vector<16xf32>
    %swap3A_1448 = vector.shape_cast %broadcast_in_dim3A_3 : vector<16xf32> to vector<1x16xf32>
    tpu.vector_store %arg13[%swap3A_1444, %swap3A_1445], %swap3A_1448 {strides = array<i32>} : memref<128x32xf32, #tpu.memory_space<vmem>>, vector<1x16xf32>,
    %swap3A_1449 = arith.constant 120 : i32
    %swap3A_1450 = arith.index_cast %swap3A_1449 : i32 to index
    %swap3A_1451 = arith.constant 16 : index
    %swap3A_1452 = tpu.vector_load %arg13[%swap3A_1450, %swap3A_1451] {strides = array<i32>} : memref<128x32xf32, #tpu.memory_space<vmem>>, vector<1x16xf32>,
    %swap3A_1453 = vector.shape_cast %swap3A_1452 : vector<1x16xf32> to vector<16xf32>
    %swap3A_1454 = vector.shape_cast %broadcast_in_dim3A_3 : vector<16xf32> to vector<1x16xf32>
    tpu.vector_store %arg13[%swap3A_1450, %swap3A_1451], %swap3A_1454 {strides = array<i32>} : memref<128x32xf32, #tpu.memory_space<vmem>>, vector<1x16xf32>,
    %swap3A_1455 = arith.constant 121 : i32
    %swap3A_1456 = arith.index_cast %swap3A_1455 : i32 to index
    %swap3A_1457 = arith.constant 0 : index
    %swap3A_1458 = tpu.vector_load %arg13[%swap3A_1456, %swap3A_1457] {strides = array<i32>} : memref<128x32xf32, #tpu.memory_space<vmem>>, vector<1x16xf32>,
    %swap3A_1459 = vector.shape_cast %swap3A_1458 : vector<1x16xf32> to vector<16xf32>
    %swap3A_1460 = vector.shape_cast %broadcast_in_dim3A_3 : vector<16xf32> to vector<1x16xf32>
    tpu.vector_store %arg13[%swap3A_1456, %swap3A_1457], %swap3A_1460 {strides = array<i32>} : memref<128x32xf32, #tpu.memory_space<vmem>>, vector<1x16xf32>,
    %swap3A_1461 = arith.constant 121 : i32
    %swap3A_1462 = arith.index_cast %swap3A_1461 : i32 to index
    %swap3A_1463 = arith.constant 16 : index
    %swap3A_1464 = tpu.vector_load %arg13[%swap3A_1462, %swap3A_1463] {strides = array<i32>} : memref<128x32xf32, #tpu.memory_space<vmem>>, vector<1x16xf32>,
    %swap3A_1465 = vector.shape_cast %swap3A_1464 : vector<1x16xf32> to vector<16xf32>
    %swap3A_1466 = vector.shape_cast %broadcast_in_dim3A_3 : vector<16xf32> to vector<1x16xf32>
    tpu.vector_store %arg13[%swap3A_1462, %swap3A_1463], %swap3A_1466 {strides = array<i32>} : memref<128x32xf32, #tpu.memory_space<vmem>>, vector<1x16xf32>,
    %swap3A_1467 = arith.constant 122 : i32
    %swap3A_1468 = arith.index_cast %swap3A_1467 : i32 to index
    %swap3A_1469 = arith.constant 0 : index
    %swap3A_1470 = tpu.vector_load %arg13[%swap3A_1468, %swap3A_1469] {strides = array<i32>} : memref<128x32xf32, #tpu.memory_space<vmem>>, vector<1x16xf32>,
    %swap3A_1471 = vector.shape_cast %swap3A_1470 : vector<1x16xf32> to vector<16xf32>
    %swap3A_1472 = vector.shape_cast %broadcast_in_dim3A_3 : vector<16xf32> to vector<1x16xf32>
    tpu.vector_store %arg13[%swap3A_1468, %swap3A_1469], %swap3A_1472 {strides = array<i32>} : memref<128x32xf32, #tpu.memory_space<vmem>>, vector<1x16xf32>,
    %swap3A_1473 = arith.constant 122 : i32
    %swap3A_1474 = arith.index_cast %swap3A_1473 : i32 to index
    %swap3A_1475 = arith.constant 16 : index
    %swap3A_1476 = tpu.vector_load %arg13[%swap3A_1474, %swap3A_1475] {strides = array<i32>} : memref<128x32xf32, #tpu.memory_space<vmem>>, vector<1x16xf32>,
    %swap3A_1477 = vector.shape_cast %swap3A_1476 : vector<1x16xf32> to vector<16xf32>
    %swap3A_1478 = vector.shape_cast %broadcast_in_dim3A_3 : vector<16xf32> to vector<1x16xf32>
    tpu.vector_store %arg13[%swap3A_1474, %swap3A_1475], %swap3A_1478 {strides = array<i32>} : memref<128x32xf32, #tpu.memory_space<vmem>>, vector<1x16xf32>,
    %swap3A_1479 = arith.constant 123 : i32
    %swap3A_1480 = arith.index_cast %swap3A_1479 : i32 to index
    %swap3A_1481 = arith.constant 0 : index
    %swap3A_1482 = tpu.vector_load %arg13[%swap3A_1480, %swap3A_1481] {strides = array<i32>} : memref<128x32xf32, #tpu.memory_space<vmem>>, vector<1x16xf32>,
    %swap3A_1483 = vector.shape_cast %swap3A_1482 : vector<1x16xf32> to vector<16xf32>
    %swap3A_1484 = vector.shape_cast %broadcast_in_dim3A_3 : vector<16xf32> to vector<1x16xf32>
    tpu.vector_store %arg13[%swap3A_1480, %swap3A_1481], %swap3A_1484 {strides = array<i32>} : memref<128x32xf32, #tpu.memory_space<vmem>>, vector<1x16xf32>,
    %swap3A_1485 = arith.constant 123 : i32
    %swap3A_1486 = arith.index_cast %swap3A_1485 : i32 to index
    %swap3A_1487 = arith.constant 16 : index
    %swap3A_1488 = tpu.vector_load %arg13[%swap3A_1486, %swap3A_1487] {strides = array<i32>} : memref<128x32xf32, #tpu.memory_space<vmem>>, vector<1x16xf32>,
    %swap3A_1489 = vector.shape_cast %swap3A_1488 : vector<1x16xf32> to vector<16xf32>
    %swap3A_1490 = vector.shape_cast %broadcast_in_dim3A_3 : vector<16xf32> to vector<1x16xf32>
    tpu.vector_store %arg13[%swap3A_1486, %swap3A_1487], %swap3A_1490 {strides = array<i32>} : memref<128x32xf32, #tpu.memory_space<vmem>>, vector<1x16xf32>,
    %swap3A_1491 = arith.constant 124 : i32
    %swap3A_1492 = arith.index_cast %swap3A_1491 : i32 to index
    %swap3A_1493 = arith.constant 0 : index
    %swap3A_1494 = tpu.vector_load %arg13[%swap3A_1492, %swap3A_1493] {strides = array<i32>} : memref<128x32xf32, #tpu.memory_space<vmem>>, vector<1x16xf32>,
    %swap3A_1495 = vector.shape_cast %swap3A_1494 : vector<1x16xf32> to vector<16xf32>
    %swap3A_1496 = vector.shape_cast %broadcast_in_dim3A_3 : vector<16xf32> to vector<1x16xf32>
    tpu.vector_store %arg13[%swap3A_1492, %swap3A_1493], %swap3A_1496 {strides = array<i32>} : memref<128x32xf32, #tpu.memory_space<vmem>>, vector<1x16xf32>,
    %swap3A_1497 = arith.constant 124 : i32
    %swap3A_1498 = arith.index_cast %swap3A_1497 : i32 to index
    %swap3A_1499 = arith.constant 16 : index
    %swap3A_1500 = tpu.vector_load %arg13[%swap3A_1498, %swap3A_1499] {strides = array<i32>} : memref<128x32xf32, #tpu.memory_space<vmem>>, vector<1x16xf32>,
    %swap3A_1501 = vector.shape_cast %swap3A_1500 : vector<1x16xf32> to vector<16xf32>
    %swap3A_1502 = vector.shape_cast %broadcast_in_dim3A_3 : vector<16xf32> to vector<1x16xf32>
    tpu.vector_store %arg13[%swap3A_1498, %swap3A_1499], %swap3A_1502 {strides = array<i32>} : memref<128x32xf32, #tpu.memory_space<vmem>>, vector<1x16xf32>,
    %swap3A_1503 = arith.constant 125 : i32
    %swap3A_1504 = arith.index_cast %swap3A_1503 : i32 to index
    %swap3A_1505 = arith.constant 0 : index
    %swap3A_1506 = tpu.vector_load %arg13[%swap3A_1504, %swap3A_1505] {strides = array<i32>} : memref<128x32xf32, #tpu.memory_space<vmem>>, vector<1x16xf32>,
    %swap3A_1507 = vector.shape_cast %swap3A_1506 : vector<1x16xf32> to vector<16xf32>
    %swap3A_1508 = vector.shape_cast %broadcast_in_dim3A_3 : vector<16xf32> to vector<1x16xf32>
    tpu.vector_store %arg13[%swap3A_1504, %swap3A_1505], %swap3A_1508 {strides = array<i32>} : memref<128x32xf32, #tpu.memory_space<vmem>>, vector<1x16xf32>,
    %swap3A_1509 = arith.constant 125 : i32
    %swap3A_1510 = arith.index_cast %swap3A_1509 : i32 to index
    %swap3A_1511 = arith.constant 16 : index
    %swap3A_1512 = tpu.vector_load %arg13[%swap3A_1510, %swap3A_1511] {strides = array<i32>} : memref<128x32xf32, #tpu.memory_space<vmem>>, vector<1x16xf32>,
    %swap3A_1513 = vector.shape_cast %swap3A_1512 : vector<1x16xf32> to vector<16xf32>
    %swap3A_1514 = vector.shape_cast %broadcast_in_dim3A_3 : vector<16xf32> to vector<1x16xf32>
    tpu.vector_store %arg13[%swap3A_1510, %swap3A_1511], %swap3A_1514 {strides = array<i32>} : memref<128x32xf32, #tpu.memory_space<vmem>>, vector<1x16xf32>,
    %swap3A_1515 = arith.constant 126 : i32
    %swap3A_1516 = arith.index_cast %swap3A_1515 : i32 to index
    %swap3A_1517 = arith.constant 0 : index
    %swap3A_1518 = tpu.vector_load %arg13[%swap3A_1516, %swap3A_1517] {strides = array<i32>} : memref<128x32xf32, #tpu.memory_space<vmem>>, vector<1x16xf32>,
    %swap3A_1519 = vector.shape_cast %swap3A_1518 : vector<1x16xf32> to vector<16xf32>
    %swap3A_1520 = vector.shape_cast %broadcast_in_dim3A_3 : vector<16xf32> to vector<1x16xf32>
    tpu.vector_store %arg13[%swap3A_1516, %swap3A_1517], %swap3A_1520 {strides = array<i32>} : memref<128x32xf32, #tpu.memory_space<vmem>>, vector<1x16xf32>,
    %swap3A_1521 = arith.constant 126 : i32
    %swap3A_1522 = arith.index_cast %swap3A_1521 : i32 to index
    %swap3A_1523 = arith.constant 16 : index
    %swap3A_1524 = tpu.vector_load %arg13[%swap3A_1522, %swap3A_1523] {strides = array<i32>} : memref<128x32xf32, #tpu.memory_space<vmem>>, vector<1x16xf32>,
    %swap3A_1525 = vector.shape_cast %swap3A_1524 : vector<1x16xf32> to vector<16xf32>
    %swap3A_1526 = vector.shape_cast %broadcast_in_dim3A_3 : vector<16xf32> to vector<1x16xf32>
    tpu.vector_store %arg13[%swap3A_1522, %swap3A_1523], %swap3A_1526 {strides = array<i32>} : memref<128x32xf32, #tpu.memory_space<vmem>>, vector<1x16xf32>,
    %swap3A_1527 = arith.constant 127 : i32
    %swap3A_1528 = arith.index_cast %swap3A_1527 : i32 to index
    %swap3A_1529 = arith.constant 0 : index
    %swap3A_1530 = tpu.vector_load %arg13[%swap3A_1528, %swap3A_1529] {strides = array<i32>} : memref<128x32xf32, #tpu.memory_space<vmem>>, vector<1x16xf32>,
    %swap3A_1531 = vector.shape_cast %swap3A_1530 : vector<1x16xf32> to vector<16xf32>
    %swap3A_1532 = vector.shape_cast %broadcast_in_dim3A_3 : vector<16xf32> to vector<1x16xf32>
    tpu.vector_store %arg13[%swap3A_1528, %swap3A_1529], %swap3A_1532 {strides = array<i32>} : memref<128x32xf32, #tpu.memory_space<vmem>>, vector<1x16xf32>,
    %swap3A_1533 = arith.constant 127 : i32
    %swap3A_1534 = arith.index_cast %swap3A_1533 : i32 to index
    %swap3A_1535 = arith.constant 16 : index
    %swap3A_1536 = tpu.vector_load %arg13[%swap3A_1534, %swap3A_1535] {strides = array<i32>} : memref<128x32xf32, #tpu.memory_space<vmem>>, vector<1x16xf32>,
    %swap3A_1537 = vector.shape_cast %swap3A_1536 : vector<1x16xf32> to vector<16xf32>
    %swap3A_1538 = vector.shape_cast %broadcast_in_dim3A_3 : vector<16xf32> to vector<1x16xf32>
    tpu.vector_store %arg13[%swap3A_1534, %swap3A_1535], %swap3A_1538 {strides = array<i32>} : memref<128x32xf32, #tpu.memory_space<vmem>>, vector<1x16xf32>,
    %add3A_1539 = arith.constant 0 : i32
    %add3A_1540 = arith.addi %mul3A_2, %add3A_1539 : i32
    "tpu.region"() ({
      %run_scoped3A_1582 = tpu.sem_alloc : memref<!tpu.dma_semaphore, #tpu.memory_space<semaphore_mem>>
      %dma_start3A_1583 = arith.constant 0 : i32
      %dma_start3A_1584 = tpu.memref_slice %arg6[%add3A_1540, %dma_start3A_1583] : memref<10240x32xf32, #tpu.memory_space<vmem_shared>> -> memref<128x32xf32, #tpu.memory_space<vmem_shared>>
      %dma_start3A_1585 = arith.constant 0 : i32
      %dma_start3A_1586 = tpu.memref_slice %arg6[%add3A_1540, %dma_start3A_1585] : memref<10240x32xf32, #tpu.memory_space<vmem_shared>> -> memref<128x32xf32, #tpu.memory_space<vmem_shared>>
      tpu.enqueue_dma source(%arg13 : memref<128x32xf32, #tpu.memory_space<vmem>>) target(%dma_start3A_1586 : memref<128x32xf32, #tpu.memory_space<vmem_shared>>) target_semaphore(%run_scoped3A_1582 : memref<!tpu.dma_semaphore, #tpu.memory_space<semaphore_mem>>)
      %dma_wait3A_1587 = arith.constant 0 : i32
      %dma_wait3A_1588 = tpu.memref_slice %arg6[%add3A_1540, %dma_wait3A_1587] : memref<10240x32xf32, #tpu.memory_space<vmem_shared>> -> memref<128x32xf32, #tpu.memory_space<vmem_shared>>
      %dma_wait3A_1589 = arith.constant 0 : i32
      %dma_wait3A_1590 = tpu.memref_slice %arg6[%add3A_1540, %dma_wait3A_1589] : memref<10240x32xf32, #tpu.memory_space<vmem_shared>> -> memref<128x32xf32, #tpu.memory_space<vmem_shared>>
      tpu.wait_dma2 semaphore(%run_scoped3A_1582 : memref<!tpu.dma_semaphore, #tpu.memory_space<semaphore_mem>>) src(%arg13 : memref<128x32xf32, #tpu.memory_space<vmem>>) dst(%dma_wait3A_1590 : memref<128x32xf32, #tpu.memory_space<vmem_shared>>)
      tpu.yield
    }) : () -> ()
    %add3A_1541 = arith.constant 128 : i32
    %add3A_1542 = arith.addi %mul3A_2, %add3A_1541 : i32
    "tpu.region"() ({
      %run_scoped3A_1582 = tpu.sem_alloc : memref<!tpu.dma_semaphore, #tpu.memory_space<semaphore_mem>>
      %dma_start3A_1583 = arith.constant 0 : i32
      %dma_start3A_1584 = tpu.memref_slice %arg6[%add3A_1542, %dma_start3A_1583] : memref<10240x32xf32, #tpu.memory_space<vmem_shared>> -> memref<128x32xf32, #tpu.memory_space<vmem_shared>>
      %dma_start3A_1585 = arith.constant 0 : i32
      %dma_start3A_1586 = tpu.memref_slice %arg6[%add3A_1542, %dma_start3A_1585] : memref<10240x32xf32, #tpu.memory_space<vmem_shared>> -> memref<128x32xf32, #tpu.memory_space<vmem_shared>>
      tpu.enqueue_dma source(%arg13 : memref<128x32xf32, #tpu.memory_space<vmem>>) target(%dma_start3A_1586 : memref<128x32xf32, #tpu.memory_space<vmem_shared>>) target_semaphore(%run_scoped3A_1582 : memref<!tpu.dma_semaphore, #tpu.memory_space<semaphore_mem>>)
      %dma_wait3A_1587 = arith.constant 0 : i32
      %dma_wait3A_1588 = tpu.memref_slice %arg6[%add3A_1542, %dma_wait3A_1587] : memref<10240x32xf32, #tpu.memory_space<vmem_shared>> -> memref<128x32xf32, #tpu.memory_space<vmem_shared>>
      %dma_wait3A_1589 = arith.constant 0 : i32
      %dma_wait3A_1590 = tpu.memref_slice %arg6[%add3A_1542, %dma_wait3A_1589] : memref<10240x32xf32, #tpu.memory_space<vmem_shared>> -> memref<128x32xf32, #tpu.memory_space<vmem_shared>>
      tpu.wait_dma2 semaphore(%run_scoped3A_1582 : memref<!tpu.dma_semaphore, #tpu.memory_space<semaphore_mem>>) src(%arg13 : memref<128x32xf32, #tpu.memory_space<vmem>>) dst(%dma_wait3A_1590 : memref<128x32xf32, #tpu.memory_space<vmem_shared>>)
      tpu.yield
    }) : () -> ()
    %add3A_1543 = arith.constant 256 : i32
    %add3A_1544 = arith.addi %mul3A_2, %add3A_1543 : i32
    "tpu.region"() ({
      %run_scoped3A_1582 = tpu.sem_alloc : memref<!tpu.dma_semaphore, #tpu.memory_space<semaphore_mem>>
      %dma_start3A_1583 = arith.constant 0 : i32
      %dma_start3A_1584 = tpu.memref_slice %arg6[%add3A_1544, %dma_start3A_1583] : memref<10240x32xf32, #tpu.memory_space<vmem_shared>> -> memref<128x32xf32, #tpu.memory_space<vmem_shared>>
      %dma_start3A_1585 = arith.constant 0 : i32
      %dma_start3A_1586 = tpu.memref_slice %arg6[%add3A_1544, %dma_start3A_1585] : memref<10240x32xf32, #tpu.memory_space<vmem_shared>> -> memref<128x32xf32, #tpu.memory_space<vmem_shared>>
      tpu.enqueue_dma source(%arg13 : memref<128x32xf32, #tpu.memory_space<vmem>>) target(%dma_start3A_1586 : memref<128x32xf32, #tpu.memory_space<vmem_shared>>) target_semaphore(%run_scoped3A_1582 : memref<!tpu.dma_semaphore, #tpu.memory_space<semaphore_mem>>)
      %dma_wait3A_1587 = arith.constant 0 : i32
      %dma_wait3A_1588 = tpu.memref_slice %arg6[%add3A_1544, %dma_wait3A_1587] : memref<10240x32xf32, #tpu.memory_space<vmem_shared>> -> memref<128x32xf32, #tpu.memory_space<vmem_shared>>
      %dma_wait3A_1589 = arith.constant 0 : i32
      %dma_wait3A_1590 = tpu.memref_slice %arg6[%add3A_1544, %dma_wait3A_1589] : memref<10240x32xf32, #tpu.memory_space<vmem_shared>> -> memref<128x32xf32, #tpu.memory_space<vmem_shared>>
      tpu.wait_dma2 semaphore(%run_scoped3A_1582 : memref<!tpu.dma_semaphore, #tpu.memory_space<semaphore_mem>>) src(%arg13 : memref<128x32xf32, #tpu.memory_space<vmem>>) dst(%dma_wait3A_1590 : memref<128x32xf32, #tpu.memory_space<vmem_shared>>)
      tpu.yield
    }) : () -> ()
    %add3A_1545 = arith.constant 384 : i32
    %add3A_1546 = arith.addi %mul3A_2, %add3A_1545 : i32
    "tpu.region"() ({
      %run_scoped3A_1582 = tpu.sem_alloc : memref<!tpu.dma_semaphore, #tpu.memory_space<semaphore_mem>>
      %dma_start3A_1583 = arith.constant 0 : i32
      %dma_start3A_1584 = tpu.memref_slice %arg6[%add3A_1546, %dma_start3A_1583] : memref<10240x32xf32, #tpu.memory_space<vmem_shared>> -> memref<128x32xf32, #tpu.memory_space<vmem_shared>>
      %dma_start3A_1585 = arith.constant 0 : i32
      %dma_start3A_1586 = tpu.memref_slice %arg6[%add3A_1546, %dma_start3A_1585] : memref<10240x32xf32, #tpu.memory_space<vmem_shared>> -> memref<128x32xf32, #tpu.memory_space<vmem_shared>>
      tpu.enqueue_dma source(%arg13 : memref<128x32xf32, #tpu.memory_space<vmem>>) target(%dma_start3A_1586 : memref<128x32xf32, #tpu.memory_space<vmem_shared>>) target_semaphore(%run_scoped3A_1582 : memref<!tpu.dma_semaphore, #tpu.memory_space<semaphore_mem>>)
      %dma_wait3A_1587 = arith.constant 0 : i32
      %dma_wait3A_1588 = tpu.memref_slice %arg6[%add3A_1546, %dma_wait3A_1587] : memref<10240x32xf32, #tpu.memory_space<vmem_shared>> -> memref<128x32xf32, #tpu.memory_space<vmem_shared>>
      %dma_wait3A_1589 = arith.constant 0 : i32
      %dma_wait3A_1590 = tpu.memref_slice %arg6[%add3A_1546, %dma_wait3A_1589] : memref<10240x32xf32, #tpu.memory_space<vmem_shared>> -> memref<128x32xf32, #tpu.memory_space<vmem_shared>>
      tpu.wait_dma2 semaphore(%run_scoped3A_1582 : memref<!tpu.dma_semaphore, #tpu.memory_space<semaphore_mem>>) src(%arg13 : memref<128x32xf32, #tpu.memory_space<vmem>>) dst(%dma_wait3A_1590 : memref<128x32xf32, #tpu.memory_space<vmem_shared>>)
      tpu.yield
    }) : () -> ()
    %add3A_1547 = arith.constant 512 : i32
    %add3A_1548 = arith.addi %mul3A_2, %add3A_1547 : i32
    "tpu.region"() ({
      %run_scoped3A_1582 = tpu.sem_alloc : memref<!tpu.dma_semaphore, #tpu.memory_space<semaphore_mem>>
      %dma_start3A_1583 = arith.constant 0 : i32
      %dma_start3A_1584 = tpu.memref_slice %arg6[%add3A_1548, %dma_start3A_1583] : memref<10240x32xf32, #tpu.memory_space<vmem_shared>> -> memref<128x32xf32, #tpu.memory_space<vmem_shared>>
      %dma_start3A_1585 = arith.constant 0 : i32
      %dma_start3A_1586 = tpu.memref_slice %arg6[%add3A_1548, %dma_start3A_1585] : memref<10240x32xf32, #tpu.memory_space<vmem_shared>> -> memref<128x32xf32, #tpu.memory_space<vmem_shared>>
      tpu.enqueue_dma source(%arg13 : memref<128x32xf32, #tpu.memory_space<vmem>>) target(%dma_start3A_1586 : memref<128x32xf32, #tpu.memory_space<vmem_shared>>) target_semaphore(%run_scoped3A_1582 : memref<!tpu.dma_semaphore, #tpu.memory_space<semaphore_mem>>)
      %dma_wait3A_1587 = arith.constant 0 : i32
      %dma_wait3A_1588 = tpu.memref_slice %arg6[%add3A_1548, %dma_wait3A_1587] : memref<10240x32xf32, #tpu.memory_space<vmem_shared>> -> memref<128x32xf32, #tpu.memory_space<vmem_shared>>
      %dma_wait3A_1589 = arith.constant 0 : i32
      %dma_wait3A_1590 = tpu.memref_slice %arg6[%add3A_1548, %dma_wait3A_1589] : memref<10240x32xf32, #tpu.memory_space<vmem_shared>> -> memref<128x32xf32, #tpu.memory_space<vmem_shared>>
      tpu.wait_dma2 semaphore(%run_scoped3A_1582 : memref<!tpu.dma_semaphore, #tpu.memory_space<semaphore_mem>>) src(%arg13 : memref<128x32xf32, #tpu.memory_space<vmem>>) dst(%dma_wait3A_1590 : memref<128x32xf32, #tpu.memory_space<vmem_shared>>)
      tpu.yield
    }) : () -> ()
    %barrier3A = arith.constant 0 : index
    tpu.barrier barrier_id(%barrier3A)
    "tpu.region"() ({
      %run_scoped3A_1582 = tpu.sem_alloc : memref<!tpu.dma_semaphore, #tpu.memory_space<semaphore_mem>>
      %dma_start3A_1583 = arith.constant 0 : i32
      %dma_start3A_1584 = arith.constant 0 : i32
      %dma_start3A_1585 = tpu.memref_slice %arg3[%add3A, %dma_start3A_1583, %dma_start3A_1584] : memref<32x80x128xi32, #tpu.memory_space<hbm>> -> memref<1x80x128xi32, #tpu.memory_space<hbm>>
      %dma_start3A_1586 = tpu.memref_squeeze %dma_start3A_1585 : memref<1x80x128xi32, #tpu.memory_space<hbm>> -> memref<80x128xi32, #tpu.memory_space<hbm>>
      %dma_start3A_1587 = arith.constant 0 : i32
      %dma_start3A_1588 = arith.constant 0 : i32
      %dma_start3A_1589 = tpu.memref_slice %arg3[%add3A, %dma_start3A_1587, %dma_start3A_1588] : memref<32x80x128xi32, #tpu.memory_space<hbm>> -> memref<1x80x128xi32, #tpu.memory_space<hbm>>
      %dma_start3A_1590 = tpu.memref_squeeze %dma_start3A_1589 : memref<1x80x128xi32, #tpu.memory_space<hbm>> -> memref<80x128xi32, #tpu.memory_space<hbm>>
      tpu.enqueue_dma source(%dma_start3A_1590 : memref<80x128xi32, #tpu.memory_space<hbm>>) target(%arg7 : memref<80x128xi32, #tpu.memory_space<vmem>>) target_semaphore(%run_scoped3A_1582 : memref<!tpu.dma_semaphore, #tpu.memory_space<semaphore_mem>>)
      %dma_wait3A_1591 = arith.constant 0 : i32
      %dma_wait3A_1592 = arith.constant 0 : i32
      %dma_wait3A_1593 = tpu.memref_slice %arg3[%add3A, %dma_wait3A_1591, %dma_wait3A_1592] : memref<32x80x128xi32, #tpu.memory_space<hbm>> -> memref<1x80x128xi32, #tpu.memory_space<hbm>>
      %dma_wait3A_1594 = tpu.memref_squeeze %dma_wait3A_1593 : memref<1x80x128xi32, #tpu.memory_space<hbm>> -> memref<80x128xi32, #tpu.memory_space<hbm>>
      %dma_wait3A_1595 = arith.constant 0 : i32
      %dma_wait3A_1596 = arith.constant 0 : i32
      %dma_wait3A_1597 = tpu.memref_slice %arg3[%add3A, %dma_wait3A_1595, %dma_wait3A_1596] : memref<32x80x128xi32, #tpu.memory_space<hbm>> -> memref<1x80x128xi32, #tpu.memory_space<hbm>>
      %dma_wait3A_1598 = tpu.memref_squeeze %dma_wait3A_1597 : memref<1x80x128xi32, #tpu.memory_space<hbm>> -> memref<80x128xi32, #tpu.memory_space<hbm>>
      tpu.wait_dma2 semaphore(%run_scoped3A_1582 : memref<!tpu.dma_semaphore, #tpu.memory_space<semaphore_mem>>) src(%dma_wait3A_1598 : memref<80x128xi32, #tpu.memory_space<hbm>>) dst(%arg7 : memref<80x128xi32, #tpu.memory_space<vmem>>)
      tpu.yield
    }) : () -> ()
    "tpu.region"() ({
      %run_scoped3A_1582 = tpu.sem_alloc : memref<!tpu.dma_semaphore, #tpu.memory_space<semaphore_mem>>
      %dma_start3A_1583 = arith.constant 0 : i32
      %dma_start3A_1584 = arith.constant 0 : i32
      %dma_start3A_1585 = tpu.memref_slice %arg4[%add3A, %dma_start3A_1583, %dma_start3A_1584] : memref<32x80x128xi32, #tpu.memory_space<hbm>> -> memref<1x80x128xi32, #tpu.memory_space<hbm>>
      %dma_start3A_1586 = tpu.memref_squeeze %dma_start3A_1585 : memref<1x80x128xi32, #tpu.memory_space<hbm>> -> memref<80x128xi32, #tpu.memory_space<hbm>>
      %dma_start3A_1587 = arith.constant 0 : i32
      %dma_start3A_1588 = arith.constant 0 : i32
      %dma_start3A_1589 = tpu.memref_slice %arg4[%add3A, %dma_start3A_1587, %dma_start3A_1588] : memref<32x80x128xi32, #tpu.memory_space<hbm>> -> memref<1x80x128xi32, #tpu.memory_space<hbm>>
      %dma_start3A_1590 = tpu.memref_squeeze %dma_start3A_1589 : memref<1x80x128xi32, #tpu.memory_space<hbm>> -> memref<80x128xi32, #tpu.memory_space<hbm>>
      tpu.enqueue_dma source(%dma_start3A_1590 : memref<80x128xi32, #tpu.memory_space<hbm>>) target(%arg8 : memref<80x128xi32, #tpu.memory_space<vmem>>) target_semaphore(%run_scoped3A_1582 : memref<!tpu.dma_semaphore, #tpu.memory_space<semaphore_mem>>)
      %dma_wait3A_1591 = arith.constant 0 : i32
      %dma_wait3A_1592 = arith.constant 0 : i32
      %dma_wait3A_1593 = tpu.memref_slice %arg4[%add3A, %dma_wait3A_1591, %dma_wait3A_1592] : memref<32x80x128xi32, #tpu.memory_space<hbm>> -> memref<1x80x128xi32, #tpu.memory_space<hbm>>
      %dma_wait3A_1594 = tpu.memref_squeeze %dma_wait3A_1593 : memref<1x80x128xi32, #tpu.memory_space<hbm>> -> memref<80x128xi32, #tpu.memory_space<hbm>>
      %dma_wait3A_1595 = arith.constant 0 : i32
      %dma_wait3A_1596 = arith.constant 0 : i32
      %dma_wait3A_1597 = tpu.memref_slice %arg4[%add3A, %dma_wait3A_1595, %dma_wait3A_1596] : memref<32x80x128xi32, #tpu.memory_space<hbm>> -> memref<1x80x128xi32, #tpu.memory_space<hbm>>
      %dma_wait3A_1598 = tpu.memref_squeeze %dma_wait3A_1597 : memref<1x80x128xi32, #tpu.memory_space<hbm>> -> memref<80x128xi32, #tpu.memory_space<hbm>>
      tpu.wait_dma2 semaphore(%run_scoped3A_1582 : memref<!tpu.dma_semaphore, #tpu.memory_space<semaphore_mem>>) src(%dma_wait3A_1598 : memref<80x128xi32, #tpu.memory_space<hbm>>) dst(%arg8 : memref<80x128xi32, #tpu.memory_space<vmem>>)
      tpu.yield
    }) : () -> ()
    %dma_start3A = arith.constant 0 : i32
    %dma_start3A_1549 = arith.constant 0 : i32
    %dma_start3A_1550 = tpu.memref_slice %arg7[%dma_start3A, %dma_start3A_1549] : memref<80x128xi32, #tpu.memory_space<vmem>> -> memref<1x128xi32, #tpu.memory_space<vmem>>
    %dma_start3A_1551 = tpu.memref_squeeze %dma_start3A_1550 : memref<1x128xi32, #tpu.memory_space<vmem>> -> memref<128xi32, #tpu.memory_space<vmem>>
    %dma_start3A_1552 = arith.constant 0 : i32
    %dma_start3A_1553 = arith.constant 0 : i32
    %dma_start3A_1554 = tpu.memref_slice %arg2[%dma_start3A_1552, %dma_start3A_1553] : memref<10240x32xf32, #tpu.memory_space<hbm>> -> memref<10240x32xf32, #tpu.memory_space<hbm>>
    tpu.enqueue_indirect_dma source(%dma_start3A_1554 : memref<10240x32xf32, #tpu.memory_space<hbm>>) target(%arg9 : memref<128x32xf32, #tpu.memory_space<vmem>>) offsets(%dma_start3A_1551 : memref<128xi32, #tpu.memory_space<vmem>>) semaphore(%arg11 : memref<!tpu.dma_semaphore, #tpu.memory_space<semaphore_mem>>)
    %dma_start3A_1555 = arith.constant 1 : i32
    %dma_start3A_1556 = arith.constant 0 : i32
    %dma_start3A_1557 = tpu.memref_slice %arg7[%dma_start3A_1555, %dma_start3A_1556] : memref<80x128xi32, #tpu.memory_space<vmem>> -> memref<1x128xi32, #tpu.memory_space<vmem>>
    %dma_start3A_1558 = tpu.memref_squeeze %dma_start3A_1557 : memref<1x128xi32, #tpu.memory_space<vmem>> -> memref<128xi32, #tpu.memory_space<vmem>>
    %dma_start3A_1559 = arith.constant 0 : i32
    %dma_start3A_1560 = arith.constant 0 : i32
    %dma_start3A_1561 = tpu.memref_slice %arg2[%dma_start3A_1559, %dma_start3A_1560] : memref<10240x32xf32, #tpu.memory_space<hbm>> -> memref<10240x32xf32, #tpu.memory_space<hbm>>
    tpu.enqueue_indirect_dma source(%dma_start3A_1561 : memref<10240x32xf32, #tpu.memory_space<hbm>>) target(%arg10 : memref<128x32xf32, #tpu.memory_space<vmem>>) offsets(%dma_start3A_1558 : memref<128xi32, #tpu.memory_space<vmem>>) semaphore(%arg12 : memref<!tpu.dma_semaphore, #tpu.memory_space<semaphore_mem>>)
    %scan3A = arith.constant 0 : i32
    %scan3A_1562 = arith.constant 0 : i32
    %scan3A_1563 = arith.constant 39 : i32
    %scan3A_1564 = arith.addi %scan3A_1562, %scan3A_1563 : i32
    %scan3A_1565 = arith.constant 1 : i32
    scf.for %scan3A_1582 = %scan3A_1562 to %scan3A_1564 step %scan3A_1565  : i32 {
      %mul3A_1583 = arith.constant 2 : i32
      %mul3A_1584 = arith.muli %mul3A_1583, %scan3A_1582 : i32
      %dma_wait3A_1585 = arith.constant 0 : i32
      %dma_wait3A_1586 = tpu.memref_slice %arg7[%mul3A_1584, %dma_wait3A_1585] : memref<80x128xi32, #tpu.memory_space<vmem>> -> memref<1x128xi32, #tpu.memory_space<vmem>>
      %dma_wait3A_1587 = tpu.memref_squeeze %dma_wait3A_1586 : memref<1x128xi32, #tpu.memory_space<vmem>> -> memref<128xi32, #tpu.memory_space<vmem>>
      %dma_wait3A_1588 = arith.constant 0 : i32
      %dma_wait3A_1589 = arith.constant 0 : i32
      %dma_wait3A_1590 = tpu.memref_slice %arg2[%dma_wait3A_1588, %dma_wait3A_1589] : memref<10240x32xf32, #tpu.memory_space<hbm>> -> memref<10240x32xf32, #tpu.memory_space<hbm>>
      tpu.wait_indirect_dma semaphore(%arg11 : memref<!tpu.dma_semaphore, #tpu.memory_space<semaphore_mem>>) src(%dma_wait3A_1590 : memref<10240x32xf32, #tpu.memory_space<hbm>>) dst(%arg9 : memref<128x32xf32, #tpu.memory_space<vmem>>)
      "tpu.region"() ({
        %run_scoped3A_1617 = tpu.sem_alloc : memref<!tpu.dma_semaphore, #tpu.memory_space<semaphore_mem>>
        %dma_start3A_1618 = arith.constant 0 : i32
        %dma_start3A_1619 = tpu.memref_slice %arg8[%mul3A_1584, %dma_start3A_1618] : memref<80x128xi32, #tpu.memory_space<vmem>> -> memref<1x128xi32, #tpu.memory_space<vmem>>
        %dma_start3A_1620 = tpu.memref_squeeze %dma_start3A_1619 : memref<1x128xi32, #tpu.memory_space<vmem>> -> memref<128xi32, #tpu.memory_space<vmem>>
        %dma_start3A_1621 = arith.constant 0 : i32
        %dma_start3A_1622 = arith.constant 0 : i32
        %dma_start3A_1623 = tpu.memref_slice %arg6[%dma_start3A_1621, %dma_start3A_1622] : memref<10240x32xf32, #tpu.memory_space<vmem_shared>> -> memref<10240x32xf32, #tpu.memory_space<vmem_shared>>
        tpu.enqueue_indirect_dma source(%arg9 : memref<128x32xf32, #tpu.memory_space<vmem>>) target(%dma_start3A_1623 : memref<10240x32xf32, #tpu.memory_space<vmem_shared>>) offsets(%dma_start3A_1620 : memref<128xi32, #tpu.memory_space<vmem>>) semaphore(%run_scoped3A_1617 : memref<!tpu.dma_semaphore, #tpu.memory_space<semaphore_mem>>) {add = true}
        %dma_wait3A_1624 = arith.constant 0 : i32
        %dma_wait3A_1625 = tpu.memref_slice %arg8[%mul3A_1584, %dma_wait3A_1624] : memref<80x128xi32, #tpu.memory_space<vmem>> -> memref<1x128xi32, #tpu.memory_space<vmem>>
        %dma_wait3A_1626 = tpu.memref_squeeze %dma_wait3A_1625 : memref<1x128xi32, #tpu.memory_space<vmem>> -> memref<128xi32, #tpu.memory_space<vmem>>
        %dma_wait3A_1627 = arith.constant 0 : i32
        %dma_wait3A_1628 = arith.constant 0 : i32
        %dma_wait3A_1629 = tpu.memref_slice %arg6[%dma_wait3A_1627, %dma_wait3A_1628] : memref<10240x32xf32, #tpu.memory_space<vmem_shared>> -> memref<10240x32xf32, #tpu.memory_space<vmem_shared>>
        tpu.wait_indirect_dma semaphore(%run_scoped3A_1617 : memref<!tpu.dma_semaphore, #tpu.memory_space<semaphore_mem>>) src(%arg9 : memref<128x32xf32, #tpu.memory_space<vmem>>) dst(%dma_wait3A_1629 : memref<10240x32xf32, #tpu.memory_space<vmem_shared>>)
        tpu.yield
      }) : () -> ()
      %add3A_1591 = arith.constant 2 : i32
      %add3A_1592 = arith.addi %mul3A_1584, %add3A_1591 : i32
      %dma_start3A_1593 = arith.constant 0 : i32
      %dma_start3A_1594 = tpu.memref_slice %arg7[%add3A_1592, %dma_start3A_1593] : memref<80x128xi32, #tpu.memory_space<vmem>> -> memref<1x128xi32, #tpu.memory_space<vmem>>
      %dma_start3A_1595 = tpu.memref_squeeze %dma_start3A_1594 : memref<1x128xi32, #tpu.memory_space<vmem>> -> memref<128xi32, #tpu.memory_space<vmem>>
      %dma_start3A_1596 = arith.constant 0 : i32
      %dma_start3A_1597 = arith.constant 0 : i32
      %dma_start3A_1598 = tpu.memref_slice %arg2[%dma_start3A_1596, %dma_start3A_1597] : memref<10240x32xf32, #tpu.memory_space<hbm>> -> memref<10240x32xf32, #tpu.memory_space<hbm>>
      tpu.enqueue_indirect_dma source(%dma_start3A_1598 : memref<10240x32xf32, #tpu.memory_space<hbm>>) target(%arg9 : memref<128x32xf32, #tpu.memory_space<vmem>>) offsets(%dma_start3A_1595 : memref<128xi32, #tpu.memory_space<vmem>>) semaphore(%arg11 : memref<!tpu.dma_semaphore, #tpu.memory_space<semaphore_mem>>)
      %add3A_1599 = arith.constant 1 : i32
      %add3A_1600 = arith.addi %mul3A_1584, %add3A_1599 : i32
      %dma_wait3A_1601 = arith.constant 0 : i32
      %dma_wait3A_1602 = tpu.memref_slice %arg7[%add3A_1600, %dma_wait3A_1601] : memref<80x128xi32, #tpu.memory_space<vmem>> -> memref<1x128xi32, #tpu.memory_space<vmem>>
      %dma_wait3A_1603 = tpu.memref_squeeze %dma_wait3A_1602 : memref<1x128xi32, #tpu.memory_space<vmem>> -> memref<128xi32, #tpu.memory_space<vmem>>
      %dma_wait3A_1604 = arith.constant 0 : i32
      %dma_wait3A_1605 = arith.constant 0 : i32
      %dma_wait3A_1606 = tpu.memref_slice %arg2[%dma_wait3A_1604, %dma_wait3A_1605] : memref<10240x32xf32, #tpu.memory_space<hbm>> -> memref<10240x32xf32, #tpu.memory_space<hbm>>
      tpu.wait_indirect_dma semaphore(%arg12 : memref<!tpu.dma_semaphore, #tpu.memory_space<semaphore_mem>>) src(%dma_wait3A_1606 : memref<10240x32xf32, #tpu.memory_space<hbm>>) dst(%arg10 : memref<128x32xf32, #tpu.memory_space<vmem>>)
      %add3A_1607 = arith.constant 1 : i32
      %add3A_1608 = arith.addi %mul3A_1584, %add3A_1607 : i32
      "tpu.region"() ({
        %run_scoped3A_1617 = tpu.sem_alloc : memref<!tpu.dma_semaphore, #tpu.memory_space<semaphore_mem>>
        %dma_start3A_1618 = arith.constant 0 : i32
        %dma_start3A_1619 = tpu.memref_slice %arg8[%add3A_1608, %dma_start3A_1618] : memref<80x128xi32, #tpu.memory_space<vmem>> -> memref<1x128xi32, #tpu.memory_space<vmem>>
        %dma_start3A_1620 = tpu.memref_squeeze %dma_start3A_1619 : memref<1x128xi32, #tpu.memory_space<vmem>> -> memref<128xi32, #tpu.memory_space<vmem>>
        %dma_start3A_1621 = arith.constant 0 : i32
        %dma_start3A_1622 = arith.constant 0 : i32
        %dma_start3A_1623 = tpu.memref_slice %arg6[%dma_start3A_1621, %dma_start3A_1622] : memref<10240x32xf32, #tpu.memory_space<vmem_shared>> -> memref<10240x32xf32, #tpu.memory_space<vmem_shared>>
        tpu.enqueue_indirect_dma source(%arg10 : memref<128x32xf32, #tpu.memory_space<vmem>>) target(%dma_start3A_1623 : memref<10240x32xf32, #tpu.memory_space<vmem_shared>>) offsets(%dma_start3A_1620 : memref<128xi32, #tpu.memory_space<vmem>>) semaphore(%run_scoped3A_1617 : memref<!tpu.dma_semaphore, #tpu.memory_space<semaphore_mem>>) {add = true}
        %dma_wait3A_1624 = arith.constant 0 : i32
        %dma_wait3A_1625 = tpu.memref_slice %arg8[%add3A_1608, %dma_wait3A_1624] : memref<80x128xi32, #tpu.memory_space<vmem>> -> memref<1x128xi32, #tpu.memory_space<vmem>>
        %dma_wait3A_1626 = tpu.memref_squeeze %dma_wait3A_1625 : memref<1x128xi32, #tpu.memory_space<vmem>> -> memref<128xi32, #tpu.memory_space<vmem>>
        %dma_wait3A_1627 = arith.constant 0 : i32
        %dma_wait3A_1628 = arith.constant 0 : i32
        %dma_wait3A_1629 = tpu.memref_slice %arg6[%dma_wait3A_1627, %dma_wait3A_1628] : memref<10240x32xf32, #tpu.memory_space<vmem_shared>> -> memref<10240x32xf32, #tpu.memory_space<vmem_shared>>
        tpu.wait_indirect_dma semaphore(%run_scoped3A_1617 : memref<!tpu.dma_semaphore, #tpu.memory_space<semaphore_mem>>) src(%arg10 : memref<128x32xf32, #tpu.memory_space<vmem>>) dst(%dma_wait3A_1629 : memref<10240x32xf32, #tpu.memory_space<vmem_shared>>)
        tpu.yield
      }) : () -> ()
      %add3A_1609 = arith.constant 3 : i32
      %add3A_1610 = arith.addi %mul3A_1584, %add3A_1609 : i32
      %dma_start3A_1611 = arith.constant 0 : i32
      %dma_start3A_1612 = tpu.memref_slice %arg7[%add3A_1610, %dma_start3A_1611] : memref<80x128xi32, #tpu.memory_space<vmem>> -> memref<1x128xi32, #tpu.memory_space<vmem>>
      %dma_start3A_1613 = tpu.memref_squeeze %dma_start3A_1612 : memref<1x128xi32, #tpu.memory_space<vmem>> -> memref<128xi32, #tpu.memory_space<vmem>>
      %dma_start3A_1614 = arith.constant 0 : i32
      %dma_start3A_1615 = arith.constant 0 : i32
      %dma_start3A_1616 = tpu.memref_slice %arg2[%dma_start3A_1614, %dma_start3A_1615] : memref<10240x32xf32, #tpu.memory_space<hbm>> -> memref<10240x32xf32, #tpu.memory_space<hbm>>
      tpu.enqueue_indirect_dma source(%dma_start3A_1616 : memref<10240x32xf32, #tpu.memory_space<hbm>>) target(%arg10 : memref<128x32xf32, #tpu.memory_space<vmem>>) offsets(%dma_start3A_1613 : memref<128xi32, #tpu.memory_space<vmem>>) semaphore(%arg12 : memref<!tpu.dma_semaphore, #tpu.memory_space<semaphore_mem>>)
    }
    %scan3A_1566 = arith.constant 39 : i32
    %dma_wait3A = arith.constant 78 : i32
    %dma_wait3A_1567 = arith.constant 0 : i32
    %dma_wait3A_1568 = tpu.memref_slice %arg7[%dma_wait3A, %dma_wait3A_1567] : memref<80x128xi32, #tpu.memory_space<vmem>> -> memref<1x128xi32, #tpu.memory_space<vmem>>
    %dma_wait3A_1569 = tpu.memref_squeeze %dma_wait3A_1568 : memref<1x128xi32, #tpu.memory_space<vmem>> -> memref<128xi32, #tpu.memory_space<vmem>>
    %dma_wait3A_1570 = arith.constant 0 : i32
    %dma_wait3A_1571 = arith.constant 0 : i32
    %dma_wait3A_1572 = tpu.memref_slice %arg2[%dma_wait3A_1570, %dma_wait3A_1571] : memref<10240x32xf32, #tpu.memory_space<hbm>> -> memref<10240x32xf32, #tpu.memory_space<hbm>>
    tpu.wait_indirect_dma semaphore(%arg11 : memref<!tpu.dma_semaphore, #tpu.memory_space<semaphore_mem>>) src(%dma_wait3A_1572 : memref<10240x32xf32, #tpu.memory_space<hbm>>) dst(%arg9 : memref<128x32xf32, #tpu.memory_space<vmem>>)
    %run_scoped3A = arith.constant 78 : i32
    "tpu.region"() ({
      %run_scoped3A_1582 = tpu.sem_alloc : memref<!tpu.dma_semaphore, #tpu.memory_space<semaphore_mem>>
      %dma_start3A_1583 = arith.constant 0 : i32
      %dma_start3A_1584 = tpu.memref_slice %arg8[%run_scoped3A, %dma_start3A_1583] : memref<80x128xi32, #tpu.memory_space<vmem>> -> memref<1x128xi32, #tpu.memory_space<vmem>>
      %dma_start3A_1585 = tpu.memref_squeeze %dma_start3A_1584 : memref<1x128xi32, #tpu.memory_space<vmem>> -> memref<128xi32, #tpu.memory_space<vmem>>
      %dma_start3A_1586 = arith.constant 0 : i32
      %dma_start3A_1587 = arith.constant 0 : i32
      %dma_start3A_1588 = tpu.memref_slice %arg6[%dma_start3A_1586, %dma_start3A_1587] : memref<10240x32xf32, #tpu.memory_space<vmem_shared>> -> memref<10240x32xf32, #tpu.memory_space<vmem_shared>>
      tpu.enqueue_indirect_dma source(%arg9 : memref<128x32xf32, #tpu.memory_space<vmem>>) target(%dma_start3A_1588 : memref<10240x32xf32, #tpu.memory_space<vmem_shared>>) offsets(%dma_start3A_1585 : memref<128xi32, #tpu.memory_space<vmem>>) semaphore(%run_scoped3A_1582 : memref<!tpu.dma_semaphore, #tpu.memory_space<semaphore_mem>>) {add = true}
      %dma_wait3A_1589 = arith.constant 0 : i32
      %dma_wait3A_1590 = tpu.memref_slice %arg8[%run_scoped3A, %dma_wait3A_1589] : memref<80x128xi32, #tpu.memory_space<vmem>> -> memref<1x128xi32, #tpu.memory_space<vmem>>
      %dma_wait3A_1591 = tpu.memref_squeeze %dma_wait3A_1590 : memref<1x128xi32, #tpu.memory_space<vmem>> -> memref<128xi32, #tpu.memory_space<vmem>>
      %dma_wait3A_1592 = arith.constant 0 : i32
      %dma_wait3A_1593 = arith.constant 0 : i32
      %dma_wait3A_1594 = tpu.memref_slice %arg6[%dma_wait3A_1592, %dma_wait3A_1593] : memref<10240x32xf32, #tpu.memory_space<vmem_shared>> -> memref<10240x32xf32, #tpu.memory_space<vmem_shared>>
      tpu.wait_indirect_dma semaphore(%run_scoped3A_1582 : memref<!tpu.dma_semaphore, #tpu.memory_space<semaphore_mem>>) src(%arg9 : memref<128x32xf32, #tpu.memory_space<vmem>>) dst(%dma_wait3A_1594 : memref<10240x32xf32, #tpu.memory_space<vmem_shared>>)
      tpu.yield
    }) : () -> ()
    %dma_wait3A_1573 = arith.constant 79 : i32
    %dma_wait3A_1574 = arith.constant 0 : i32
    %dma_wait3A_1575 = tpu.memref_slice %arg7[%dma_wait3A_1573, %dma_wait3A_1574] : memref<80x128xi32, #tpu.memory_space<vmem>> -> memref<1x128xi32, #tpu.memory_space<vmem>>
    %dma_wait3A_1576 = tpu.memref_squeeze %dma_wait3A_1575 : memref<1x128xi32, #tpu.memory_space<vmem>> -> memref<128xi32, #tpu.memory_space<vmem>>
    %dma_wait3A_1577 = arith.constant 0 : i32
    %dma_wait3A_1578 = arith.constant 0 : i32
    %dma_wait3A_1579 = tpu.memref_slice %arg2[%dma_wait3A_1577, %dma_wait3A_1578] : memref<10240x32xf32, #tpu.memory_space<hbm>> -> memref<10240x32xf32, #tpu.memory_space<hbm>>
    tpu.wait_indirect_dma semaphore(%arg12 : memref<!tpu.dma_semaphore, #tpu.memory_space<semaphore_mem>>) src(%dma_wait3A_1579 : memref<10240x32xf32, #tpu.memory_space<hbm>>) dst(%arg10 : memref<128x32xf32, #tpu.memory_space<vmem>>)
    %run_scoped3A_1580 = arith.constant 79 : i32
    "tpu.region"() ({
      %run_scoped3A_1582 = tpu.sem_alloc : memref<!tpu.dma_semaphore, #tpu.memory_space<semaphore_mem>>
      %dma_start3A_1583 = arith.constant 0 : i32
      %dma_start3A_1584 = tpu.memref_slice %arg8[%run_scoped3A_1580, %dma_start3A_1583] : memref<80x128xi32, #tpu.memory_space<vmem>> -> memref<1x128xi32, #tpu.memory_space<vmem>>
      %dma_start3A_1585 = tpu.memref_squeeze %dma_start3A_1584 : memref<1x128xi32, #tpu.memory_space<vmem>> -> memref<128xi32, #tpu.memory_space<vmem>>
      %dma_start3A_1586 = arith.constant 0 : i32
      %dma_start3A_1587 = arith.constant 0 : i32
      %dma_start3A_1588 = tpu.memref_slice %arg6[%dma_start3A_1586, %dma_start3A_1587] : memref<10240x32xf32, #tpu.memory_space<vmem_shared>> -> memref<10240x32xf32, #tpu.memory_space<vmem_shared>>
      tpu.enqueue_indirect_dma source(%arg10 : memref<128x32xf32, #tpu.memory_space<vmem>>) target(%dma_start3A_1588 : memref<10240x32xf32, #tpu.memory_space<vmem_shared>>) offsets(%dma_start3A_1585 : memref<128xi32, #tpu.memory_space<vmem>>) semaphore(%run_scoped3A_1582 : memref<!tpu.dma_semaphore, #tpu.memory_space<semaphore_mem>>) {add = true}
      %dma_wait3A_1589 = arith.constant 0 : i32
      %dma_wait3A_1590 = tpu.memref_slice %arg8[%run_scoped3A_1580, %dma_wait3A_1589] : memref<80x128xi32, #tpu.memory_space<vmem>> -> memref<1x128xi32, #tpu.memory_space<vmem>>
      %dma_wait3A_1591 = tpu.memref_squeeze %dma_wait3A_1590 : memref<1x128xi32, #tpu.memory_space<vmem>> -> memref<128xi32, #tpu.memory_space<vmem>>
      %dma_wait3A_1592 = arith.constant 0 : i32
      %dma_wait3A_1593 = arith.constant 0 : i32
      %dma_wait3A_1594 = tpu.memref_slice %arg6[%dma_wait3A_1592, %dma_wait3A_1593] : memref<10240x32xf32, #tpu.memory_space<vmem_shared>> -> memref<10240x32xf32, #tpu.memory_space<vmem_shared>>
      tpu.wait_indirect_dma semaphore(%run_scoped3A_1582 : memref<!tpu.dma_semaphore, #tpu.memory_space<semaphore_mem>>) src(%arg10 : memref<128x32xf32, #tpu.memory_space<vmem>>) dst(%dma_wait3A_1594 : memref<10240x32xf32, #tpu.memory_space<vmem_shared>>)
      tpu.yield
    }) : () -> ()
    %barrier3A_1581 = arith.constant 0 : index
    tpu.barrier barrier_id(%barrier3A_1581)
    "tpu.region"() ({
      %run_scoped3A_1582 = tpu.sem_alloc : memref<!tpu.dma_semaphore, #tpu.memory_space<semaphore_mem>>
      %dma_start3A_1583 = arith.constant 0 : i32
      %dma_start3A_1584 = tpu.memref_slice %arg5[%arg0, %mul3A_2, %dma_start3A_1583] : memref<2x10240x32xf32, #tpu.memory_space<hbm>> -> memref<1x640x32xf32, #tpu.memory_space<hbm>>
      %dma_start3A_1585 = tpu.memref_squeeze %dma_start3A_1584 : memref<1x640x32xf32, #tpu.memory_space<hbm>> -> memref<640x32xf32, #tpu.memory_space<hbm>>
      %dma_start3A_1586 = arith.constant 0 : i32
      %dma_start3A_1587 = tpu.memref_slice %arg6[%mul3A_2, %dma_start3A_1586] : memref<10240x32xf32, #tpu.memory_space<vmem_shared>> -> memref<640x32xf32, #tpu.memory_space<vmem_shared>>
      tpu.enqueue_dma source(%dma_start3A_1587 : memref<640x32xf32, #tpu.memory_space<vmem_shared>>) target(%dma_start3A_1585 : memref<640x32xf32, #tpu.memory_space<hbm>>) target_semaphore(%run_scoped3A_1582 : memref<!tpu.dma_semaphore, #tpu.memory_space<semaphore_mem>>)
      %dma_wait3A_1588 = arith.constant 0 : i32
      %dma_wait3A_1589 = tpu.memref_slice %arg5[%arg0, %mul3A_2, %dma_wait3A_1588] : memref<2x10240x32xf32, #tpu.memory_space<hbm>> -> memref<1x640x32xf32, #tpu.memory_space<hbm>>
      %dma_wait3A_1590 = tpu.memref_squeeze %dma_wait3A_1589 : memref<1x640x32xf32, #tpu.memory_space<hbm>> -> memref<640x32xf32, #tpu.memory_space<hbm>>
      %dma_wait3A_1591 = arith.constant 0 : i32
      %dma_wait3A_1592 = tpu.memref_slice %arg6[%mul3A_2, %dma_wait3A_1591] : memref<10240x32xf32, #tpu.memory_space<vmem_shared>> -> memref<640x32xf32, #tpu.memory_space<vmem_shared>>
      tpu.wait_dma2 semaphore(%run_scoped3A_1582 : memref<!tpu.dma_semaphore, #tpu.memory_space<semaphore_mem>>) src(%dma_wait3A_1592 : memref<640x32xf32, #tpu.memory_space<vmem_shared>>) dst(%dma_wait3A_1590 : memref<640x32xf32, #tpu.memory_space<hbm>>)
      tpu.yield
    }) : () -> ()
    return
  }
}

module attributes {stable_mosaic.version = 14 : i64} {
  func.func @body(%arg0: i32, %arg1: memref<512x128xf32, #tpu.memory_space<vmem>>, %arg2: memref<128x128xf32, #tpu.memory_space<vmem>>, %arg3: memref<512x128xf32, #tpu.memory_space<vmem>>) attributes {dimension_semantics = [#tpu.dimension_semantics<arbitrary>], iteration_bounds = array<i64: 20>, scalar_prefetch = 0 : i64, scratch_operands = 0 : i64, tpu.core_type = #tpu.core_type<tc>, window_params = [{transform_indices = @transform_0, window_bounds = array<i64: 512, 128>}, {pipeline_mode = #tpu.pipeline_mode<synchronous>, transform_indices = @transform_1, window_bounds = array<i64: 128, 128>}, {transform_indices = @transform_2, window_bounds = array<i64: 512, 128>}]} {
    %get3A = arith.constant 0 : index
    %get3A_0 = arith.constant 0 : index
    %get3A_1 = vector.load %arg1[%get3A, %get3A_0] : memref<512x128xf32, #tpu.memory_space<vmem>>, vector<512x128xf32>
    %get3A_2 = arith.constant 0 : index
    %get3A_3 = arith.constant 0 : index
    %get3A_4 = vector.load %arg2[%get3A_2, %get3A_3] : memref<128x128xf32, #tpu.memory_space<vmem>>, vector<128x128xf32>
    %dot_general3A = arith.constant dense<0.000000e+00> : vector<512x128xf32>
    %dot_general3A_5 = tpu.matmul %get3A_1, %get3A_4, %dot_general3A {dimension_numbers = #tpu.dot_dimension_numbers<[1], [0], [0], [1], [0, 0, 1, 1], [], []>, transpose_lhs_hint = false} : vector<512x128xf32>, vector<128x128xf32>, vector<512x128xf32> -> vector<512x128xf32>
    %swap3A = arith.constant 0 : index
    %swap3A_6 = arith.constant 0 : index
    %swap3A_7 = vector.load %arg3[%swap3A, %swap3A_6] : memref<512x128xf32, #tpu.memory_space<vmem>>, vector<512x128xf32>
    tpu.vector_store %arg3[%swap3A, %swap3A_6], %dot_general3A_5 {strides = array<i32>} : memref<512x128xf32, #tpu.memory_space<vmem>>, vector<512x128xf32>,
    return
  }
  func.func @transform_0(%arg0: i32) -> (i32, i32) {
    %c0_i32 = arith.constant 0 : i32
    %c0_i32_0 = arith.constant 0 : i32
    return %arg0, %c0_i32 : i32, i32
  }
  func.func @transform_1(%arg0: i32) -> (i32, i32) {
    %c0_i32 = arith.constant 0 : i32
    %c0_i32_0 = arith.constant 0 : i32
    %c0_i32_1 = arith.constant 0 : i32
    return %c0_i32, %c0_i32_0 : i32, i32
  }
  func.func @transform_2(%arg0: i32) -> (i32, i32) {
    %c0_i32 = arith.constant 0 : i32
    %c0_i32_0 = arith.constant 0 : i32
    return %arg0, %c0_i32 : i32, i32
  }
}

module attributes {stable_mosaic.version = 14 : i64} {
  func.func @body(%arg0: i32, %arg1: memref<512x128xf32, #tpu.memory_space<vmem>>, %arg2: memref<128x128xf32, #tpu.memory_space<vmem>>, %arg3: memref<512x32xf32, #tpu.memory_space<vmem>>) attributes {dimension_semantics = [#tpu.dimension_semantics<arbitrary>], iteration_bounds = array<i64: 20>, scalar_prefetch = 0 : i64, scratch_operands = 0 : i64, tpu.core_type = #tpu.core_type<tc>, window_params = [{transform_indices = @transform_0, window_bounds = array<i64: 512, 128>}, {pipeline_mode = #tpu.pipeline_mode<synchronous>, transform_indices = @transform_1, window_bounds = array<i64: 128, 128>}, {transform_indices = @transform_2, window_bounds = array<i64: 512, 32>}]} {
    %get3A = arith.constant 0 : index
    %get3A_0 = arith.constant 0 : index
    %get3A_1 = vector.load %arg1[%get3A, %get3A_0] : memref<512x128xf32, #tpu.memory_space<vmem>>, vector<512x128xf32>
    %get3A_2 = arith.constant 0 : index
    %get3A_3 = arith.constant 0 : index
    %get3A_4 = vector.load %arg2[%get3A_2, %get3A_3] : memref<128x128xf32, #tpu.memory_space<vmem>>, vector<128x128xf32>
    %slice3A = vector.extract_strided_slice %get3A_4 {offsets = [0, 0], sizes = [128, 32], strides = [1, 1]} : vector<128x128xf32> to vector<128x32xf32>
    %dot_general3A = arith.constant dense<0.000000e+00> : vector<512x32xf32>
    %dot_general3A_5 = tpu.matmul %get3A_1, %slice3A, %dot_general3A {dimension_numbers = #tpu.dot_dimension_numbers<[1], [0], [0], [1], [0, 0, 1, 1], [], []>, transpose_lhs_hint = false} : vector<512x128xf32>, vector<128x32xf32>, vector<512x32xf32> -> vector<512x32xf32>
    %swap3A = arith.constant 0 : index
    %swap3A_6 = arith.constant 0 : index
    %swap3A_7 = vector.load %arg3[%swap3A, %swap3A_6] : memref<512x32xf32, #tpu.memory_space<vmem>>, vector<512x32xf32>
    tpu.vector_store %arg3[%swap3A, %swap3A_6], %dot_general3A_5 {strides = array<i32>} : memref<512x32xf32, #tpu.memory_space<vmem>>, vector<512x32xf32>,
    return
  }
  func.func @transform_0(%arg0: i32) -> (i32, i32) {
    %c0_i32 = arith.constant 0 : i32
    %c0_i32_0 = arith.constant 0 : i32
    return %arg0, %c0_i32 : i32, i32
  }
  func.func @transform_1(%arg0: i32) -> (i32, i32) {
    %c0_i32 = arith.constant 0 : i32
    %c0_i32_0 = arith.constant 0 : i32
    %c0_i32_1 = arith.constant 0 : i32
    return %c0_i32, %c0_i32_0 : i32, i32
  }
  func.func @transform_2(%arg0: i32) -> (i32, i32) {
    %c0_i32 = arith.constant 0 : i32
    %c0_i32_0 = arith.constant 0 : i32
    return %arg0, %c0_i32 : i32, i32
  }
}

</mosaic_0001>

<sc_bundles>
// kernel: kernel.10.cloned.1.call-start
scs
__scs_entry_jumppad:
0x0: {  	(pc) =	sbr.rel $0x88, $3  }
0x1: {  	(tag) =	ssettag $0x0;
	lr =	simm.s32 $0x1  }
0x2: {  	[smem:$0x3F9B] =	sst lr;
	_ =	strace $0xD0000000  }
0x3: {  	_ = 	snop  }
0x4: {  	_ = 	snop  }
0x5: {  	_ = 	snop  }
0x6: {  	_ = 	snop  }
0x7: {  	_ = 	snop  }
__scs_overlays_trampoline_lowered:
0x8: {  	[smem:$0x3FAA] =	sst s0  }
0x9: {  	[smem:$0x3FAB] =	sst s1  }
0xa: {  	[smem:$0x3FAC] =	sst s2  }
0xb: {  	[smem:$0x3FAD] =	sst s3  }
0xc: {  	[smem:$0x3FAE] =	sst s4  }
0xd: {  	[smem:$0x3FAF] =	sst s5  }
0xe: {  	[smem:$0x3FB0] =	sst s6  }
0xf: {  	[smem:$0x3FB1] =	sst s7  }
0x10: {  	[smem:$0x3FB2] =	sst s8  }
0x11: {  	[smem:$0x3FB3] =	sst s9;
	s0 =	simm.s32 @!p0 $0x0  }
0x12: {  	s1 =	sld [smem:$0x3F99];
	s0 =	simm.s32 @p0 $0x1  }
0x13: {  	[smem:$0x3FB4] =	sst s0;
	s0 =	simm.s32 @!p1 $0x0  }
0x14: {  	s2 =	sld [smem:$0x3F98];
	s0 =	simm.s32 @p1 $0x1  }
0x15: {  	[smem:$0x3FB5] =	sst s0;
	s0 =	simm.s32 @!p2 $0x0  }
0x16: {  	s3 =	sld [smem:$0x3FDB];
	s0 =	simm.s32 @p2 $0x1  }
0x17: {  	s4 =	simm.s32 $0x1BF5;
	[smem:$0x3FB7] =	sst s0  }
0x18: {  	s0 =	sld [smem:$0x3F9A];
	_ =	swait.ge [sflag:s4], $0x0  }
0x19: {  	s7 =	sld [smem:$0x3F9B]  }
0x1a: {  	s8 =	sadd.s32 $0xFFFFE003, lr  }
0x1b: {  	s9 =	sadd.s32 $0xFFFFFEF7, lr;
	s5 =	simm.s32 $0xFFFFFFFF;
	p2 =	slt.u32 s8, $0xFFFFF086  }
0x1c: {  	p1 =	slt.u32 s9, $0xF7A;
	s5 =	simm.s32 @!p2 $0x0  }
0x1d: {  	s5 =	simm.s32 @p1 $0x1;
	p0 =	seq.s32 s7, s2  }
0x1e: {  	s7 =	smul.u32 @!p0 $0xF7A, s2;
	p2 =	seq.s32 @!p0 s5, $0x0  }
0x1f: {  	s9 =	smul.u32 $0xF7A, s1;
	s8 =	simm.s32 @!p0 $0x1BF5;
	p2 =	por !p2, p0  }
0x20: {  	[sflag:s8] =	ssyncset.s32 @!p0 $0xFFFFF086;
	s6 =	sadd.s32 @!p0 s3, s7;
	s7 =	simm.s32 @!p0 $0x108  }
0x21: {  	s3 =	sadd.s32 s3, s9;
	s6 =	sadd.s32 @!p0 $0x88, s6;
	s7 =	simm.s32 @p2 $0x1082  }
0x22: {  	[simem:s7], [sflag:s8] =	dma.local @!p0 [hbm:s6], $0xF7A  }
0x23: {  	s9 =	sor.u32 $0xD0000000, s2;
	s6 =	simm.s32 $0x108;
	_ =	swait.ge @!p0 [sflag:s8], $0x0  }
0x24: {  	s3 =	sadd.s32 $0x88, s3;
	s6 =	simm.s32 @!p1 $0x1082;
	[sflag:s4] =	ssyncset.s32 $0xFFFFF086  }
0x25: {  	[simem:s6], [sflag:s4] =	dma.local [hbm:s3], $0xF7A  }
0x26: {  	[smem:$0x3F9B] =	sst s1;
	(tag) =	ssettag s2;
	_ =	strace s9  }
0x27: {  	s1 =	sld [smem:$0x3FAB]  }
0x28: {  	s2 =	sld [smem:$0x3FAC]  }
0x29: {  	s4 =	sld [smem:$0x3FAE]  }
0x2a: {  	p0 =	seq.s32 s5, $0x0;
	s5 =	sld [smem:$0x3FAF]  }
0x2b: {  	s6 =	sld [smem:$0x3FB0]  }
0x2c: {  	s7 =	sld [smem:$0x3FB1]  }
0x2d: {  	s3 =	simm.s32 $0x108;
	s8 =	sld [smem:$0x3FB2]  }
0x2e: {  	s3 =	simm.s32 @!p0 $0x1082;
	s9 =	sld [smem:$0x3FB3]  }
0x2f: {  	lr =	sadd.s32 s0, s3;
	s0 =	sld [smem:$0x3FAA]  }
0x30: {  	s3 =	sld [smem:$0x3FAD]  }
0x31: {  	[smem:$0x3FB6] =	sst s10  }
0x32: {  	s10 =	sld [smem:$0x3FB4];
	_ =	sdelay $0x3  }
0x33: {  	p0 =	seq.s32 s10, $0x1;
	s10 =	sld [smem:$0x3FB6];
	_ =	sdelay $0x3  }
0x34: {  	[smem:$0x3FB6] =	sst s10  }
0x35: {  	s10 =	sld [smem:$0x3FB5];
	_ =	sdelay $0x3  }
0x36: {  	p1 =	seq.s32 s10, $0x1;
	s10 =	sld [smem:$0x3FB6];
	_ =	sdelay $0x3  }
0x37: {  	[smem:$0x3FB6] =	sst s10  }
0x38: {  	s10 =	sld [smem:$0x3FB7]  }
0x39: {  	_ = 	snop;
	(pc) =	sbr.ind lr, $3  }
0x3a: {  	_ = 	snop  }
0x3b: {  	_ = 	snop  }
0x3c: {  	p2 =	seq.s32 s10, $0x1;
	s10 =	sld [smem:$0x3FB6]  }
0x3d: {  	_ =	shalt  }
0x3e: {  	_ =	shalt  }
0x3f: {  	_ =	shalt  }
0x40: {  	_ =	shalt  }
0x41: {  	_ =	shalt  }
0x42: {  	_ =	shalt  }
0x43: {  	_ =	shalt  }
0x44: {  	_ =	shalt  }
0x45: {  	_ =	shalt  }
0x46: {  	_ =	shalt  }
0x47: {  	_ =	shalt  }
0x48: {  	_ =	shalt  }
0x49: {  	_ =	shalt  }
0x4a: {  	_ =	shalt  }
0x4b: {  	_ =	shalt  }
0x4c: {  	_ =	shalt  }
0x4d: {  	_ =	shalt  }
0x4e: {  	_ =	shalt  }
0x4f: {  	_ =	shalt  }
0x50: {  	_ =	shalt  }
0x51: {  	_ =	shalt  }
0x52: {  	_ =	shalt  }
0x53: {  	_ =	shalt  }
0x54: {  	_ =	shalt  }
0x55: {  	_ =	shalt  }
0x56: {  	_ =	shalt  }
0x57: {  	_ =	shalt  }
0x58: {  	_ =	shalt  }
0x59: {  	_ =	shalt  }
0x5a: {  	_ =	shalt  }
0x5b: {  	_ =	shalt  }
0x5c: {  	_ =	shalt  }
0x5d: {  	_ =	shalt  }
0x5e: {  	_ =	shalt  }
0x5f: {  	_ =	shalt  }
0x60: {  	_ =	shalt  }
0x61: {  	_ =	shalt  }
0x62: {  	_ =	shalt  }
0x63: {  	_ =	shalt  }
0x64: {  	_ =	shalt  }
0x65: {  	_ =	shalt  }
0x66: {  	_ =	shalt  }
0x67: {  	_ =	shalt  }
0x68: {  	_ =	shalt  }
0x69: {  	_ =	shalt  }
0x6a: {  	_ =	shalt  }
0x6b: {  	_ =	shalt  }
0x6c: {  	_ =	shalt  }
0x6d: {  	_ =	shalt  }
0x6e: {  	_ =	shalt  }
0x6f: {  	_ =	shalt  }
0x70: {  	_ =	shalt  }
0x71: {  	_ =	shalt  }
0x72: {  	_ =	shalt  }
0x73: {  	_ =	shalt  }
0x74: {  	_ =	shalt  }
0x75: {  	_ =	shalt  }
0x76: {  	_ =	shalt  }
0x77: {  	_ =	shalt  }
0x78: {  	_ =	shalt  }
0x79: {  	_ =	shalt  }
0x7a: {  	_ =	shalt  }
0x7b: {  	_ =	shalt  }
0x7c: {  	_ =	shalt  }
0x7d: {  	_ =	shalt  }
0x7e: {  	_ =	shalt  }
0x7f: {  	_ =	shalt  }
0x80: {  	_ =	shalt  }
0x81: {  	_ =	shalt  }
0x82: {  	_ =	shalt  }
0x83: {  	_ =	shalt  }
0x84: {  	_ =	shalt  }
0x85: {  	_ =	shalt  }
0x86: {  	_ =	shalt  }
0x87: {  	_ =	shalt  }
.Lfunc_end0:
.L_simem_size_0:
called_computation.1_lowered:
.L_overlay_start_0:
0x88: {  	s2 =	sld [smem:$0x3FD9]  }
0x89: {  	s3 =	sld [smem:$0x3FFE];
	_ =	sdelay $0x1  }
0x8a: {  	s1 =	srdreg.scid  }
0x8b: {  	s0 =	sand.u32 $0x1, s1  }
0x8c: {  	s17 =	sshll.u32 s0, $0xA;
	s2 =	sadd.s32 s3, s2  }
0x8d: {  	s2 =	sadd.s32 s2, s17  }
0x8e: {  	[smem:$0x3FC2] =	sst s2  }
0x8f: {  	_ = 	snop  }
0x90: {  	s2 =	sld [smem:$0x3FD0];
	(tm) =	ssettm $0x1  }
0x91: {  	s18 =	sld [smem:$0x3FFB];
	_ =	sdelay $0x3  }
0x92: {  	_ =	strace s18  }
0x93: {  	s3 =	sld [smem:$0x3FFC];
	_ =	sdelay $0x3  }
0x94: {  	_ =	strace s3  }
0x95: {  	s3 =	sld [smem:$0x3FFD];
	_ =	sdelay $0x3  }
0x96: {  	_ =	strace s3  }
0x97: {  	_ =	strace $0x8FFFFFFF  }
0x98: {  	s19 =	sld [smem:$0x3FDB];
	_ =	sdelay $0x1  }
0x99: {  	s4 =	simm.s32 $_scs_section_size  }
0x9a: {  	s5 =	simm.s32 $_size__tile_overlayer_lowered;
	s6 =	simm.s32 $_tile_overlayer_lowered  }
0x9b: {  	s22 =	simm.s32 $0x1BFF;
	s21 =	sshll.u32 s6, $0x1;
	s3 =	sadd.s32 s4, s19  }
0x9c: {  	s7 =	simm.s32 $0x0;
	s20 =	sshll.u32 s5, $0x1;
	s5 =	sadd.s32 s21, s3  }
0x9d: {  	[timem:s7], [sflag:s22] =	dma.local [hbm:s5], s20  }
0x9e: {  	_ =	swait.ge [sflag:s22], s20  }
0x9f: {  	s4 =	ssub.s32 $0x0, s20;
	[sflag:s22] =	ssyncset.done $0x0  }
0xa0: {  	[sflag:s22] =	ssyncadd.s32 s4;
	_ =	sdelay $0x1  }
0xa1: {  	s23 =	simm.s32 $0x1B8B  }
0xa2: {  	_ =	swait.ge [sflag:s23], $0x1  }
0xa3: {  	[sflag:s23] =	ssyncset.done $0x0  }
0xa4: {  	s25 =	simm.s32 $0x1B8E;
	s24 =	sld [smem:$0x3FFE];
	[sflag:s23] =	ssyncadd.s32 $0xFFFFFFFF  }
0xa5: {  	s26 =	simm.s32 $execute0_lowered;
	[smem:$0x3FD2] =	sst s25  }
0xa6: {  	s5 =	sshll.u32 s26, $0x1;
	_ =	strace $0x80000049;
	[dreg:$0x1] =	wrdreg $0xFFFFFFFF  }
0xa7: {  	s28 =	simm.s32 $_size_execute0_lowered;
	s3 =	sadd.s32 s3, s5;
	[dreg:$0x0] =	wrdreg $0x0  }
0xa8: {  	s5 =	sshll.u32 s28, $0x1;
	[dreg:$0x2] =	wrdreg s3  }
0xa9: {  	[dreg:$0x3] =	wrdreg s5  }
0xaa: {  	[dreg:$0x4] =	wrdreg $0xC0  }
0xab: {  	_ =	task [dreg:s7], $0x5FFFF  }
0xac: {  	[dreg:$0x1] =	wrdreg $0xFFFFFFFF  }
0xad: {  	[dreg:$0x0] =	wrdreg $0x60  }
0xae: {  	[dreg:$0x2] =	wrdreg s24  }
0xaf: {  	[dreg:$0x3] =	wrdreg s2  }
0xb0: {  	[dreg:$0x4] =	wrdreg $0x0  }
0xb1: {  	[dreg:$0x5] =	wrdreg $0x9  }
0xb2: {  	_ =	task.clear_ibuf [dreg:s7], $0x6FFFF;
	_ =	strace $0x90000049  }
0xb3: {  	s29 =	simm.s32 $0x9;
	_ =	strace $0x8000004B  }
0xb4: {  	_ =	swait.ge [sflag:s29], $0x1  }
0xb5: {  	[sflag:s29] =	ssyncadd.s32 $0xFFFFFFFF  }
0xb6: {  	_ =	strace $0x9000004B  }
0xb7: {  	_ =	sfence  }
0xb8: {  	s30 =	sld [smem:$0x0];
	_ =	sdelay $0x2  }
0xb9: {  	s31 =	sshll.u32 s1, $0xD;
	s1 =	sshrl.u32 s1, $0x2  }
0xba: {  	s3 =	sand.u32 $0x4000, s31;
	s1 =	sadd.s32 s1, s30  }
0xbb: {  	s0 =	sor.u32 s3, s0;
	s1 =	sshll.u32 s1, $0x11  }
0xbc: {  	s0 =	sor.u32 s1, s0  }
0xbd: {  	s0 =	sadd.s32 $0x8F2B, s0  }
0xbe: {  	[sflag:s0] =	ssyncadd.remote.s32 $0x1  }
0xbf: {  	_ =	sfence.sel $0xFFFF  }
0xc0: {  	[dreg:$0x0] =	wrdreg $0xFFFFFFFF;
	(pc) =	sbr.abs _section_cstart, $3  }
0xc1: {  	[dreg:$0x1] =	wrdreg $0xFFFFFFFF  }
0xc2: {  	_ =	task.clear_ibuf [dreg:s7], $0x2FFFF;
	_ =	strace $0x9FFFFFFF  }
0xc3: {  	(tm) =	ssettm $0x7FFFFFFF  }
tec
execute0_lowered:
.L_overlay_start_1:
0x0: {  	(tag) =	ssettag $0x1  }
0x1: {  	s6 =	rddreg [dreg:$0x0]  }
0x2: {  	s1 =	rddreg [dreg:$0x1]  }
0x3: {  	s3 =	rddreg [dreg:$0x2]  }
0x4: {  	s0 =	rddreg [dreg:$0x3];
	s4 =	simm.s32 $0x0;
	s5 =	srdreg.scid  }
0x5: {  	s2 =	stileid.u32;
	s16 =	simm.s32 $0x15400;
	s17 =	simm.s32 $0x80  }
0x6: {  	s18 =	simm.s32 $0x16800;
	s19 =	simm.s32 $0x14080;
	s20 =	simm.s32 $0x1A800  }
0x7: {  	s21 =	simm.s32 $0x1;
	s22 =	simm.s32 $0x2;
	s23 =	simm.s32 $0x16700  }
0x8: {  	s24 =	simm.s32 $0x16780;
	s25 =	simm.s32 $0x0;
	[smem:$0x7FF] =	sst s4  }
0x9: {  	s7 =	sand.u32 $0x1, s5;
	s8 =	smul.u32 $0x14000, s2;
	s5 =	sadd.s32 $0x15400, s6  }
0xa: {  	s10 =	sadd.s32 $0xB400, s6;
	s13 =	sadd.s32 $0x1400, s6;
	s30 =	sshll.u32 s2, $0x6  }
0xb: {  	s9 =	smul.u32 $0x140000, s7;
	s11 =	sshll.u32 s7, $0x4;
	s7 =	ssub.s32 $0x2, s7  }
0xc: {  	_ =	strace $0x8000004A;
	s11 =	sor.u32 s2, s11;
	s12 =	sshrl.u32 s7, $0x1  }
0xd: {  	s9 =	sadd.s32 s8, s9;
	s11 =	smul.u32 $0x2800, s11;
	s12 =	ssub.s32 s7, s12  }
0xe: {  	s15 =	sadd.s32 s8, s3;
	s9 =	sshrl.u32 s9, $0x3;
	s12 =	smax.u32 s12, $0x1  }
0xf: {  	s14 =	sadd.s32 s9, s6;
	s31 =	sshrl.u32 s11, $0x3;
	s6 =	sor.u32 $0x1C03, s30  }
0x10: {  	s7 =	sadd.s32 s10, s31;
	s11 =	sadd.s32 $0x280, s31;
	s8 =	sadd.s32 s13, s31  }
0x11: {  	s9 =	sadd.s32 s10, s11;
	s10 =	sadd.s32 s13, s11;
	s11 =	sadd.s32 $0x3D400, s14  }
0x12: {  	s13 =	sshrl.u32 s15, $0x3;
	s14 =	simm.s32 $0x3;
	s15 =	simm.s32 $0x14000  }
.LBB2_1:
0x13: {  	[spmem:s13], [sflag:s6] =	dma.local [hbm:s1], $0x2800  }
0x14: {  	_ =	swait.ge [sflag:s14], $0x2800  }
0x15: {  	[sflag:s14] =	ssyncset.done $0x0  }
0x16: {  	[sflag:s14] =	ssyncadd.s32 $0xFFFFD800  }
0x17: {  	[bflag:$0x0] =	sbarrier.arrive $0xFFFF  }
0x18: {  	[tilespmem:s15], [sflag:$0x3] =	stream.linear.gather [hbm4b:s7+s4], $0x1400, $0x38;
	[tilespmem:$0x1E800] =	vst v63  }
0x19: {  	_ =	swait.ge [sflag:s14], $0x1400  }
0x1a: {  	[sflag:s14] =	ssyncset.done $0x0  }
0x1b: {  	[sflag:s14] =	ssyncadd.s32 $0xFFFFEC00  }
0x1c: {  	[tilespmem:s16], [sflag:$0x3] =	stream.linear.gather [hbm4b:s8+s4], $0x1400, $0x38;
	[tilespmem:$0x1E800] =	vst v63  }
0x1d: {  	_ =	swait.ge [sflag:s14], $0x1400  }
0x1e: {  	[sflag:s14] =	ssyncset.done $0x0  }
0x1f: {  	[sflag:s14] =	ssyncadd.s32 $0xFFFFEC00  }
0x20: {  	[tilespmem:s18], [sflag:$0x1] =	stream.indirect.gather [hbm4b:s5+s17], $0x80, s15, s17, $0xb8;
	[tilespmem:$0x1E800] =	vst v63  }
0x21: {  	_ = 	snop  }
0x22: {  	[tilespmem:s20], [sflag:$0x2] =	stream.indirect.gather [hbm4b:s5+s17], $0x80, s19, s17, $0xb8;
	[tilespmem:$0x1E800] =	vst v63  }
0x23: {  	_ =	swait.ge [sflag:s21], $0x4000  }
0x24: {  	[sflag:s21] =	ssyncset.done $0x0  }
0x25: {  	s26 =	simm.s32 $0x15400;
	[sflag:s21] =	ssyncadd.s32 $0xFFFFC000  }
0x26: {  	[spmem:s3] =	stream.indirect.scatter.add.f32 [tilespmem:s18], [sflag:$0x3], $0x80, s26, s17, $0xb8;
	[tilespmem:$0x1E800] =	vst v63  }
0x27: {  	_ =	swait.ge [sflag:s14], $0x4000  }
0x28: {  	[sflag:s14] =	ssyncset.done $0x0  }
0x29: {  	s30 =	simm.s32 $0x14100;
	[sflag:s14] =	ssyncadd.s32 $0xFFFFC000  }
0x2a: {  	[tilespmem:s18], [sflag:$0x1] =	stream.indirect.gather [hbm4b:s5+s17], $0x80, s30, s17, $0xb8;
	[tilespmem:$0x1E800] =	vst v63  }
0x2b: {  	_ =	swait.ge [sflag:s22], $0x4000  }
0x2c: {  	[sflag:s22] =	ssyncset.done $0x0  }
0x2d: {  	s31 =	simm.s32 $0x15480;
	[sflag:s22] =	ssyncadd.s32 $0xFFFFC000  }
0x2e: {  	[spmem:s3] =	stream.indirect.scatter.add.f32 [tilespmem:s20], [sflag:$0x3], $0x80, s31, s17, $0xb8;
	[tilespmem:$0x1E800] =	vst v63  }
0x2f: {  	_ =	swait.ge [sflag:s14], $0x4000  }
0x30: {  	[sflag:s14] =	ssyncset.done $0x0  }
0x31: {  	s28 =	simm.s32 $0x14180;
	s26 =	simm.s32 $0x400;
	[sflag:s14] =	ssyncadd.s32 $0xFFFFC000  }
.LBB2_2:
0x32: {  	[tilespmem:s20], [sflag:$0x2] =	stream.indirect.gather [hbm4b:s5+s17], $0x80, s28, s17, $0xb8;
	[tilespmem:$0x1E800] =	vst v63  }
0x33: {  	s28 =	smov.u32 s26  }
0x34: {  	p0 =	sne.s32 s26, $0x4800;
	s26 =	sadd.s32 $0x400, s26;
	_ =	swait.ge [sflag:s21], $0x4000  }
0x35: {  	s28 =	sshra.s32 s28, $0x2;
	[sflag:s21] =	ssyncset.done $0x0  }
0x36: {  	s29 =	sadd.s32 $0x15400, s28;
	[sflag:s21] =	ssyncadd.s32 $0xFFFFC000  }
0x37: {  	[spmem:s3] =	stream.indirect.scatter.add.f32 [tilespmem:s18], [sflag:$0x3], $0x80, s29, s17, $0xb8;
	[tilespmem:$0x1E800] =	vst v63  }
0x38: {  	_ =	swait.ge [sflag:s14], $0x4000  }
0x39: {  	[sflag:s14] =	ssyncset.done $0x0  }
0x3a: {  	s29 =	sadd.s32 $0x14100, s28;
	[sflag:s14] =	ssyncadd.s32 $0xFFFFC000  }
0x3b: {  	[tilespmem:s18], [sflag:$0x1] =	stream.indirect.gather [hbm4b:s5+s17], $0x80, s29, s17, $0xb8;
	[tilespmem:$0x1E800] =	vst v63  }
0x3c: {  	_ =	swait.ge [sflag:s22], $0x4000  }
0x3d: {  	[sflag:s22] =	ssyncset.done $0x0  }
.Ltmp0:
0x3e: {  	s29 =	sadd.s32 $0x15480, s28;
	[sflag:s22] =	ssyncadd.s32 $0xFFFFC000;
	(pc) =	sbr.rel @p0 .LBB2_2-.Ltmp0, $4  }
0x3f: {  	[spmem:s3] =	stream.indirect.scatter.add.f32 [tilespmem:s20], [sflag:$0x3], $0x80, s29, s17, $0xb8;
	[tilespmem:$0x1E800] =	vst v63  }
0x40: {  	_ =	swait.ge [sflag:s14], $0x4000  }
0x41: {  	[sflag:s14] =	ssyncset.done $0x0  }
0x42: {  	s28 =	sadd.s32 $0x14180, s28;
	[sflag:s14] =	ssyncadd.s32 $0xFFFFC000  }
0x43: {  	[tilespmem:s20], [sflag:$0x2] =	stream.indirect.gather [hbm4b:s5+s17], $0x80, s28, s17, $0xb8;
	[tilespmem:$0x1E800] =	vst v63  }
0x44: {  	_ =	swait.ge [sflag:s21], $0x4000  }
0x45: {  	[sflag:s21] =	ssyncset.done $0x0  }
0x46: {  	[sflag:s21] =	ssyncadd.s32 $0xFFFFC000  }
0x47: {  	[spmem:s3] =	stream.indirect.scatter.add.f32 [tilespmem:s18], [sflag:$0x3], $0x80, s23, s17, $0xb8;
	[tilespmem:$0x1E800] =	vst v63  }
0x48: {  	_ =	swait.ge [sflag:s14], $0x4000  }
0x49: {  	[sflag:s14] =	ssyncset.done $0x0  }
0x4a: {  	[sflag:s14] =	ssyncadd.s32 $0xFFFFC000  }
0x4b: {  	_ =	swait.ge [sflag:s22], $0x4000  }
0x4c: {  	[sflag:s22] =	ssyncset.done $0x0  }
0x4d: {  	[sflag:s22] =	ssyncadd.s32 $0xFFFFC000  }
0x4e: {  	[spmem:s3] =	stream.indirect.scatter.add.f32 [tilespmem:s20], [sflag:$0x3], $0x80, s24, s17, $0xb8;
	[tilespmem:$0x1E800] =	vst v63  }
0x4f: {  	_ =	swait.ge [sflag:s14], $0x4000  }
0x50: {  	[sflag:s14] =	ssyncset.done $0x0  }
0x51: {  	s26 =	simm.s32 $0x0;
	[sflag:s14] =	ssyncadd.s32 $0xFFFFC000  }
0x52: {  	[tilespmem:s15], [sflag:$0x3] =	stream.linear.gather [hbm4b:s9+s26], $0x1400, $0x38;
	[tilespmem:$0x1E800] =	vst v63  }
0x53: {  	_ =	swait.ge [sflag:s14], $0x1400  }
0x54: {  	[sflag:s14] =	ssyncset.done $0x0  }
0x55: {  	[sflag:s14] =	ssyncadd.s32 $0xFFFFEC00  }
0x56: {  	[tilespmem:s16], [sflag:$0x3] =	stream.linear.gather [hbm4b:s10+s26], $0x1400, $0x38;
	[tilespmem:$0x1E800] =	vst v63  }
0x57: {  	_ =	swait.ge [sflag:s14], $0x1400  }
0x58: {  	[sflag:s14] =	ssyncset.done $0x0  }
0x59: {  	[sflag:s14] =	ssyncadd.s32 $0xFFFFEC00  }
0x5a: {  	[tilespmem:s18], [sflag:$0x1] =	stream.indirect.gather [hbm4b:s5+s17], $0x80, s15, s17, $0xb8;
	[tilespmem:$0x1E800] =	vst v63  }
0x5b: {  	_ = 	snop  }
0x5c: {  	[tilespmem:s20], [sflag:$0x2] =	stream.indirect.gather [hbm4b:s5+s17], $0x80, s19, s17, $0xb8;
	[tilespmem:$0x1E800] =	vst v63  }
0x5d: {  	_ =	swait.ge [sflag:s21], $0x4000  }
0x5e: {  	[sflag:s21] =	ssyncset.done $0x0  }
0x5f: {  	s29 =	simm.s32 $0x15400;
	[sflag:s21] =	ssyncadd.s32 $0xFFFFC000  }
0x60: {  	[spmem:s3] =	stream.indirect.scatter.add.f32 [tilespmem:s18], [sflag:$0x3], $0x80, s29, s17, $0xb8;
	[tilespmem:$0x1E800] =	vst v63  }
0x61: {  	_ =	swait.ge [sflag:s14], $0x4000  }
0x62: {  	[sflag:s14] =	ssyncset.done $0x0  }
0x63: {  	s30 =	simm.s32 $0x14100;
	[sflag:s14] =	ssyncadd.s32 $0xFFFFC000  }
0x64: {  	[tilespmem:s18], [sflag:$0x1] =	stream.indirect.gather [hbm4b:s5+s17], $0x80, s30, s17, $0xb8;
	[tilespmem:$0x1E800] =	vst v63  }
0x65: {  	_ =	swait.ge [sflag:s22], $0x4000  }
0x66: {  	[sflag:s22] =	ssyncset.done $0x0  }
0x67: {  	s31 =	simm.s32 $0x15480;
	[sflag:s22] =	ssyncadd.s32 $0xFFFFC000  }
0x68: {  	[spmem:s3] =	stream.indirect.scatter.add.f32 [tilespmem:s20], [sflag:$0x3], $0x80, s31, s17, $0xb8;
	[tilespmem:$0x1E800] =	vst v63  }
0x69: {  	_ =	swait.ge [sflag:s14], $0x4000  }
0x6a: {  	[sflag:s14] =	ssyncset.done $0x0  }
0x6b: {  	s28 =	simm.s32 $0x14180;
	s26 =	simm.s32 $0x400;
	[sflag:s14] =	ssyncadd.s32 $0xFFFFC000  }
.LBB2_4:
0x6c: {  	[tilespmem:s20], [sflag:$0x2] =	stream.indirect.gather [hbm4b:s5+s17], $0x80, s28, s17, $0xb8;
	[tilespmem:$0x1E800] =	vst v63  }
0x6d: {  	s28 =	smov.u32 s26  }
0x6e: {  	p0 =	sne.s32 s26, $0x4800;
	s26 =	sadd.s32 $0x400, s26;
	_ =	swait.ge [sflag:s21], $0x4000  }
0x6f: {  	s28 =	sshra.s32 s28, $0x2;
	[sflag:s21] =	ssyncset.done $0x0  }
0x70: {  	s29 =	sadd.s32 $0x15400, s28;
	[sflag:s21] =	ssyncadd.s32 $0xFFFFC000  }
0x71: {  	[spmem:s3] =	stream.indirect.scatter.add.f32 [tilespmem:s18], [sflag:$0x3], $0x80, s29, s17, $0xb8;
	[tilespmem:$0x1E800] =	vst v63  }
0x72: {  	_ =	swait.ge [sflag:s14], $0x4000  }
0x73: {  	[sflag:s14] =	ssyncset.done $0x0  }
0x74: {  	s29 =	sadd.s32 $0x14100, s28;
	[sflag:s14] =	ssyncadd.s32 $0xFFFFC000  }
0x75: {  	[tilespmem:s18], [sflag:$0x1] =	stream.indirect.gather [hbm4b:s5+s17], $0x80, s29, s17, $0xb8;
	[tilespmem:$0x1E800] =	vst v63  }
0x76: {  	_ =	swait.ge [sflag:s22], $0x4000  }
0x77: {  	[sflag:s22] =	ssyncset.done $0x0  }
.Ltmp1:
0x78: {  	s29 =	sadd.s32 $0x15480, s28;
	[sflag:s22] =	ssyncadd.s32 $0xFFFFC000;
	(pc) =	sbr.rel @p0 .LBB2_4-.Ltmp1, $4  }
0x79: {  	[spmem:s3] =	stream.indirect.scatter.add.f32 [tilespmem:s20], [sflag:$0x3], $0x80, s29, s17, $0xb8;
	[tilespmem:$0x1E800] =	vst v63  }
0x7a: {  	_ =	swait.ge [sflag:s14], $0x4000  }
0x7b: {  	[sflag:s14] =	ssyncset.done $0x0  }
0x7c: {  	s28 =	sadd.s32 $0x14180, s28;
	[sflag:s14] =	ssyncadd.s32 $0xFFFFC000  }
0x7d: {  	[tilespmem:s20], [sflag:$0x2] =	stream.indirect.gather [hbm4b:s5+s17], $0x80, s28, s17, $0xb8;
	[tilespmem:$0x1E800] =	vst v63  }
0x7e: {  	_ =	swait.ge [sflag:s21], $0x4000  }
0x7f: {  	[sflag:s21] =	ssyncset.done $0x0  }
0x80: {  	[sflag:s21] =	ssyncadd.s32 $0xFFFFC000  }
0x81: {  	[spmem:s3] =	stream.indirect.scatter.add.f32 [tilespmem:s18], [sflag:$0x3], $0x80, s23, s17, $0xb8;
	[tilespmem:$0x1E800] =	vst v63  }
0x82: {  	_ =	swait.ge [sflag:s14], $0x4000  }
0x83: {  	[sflag:s14] =	ssyncset.done $0x0  }
0x84: {  	[sflag:s14] =	ssyncadd.s32 $0xFFFFC000  }
0x85: {  	_ =	swait.ge [sflag:s22], $0x4000  }
0x86: {  	[sflag:s22] =	ssyncset.done $0x0  }
0x87: {  	[sflag:s22] =	ssyncadd.s32 $0xFFFFC000  }
0x88: {  	[spmem:s3] =	stream.indirect.scatter.add.f32 [tilespmem:s20], [sflag:$0x3], $0x80, s24, s17, $0xb8;
	[tilespmem:$0x1E800] =	vst v63  }
0x89: {  	_ =	swait.ge [sflag:s14], $0x4000  }
0x8a: {  	s25 =	sadd.s32 $0x1, s25;
	[sflag:s14] =	ssyncset.done $0x0  }
0x8b: {  	p0 =	sne.s32 s25, s12;
	[sflag:s14] =	ssyncadd.s32 $0xFFFFC000  }
.Ltmp2:
0x8c: {  	[bflag:$0x0] =	sbarrier.arrive $0xFFFF;
	(pc) =	sbr.rel @p0 .LBB2_1-.Ltmp2, $4  }
0x8d: {  	[hbm:s11], [sflag:s6] =	dma.local [spmem:s13], $0x2800  }
0x8e: {  	_ =	swait.ge [sflag:s14], $0x2800  }
0x8f: {  	[sflag:s14] =	ssyncset.done $0x0  }
0x90: {  	[sflag:s14] =	ssyncadd.s32 $0xFFFFD800  }
0x91: {  	_ =	sfence.sel $0x180000  }
0x92: {  	[bflag:$0x0] =	sbarrier.arrive $0xFFFF  }
0x93: {  	p0 =	sne.s32 s2, $0x0;
	_ =	strace $0x9000004A  }
0x94: {  	s0 =	sadd.s32 @!p0 $0x100000, s0;
	[bflag:$0x2] =	sbarrier.arrive $0xFFFF  }
0x95: {  	[sflag:s0] =	ssyncadd.tile.s32 @!p0 $0x1;
	_ =	shalt  }
.Lfunc_end2:
_tile_overlayer_lowered:
.L_overlay_start_2:
0x96: {  	(tag) =	ssettag $0x2  }
0x97: {  	s0 =	rddreg [dreg:$0x0];
	s2 =	stileid.u32  }
0x98: {  	s1 =	rddreg [dreg:$0x1];
	p0 =	sne.s32 s2, $0x0  }
0x99: {  	s3 =	rddreg [dreg:$0x2];
	[bflag:$0x3] =	sbarrier.arrive $0xFFFF;
	s2 =	simm.s32 @!p0 $0x1C03  }
0x9a: {  	[timem:s3], [sflag:s2] =	dma.local @!p0 [hbm:s0], s1  }
0x9b: {  	s0 =	simm.s32 @!p0 $0x3  }
0x9c: {  	_ =	swait.ge @!p0 [sflag:s0], s1  }
0x9d: {  	s1 =	ssub.s32 @!p0 $0x0, s1;
	[sflag:s0] =	ssyncset.done @!p0 $0x0  }
0x9e: {  	[sflag:s0] =	ssyncadd.s32 @!p0 s1  }
0x9f: {  	[bflag:$0x3] =	sbarrier.arrive $0xFFFF  }
0xa0: {  	_ =	shalt  }

// kernel: kernel.13.cloned.1.call-start
scs
__scs_entry_jumppad:
0x0: {  	(pc) =	sbr.rel $0x88, $3  }
0x1: {  	(tag) =	ssettag $0x0;
	lr =	simm.s32 $0x1  }
0x2: {  	[smem:$0x3F9B] =	sst lr;
	_ =	strace $0xD0000000  }
0x3: {  	_ = 	snop  }
0x4: {  	_ = 	snop  }
0x5: {  	_ = 	snop  }
0x6: {  	_ = 	snop  }
0x7: {  	_ = 	snop  }
__scs_overlays_trampoline_lowered:
0x8: {  	[smem:$0x3FAA] =	sst s0  }
0x9: {  	[smem:$0x3FAB] =	sst s1  }
0xa: {  	[smem:$0x3FAC] =	sst s2  }
0xb: {  	[smem:$0x3FAD] =	sst s3  }
0xc: {  	[smem:$0x3FAE] =	sst s4  }
0xd: {  	[smem:$0x3FAF] =	sst s5  }
0xe: {  	[smem:$0x3FB0] =	sst s6  }
0xf: {  	[smem:$0x3FB1] =	sst s7  }
0x10: {  	[smem:$0x3FB2] =	sst s8  }
0x11: {  	[smem:$0x3FB3] =	sst s9;
	s0 =	simm.s32 @!p0 $0x0  }
0x12: {  	s1 =	sld [smem:$0x3F99];
	s0 =	simm.s32 @p0 $0x1  }
0x13: {  	[smem:$0x3FB4] =	sst s0;
	s0 =	simm.s32 @!p1 $0x0  }
0x14: {  	s2 =	sld [smem:$0x3F98];
	s0 =	simm.s32 @p1 $0x1  }
0x15: {  	[smem:$0x3FB5] =	sst s0;
	s0 =	simm.s32 @!p2 $0x0  }
0x16: {  	s3 =	sld [smem:$0x3FDB];
	s0 =	simm.s32 @p2 $0x1  }
0x17: {  	s4 =	simm.s32 $0x1BF5;
	[smem:$0x3FB7] =	sst s0  }
0x18: {  	s0 =	sld [smem:$0x3F9A];
	_ =	swait.ge [sflag:s4], $0x0  }
0x19: {  	s7 =	sld [smem:$0x3F9B]  }
0x1a: {  	s8 =	sadd.s32 $0xFFFFE003, lr  }
0x1b: {  	s9 =	sadd.s32 $0xFFFFFEF7, lr;
	s5 =	simm.s32 $0xFFFFFFFF;
	p2 =	slt.u32 s8, $0xFFFFF086  }
0x1c: {  	p1 =	slt.u32 s9, $0xF7A;
	s5 =	simm.s32 @!p2 $0x0  }
0x1d: {  	s5 =	simm.s32 @p1 $0x1;
	p0 =	seq.s32 s7, s2  }
0x1e: {  	s7 =	smul.u32 @!p0 $0xF7A, s2;
	p2 =	seq.s32 @!p0 s5, $0x0  }
0x1f: {  	s9 =	smul.u32 $0xF7A, s1;
	s8 =	simm.s32 @!p0 $0x1BF5;
	p2 =	por !p2, p0  }
0x20: {  	[sflag:s8] =	ssyncset.s32 @!p0 $0xFFFFF086;
	s6 =	sadd.s32 @!p0 s3, s7;
	s7 =	simm.s32 @!p0 $0x108  }
0x21: {  	s3 =	sadd.s32 s3, s9;
	s6 =	sadd.s32 @!p0 $0x88, s6;
	s7 =	simm.s32 @p2 $0x1082  }
0x22: {  	[simem:s7], [sflag:s8] =	dma.local @!p0 [hbm:s6], $0xF7A  }
0x23: {  	s9 =	sor.u32 $0xD0000000, s2;
	s6 =	simm.s32 $0x108;
	_ =	swait.ge @!p0 [sflag:s8], $0x0  }
0x24: {  	s3 =	sadd.s32 $0x88, s3;
	s6 =	simm.s32 @!p1 $0x1082;
	[sflag:s4] =	ssyncset.s32 $0xFFFFF086  }
0x25: {  	[simem:s6], [sflag:s4] =	dma.local [hbm:s3], $0xF7A  }
0x26: {  	[smem:$0x3F9B] =	sst s1;
	(tag) =	ssettag s2;
	_ =	strace s9  }
0x27: {  	s1 =	sld [smem:$0x3FAB]  }
0x28: {  	s2 =	sld [smem:$0x3FAC]  }
0x29: {  	s4 =	sld [smem:$0x3FAE]  }
0x2a: {  	p0 =	seq.s32 s5, $0x0;
	s5 =	sld [smem:$0x3FAF]  }
0x2b: {  	s6 =	sld [smem:$0x3FB0]  }
0x2c: {  	s7 =	sld [smem:$0x3FB1]  }
0x2d: {  	s3 =	simm.s32 $0x108;
	s8 =	sld [smem:$0x3FB2]  }
0x2e: {  	s3 =	simm.s32 @!p0 $0x1082;
	s9 =	sld [smem:$0x3FB3]  }
0x2f: {  	lr =	sadd.s32 s0, s3;
	s0 =	sld [smem:$0x3FAA]  }
0x30: {  	s3 =	sld [smem:$0x3FAD]  }
0x31: {  	[smem:$0x3FB6] =	sst s10  }
0x32: {  	s10 =	sld [smem:$0x3FB4];
	_ =	sdelay $0x3  }
0x33: {  	p0 =	seq.s32 s10, $0x1;
	s10 =	sld [smem:$0x3FB6];
	_ =	sdelay $0x3  }
0x34: {  	[smem:$0x3FB6] =	sst s10  }
0x35: {  	s10 =	sld [smem:$0x3FB5];
	_ =	sdelay $0x3  }
0x36: {  	p1 =	seq.s32 s10, $0x1;
	s10 =	sld [smem:$0x3FB6];
	_ =	sdelay $0x3  }
0x37: {  	[smem:$0x3FB6] =	sst s10  }
0x38: {  	s10 =	sld [smem:$0x3FB7]  }
0x39: {  	_ = 	snop;
	(pc) =	sbr.ind lr, $3  }
0x3a: {  	_ = 	snop  }
0x3b: {  	_ = 	snop  }
0x3c: {  	p2 =	seq.s32 s10, $0x1;
	s10 =	sld [smem:$0x3FB6]  }
0x3d: {  	_ =	shalt  }
0x3e: {  	_ =	shalt  }
0x3f: {  	_ =	shalt  }
0x40: {  	_ =	shalt  }
0x41: {  	_ =	shalt  }
0x42: {  	_ =	shalt  }
0x43: {  	_ =	shalt  }
0x44: {  	_ =	shalt  }
0x45: {  	_ =	shalt  }
0x46: {  	_ =	shalt  }
0x47: {  	_ =	shalt  }
0x48: {  	_ =	shalt  }
0x49: {  	_ =	shalt  }
0x4a: {  	_ =	shalt  }
0x4b: {  	_ =	shalt  }
0x4c: {  	_ =	shalt  }
0x4d: {  	_ =	shalt  }
0x4e: {  	_ =	shalt  }
0x4f: {  	_ =	shalt  }
0x50: {  	_ =	shalt  }
0x51: {  	_ =	shalt  }
0x52: {  	_ =	shalt  }
0x53: {  	_ =	shalt  }
0x54: {  	_ =	shalt  }
0x55: {  	_ =	shalt  }
0x56: {  	_ =	shalt  }
0x57: {  	_ =	shalt  }
0x58: {  	_ =	shalt  }
0x59: {  	_ =	shalt  }
0x5a: {  	_ =	shalt  }
0x5b: {  	_ =	shalt  }
0x5c: {  	_ =	shalt  }
0x5d: {  	_ =	shalt  }
0x5e: {  	_ =	shalt  }
0x5f: {  	_ =	shalt  }
0x60: {  	_ =	shalt  }
0x61: {  	_ =	shalt  }
0x62: {  	_ =	shalt  }
0x63: {  	_ =	shalt  }
0x64: {  	_ =	shalt  }
0x65: {  	_ =	shalt  }
0x66: {  	_ =	shalt  }
0x67: {  	_ =	shalt  }
0x68: {  	_ =	shalt  }
0x69: {  	_ =	shalt  }
0x6a: {  	_ =	shalt  }
0x6b: {  	_ =	shalt  }
0x6c: {  	_ =	shalt  }
0x6d: {  	_ =	shalt  }
0x6e: {  	_ =	shalt  }
0x6f: {  	_ =	shalt  }
0x70: {  	_ =	shalt  }
0x71: {  	_ =	shalt  }
0x72: {  	_ =	shalt  }
0x73: {  	_ =	shalt  }
0x74: {  	_ =	shalt  }
0x75: {  	_ =	shalt  }
0x76: {  	_ =	shalt  }
0x77: {  	_ =	shalt  }
0x78: {  	_ =	shalt  }
0x79: {  	_ =	shalt  }
0x7a: {  	_ =	shalt  }
0x7b: {  	_ =	shalt  }
0x7c: {  	_ =	shalt  }
0x7d: {  	_ =	shalt  }
0x7e: {  	_ =	shalt  }
0x7f: {  	_ =	shalt  }
0x80: {  	_ =	shalt  }
0x81: {  	_ =	shalt  }
0x82: {  	_ =	shalt  }
0x83: {  	_ =	shalt  }
0x84: {  	_ =	shalt  }
0x85: {  	_ =	shalt  }
0x86: {  	_ =	shalt  }
0x87: {  	_ =	shalt  }
.Lfunc_end0:
.L_simem_size_0:
called_computation.2_lowered:
.L_overlay_start_0:
0x88: {  	s2 =	sld [smem:$0x3FD9]  }
0x89: {  	s3 =	sld [smem:$0x3FFE];
	_ =	sdelay $0x1  }
0x8a: {  	s1 =	srdreg.scid  }
0x8b: {  	s0 =	sand.u32 $0x1, s1  }
0x8c: {  	s16 =	sshll.u32 s0, $0xA;
	s2 =	sadd.s32 s3, s2  }
0x8d: {  	s2 =	sadd.s32 s2, s16  }
0x8e: {  	[smem:$0x3FC2] =	sst s2  }
0x8f: {  	_ = 	snop  }
0x90: {  	(tm) =	ssettm $0x1  }
0x91: {  	s17 =	sld [smem:$0x3FFB];
	_ =	sdelay $0x3  }
0x92: {  	_ =	strace s17  }
0x93: {  	s2 =	sld [smem:$0x3FFC];
	_ =	sdelay $0x3  }
0x94: {  	_ =	strace s2  }
0x95: {  	s2 =	sld [smem:$0x3FFD];
	_ =	sdelay $0x3  }
0x96: {  	_ =	strace s2  }
0x97: {  	_ =	strace $0x8FFFFFFF  }
0x98: {  	s18 =	sld [smem:$0x3FDB];
	_ =	sdelay $0x1  }
0x99: {  	s19 =	simm.s32 $_scs_section_size  }
0x9a: {  	s4 =	simm.s32 $_size__tile_overlayer_lowered;
	s5 =	simm.s32 $_tile_overlayer_lowered  }
0x9b: {  	s22 =	simm.s32 $0x1BFF;
	s21 =	sshll.u32 s5, $0x1;
	s2 =	sadd.s32 s19, s18  }
0x9c: {  	s6 =	simm.s32 $0x0;
	s20 =	sshll.u32 s4, $0x1;
	s4 =	sadd.s32 s21, s2  }
0x9d: {  	[timem:s6], [sflag:s22] =	dma.local [hbm:s4], s20  }
0x9e: {  	_ =	swait.ge [sflag:s22], s20  }
0x9f: {  	s3 =	ssub.s32 $0x0, s20;
	[sflag:s22] =	ssyncset.done $0x0  }
0xa0: {  	[sflag:s22] =	ssyncadd.s32 s3;
	_ =	sdelay $0x1  }
0xa1: {  	s23 =	simm.s32 $0x1B8B  }
0xa2: {  	_ =	swait.ge [sflag:s23], $0x1  }
0xa3: {  	[sflag:s23] =	ssyncset.done $0x0  }
0xa4: {  	s25 =	simm.s32 $0x1B8E;
	s24 =	sld [smem:$0x3FFE];
	[sflag:s23] =	ssyncadd.s32 $0xFFFFFFFF  }
0xa5: {  	s26 =	simm.s32 $execute0_lowered;
	[smem:$0x3FD2] =	sst s25  }
0xa6: {  	s4 =	sshll.u32 s26, $0x1;
	_ =	strace $0x8000004C;
	[dreg:$0x1] =	wrdreg $0xFFFFFFFF  }
0xa7: {  	s28 =	simm.s32 $_size_execute0_lowered;
	s2 =	sadd.s32 s2, s4;
	[dreg:$0x0] =	wrdreg $0x0  }
0xa8: {  	s4 =	sshll.u32 s28, $0x1;
	[dreg:$0x2] =	wrdreg s2  }
0xa9: {  	[dreg:$0x3] =	wrdreg s4  }
0xaa: {  	[dreg:$0x4] =	wrdreg $0xC0  }
0xab: {  	_ =	task [dreg:s6], $0x5FFFF  }
0xac: {  	[dreg:$0x1] =	wrdreg $0xFFFFFFFF  }
0xad: {  	[dreg:$0x0] =	wrdreg $0x60  }
0xae: {  	[dreg:$0x2] =	wrdreg s24  }
0xaf: {  	[dreg:$0x3] =	wrdreg $0x0  }
0xb0: {  	[dreg:$0x4] =	wrdreg $0x9  }
0xb1: {  	_ =	task.clear_ibuf [dreg:s6], $0x5FFFF;
	_ =	strace $0x9000004C  }
0xb2: {  	s29 =	simm.s32 $0x9;
	_ =	strace $0x8000004E  }
0xb3: {  	_ =	swait.ge [sflag:s29], $0x1  }
0xb4: {  	[sflag:s29] =	ssyncadd.s32 $0xFFFFFFFF  }
0xb5: {  	_ =	strace $0x9000004E  }
0xb6: {  	_ =	sfence  }
0xb7: {  	s30 =	sld [smem:$0x0];
	_ =	sdelay $0x2  }
0xb8: {  	s31 =	sshll.u32 s1, $0xD;
	s1 =	sshrl.u32 s1, $0x2  }
0xb9: {  	s3 =	sand.u32 $0x4000, s31;
	s1 =	sadd.s32 s1, s30  }
0xba: {  	s0 =	sor.u32 s3, s0;
	s1 =	sshll.u32 s1, $0x11  }
0xbb: {  	s0 =	sor.u32 s1, s0  }
0xbc: {  	s0 =	sadd.s32 $0x8F2B, s0  }
0xbd: {  	[sflag:s0] =	ssyncadd.remote.s32 $0x1  }
0xbe: {  	_ =	sfence.sel $0xFFFF  }
0xbf: {  	[dreg:$0x0] =	wrdreg $0xFFFFFFFF;
	(pc) =	sbr.abs _section_cstart, $3  }
0xc0: {  	[dreg:$0x1] =	wrdreg $0xFFFFFFFF  }
0xc1: {  	_ =	task.clear_ibuf [dreg:s6], $0x2FFFF;
	_ =	strace $0x9FFFFFFF  }
0xc2: {  	(tm) =	ssettm $0x7FFFFFFF  }
0xc3: {  	_ =	shalt  }
tec
execute0_lowered:
.L_overlay_start_1:
0x0: {  	(tag) =	ssettag $0x1  }
0x1: {  	s5 =	rddreg [dreg:$0x0]  }
0x2: {  	s2 =	rddreg [dreg:$0x1];
	s3 =	srdreg.scid  }
0x3: {  	s0 =	rddreg [dreg:$0x2];
	s1 =	stileid.u32  }
0x4: {  	s14 =	simm.s32 $0xC000;
	s15 =	simm.s32 $0x3;
	s16 =	simm.s32 $0x5000  }
0x5: {  	s17 =	simm.s32 $0x7800;
	s18 =	simm.s32 $0x80;
	s19 =	simm.s32 $0xA000  }
0x6: {  	s20 =	simm.s32 $0x5080;
	s21 =	simm.s32 $0xB000;
	s22 =	simm.s32 $0x1  }
0x7: {  	s23 =	simm.s32 $0x2;
	s24 =	simm.s32 $0x9F00;
	s25 =	simm.s32 $0x9F80  }
0x8: {  	s26 =	simm.s32 $0x0;
	s6 =	sand.u32 $0x1, s3;
	s7 =	smul.u32 $0x5000, s1  }
0x9: {  	s3 =	simm.s32 $0x0;
	s10 =	smul.u32 $0x14000, s1;
	s4 =	sshll.u32 s6, $0x4  }
0xa: {  	[smem:$0x7FF] =	sst s3;
	s8 =	smul.u32 $0x50000, s6;
	s6 =	ssub.s32 $0x2, s6  }
0xb: {  	s4 =	sor.u32 s1, s4;
	_ =	strace $0x8000004D;
	s29 =	sshrl.u32 s6, $0x1  }
0xc: {  	s30 =	sshrl.u32 s10, $0x2;
	s9 =	smul.u32 $0x500, s4;
	s4 =	sadd.s32 $0x15400, s5  }
0xd: {  	s8 =	sadd.s32 s7, s8;
	s13 =	ssub.s32 s6, s29;
	s31 =	sadd.s32 s30, s2  }
0xe: {  	s8 =	sshrl.u32 s8, $0x3;
	s6 =	sadd.s32 $0x1000, s31;
	s13 =	smax.u32 s13, $0x1  }
0xf: {  	s11 =	sadd.s32 s9, s5;
	s12 =	sadd.s32 s8, s5;
	s5 =	sadd.s32 s7, s2  }
0x10: {  	s7 =	sadd.s32 $0x2000, s31;
	s8 =	sadd.s32 $0x3000, s31;
	s9 =	sadd.s32 $0x4000, s31  }
0x11: {  	v0 =	vimm.f32 $0.0e+00;
	s10 =	sadd.s32 $0xB400, s11;
	s11 =	sadd.s32 $0x1400, s11;
	s12 =	sadd.s32 $0x1F400, s12  }
.LBB2_1:
0x12: {  	[tilespmem:$0xC000] =	vst v0  }
0x13: {  	[tilespmem:$0xC010] =	vst v0  }
0x14: {  	[tilespmem:$0xC020] =	vst v0  }
0x15: {  	[tilespmem:$0xC030] =	vst v0  }
0x16: {  	[tilespmem:$0xC040] =	vst v0  }
0x17: {  	[tilespmem:$0xC050] =	vst v0  }
0x18: {  	[tilespmem:$0xC060] =	vst v0  }
0x19: {  	[tilespmem:$0xC070] =	vst v0  }
0x1a: {  	[tilespmem:$0xC080] =	vst v0  }
0x1b: {  	[tilespmem:$0xC090] =	vst v0  }
0x1c: {  	[tilespmem:$0xC0A0] =	vst v0  }
0x1d: {  	[tilespmem:$0xC0B0] =	vst v0  }
0x1e: {  	[tilespmem:$0xC0C0] =	vst v0  }
0x1f: {  	[tilespmem:$0xC0D0] =	vst v0  }
0x20: {  	[tilespmem:$0xC0E0] =	vst v0  }
0x21: {  	[tilespmem:$0xC0F0] =	vst v0  }
0x22: {  	[tilespmem:$0xC100] =	vst v0  }
0x23: {  	[tilespmem:$0xC110] =	vst v0  }
0x24: {  	[tilespmem:$0xC120] =	vst v0  }
0x25: {  	[tilespmem:$0xC130] =	vst v0  }
0x26: {  	[tilespmem:$0xC140] =	vst v0  }
0x27: {  	[tilespmem:$0xC150] =	vst v0  }
0x28: {  	[tilespmem:$0xC160] =	vst v0  }
0x29: {  	[tilespmem:$0xC170] =	vst v0  }
0x2a: {  	[tilespmem:$0xC180] =	vst v0  }
0x2b: {  	[tilespmem:$0xC190] =	vst v0  }
0x2c: {  	[tilespmem:$0xC1A0] =	vst v0  }
0x2d: {  	[tilespmem:$0xC1B0] =	vst v0  }
0x2e: {  	[tilespmem:$0xC1C0] =	vst v0  }
0x2f: {  	[tilespmem:$0xC1D0] =	vst v0  }
0x30: {  	[tilespmem:$0xC1E0] =	vst v0  }
0x31: {  	[tilespmem:$0xC1F0] =	vst v0  }
0x32: {  	[tilespmem:$0xC200] =	vst v0  }
0x33: {  	[tilespmem:$0xC210] =	vst v0  }
0x34: {  	[tilespmem:$0xC220] =	vst v0  }
0x35: {  	[tilespmem:$0xC230] =	vst v0  }
0x36: {  	[tilespmem:$0xC240] =	vst v0  }
0x37: {  	[tilespmem:$0xC250] =	vst v0  }
0x38: {  	[tilespmem:$0xC260] =	vst v0  }
0x39: {  	[tilespmem:$0xC270] =	vst v0  }
0x3a: {  	[tilespmem:$0xC280] =	vst v0  }
0x3b: {  	[tilespmem:$0xC290] =	vst v0  }
0x3c: {  	[tilespmem:$0xC2A0] =	vst v0  }
0x3d: {  	[tilespmem:$0xC2B0] =	vst v0  }
0x3e: {  	[tilespmem:$0xC2C0] =	vst v0  }
0x3f: {  	[tilespmem:$0xC2D0] =	vst v0  }
0x40: {  	[tilespmem:$0xC2E0] =	vst v0  }
0x41: {  	[tilespmem:$0xC2F0] =	vst v0  }
0x42: {  	[tilespmem:$0xC300] =	vst v0  }
0x43: {  	[tilespmem:$0xC310] =	vst v0  }
0x44: {  	[tilespmem:$0xC320] =	vst v0  }
0x45: {  	[tilespmem:$0xC330] =	vst v0  }
0x46: {  	[tilespmem:$0xC340] =	vst v0  }
0x47: {  	[tilespmem:$0xC350] =	vst v0  }
0x48: {  	[tilespmem:$0xC360] =	vst v0  }
0x49: {  	[tilespmem:$0xC370] =	vst v0  }
0x4a: {  	[tilespmem:$0xC380] =	vst v0  }
0x4b: {  	[tilespmem:$0xC390] =	vst v0  }
0x4c: {  	[tilespmem:$0xC3A0] =	vst v0  }
0x4d: {  	[tilespmem:$0xC3B0] =	vst v0  }
0x4e: {  	[tilespmem:$0xC3C0] =	vst v0  }
0x4f: {  	[tilespmem:$0xC3D0] =	vst v0  }
0x50: {  	[tilespmem:$0xC3E0] =	vst v0  }
0x51: {  	[tilespmem:$0xC3F0] =	vst v0  }
0x52: {  	[tilespmem:$0xC400] =	vst v0  }
0x53: {  	[tilespmem:$0xC410] =	vst v0  }
0x54: {  	[tilespmem:$0xC420] =	vst v0  }
0x55: {  	[tilespmem:$0xC430] =	vst v0  }
0x56: {  	[tilespmem:$0xC440] =	vst v0  }
0x57: {  	[tilespmem:$0xC450] =	vst v0  }
0x58: {  	[tilespmem:$0xC460] =	vst v0  }
0x59: {  	[tilespmem:$0xC470] =	vst v0  }
0x5a: {  	[tilespmem:$0xC480] =	vst v0  }
0x5b: {  	[tilespmem:$0xC490] =	vst v0  }
0x5c: {  	[tilespmem:$0xC4A0] =	vst v0  }
0x5d: {  	[tilespmem:$0xC4B0] =	vst v0  }
0x5e: {  	[tilespmem:$0xC4C0] =	vst v0  }
0x5f: {  	[tilespmem:$0xC4D0] =	vst v0  }
0x60: {  	[tilespmem:$0xC4E0] =	vst v0  }
0x61: {  	[tilespmem:$0xC4F0] =	vst v0  }
0x62: {  	[tilespmem:$0xC500] =	vst v0  }
0x63: {  	[tilespmem:$0xC510] =	vst v0  }
0x64: {  	[tilespmem:$0xC520] =	vst v0  }
0x65: {  	[tilespmem:$0xC530] =	vst v0  }
0x66: {  	[tilespmem:$0xC540] =	vst v0  }
0x67: {  	[tilespmem:$0xC550] =	vst v0  }
0x68: {  	[tilespmem:$0xC560] =	vst v0  }
0x69: {  	[tilespmem:$0xC570] =	vst v0  }
0x6a: {  	[tilespmem:$0xC580] =	vst v0  }
0x6b: {  	[tilespmem:$0xC590] =	vst v0  }
0x6c: {  	[tilespmem:$0xC5A0] =	vst v0  }
0x6d: {  	[tilespmem:$0xC5B0] =	vst v0  }
0x6e: {  	[tilespmem:$0xC5C0] =	vst v0  }
0x6f: {  	[tilespmem:$0xC5D0] =	vst v0  }
0x70: {  	[tilespmem:$0xC5E0] =	vst v0  }
0x71: {  	[tilespmem:$0xC5F0] =	vst v0  }
0x72: {  	[tilespmem:$0xC600] =	vst v0  }
0x73: {  	[tilespmem:$0xC610] =	vst v0  }
0x74: {  	[tilespmem:$0xC620] =	vst v0  }
0x75: {  	[tilespmem:$0xC630] =	vst v0  }
0x76: {  	[tilespmem:$0xC640] =	vst v0  }
0x77: {  	[tilespmem:$0xC650] =	vst v0  }
0x78: {  	[tilespmem:$0xC660] =	vst v0  }
0x79: {  	[tilespmem:$0xC670] =	vst v0  }
0x7a: {  	[tilespmem:$0xC680] =	vst v0  }
0x7b: {  	[tilespmem:$0xC690] =	vst v0  }
0x7c: {  	[tilespmem:$0xC6A0] =	vst v0  }
0x7d: {  	[tilespmem:$0xC6B0] =	vst v0  }
0x7e: {  	[tilespmem:$0xC6C0] =	vst v0  }
0x7f: {  	[tilespmem:$0xC6D0] =	vst v0  }
0x80: {  	[tilespmem:$0xC6E0] =	vst v0  }
0x81: {  	[tilespmem:$0xC6F0] =	vst v0  }
0x82: {  	[tilespmem:$0xC700] =	vst v0  }
0x83: {  	[tilespmem:$0xC710] =	vst v0  }
0x84: {  	[tilespmem:$0xC720] =	vst v0  }
0x85: {  	[tilespmem:$0xC730] =	vst v0  }
0x86: {  	[tilespmem:$0xC740] =	vst v0  }
0x87: {  	[tilespmem:$0xC750] =	vst v0  }
0x88: {  	[tilespmem:$0xC760] =	vst v0  }
0x89: {  	[tilespmem:$0xC770] =	vst v0  }
0x8a: {  	[tilespmem:$0xC780] =	vst v0  }
0x8b: {  	[tilespmem:$0xC790] =	vst v0  }
0x8c: {  	[tilespmem:$0xC7A0] =	vst v0  }
0x8d: {  	[tilespmem:$0xC7B0] =	vst v0  }
0x8e: {  	[tilespmem:$0xC7C0] =	vst v0  }
0x8f: {  	[tilespmem:$0xC7D0] =	vst v0  }
0x90: {  	[tilespmem:$0xC7E0] =	vst v0  }
0x91: {  	[tilespmem:$0xC7F0] =	vst v0  }
0x92: {  	[tilespmem:$0xC800] =	vst v0  }
0x93: {  	[tilespmem:$0xC810] =	vst v0  }
0x94: {  	[tilespmem:$0xC820] =	vst v0  }
0x95: {  	[tilespmem:$0xC830] =	vst v0  }
0x96: {  	[tilespmem:$0xC840] =	vst v0  }
0x97: {  	[tilespmem:$0xC850] =	vst v0  }
0x98: {  	[tilespmem:$0xC860] =	vst v0  }
0x99: {  	[tilespmem:$0xC870] =	vst v0  }
0x9a: {  	[tilespmem:$0xC880] =	vst v0  }
0x9b: {  	[tilespmem:$0xC890] =	vst v0  }
0x9c: {  	[tilespmem:$0xC8A0] =	vst v0  }
0x9d: {  	[tilespmem:$0xC8B0] =	vst v0  }
0x9e: {  	[tilespmem:$0xC8C0] =	vst v0  }
0x9f: {  	[tilespmem:$0xC8D0] =	vst v0  }
0xa0: {  	[tilespmem:$0xC8E0] =	vst v0  }
0xa1: {  	[tilespmem:$0xC8F0] =	vst v0  }
0xa2: {  	[tilespmem:$0xC900] =	vst v0  }
0xa3: {  	[tilespmem:$0xC910] =	vst v0  }
0xa4: {  	[tilespmem:$0xC920] =	vst v0  }
0xa5: {  	[tilespmem:$0xC930] =	vst v0  }
0xa6: {  	[tilespmem:$0xC940] =	vst v0  }
0xa7: {  	[tilespmem:$0xC950] =	vst v0  }
0xa8: {  	[tilespmem:$0xC960] =	vst v0  }
0xa9: {  	[tilespmem:$0xC970] =	vst v0  }
0xaa: {  	[tilespmem:$0xC980] =	vst v0  }
0xab: {  	[tilespmem:$0xC990] =	vst v0  }
0xac: {  	[tilespmem:$0xC9A0] =	vst v0  }
0xad: {  	[tilespmem:$0xC9B0] =	vst v0  }
0xae: {  	[tilespmem:$0xC9C0] =	vst v0  }
0xaf: {  	[tilespmem:$0xC9D0] =	vst v0  }
0xb0: {  	[tilespmem:$0xC9E0] =	vst v0  }
0xb1: {  	[tilespmem:$0xC9F0] =	vst v0  }
0xb2: {  	[tilespmem:$0xCA00] =	vst v0  }
0xb3: {  	[tilespmem:$0xCA10] =	vst v0  }
0xb4: {  	[tilespmem:$0xCA20] =	vst v0  }
0xb5: {  	[tilespmem:$0xCA30] =	vst v0  }
0xb6: {  	[tilespmem:$0xCA40] =	vst v0  }
0xb7: {  	[tilespmem:$0xCA50] =	vst v0  }
0xb8: {  	[tilespmem:$0xCA60] =	vst v0  }
0xb9: {  	[tilespmem:$0xCA70] =	vst v0  }
0xba: {  	[tilespmem:$0xCA80] =	vst v0  }
0xbb: {  	[tilespmem:$0xCA90] =	vst v0  }
0xbc: {  	[tilespmem:$0xCAA0] =	vst v0  }
0xbd: {  	[tilespmem:$0xCAB0] =	vst v0  }
0xbe: {  	[tilespmem:$0xCAC0] =	vst v0  }
0xbf: {  	[tilespmem:$0xCAD0] =	vst v0  }
0xc0: {  	[tilespmem:$0xCAE0] =	vst v0  }
0xc1: {  	[tilespmem:$0xCAF0] =	vst v0  }
0xc2: {  	[tilespmem:$0xCB00] =	vst v0  }
0xc3: {  	[tilespmem:$0xCB10] =	vst v0  }
0xc4: {  	[tilespmem:$0xCB20] =	vst v0  }
0xc5: {  	[tilespmem:$0xCB30] =	vst v0  }
0xc6: {  	[tilespmem:$0xCB40] =	vst v0  }
0xc7: {  	[tilespmem:$0xCB50] =	vst v0  }
0xc8: {  	[tilespmem:$0xCB60] =	vst v0  }
0xc9: {  	[tilespmem:$0xCB70] =	vst v0  }
0xca: {  	[tilespmem:$0xCB80] =	vst v0  }
0xcb: {  	[tilespmem:$0xCB90] =	vst v0  }
0xcc: {  	[tilespmem:$0xCBA0] =	vst v0  }
0xcd: {  	[tilespmem:$0xCBB0] =	vst v0  }
0xce: {  	[tilespmem:$0xCBC0] =	vst v0  }
0xcf: {  	[tilespmem:$0xCBD0] =	vst v0  }
0xd0: {  	[tilespmem:$0xCBE0] =	vst v0  }
0xd1: {  	[tilespmem:$0xCBF0] =	vst v0  }
0xd2: {  	[tilespmem:$0xCC00] =	vst v0  }
0xd3: {  	[tilespmem:$0xCC10] =	vst v0  }
0xd4: {  	[tilespmem:$0xCC20] =	vst v0  }
0xd5: {  	[tilespmem:$0xCC30] =	vst v0  }
0xd6: {  	[tilespmem:$0xCC40] =	vst v0  }
0xd7: {  	[tilespmem:$0xCC50] =	vst v0  }
0xd8: {  	[tilespmem:$0xCC60] =	vst v0  }
0xd9: {  	[tilespmem:$0xCC70] =	vst v0  }
0xda: {  	[tilespmem:$0xCC80] =	vst v0  }
0xdb: {  	[tilespmem:$0xCC90] =	vst v0  }
0xdc: {  	[tilespmem:$0xCCA0] =	vst v0  }
0xdd: {  	[tilespmem:$0xCCB0] =	vst v0  }
0xde: {  	[tilespmem:$0xCCC0] =	vst v0  }
0xdf: {  	[tilespmem:$0xCCD0] =	vst v0  }
0xe0: {  	[tilespmem:$0xCCE0] =	vst v0  }
0xe1: {  	[tilespmem:$0xCCF0] =	vst v0  }
0xe2: {  	[tilespmem:$0xCD00] =	vst v0  }
0xe3: {  	[tilespmem:$0xCD10] =	vst v0  }
0xe4: {  	[tilespmem:$0xCD20] =	vst v0  }
0xe5: {  	[tilespmem:$0xCD30] =	vst v0  }
0xe6: {  	[tilespmem:$0xCD40] =	vst v0  }
0xe7: {  	[tilespmem:$0xCD50] =	vst v0  }
0xe8: {  	[tilespmem:$0xCD60] =	vst v0  }
0xe9: {  	[tilespmem:$0xCD70] =	vst v0  }
0xea: {  	[tilespmem:$0xCD80] =	vst v0  }
0xeb: {  	[tilespmem:$0xCD90] =	vst v0  }
0xec: {  	[tilespmem:$0xCDA0] =	vst v0  }
0xed: {  	[tilespmem:$0xCDB0] =	vst v0  }
0xee: {  	[tilespmem:$0xCDC0] =	vst v0  }
0xef: {  	[tilespmem:$0xCDD0] =	vst v0  }
0xf0: {  	[tilespmem:$0xCDE0] =	vst v0  }
0xf1: {  	[tilespmem:$0xCDF0] =	vst v0  }
0xf2: {  	[tilespmem:$0xCE00] =	vst v0  }
0xf3: {  	[tilespmem:$0xCE10] =	vst v0  }
0xf4: {  	[tilespmem:$0xCE20] =	vst v0  }
0xf5: {  	[tilespmem:$0xCE30] =	vst v0  }
0xf6: {  	[tilespmem:$0xCE40] =	vst v0  }
0xf7: {  	[tilespmem:$0xCE50] =	vst v0  }
0xf8: {  	[tilespmem:$0xCE60] =	vst v0  }
0xf9: {  	[tilespmem:$0xCE70] =	vst v0  }
0xfa: {  	[tilespmem:$0xCE80] =	vst v0  }
0xfb: {  	[tilespmem:$0xCE90] =	vst v0  }
0xfc: {  	[tilespmem:$0xCEA0] =	vst v0  }
0xfd: {  	[tilespmem:$0xCEB0] =	vst v0  }
0xfe: {  	[tilespmem:$0xCEC0] =	vst v0  }
0xff: {  	[tilespmem:$0xCED0] =	vst v0  }
0x100: {  	[tilespmem:$0xCEE0] =	vst v0  }
0x101: {  	[tilespmem:$0xCEF0] =	vst v0  }
0x102: {  	[tilespmem:$0xCF00] =	vst v0  }
0x103: {  	[tilespmem:$0xCF10] =	vst v0  }
0x104: {  	[tilespmem:$0xCF20] =	vst v0  }
0x105: {  	[tilespmem:$0xCF30] =	vst v0  }
0x106: {  	[tilespmem:$0xCF40] =	vst v0  }
0x107: {  	[tilespmem:$0xCF50] =	vst v0  }
0x108: {  	[tilespmem:$0xCF60] =	vst v0  }
0x109: {  	[tilespmem:$0xCF70] =	vst v0  }
0x10a: {  	[tilespmem:$0xCF80] =	vst v0  }
0x10b: {  	[tilespmem:$0xCF90] =	vst v0  }
0x10c: {  	[tilespmem:$0xCFA0] =	vst v0  }
0x10d: {  	[tilespmem:$0xCFB0] =	vst v0  }
0x10e: {  	[tilespmem:$0xCFC0] =	vst v0  }
0x10f: {  	[tilespmem:$0xCFD0] =	vst v0  }
0x110: {  	[tilespmem:$0xCFE0] =	vst v0  }
0x111: {  	[tilespmem:$0xCFF0] =	vst v0  }
0x112: {  	[spmem:s5] =	stream.linear.scatter [tilespmem:s14], [sflag:$0x3], $0x1000, $0x38;
	[tilespmem:$0xD000] =	vst v63  }
0x113: {  	_ =	swait.ge [sflag:s15], $0x1000  }
0x114: {  	[sflag:s15] =	ssyncset.done $0x0  }
0x115: {  	[sflag:s15] =	ssyncadd.s32 $0xFFFFF000  }
0x116: {  	[spmem:s6] =	stream.linear.scatter [tilespmem:s14], [sflag:$0x3], $0x1000, $0x38;
	[tilespmem:$0xD000] =	vst v63  }
0x117: {  	_ =	swait.ge [sflag:s15], $0x1000  }
0x118: {  	[sflag:s15] =	ssyncset.done $0x0  }
0x119: {  	[sflag:s15] =	ssyncadd.s32 $0xFFFFF000  }
0x11a: {  	[spmem:s7] =	stream.linear.scatter [tilespmem:s14], [sflag:$0x3], $0x1000, $0x38;
	[tilespmem:$0xD000] =	vst v63  }
0x11b: {  	_ =	swait.ge [sflag:s15], $0x1000  }
0x11c: {  	[sflag:s15] =	ssyncset.done $0x0  }
0x11d: {  	[sflag:s15] =	ssyncadd.s32 $0xFFFFF000  }
0x11e: {  	[spmem:s8] =	stream.linear.scatter [tilespmem:s14], [sflag:$0x3], $0x1000, $0x38;
	[tilespmem:$0xD000] =	vst v63  }
0x11f: {  	_ =	swait.ge [sflag:s15], $0x1000  }
0x120: {  	[sflag:s15] =	ssyncset.done $0x0  }
0x121: {  	[sflag:s15] =	ssyncadd.s32 $0xFFFFF000  }
0x122: {  	[spmem:s9] =	stream.linear.scatter [tilespmem:s14], [sflag:$0x3], $0x1000, $0x38;
	[tilespmem:$0xD000] =	vst v63  }
0x123: {  	_ =	swait.ge [sflag:s15], $0x1000  }
0x124: {  	[sflag:s15] =	ssyncset.done $0x0  }
0x125: {  	[sflag:s15] =	ssyncadd.s32 $0xFFFFF000  }
0x126: {  	[bflag:$0x0] =	sbarrier.arrive $0xFFFF  }
0x127: {  	[tilespmem:s16], [sflag:$0x3] =	stream.linear.gather [hbm4b:s10+s3], $0x2800, $0x38;
	[tilespmem:$0xD000] =	vst v63  }
0x128: {  	_ =	swait.ge [sflag:s15], $0x2800  }
0x129: {  	[sflag:s15] =	ssyncset.done $0x0  }
0x12a: {  	[sflag:s15] =	ssyncadd.s32 $0xFFFFD800  }
0x12b: {  	[tilespmem:s17], [sflag:$0x3] =	stream.linear.gather [hbm4b:s11+s3], $0x2800, $0x38;
	[tilespmem:$0xD000] =	vst v63  }
0x12c: {  	_ =	swait.ge [sflag:s15], $0x2800  }
0x12d: {  	[sflag:s15] =	ssyncset.done $0x0  }
0x12e: {  	[sflag:s15] =	ssyncadd.s32 $0xFFFFD800  }
0x12f: {  	[tilespmem:s19], [sflag:$0x1] =	stream.indirect.gather [hbm4b:s4+s18], $0x20, s16, s18, $0xb8;
	[tilespmem:$0xD000] =	vst v63  }
0x130: {  	_ = 	snop  }
0x131: {  	[tilespmem:s21], [sflag:$0x2] =	stream.indirect.gather [hbm4b:s4+s18], $0x20, s20, s18, $0xb8;
	[tilespmem:$0xD000] =	vst v63  }
0x132: {  	_ =	swait.ge [sflag:s22], $0x1000  }
0x133: {  	[sflag:s22] =	ssyncset.done $0x0  }
0x134: {  	s28 =	simm.s32 $0x7800;
	[sflag:s22] =	ssyncadd.s32 $0xFFFFF000  }
0x135: {  	[spmem:s2] =	stream.indirect.scatter.add.f32 [tilespmem:s19], [sflag:$0x3], $0x20, s28, s18, $0xb8;
	[tilespmem:$0xD000] =	vst v63  }
0x136: {  	_ =	swait.ge [sflag:s15], $0x1000  }
0x137: {  	[sflag:s15] =	ssyncset.done $0x0  }
0x138: {  	s28 =	simm.s32 $0x5100;
	[sflag:s15] =	ssyncadd.s32 $0xFFFFF000  }
0x139: {  	[tilespmem:s19], [sflag:$0x1] =	stream.indirect.gather [hbm4b:s4+s18], $0x20, s28, s18, $0xb8;
	[tilespmem:$0xD000] =	vst v63  }
0x13a: {  	_ =	swait.ge [sflag:s23], $0x1000  }
0x13b: {  	[sflag:s23] =	ssyncset.done $0x0  }
0x13c: {  	s28 =	simm.s32 $0x7880;
	[sflag:s23] =	ssyncadd.s32 $0xFFFFF000  }
0x13d: {  	[spmem:s2] =	stream.indirect.scatter.add.f32 [tilespmem:s21], [sflag:$0x3], $0x20, s28, s18, $0xb8;
	[tilespmem:$0xD000] =	vst v63  }
0x13e: {  	_ =	swait.ge [sflag:s15], $0x1000  }
0x13f: {  	[sflag:s15] =	ssyncset.done $0x0  }
0x140: {  	s29 =	simm.s32 $0x5180;
	s28 =	simm.s32 $0x400;
	[sflag:s15] =	ssyncadd.s32 $0xFFFFF000  }
.LBB2_2:
0x141: {  	[tilespmem:s21], [sflag:$0x2] =	stream.indirect.gather [hbm4b:s4+s18], $0x20, s29, s18, $0xb8;
	[tilespmem:$0xD000] =	vst v63  }
0x142: {  	s29 =	smov.u32 s28  }
0x143: {  	p0 =	sne.s32 s28, $0x9800;
	s28 =	sadd.s32 $0x400, s28;
	_ =	swait.ge [sflag:s22], $0x1000  }
0x144: {  	s29 =	sshra.s32 s29, $0x2;
	[sflag:s22] =	ssyncset.done $0x0  }
0x145: {  	s30 =	sadd.s32 $0x7800, s29;
	[sflag:s22] =	ssyncadd.s32 $0xFFFFF000  }
0x146: {  	[spmem:s2] =	stream.indirect.scatter.add.f32 [tilespmem:s19], [sflag:$0x3], $0x20, s30, s18, $0xb8;
	[tilespmem:$0xD000] =	vst v63  }
0x147: {  	_ =	swait.ge [sflag:s15], $0x1000  }
0x148: {  	[sflag:s15] =	ssyncset.done $0x0  }
0x149: {  	s30 =	sadd.s32 $0x5100, s29;
	[sflag:s15] =	ssyncadd.s32 $0xFFFFF000  }
0x14a: {  	[tilespmem:s19], [sflag:$0x1] =	stream.indirect.gather [hbm4b:s4+s18], $0x20, s30, s18, $0xb8;
	[tilespmem:$0xD000] =	vst v63  }
0x14b: {  	_ =	swait.ge [sflag:s23], $0x1000  }
0x14c: {  	[sflag:s23] =	ssyncset.done $0x0  }
.Ltmp0:
0x14d: {  	s30 =	sadd.s32 $0x7880, s29;
	[sflag:s23] =	ssyncadd.s32 $0xFFFFF000;
	(pc) =	sbr.rel @p0 .LBB2_2-.Ltmp0, $4  }
0x14e: {  	[spmem:s2] =	stream.indirect.scatter.add.f32 [tilespmem:s21], [sflag:$0x3], $0x20, s30, s18, $0xb8;
	[tilespmem:$0xD000] =	vst v63  }
0x14f: {  	_ =	swait.ge [sflag:s15], $0x1000  }
0x150: {  	[sflag:s15] =	ssyncset.done $0x0  }
0x151: {  	s29 =	sadd.s32 $0x5180, s29;
	[sflag:s15] =	ssyncadd.s32 $0xFFFFF000  }
0x152: {  	[tilespmem:s21], [sflag:$0x2] =	stream.indirect.gather [hbm4b:s4+s18], $0x20, s29, s18, $0xb8;
	[tilespmem:$0xD000] =	vst v63  }
0x153: {  	_ =	swait.ge [sflag:s22], $0x1000  }
0x154: {  	[sflag:s22] =	ssyncset.done $0x0  }
0x155: {  	[sflag:s22] =	ssyncadd.s32 $0xFFFFF000  }
0x156: {  	[spmem:s2] =	stream.indirect.scatter.add.f32 [tilespmem:s19], [sflag:$0x3], $0x20, s24, s18, $0xb8;
	[tilespmem:$0xD000] =	vst v63  }
0x157: {  	_ =	swait.ge [sflag:s15], $0x1000  }
0x158: {  	[sflag:s15] =	ssyncset.done $0x0  }
0x159: {  	[sflag:s15] =	ssyncadd.s32 $0xFFFFF000  }
0x15a: {  	_ =	swait.ge [sflag:s23], $0x1000  }
0x15b: {  	[sflag:s23] =	ssyncset.done $0x0  }
0x15c: {  	[sflag:s23] =	ssyncadd.s32 $0xFFFFF000  }
0x15d: {  	[spmem:s2] =	stream.indirect.scatter.add.f32 [tilespmem:s21], [sflag:$0x3], $0x20, s25, s18, $0xb8;
	[tilespmem:$0xD000] =	vst v63  }
0x15e: {  	_ =	swait.ge [sflag:s15], $0x1000  }
0x15f: {  	s28 =	sshll.u32 s1, $0x6;
	s26 =	sadd.s32 $0x1, s26;
	[sflag:s15] =	ssyncset.done $0x0  }
0x160: {  	s31 =	sshrl.u32 s5, $0x3;
	p0 =	sne.s32 s26, s13;
	[sflag:s15] =	ssyncadd.s32 $0xFFFFF000  }
.Ltmp1:
0x161: {  	s28 =	sor.u32 $0x1C03, s28;
	[bflag:$0x0] =	sbarrier.arrive $0xFFFF;
	(pc) =	sbr.rel @p0 .LBB2_1-.Ltmp1, $4  }
0x162: {  	[hbm:s12], [sflag:s28] =	dma.local [spmem:s31], $0xA00  }
0x163: {  	_ =	swait.ge [sflag:s15], $0xA00  }
0x164: {  	[sflag:s15] =	ssyncset.done $0x0  }
0x165: {  	[sflag:s15] =	ssyncadd.s32 $0xFFFFF600  }
0x166: {  	_ =	sfence.sel $0x180000  }
0x167: {  	[bflag:$0x0] =	sbarrier.arrive $0xFFFF  }
0x168: {  	p0 =	sne.s32 s1, $0x0;
	_ =	strace $0x9000004D  }
0x169: {  	s0 =	sadd.s32 @!p0 $0x100000, s0;
	[bflag:$0x2] =	sbarrier.arrive $0xFFFF  }
0x16a: {  	[sflag:s0] =	ssyncadd.tile.s32 @!p0 $0x1;
	_ =	shalt  }
.Lfunc_end2:
_tile_overlayer_lowered:
.L_overlay_start_2:
0x16b: {  	(tag) =	ssettag $0x2  }
0x16c: {  	s0 =	rddreg [dreg:$0x0];
	s2 =	stileid.u32  }
0x16d: {  	s1 =	rddreg [dreg:$0x1];
	p0 =	sne.s32 s2, $0x0  }
0x16e: {  	s3 =	rddreg [dreg:$0x2];
	[bflag:$0x3] =	sbarrier.arrive $0xFFFF;
	s2 =	simm.s32 @!p0 $0x1C03  }
0x16f: {  	[timem:s3], [sflag:s2] =	dma.local @!p0 [hbm:s0], s1  }
0x170: {  	s0 =	simm.s32 @!p0 $0x3  }
0x171: {  	_ =	swait.ge @!p0 [sflag:s0], s1  }
0x172: {  	s1 =	ssub.s32 @!p0 $0x0, s1;
	[sflag:s0] =	ssyncset.done @!p0 $0x0  }
0x173: {  	[sflag:s0] =	ssyncadd.s32 @!p0 s1  }
0x174: {  	[bflag:$0x3] =	sbarrier.arrive $0xFFFF  }
0x175: {  	_ =	shalt  }

// kernel: kernel.7.cloned.1.call-start
scs
__scs_entry_jumppad:
0x0: {  	(pc) =	sbr.rel $0x88, $3  }
0x1: {  	(tag) =	ssettag $0x0;
	lr =	simm.s32 $0x1  }
0x2: {  	[smem:$0x3F9B] =	sst lr;
	_ =	strace $0xD0000000  }
0x3: {  	_ = 	snop  }
0x4: {  	_ = 	snop  }
0x5: {  	_ = 	snop  }
0x6: {  	_ = 	snop  }
0x7: {  	_ = 	snop  }
__scs_overlays_trampoline_lowered:
0x8: {  	[smem:$0x3FAA] =	sst s0  }
0x9: {  	[smem:$0x3FAB] =	sst s1  }
0xa: {  	[smem:$0x3FAC] =	sst s2  }
0xb: {  	[smem:$0x3FAD] =	sst s3  }
0xc: {  	[smem:$0x3FAE] =	sst s4  }
0xd: {  	[smem:$0x3FAF] =	sst s5  }
0xe: {  	[smem:$0x3FB0] =	sst s6  }
0xf: {  	[smem:$0x3FB1] =	sst s7  }
0x10: {  	[smem:$0x3FB2] =	sst s8  }
0x11: {  	[smem:$0x3FB3] =	sst s9;
	s0 =	simm.s32 @!p0 $0x0  }
0x12: {  	s1 =	sld [smem:$0x3F99];
	s0 =	simm.s32 @p0 $0x1  }
0x13: {  	[smem:$0x3FB4] =	sst s0;
	s0 =	simm.s32 @!p1 $0x0  }
0x14: {  	s2 =	sld [smem:$0x3F98];
	s0 =	simm.s32 @p1 $0x1  }
0x15: {  	[smem:$0x3FB5] =	sst s0;
	s0 =	simm.s32 @!p2 $0x0  }
0x16: {  	s3 =	sld [smem:$0x3FDB];
	s0 =	simm.s32 @p2 $0x1  }
0x17: {  	s4 =	simm.s32 $0x1BF5;
	[smem:$0x3FB7] =	sst s0  }
0x18: {  	s0 =	sld [smem:$0x3F9A];
	_ =	swait.ge [sflag:s4], $0x0  }
0x19: {  	s7 =	sld [smem:$0x3F9B]  }
0x1a: {  	s8 =	sadd.s32 $0xFFFFE003, lr  }
0x1b: {  	s9 =	sadd.s32 $0xFFFFFEF7, lr;
	s5 =	simm.s32 $0xFFFFFFFF;
	p2 =	slt.u32 s8, $0xFFFFF086  }
0x1c: {  	p1 =	slt.u32 s9, $0xF7A;
	s5 =	simm.s32 @!p2 $0x0  }
0x1d: {  	s5 =	simm.s32 @p1 $0x1;
	p0 =	seq.s32 s7, s2  }
0x1e: {  	s7 =	smul.u32 @!p0 $0xF7A, s2;
	p2 =	seq.s32 @!p0 s5, $0x0  }
0x1f: {  	s9 =	smul.u32 $0xF7A, s1;
	s8 =	simm.s32 @!p0 $0x1BF5;
	p2 =	por !p2, p0  }
0x20: {  	[sflag:s8] =	ssyncset.s32 @!p0 $0xFFFFF086;
	s6 =	sadd.s32 @!p0 s3, s7;
	s7 =	simm.s32 @!p0 $0x108  }
0x21: {  	s3 =	sadd.s32 s3, s9;
	s6 =	sadd.s32 @!p0 $0x88, s6;
	s7 =	simm.s32 @p2 $0x1082  }
0x22: {  	[simem:s7], [sflag:s8] =	dma.local @!p0 [hbm:s6], $0xF7A  }
0x23: {  	s9 =	sor.u32 $0xD0000000, s2;
	s6 =	simm.s32 $0x108;
	_ =	swait.ge @!p0 [sflag:s8], $0x0  }
0x24: {  	s3 =	sadd.s32 $0x88, s3;
	s6 =	simm.s32 @!p1 $0x1082;
	[sflag:s4] =	ssyncset.s32 $0xFFFFF086  }
0x25: {  	[simem:s6], [sflag:s4] =	dma.local [hbm:s3], $0xF7A  }
0x26: {  	[smem:$0x3F9B] =	sst s1;
	(tag) =	ssettag s2;
	_ =	strace s9  }
0x27: {  	s1 =	sld [smem:$0x3FAB]  }
0x28: {  	s2 =	sld [smem:$0x3FAC]  }
0x29: {  	s4 =	sld [smem:$0x3FAE]  }
0x2a: {  	p0 =	seq.s32 s5, $0x0;
	s5 =	sld [smem:$0x3FAF]  }
0x2b: {  	s6 =	sld [smem:$0x3FB0]  }
0x2c: {  	s7 =	sld [smem:$0x3FB1]  }
0x2d: {  	s3 =	simm.s32 $0x108;
	s8 =	sld [smem:$0x3FB2]  }
0x2e: {  	s3 =	simm.s32 @!p0 $0x1082;
	s9 =	sld [smem:$0x3FB3]  }
0x2f: {  	lr =	sadd.s32 s0, s3;
	s0 =	sld [smem:$0x3FAA]  }
0x30: {  	s3 =	sld [smem:$0x3FAD]  }
0x31: {  	[smem:$0x3FB6] =	sst s10  }
0x32: {  	s10 =	sld [smem:$0x3FB4];
	_ =	sdelay $0x3  }
0x33: {  	p0 =	seq.s32 s10, $0x1;
	s10 =	sld [smem:$0x3FB6];
	_ =	sdelay $0x3  }
0x34: {  	[smem:$0x3FB6] =	sst s10  }
0x35: {  	s10 =	sld [smem:$0x3FB5];
	_ =	sdelay $0x3  }
0x36: {  	p1 =	seq.s32 s10, $0x1;
	s10 =	sld [smem:$0x3FB6];
	_ =	sdelay $0x3  }
0x37: {  	[smem:$0x3FB6] =	sst s10  }
0x38: {  	s10 =	sld [smem:$0x3FB7]  }
0x39: {  	_ = 	snop;
	(pc) =	sbr.ind lr, $3  }
0x3a: {  	_ = 	snop  }
0x3b: {  	_ = 	snop  }
0x3c: {  	p2 =	seq.s32 s10, $0x1;
	s10 =	sld [smem:$0x3FB6]  }
0x3d: {  	_ =	shalt  }
0x3e: {  	_ =	shalt  }
0x3f: {  	_ =	shalt  }
0x40: {  	_ =	shalt  }
0x41: {  	_ =	shalt  }
0x42: {  	_ =	shalt  }
0x43: {  	_ =	shalt  }
0x44: {  	_ =	shalt  }
0x45: {  	_ =	shalt  }
0x46: {  	_ =	shalt  }
0x47: {  	_ =	shalt  }
0x48: {  	_ =	shalt  }
0x49: {  	_ =	shalt  }
0x4a: {  	_ =	shalt  }
0x4b: {  	_ =	shalt  }
0x4c: {  	_ =	shalt  }
0x4d: {  	_ =	shalt  }
0x4e: {  	_ =	shalt  }
0x4f: {  	_ =	shalt  }
0x50: {  	_ =	shalt  }
0x51: {  	_ =	shalt  }
0x52: {  	_ =	shalt  }
0x53: {  	_ =	shalt  }
0x54: {  	_ =	shalt  }
0x55: {  	_ =	shalt  }
0x56: {  	_ =	shalt  }
0x57: {  	_ =	shalt  }
0x58: {  	_ =	shalt  }
0x59: {  	_ =	shalt  }
0x5a: {  	_ =	shalt  }
0x5b: {  	_ =	shalt  }
0x5c: {  	_ =	shalt  }
0x5d: {  	_ =	shalt  }
0x5e: {  	_ =	shalt  }
0x5f: {  	_ =	shalt  }
0x60: {  	_ =	shalt  }
0x61: {  	_ =	shalt  }
0x62: {  	_ =	shalt  }
0x63: {  	_ =	shalt  }
0x64: {  	_ =	shalt  }
0x65: {  	_ =	shalt  }
0x66: {  	_ =	shalt  }
0x67: {  	_ =	shalt  }
0x68: {  	_ =	shalt  }
0x69: {  	_ =	shalt  }
0x6a: {  	_ =	shalt  }
0x6b: {  	_ =	shalt  }
0x6c: {  	_ =	shalt  }
0x6d: {  	_ =	shalt  }
0x6e: {  	_ =	shalt  }
0x6f: {  	_ =	shalt  }
0x70: {  	_ =	shalt  }
0x71: {  	_ =	shalt  }
0x72: {  	_ =	shalt  }
0x73: {  	_ =	shalt  }
0x74: {  	_ =	shalt  }
0x75: {  	_ =	shalt  }
0x76: {  	_ =	shalt  }
0x77: {  	_ =	shalt  }
0x78: {  	_ =	shalt  }
0x79: {  	_ =	shalt  }
0x7a: {  	_ =	shalt  }
0x7b: {  	_ =	shalt  }
0x7c: {  	_ =	shalt  }
0x7d: {  	_ =	shalt  }
0x7e: {  	_ =	shalt  }
0x7f: {  	_ =	shalt  }
0x80: {  	_ =	shalt  }
0x81: {  	_ =	shalt  }
0x82: {  	_ =	shalt  }
0x83: {  	_ =	shalt  }
0x84: {  	_ =	shalt  }
0x85: {  	_ =	shalt  }
0x86: {  	_ =	shalt  }
0x87: {  	_ =	shalt  }
.Lfunc_end0:
.L_simem_size_0:
called_computation_lowered:
.L_overlay_start_0:
0x88: {  	s2 =	sld [smem:$0x3FD9]  }
0x89: {  	s3 =	sld [smem:$0x3FFE];
	_ =	sdelay $0x1  }
0x8a: {  	s1 =	srdreg.scid  }
0x8b: {  	s0 =	sand.u32 $0x1, s1  }
0x8c: {  	s16 =	sshll.u32 s0, $0xA;
	s2 =	sadd.s32 s3, s2  }
0x8d: {  	s2 =	sadd.s32 s2, s16  }
0x8e: {  	[smem:$0x3FC2] =	sst s2  }
0x8f: {  	_ = 	snop  }
0x90: {  	(tm) =	ssettm $0x1  }
0x91: {  	s17 =	sld [smem:$0x3FFB];
	_ =	sdelay $0x3  }
0x92: {  	_ =	strace s17  }
0x93: {  	s2 =	sld [smem:$0x3FFC];
	_ =	sdelay $0x3  }
0x94: {  	_ =	strace s2  }
0x95: {  	s2 =	sld [smem:$0x3FFD];
	_ =	sdelay $0x3  }
0x96: {  	_ =	strace s2  }
0x97: {  	_ =	strace $0x8FFFFFFF  }
0x98: {  	s18 =	sld [smem:$0x3FDB];
	_ =	sdelay $0x1  }
0x99: {  	s19 =	simm.s32 $_scs_section_size  }
0x9a: {  	s4 =	simm.s32 $_size__tile_overlayer_lowered;
	s5 =	simm.s32 $_tile_overlayer_lowered  }
0x9b: {  	s22 =	simm.s32 $0x1BFF;
	s21 =	sshll.u32 s5, $0x1;
	s2 =	sadd.s32 s19, s18  }
0x9c: {  	s6 =	simm.s32 $0x0;
	s20 =	sshll.u32 s4, $0x1;
	s4 =	sadd.s32 s21, s2  }
0x9d: {  	[timem:s6], [sflag:s22] =	dma.local [hbm:s4], s20  }
0x9e: {  	_ =	swait.ge [sflag:s22], s20  }
0x9f: {  	s3 =	ssub.s32 $0x0, s20;
	[sflag:s22] =	ssyncset.done $0x0  }
0xa0: {  	[sflag:s22] =	ssyncadd.s32 s3;
	_ =	sdelay $0x1  }
0xa1: {  	s23 =	simm.s32 $0x1B8B  }
0xa2: {  	_ =	swait.ge [sflag:s23], $0x1  }
0xa3: {  	[sflag:s23] =	ssyncset.done $0x0  }
0xa4: {  	s25 =	simm.s32 $0x1B8E;
	s24 =	sld [smem:$0x3FFE];
	[sflag:s23] =	ssyncadd.s32 $0xFFFFFFFF  }
0xa5: {  	s26 =	simm.s32 $execute0_lowered;
	[smem:$0x3FD2] =	sst s25  }
0xa6: {  	s4 =	sshll.u32 s26, $0x1;
	_ =	strace $0x80000046;
	[dreg:$0x1] =	wrdreg $0xFFFFFFFF  }
0xa7: {  	s28 =	simm.s32 $_size_execute0_lowered;
	s2 =	sadd.s32 s2, s4;
	[dreg:$0x0] =	wrdreg $0x0  }
0xa8: {  	s4 =	sshll.u32 s28, $0x1;
	[dreg:$0x2] =	wrdreg s2  }
0xa9: {  	[dreg:$0x3] =	wrdreg s4  }
0xaa: {  	[dreg:$0x4] =	wrdreg $0xC0  }
0xab: {  	_ =	task [dreg:s6], $0x5FFFF  }
0xac: {  	[dreg:$0x1] =	wrdreg $0xFFFFFFFF  }
0xad: {  	[dreg:$0x0] =	wrdreg $0x60  }
0xae: {  	[dreg:$0x2] =	wrdreg s24  }
0xaf: {  	[dreg:$0x3] =	wrdreg $0x0  }
0xb0: {  	[dreg:$0x4] =	wrdreg $0x28000  }
0xb1: {  	[dreg:$0x5] =	wrdreg $0x9  }
0xb2: {  	_ =	task.clear_ibuf [dreg:s6], $0x6FFFF;
	_ =	strace $0x90000046  }
0xb3: {  	s29 =	simm.s32 $0x9;
	_ =	strace $0x80000048  }
0xb4: {  	_ =	swait.ge [sflag:s29], $0x1  }
0xb5: {  	[sflag:s29] =	ssyncadd.s32 $0xFFFFFFFF  }
0xb6: {  	_ =	strace $0x90000048  }
0xb7: {  	_ =	sfence  }
0xb8: {  	s30 =	sld [smem:$0x0];
	_ =	sdelay $0x2  }
0xb9: {  	s31 =	sshll.u32 s1, $0xD;
	s1 =	sshrl.u32 s1, $0x2  }
0xba: {  	s3 =	sand.u32 $0x4000, s31;
	s1 =	sadd.s32 s1, s30  }
0xbb: {  	s0 =	sor.u32 s3, s0;
	s1 =	sshll.u32 s1, $0x11  }
0xbc: {  	s0 =	sor.u32 s1, s0  }
0xbd: {  	s0 =	sadd.s32 $0x8F2B, s0  }
0xbe: {  	[sflag:s0] =	ssyncadd.remote.s32 $0x1  }
0xbf: {  	_ =	sfence.sel $0xFFFF  }
0xc0: {  	[dreg:$0x0] =	wrdreg $0xFFFFFFFF;
	(pc) =	sbr.abs _section_cstart, $3  }
0xc1: {  	[dreg:$0x1] =	wrdreg $0xFFFFFFFF  }
0xc2: {  	_ =	task.clear_ibuf [dreg:s6], $0x2FFFF;
	_ =	strace $0x9FFFFFFF  }
0xc3: {  	(tm) =	ssettm $0x7FFFFFFF  }
tec
execute0_lowered:
.L_overlay_start_1:
0x0: {  	(tag) =	ssettag $0x1  }
0x1: {  	s5 =	rddreg [dreg:$0x0]  }
0x2: {  	s1 =	srdreg.scid;
	s2 =	rddreg [dreg:$0x1]  }
0x3: {  	s0 =	stileid.u32;
	s3 =	rddreg [dreg:$0x2]  }
0x4: {  	s4 =	simm.s32 $0x0;
	s20 =	simm.s32 $0xA000;
	s21 =	simm.s32 $0x2  }
0x5: {  	s22 =	simm.s32 $0x5000;
	s23 =	simm.s32 $0x7800;
	s24 =	simm.s32 $0x80  }
0x6: {  	s25 =	simm.s32 $0x1;
	s26 =	simm.s32 $0x0;
	s6 =	sand.u32 $0x1, s1  }
0x7: {  	s12 =	smul.u32 $0x2800, s0;
	[smem:$0x7FF] =	sst s4;
	s7 =	sshll.u32 s6, $0x4  }
0x8: {  	s8 =	smul.u32 $0x28000, s6;
	_ =	strace $0x80000047;
	s6 =	ssub.s32 $0x2, s6  }
0x9: {  	s7 =	sor.u32 s0, s7;
	s30 =	sshrl.u32 s6, $0x1;
	s31 =	sadd.s32 $0x800, s12  }
0xa: {  	s10 =	sadd.s32 $0x1000, s12;
	s13 =	sadd.s32 $0x1800, s12;
	s14 =	sadd.s32 $0x2000, s12  }
0xb: {  	s7 =	smul.u32 $0x500, s7;
	s8 =	sadd.s32 s12, s8;
	s19 =	ssub.s32 s6, s30  }
0xc: {  	s6 =	sadd.s32 s12, s3;
	s9 =	sadd.s32 s10, s2;
	s10 =	sadd.s32 s10, s3  }
0xd: {  	s11 =	sadd.s32 s13, s2;
	s8 =	sshrl.u32 s8, $0x3;
	s19 =	smax.u32 s19, $0x1  }
0xe: {  	s16 =	sadd.s32 s7, s5;
	s18 =	sadd.s32 s8, s5;
	s5 =	sadd.s32 s12, s2  }
0xf: {  	s7 =	sadd.s32 s31, s2;
	s8 =	sadd.s32 s31, s3;
	s12 =	sadd.s32 s13, s3  }
0x10: {  	s13 =	sadd.s32 s14, s2;
	s14 =	sadd.s32 s14, s3;
	s15 =	sadd.s32 $0xB400, s16  }
0x11: {  	v0 =	vimm.f32 $0.0e+00;
	v1 =	vimm.f32 $1.000000000e+00;
	s16 =	sadd.s32 $0x1400, s16;
	s17 =	sadd.s32 $0x1F400, s18;
	s18 =	sadd.s32 $0x15400, s18  }
.LBB2_1:
0x12: {  	[tilespmem:$0xA000] =	vst v0  }
0x13: {  	[tilespmem:$0xA010] =	vst v0  }
0x14: {  	[tilespmem:$0xA020] =	vst v0  }
0x15: {  	[tilespmem:$0xA030] =	vst v0  }
0x16: {  	[tilespmem:$0xA040] =	vst v0  }
0x17: {  	[tilespmem:$0xA050] =	vst v0  }
0x18: {  	[tilespmem:$0xA060] =	vst v0  }
0x19: {  	[tilespmem:$0xA070] =	vst v0  }
0x1a: {  	[tilespmem:$0xA080] =	vst v0  }
0x1b: {  	[tilespmem:$0xA090] =	vst v0  }
0x1c: {  	[tilespmem:$0xA0A0] =	vst v0  }
0x1d: {  	[tilespmem:$0xA0B0] =	vst v0  }
0x1e: {  	[tilespmem:$0xA0C0] =	vst v0  }
0x1f: {  	[tilespmem:$0xA0D0] =	vst v0  }
0x20: {  	[tilespmem:$0xA0E0] =	vst v0  }
0x21: {  	[tilespmem:$0xA0F0] =	vst v0  }
0x22: {  	[tilespmem:$0xA100] =	vst v0  }
0x23: {  	[tilespmem:$0xA110] =	vst v0  }
0x24: {  	[tilespmem:$0xA120] =	vst v0  }
0x25: {  	[tilespmem:$0xA130] =	vst v0  }
0x26: {  	[tilespmem:$0xA140] =	vst v0  }
0x27: {  	[tilespmem:$0xA150] =	vst v0  }
0x28: {  	[tilespmem:$0xA160] =	vst v0  }
0x29: {  	[tilespmem:$0xA170] =	vst v0  }
0x2a: {  	[tilespmem:$0xA180] =	vst v0  }
0x2b: {  	[tilespmem:$0xA190] =	vst v0  }
0x2c: {  	[tilespmem:$0xA1A0] =	vst v0  }
0x2d: {  	[tilespmem:$0xA1B0] =	vst v0  }
0x2e: {  	[tilespmem:$0xA1C0] =	vst v0  }
0x2f: {  	[tilespmem:$0xA1D0] =	vst v0  }
0x30: {  	[tilespmem:$0xA1E0] =	vst v0  }
0x31: {  	[tilespmem:$0xA1F0] =	vst v0  }
0x32: {  	[tilespmem:$0xA200] =	vst v0  }
0x33: {  	[tilespmem:$0xA210] =	vst v0  }
0x34: {  	[tilespmem:$0xA220] =	vst v0  }
0x35: {  	[tilespmem:$0xA230] =	vst v0  }
0x36: {  	[tilespmem:$0xA240] =	vst v0  }
0x37: {  	[tilespmem:$0xA250] =	vst v0  }
0x38: {  	[tilespmem:$0xA260] =	vst v0  }
0x39: {  	[tilespmem:$0xA270] =	vst v0  }
0x3a: {  	[tilespmem:$0xA280] =	vst v0  }
0x3b: {  	[tilespmem:$0xA290] =	vst v0  }
0x3c: {  	[tilespmem:$0xA2A0] =	vst v0  }
0x3d: {  	[tilespmem:$0xA2B0] =	vst v0  }
0x3e: {  	[tilespmem:$0xA2C0] =	vst v0  }
0x3f: {  	[tilespmem:$0xA2D0] =	vst v0  }
0x40: {  	[tilespmem:$0xA2E0] =	vst v0  }
0x41: {  	[tilespmem:$0xA2F0] =	vst v0  }
0x42: {  	[tilespmem:$0xA300] =	vst v0  }
0x43: {  	[tilespmem:$0xA310] =	vst v0  }
0x44: {  	[tilespmem:$0xA320] =	vst v0  }
0x45: {  	[tilespmem:$0xA330] =	vst v0  }
0x46: {  	[tilespmem:$0xA340] =	vst v0  }
0x47: {  	[tilespmem:$0xA350] =	vst v0  }
0x48: {  	[tilespmem:$0xA360] =	vst v0  }
0x49: {  	[tilespmem:$0xA370] =	vst v0  }
0x4a: {  	[tilespmem:$0xA380] =	vst v0  }
0x4b: {  	[tilespmem:$0xA390] =	vst v0  }
0x4c: {  	[tilespmem:$0xA3A0] =	vst v0  }
0x4d: {  	[tilespmem:$0xA3B0] =	vst v0  }
0x4e: {  	[tilespmem:$0xA3C0] =	vst v0  }
0x4f: {  	[tilespmem:$0xA3D0] =	vst v0  }
0x50: {  	[tilespmem:$0xA3E0] =	vst v0  }
0x51: {  	[tilespmem:$0xA3F0] =	vst v0  }
0x52: {  	[tilespmem:$0xA400] =	vst v0  }
0x53: {  	[tilespmem:$0xA410] =	vst v0  }
0x54: {  	[tilespmem:$0xA420] =	vst v0  }
0x55: {  	[tilespmem:$0xA430] =	vst v0  }
0x56: {  	[tilespmem:$0xA440] =	vst v0  }
0x57: {  	[tilespmem:$0xA450] =	vst v0  }
0x58: {  	[tilespmem:$0xA460] =	vst v0  }
0x59: {  	[tilespmem:$0xA470] =	vst v0  }
0x5a: {  	[tilespmem:$0xA480] =	vst v0  }
0x5b: {  	[tilespmem:$0xA490] =	vst v0  }
0x5c: {  	[tilespmem:$0xA4A0] =	vst v0  }
0x5d: {  	[tilespmem:$0xA4B0] =	vst v0  }
0x5e: {  	[tilespmem:$0xA4C0] =	vst v0  }
0x5f: {  	[tilespmem:$0xA4D0] =	vst v0  }
0x60: {  	[tilespmem:$0xA4E0] =	vst v0  }
0x61: {  	[tilespmem:$0xA4F0] =	vst v0  }
0x62: {  	[tilespmem:$0xA500] =	vst v0  }
0x63: {  	[tilespmem:$0xA510] =	vst v0  }
0x64: {  	[tilespmem:$0xA520] =	vst v0  }
0x65: {  	[tilespmem:$0xA530] =	vst v0  }
0x66: {  	[tilespmem:$0xA540] =	vst v0  }
0x67: {  	[tilespmem:$0xA550] =	vst v0  }
0x68: {  	[tilespmem:$0xA560] =	vst v0  }
0x69: {  	[tilespmem:$0xA570] =	vst v0  }
0x6a: {  	[tilespmem:$0xA580] =	vst v0  }
0x6b: {  	[tilespmem:$0xA590] =	vst v0  }
0x6c: {  	[tilespmem:$0xA5A0] =	vst v0  }
0x6d: {  	[tilespmem:$0xA5B0] =	vst v0  }
0x6e: {  	[tilespmem:$0xA5C0] =	vst v0  }
0x6f: {  	[tilespmem:$0xA5D0] =	vst v0  }
0x70: {  	[tilespmem:$0xA5E0] =	vst v0  }
0x71: {  	[tilespmem:$0xA5F0] =	vst v0  }
0x72: {  	[tilespmem:$0xA600] =	vst v0  }
0x73: {  	[tilespmem:$0xA610] =	vst v0  }
0x74: {  	[tilespmem:$0xA620] =	vst v0  }
0x75: {  	[tilespmem:$0xA630] =	vst v0  }
0x76: {  	[tilespmem:$0xA640] =	vst v0  }
0x77: {  	[tilespmem:$0xA650] =	vst v0  }
0x78: {  	[tilespmem:$0xA660] =	vst v0  }
0x79: {  	[tilespmem:$0xA670] =	vst v0  }
0x7a: {  	[tilespmem:$0xA680] =	vst v0  }
0x7b: {  	[tilespmem:$0xA690] =	vst v0  }
0x7c: {  	[tilespmem:$0xA6A0] =	vst v0  }
0x7d: {  	[tilespmem:$0xA6B0] =	vst v0  }
0x7e: {  	[tilespmem:$0xA6C0] =	vst v0  }
0x7f: {  	[tilespmem:$0xA6D0] =	vst v0  }
0x80: {  	[tilespmem:$0xA6E0] =	vst v0  }
0x81: {  	[tilespmem:$0xA6F0] =	vst v0  }
0x82: {  	[tilespmem:$0xA700] =	vst v0  }
0x83: {  	[tilespmem:$0xA710] =	vst v0  }
0x84: {  	[tilespmem:$0xA720] =	vst v0  }
0x85: {  	[tilespmem:$0xA730] =	vst v0  }
0x86: {  	[tilespmem:$0xA740] =	vst v0  }
0x87: {  	[tilespmem:$0xA750] =	vst v0  }
0x88: {  	[tilespmem:$0xA760] =	vst v0  }
0x89: {  	[tilespmem:$0xA770] =	vst v0  }
0x8a: {  	[tilespmem:$0xA780] =	vst v0  }
0x8b: {  	[tilespmem:$0xA790] =	vst v0  }
0x8c: {  	[tilespmem:$0xA7A0] =	vst v0  }
0x8d: {  	[tilespmem:$0xA7B0] =	vst v0  }
0x8e: {  	[tilespmem:$0xA7C0] =	vst v0  }
0x8f: {  	[tilespmem:$0xA7D0] =	vst v0  }
0x90: {  	[tilespmem:$0xA7E0] =	vst v0  }
0x91: {  	[tilespmem:$0xA7F0] =	vst v0  }
0x92: {  	[spmem:s5] =	stream.linear.scatter [tilespmem:s20], [sflag:$0x2], $0x800, $0x38;
	[tilespmem:$0xA800] =	vst v63  }
0x93: {  	_ =	swait.ge [sflag:s21], $0x800  }
0x94: {  	[sflag:s21] =	ssyncset.done $0x0  }
0x95: {  	[sflag:s21] =	ssyncadd.s32 $0xFFFFF800  }
0x96: {  	[spmem:s6] =	stream.linear.scatter [tilespmem:s20], [sflag:$0x2], $0x800, $0x38;
	[tilespmem:$0xA800] =	vst v63  }
0x97: {  	_ =	swait.ge [sflag:s21], $0x800  }
0x98: {  	[sflag:s21] =	ssyncset.done $0x0  }
0x99: {  	[sflag:s21] =	ssyncadd.s32 $0xFFFFF800  }
0x9a: {  	[spmem:s7] =	stream.linear.scatter [tilespmem:s20], [sflag:$0x2], $0x800, $0x38;
	[tilespmem:$0xA800] =	vst v63  }
0x9b: {  	_ =	swait.ge [sflag:s21], $0x800  }
0x9c: {  	[sflag:s21] =	ssyncset.done $0x0  }
0x9d: {  	[sflag:s21] =	ssyncadd.s32 $0xFFFFF800  }
0x9e: {  	[spmem:s8] =	stream.linear.scatter [tilespmem:s20], [sflag:$0x2], $0x800, $0x38;
	[tilespmem:$0xA800] =	vst v63  }
0x9f: {  	_ =	swait.ge [sflag:s21], $0x800  }
0xa0: {  	[sflag:s21] =	ssyncset.done $0x0  }
0xa1: {  	[sflag:s21] =	ssyncadd.s32 $0xFFFFF800  }
0xa2: {  	[spmem:s9] =	stream.linear.scatter [tilespmem:s20], [sflag:$0x2], $0x800, $0x38;
	[tilespmem:$0xA800] =	vst v63  }
0xa3: {  	_ =	swait.ge [sflag:s21], $0x800  }
0xa4: {  	[sflag:s21] =	ssyncset.done $0x0  }
0xa5: {  	[sflag:s21] =	ssyncadd.s32 $0xFFFFF800  }
0xa6: {  	[spmem:s10] =	stream.linear.scatter [tilespmem:s20], [sflag:$0x2], $0x800, $0x38;
	[tilespmem:$0xA800] =	vst v63  }
0xa7: {  	_ =	swait.ge [sflag:s21], $0x800  }
0xa8: {  	[sflag:s21] =	ssyncset.done $0x0  }
0xa9: {  	[sflag:s21] =	ssyncadd.s32 $0xFFFFF800  }
0xaa: {  	[spmem:s11] =	stream.linear.scatter [tilespmem:s20], [sflag:$0x2], $0x800, $0x38;
	[tilespmem:$0xA800] =	vst v63  }
0xab: {  	_ =	swait.ge [sflag:s21], $0x800  }
0xac: {  	[sflag:s21] =	ssyncset.done $0x0  }
0xad: {  	[sflag:s21] =	ssyncadd.s32 $0xFFFFF800  }
0xae: {  	[spmem:s12] =	stream.linear.scatter [tilespmem:s20], [sflag:$0x2], $0x800, $0x38;
	[tilespmem:$0xA800] =	vst v63  }
0xaf: {  	_ =	swait.ge [sflag:s21], $0x800  }
0xb0: {  	[sflag:s21] =	ssyncset.done $0x0  }
0xb1: {  	[sflag:s21] =	ssyncadd.s32 $0xFFFFF800  }
0xb2: {  	[spmem:s13] =	stream.linear.scatter [tilespmem:s20], [sflag:$0x2], $0x800, $0x38;
	[tilespmem:$0xA800] =	vst v63  }
0xb3: {  	_ =	swait.ge [sflag:s21], $0x800  }
0xb4: {  	[sflag:s21] =	ssyncset.done $0x0  }
0xb5: {  	[sflag:s21] =	ssyncadd.s32 $0xFFFFF800  }
0xb6: {  	[spmem:s14] =	stream.linear.scatter [tilespmem:s20], [sflag:$0x2], $0x800, $0x38;
	[tilespmem:$0xA800] =	vst v63  }
0xb7: {  	_ =	swait.ge [sflag:s21], $0x800  }
0xb8: {  	[sflag:s21] =	ssyncset.done $0x0  }
0xb9: {  	[sflag:s21] =	ssyncadd.s32 $0xFFFFF800  }
0xba: {  	[tilespmem:$0xA000] =	vst v1  }
0xbb: {  	[tilespmem:$0xA010] =	vst v1  }
0xbc: {  	[tilespmem:$0xA020] =	vst v1  }
0xbd: {  	[tilespmem:$0xA030] =	vst v1  }
0xbe: {  	[tilespmem:$0xA040] =	vst v1  }
0xbf: {  	[tilespmem:$0xA050] =	vst v1  }
0xc0: {  	[tilespmem:$0xA060] =	vst v1  }
0xc1: {  	[tilespmem:$0xA070] =	vst v1  }
0xc2: {  	[tilespmem:$0xA080] =	vst v1  }
0xc3: {  	[tilespmem:$0xA090] =	vst v1  }
0xc4: {  	[tilespmem:$0xA0A0] =	vst v1  }
0xc5: {  	[tilespmem:$0xA0B0] =	vst v1  }
0xc6: {  	[tilespmem:$0xA0C0] =	vst v1  }
0xc7: {  	[tilespmem:$0xA0D0] =	vst v1  }
0xc8: {  	[tilespmem:$0xA0E0] =	vst v1  }
0xc9: {  	[tilespmem:$0xA0F0] =	vst v1  }
0xca: {  	[tilespmem:$0xA100] =	vst v1  }
0xcb: {  	[tilespmem:$0xA110] =	vst v1  }
0xcc: {  	[tilespmem:$0xA120] =	vst v1  }
0xcd: {  	[tilespmem:$0xA130] =	vst v1  }
0xce: {  	[tilespmem:$0xA140] =	vst v1  }
0xcf: {  	[tilespmem:$0xA150] =	vst v1  }
0xd0: {  	[tilespmem:$0xA160] =	vst v1  }
0xd1: {  	[tilespmem:$0xA170] =	vst v1  }
0xd2: {  	[tilespmem:$0xA180] =	vst v1  }
0xd3: {  	[tilespmem:$0xA190] =	vst v1  }
0xd4: {  	[tilespmem:$0xA1A0] =	vst v1  }
0xd5: {  	[tilespmem:$0xA1B0] =	vst v1  }
0xd6: {  	[tilespmem:$0xA1C0] =	vst v1  }
0xd7: {  	[tilespmem:$0xA1D0] =	vst v1  }
0xd8: {  	[tilespmem:$0xA1E0] =	vst v1  }
0xd9: {  	[tilespmem:$0xA1F0] =	vst v1  }
0xda: {  	[tilespmem:$0xA200] =	vst v1  }
0xdb: {  	[tilespmem:$0xA210] =	vst v1  }
0xdc: {  	[tilespmem:$0xA220] =	vst v1  }
0xdd: {  	[tilespmem:$0xA230] =	vst v1  }
0xde: {  	[tilespmem:$0xA240] =	vst v1  }
0xdf: {  	[tilespmem:$0xA250] =	vst v1  }
0xe0: {  	[tilespmem:$0xA260] =	vst v1  }
0xe1: {  	[tilespmem:$0xA270] =	vst v1  }
0xe2: {  	[tilespmem:$0xA280] =	vst v1  }
0xe3: {  	[tilespmem:$0xA290] =	vst v1  }
0xe4: {  	[tilespmem:$0xA2A0] =	vst v1  }
0xe5: {  	[tilespmem:$0xA2B0] =	vst v1  }
0xe6: {  	[tilespmem:$0xA2C0] =	vst v1  }
0xe7: {  	[tilespmem:$0xA2D0] =	vst v1  }
0xe8: {  	[tilespmem:$0xA2E0] =	vst v1  }
0xe9: {  	[tilespmem:$0xA2F0] =	vst v1  }
0xea: {  	[tilespmem:$0xA300] =	vst v1  }
0xeb: {  	[tilespmem:$0xA310] =	vst v1  }
0xec: {  	[tilespmem:$0xA320] =	vst v1  }
0xed: {  	[tilespmem:$0xA330] =	vst v1  }
0xee: {  	[tilespmem:$0xA340] =	vst v1  }
0xef: {  	[tilespmem:$0xA350] =	vst v1  }
0xf0: {  	[tilespmem:$0xA360] =	vst v1  }
0xf1: {  	[tilespmem:$0xA370] =	vst v1  }
0xf2: {  	[tilespmem:$0xA380] =	vst v1  }
0xf3: {  	[tilespmem:$0xA390] =	vst v1  }
0xf4: {  	[tilespmem:$0xA3A0] =	vst v1  }
0xf5: {  	[tilespmem:$0xA3B0] =	vst v1  }
0xf6: {  	[tilespmem:$0xA3C0] =	vst v1  }
0xf7: {  	[tilespmem:$0xA3D0] =	vst v1  }
0xf8: {  	[tilespmem:$0xA3E0] =	vst v1  }
0xf9: {  	[tilespmem:$0xA3F0] =	vst v1  }
0xfa: {  	[tilespmem:$0xA400] =	vst v1  }
0xfb: {  	[tilespmem:$0xA410] =	vst v1  }
0xfc: {  	[tilespmem:$0xA420] =	vst v1  }
0xfd: {  	[tilespmem:$0xA430] =	vst v1  }
0xfe: {  	[tilespmem:$0xA440] =	vst v1  }
0xff: {  	[tilespmem:$0xA450] =	vst v1  }
0x100: {  	[tilespmem:$0xA460] =	vst v1  }
0x101: {  	[tilespmem:$0xA470] =	vst v1  }
0x102: {  	[tilespmem:$0xA480] =	vst v1  }
0x103: {  	[tilespmem:$0xA490] =	vst v1  }
0x104: {  	[tilespmem:$0xA4A0] =	vst v1  }
0x105: {  	[tilespmem:$0xA4B0] =	vst v1  }
0x106: {  	[tilespmem:$0xA4C0] =	vst v1  }
0x107: {  	[tilespmem:$0xA4D0] =	vst v1  }
0x108: {  	[tilespmem:$0xA4E0] =	vst v1  }
0x109: {  	[tilespmem:$0xA4F0] =	vst v1  }
0x10a: {  	[tilespmem:$0xA500] =	vst v1  }
0x10b: {  	[tilespmem:$0xA510] =	vst v1  }
0x10c: {  	[tilespmem:$0xA520] =	vst v1  }
0x10d: {  	[tilespmem:$0xA530] =	vst v1  }
0x10e: {  	[tilespmem:$0xA540] =	vst v1  }
0x10f: {  	[tilespmem:$0xA550] =	vst v1  }
0x110: {  	[tilespmem:$0xA560] =	vst v1  }
0x111: {  	[tilespmem:$0xA570] =	vst v1  }
0x112: {  	[tilespmem:$0xA580] =	vst v1  }
0x113: {  	[tilespmem:$0xA590] =	vst v1  }
0x114: {  	[tilespmem:$0xA5A0] =	vst v1  }
0x115: {  	[tilespmem:$0xA5B0] =	vst v1  }
0x116: {  	[tilespmem:$0xA5C0] =	vst v1  }
0x117: {  	[tilespmem:$0xA5D0] =	vst v1  }
0x118: {  	[tilespmem:$0xA5E0] =	vst v1  }
0x119: {  	[tilespmem:$0xA5F0] =	vst v1  }
0x11a: {  	[tilespmem:$0xA600] =	vst v1  }
0x11b: {  	[tilespmem:$0xA610] =	vst v1  }
0x11c: {  	[tilespmem:$0xA620] =	vst v1  }
0x11d: {  	[tilespmem:$0xA630] =	vst v1  }
0x11e: {  	[tilespmem:$0xA640] =	vst v1  }
0x11f: {  	[tilespmem:$0xA650] =	vst v1  }
0x120: {  	[tilespmem:$0xA660] =	vst v1  }
0x121: {  	[tilespmem:$0xA670] =	vst v1  }
0x122: {  	[tilespmem:$0xA680] =	vst v1  }
0x123: {  	[tilespmem:$0xA690] =	vst v1  }
0x124: {  	[tilespmem:$0xA6A0] =	vst v1  }
0x125: {  	[tilespmem:$0xA6B0] =	vst v1  }
0x126: {  	[tilespmem:$0xA6C0] =	vst v1  }
0x127: {  	[tilespmem:$0xA6D0] =	vst v1  }
0x128: {  	[tilespmem:$0xA6E0] =	vst v1  }
0x129: {  	[tilespmem:$0xA6F0] =	vst v1  }
0x12a: {  	[tilespmem:$0xA700] =	vst v1  }
0x12b: {  	[tilespmem:$0xA710] =	vst v1  }
0x12c: {  	[tilespmem:$0xA720] =	vst v1  }
0x12d: {  	[tilespmem:$0xA730] =	vst v1  }
0x12e: {  	[tilespmem:$0xA740] =	vst v1  }
0x12f: {  	[tilespmem:$0xA750] =	vst v1  }
0x130: {  	[tilespmem:$0xA760] =	vst v1  }
0x131: {  	[tilespmem:$0xA770] =	vst v1  }
0x132: {  	[tilespmem:$0xA780] =	vst v1  }
0x133: {  	[tilespmem:$0xA790] =	vst v1  }
0x134: {  	[tilespmem:$0xA7A0] =	vst v1  }
0x135: {  	[tilespmem:$0xA7B0] =	vst v1  }
0x136: {  	[tilespmem:$0xA7C0] =	vst v1  }
0x137: {  	[tilespmem:$0xA7D0] =	vst v1  }
0x138: {  	[tilespmem:$0xA7E0] =	vst v1  }
0x139: {  	[tilespmem:$0xA7F0] =	vst v1  }
0x13a: {  	[tilespmem:s22], [sflag:$0x2] =	stream.linear.gather [hbm4b:s15+s4], $0x2800, $0x38;
	[tilespmem:$0xA800] =	vst v63  }
0x13b: {  	_ =	swait.ge [sflag:s21], $0x2800  }
0x13c: {  	[sflag:s21] =	ssyncset.done $0x0  }
0x13d: {  	[sflag:s21] =	ssyncadd.s32 $0xFFFFD800  }
0x13e: {  	[tilespmem:s23], [sflag:$0x2] =	stream.linear.gather [hbm4b:s16+s4], $0x2800, $0x38;
	[tilespmem:$0xA800] =	vst v63  }
0x13f: {  	_ =	swait.ge [sflag:s21], $0x2800  }
0x140: {  	[sflag:s21] =	ssyncset.done $0x0  }
0x141: {  	[sflag:s21] =	ssyncadd.s32 $0xFFFFD800  }
0x142: {  	s28 =	simm.s32 $0x5000;
	[bflag:$0x0] =	sbarrier.arrive $0xFFFF  }
0x143: {  	[spmem:s2] =	stream.indirect.scatter.add.f32 [tilespmem:s20], [sflag:$0x1], $0x10, s28, s24, $0xb8;
	[tilespmem:$0xA800] =	vst v63  }
0x144: {  	s28 =	simm.s32 $0x7800  }
0x145: {  	[spmem:s3] =	stream.indirect.scatter.add.f32 [tilespmem:s20], [sflag:$0x1], $0x10, s28, s24, $0xb8;
	[tilespmem:$0xA800] =	vst v63  }
0x146: {  	s28 =	simm.s32 $0x5080  }
0x147: {  	[spmem:s2] =	stream.indirect.scatter.add.f32 [tilespmem:s20], [sflag:$0x1], $0x10, s28, s24, $0xb8;
	[tilespmem:$0xA800] =	vst v63  }
0x148: {  	s28 =	simm.s32 $0x7880  }
0x149: {  	[spmem:s3] =	stream.indirect.scatter.add.f32 [tilespmem:s20], [sflag:$0x1], $0x10, s28, s24, $0xb8;
	[tilespmem:$0xA800] =	vst v63  }
0x14a: {  	_ =	swait.ge [sflag:s25], $0x800  }
0x14b: {  	[sflag:s25] =	ssyncset.done $0x0  }
0x14c: {  	[sflag:s25] =	ssyncadd.s32 $0xFFFFF800  }
0x14d: {  	_ =	swait.ge [sflag:s25], $0x800  }
0x14e: {  	[sflag:s25] =	ssyncset.done $0x0  }
0x14f: {  	[sflag:s25] =	ssyncadd.s32 $0xFFFFF800  }
0x150: {  	_ =	swait.ge [sflag:s25], $0x800  }
0x151: {  	[sflag:s25] =	ssyncset.done $0x0  }
0x152: {  	[sflag:s25] =	ssyncadd.s32 $0xFFFFF800  }
0x153: {  	_ =	swait.ge [sflag:s25], $0x800  }
0x154: {  	s29 =	simm.s32 $0x800;
	s28 =	simm.s32 $0x100;
	[sflag:s25] =	ssyncset.done $0x0  }
.LBB2_2:
0x155: {  	s30 =	sadd.s32 $0x5000, s28  }
0x156: {  	[sflag:s25] =	ssyncadd.s32 $0xFFFFF800;
	s31 =	smov.u32 s29;
	s1 =	sadd.s32 $0x400, s29  }
0x157: {  	[spmem:s2] =	stream.indirect.scatter.add.f32 [tilespmem:s20], [sflag:$0x1], $0x10, s30, s24, $0xb8;
	[tilespmem:$0xA800] =	vst v63  }
0x158: {  	p0 =	sne.s32 s29, $0x9C00;
	s29 =	sadd.s32 $0x7800, s28  }
0x159: {  	[spmem:s3] =	stream.indirect.scatter.add.f32 [tilespmem:s20], [sflag:$0x1], $0x10, s29, s24, $0xb8;
	[tilespmem:$0xA800] =	vst v63  }
0x15a: {  	s29 =	sadd.s32 $0x5080, s28  }
0x15b: {  	[spmem:s2] =	stream.indirect.scatter.add.f32 [tilespmem:s20], [sflag:$0x1], $0x10, s29, s24, $0xb8;
	[tilespmem:$0xA800] =	vst v63  }
0x15c: {  	s28 =	sadd.s32 $0x7880, s28  }
0x15d: {  	[spmem:s3] =	stream.indirect.scatter.add.f32 [tilespmem:s20], [sflag:$0x1], $0x10, s28, s24, $0xb8;
	[tilespmem:$0xA800] =	vst v63  }
0x15e: {  	_ =	swait.ge [sflag:s25], $0x800  }
0x15f: {  	[sflag:s25] =	ssyncset.done $0x0  }
0x160: {  	[sflag:s25] =	ssyncadd.s32 $0xFFFFF800  }
0x161: {  	_ =	swait.ge [sflag:s25], $0x800  }
0x162: {  	[sflag:s25] =	ssyncset.done $0x0  }
0x163: {  	[sflag:s25] =	ssyncadd.s32 $0xFFFFF800  }
.Ltmp0:
0x164: {  	_ =	swait.ge [sflag:s25], $0x800;
	(pc) =	sbr.rel @p0 .LBB2_2-.Ltmp0, $4  }
0x165: {  	[sflag:s25] =	ssyncset.done $0x0  }
0x166: {  	[sflag:s25] =	ssyncadd.s32 $0xFFFFF800  }
0x167: {  	_ =	swait.ge [sflag:s25], $0x800  }
0x168: {  	s29 =	smov.u32 s1;
	s28 =	sshra.s32 s31, $0x2;
	[sflag:s25] =	ssyncset.done $0x0  }
0x169: {  	s1 =	sadd.s32 $0x5000, s28;
	[sflag:s25] =	ssyncadd.s32 $0xFFFFF800  }
0x16a: {  	[spmem:s2] =	stream.indirect.scatter.add.f32 [tilespmem:s20], [sflag:$0x1], $0x10, s1, s24, $0xb8;
	[tilespmem:$0xA800] =	vst v63  }
0x16b: {  	s30 =	sadd.s32 $0x7800, s28  }
0x16c: {  	[spmem:s3] =	stream.indirect.scatter.add.f32 [tilespmem:s20], [sflag:$0x1], $0x10, s30, s24, $0xb8;
	[tilespmem:$0xA800] =	vst v63  }
0x16d: {  	s31 =	sadd.s32 $0x5080, s28  }
0x16e: {  	[spmem:s2] =	stream.indirect.scatter.add.f32 [tilespmem:s20], [sflag:$0x1], $0x10, s31, s24, $0xb8;
	[tilespmem:$0xA800] =	vst v63  }
0x16f: {  	s28 =	sadd.s32 $0x7880, s28  }
0x170: {  	[spmem:s3] =	stream.indirect.scatter.add.f32 [tilespmem:s20], [sflag:$0x1], $0x10, s28, s24, $0xb8;
	[tilespmem:$0xA800] =	vst v63  }
0x171: {  	_ =	swait.ge [sflag:s25], $0x800  }
0x172: {  	[sflag:s25] =	ssyncset.done $0x0  }
0x173: {  	[sflag:s25] =	ssyncadd.s32 $0xFFFFF800  }
0x174: {  	_ =	swait.ge [sflag:s25], $0x800  }
0x175: {  	[sflag:s25] =	ssyncset.done $0x0  }
0x176: {  	[sflag:s25] =	ssyncadd.s32 $0xFFFFF800  }
0x177: {  	_ =	swait.ge [sflag:s25], $0x800  }
0x178: {  	[sflag:s25] =	ssyncset.done $0x0  }
0x179: {  	[sflag:s25] =	ssyncadd.s32 $0xFFFFF800  }
0x17a: {  	_ =	swait.ge [sflag:s25], $0x800  }
0x17b: {  	[sflag:s25] =	ssyncset.done $0x0  }
0x17c: {  	s29 =	sshll.u32 s0, $0x6;
	[sflag:s25] =	ssyncadd.s32 $0xFFFFF800  }
0x17d: {  	s1 =	sor.u32 $0x1C02, s29;
	s30 =	sshrl.u32 s5, $0x3;
	[bflag:$0x0] =	sbarrier.arrive $0xFFFF  }
0x17e: {  	[hbm:s17], [sflag:s1] =	dma.local [spmem:s30], $0x500  }
0x17f: {  	s26 =	sadd.s32 $0x1, s26;
	_ =	swait.ge [sflag:s21], $0x500  }
0x180: {  	p0 =	sne.s32 s26, s19;
	[sflag:s21] =	ssyncset.done $0x0  }
.Ltmp1:
0x181: {  	s31 =	sshrl.u32 s6, $0x3;
	[sflag:s21] =	ssyncadd.s32 $0xFFFFFB00;
	(pc) =	sbr.rel @p0 .LBB2_1-.Ltmp1, $4  }
0x182: {  	[hbm:s18], [sflag:s1] =	dma.local [spmem:s31], $0x500  }
0x183: {  	_ =	swait.ge [sflag:s21], $0x500  }
0x184: {  	[sflag:s21] =	ssyncset.done $0x0  }
0x185: {  	[sflag:s21] =	ssyncadd.s32 $0xFFFFFB00  }
0x186: {  	_ =	sfence.sel $0x180000  }
0x187: {  	[bflag:$0x0] =	sbarrier.arrive $0xFFFF  }
0x188: {  	_ =	strace $0x90000047  }
0x189: {  	[bflag:$0x2] =	sbarrier.arrive $0xFFFF  }
0x18a: {  	p0 =	sne.s32 s0, $0x0;
	s0 =	rddreg [dreg:$0x3]  }
0x18b: {  	s0 =	sadd.s32 @!p0 $0x100000, s0  }
0x18c: {  	[sflag:s0] =	ssyncadd.tile.s32 @!p0 $0x1;
	_ =	shalt  }
.Lfunc_end2:
_tile_overlayer_lowered:
.L_overlay_start_2:
0x18d: {  	(tag) =	ssettag $0x2  }
0x18e: {  	s0 =	rddreg [dreg:$0x0];
	s2 =	stileid.u32  }
0x18f: {  	s1 =	rddreg [dreg:$0x1];
	p0 =	sne.s32 s2, $0x0  }
0x190: {  	s3 =	rddreg [dreg:$0x2];
	[bflag:$0x3] =	sbarrier.arrive $0xFFFF;
	s2 =	simm.s32 @!p0 $0x1C02  }
0x191: {  	[timem:s3], [sflag:s2] =	dma.local @!p0 [hbm:s0], s1  }
0x192: {  	s0 =	simm.s32 @!p0 $0x2  }
0x193: {  	_ =	swait.ge @!p0 [sflag:s0], s1  }
0x194: {  	s1 =	ssub.s32 @!p0 $0x0, s1;
	[sflag:s0] =	ssyncset.done @!p0 $0x0  }
0x195: {  	[sflag:s0] =	ssyncadd.s32 @!p0 s1  }
0x196: {  	[bflag:$0x3] =	sbarrier.arrive $0xFFFF  }
0x197: {  	_ =	shalt  }

</sc_bundles>
